<compile_context>
chip_gen: v7x
topology: tpu7x:2x2x1
jax: 0.10.2.dev20260603
libtpu: 0.0.44.dev20260713+nightly
codegen_flags: <defaults>
</compile_context>

<pallas_src>
import jax
import jax.numpy as jnp
from jax import lax
from jax.experimental import pallas as pl
from jax.experimental.pallas import tpu as pltpu
from jax.experimental.pallas import tpu_sc as plsc

N, C, B = 320000, 128, 16
NC, NS, L = 2, 16, 16
NW = NC * NS
PER = N // NW
RS = 400
NCHS = PER // RS
RA = 200
NCHA = PER // RA
CV = C // L
EPS = 1e-5
SD = B * 2 * C


def _worker_id():
    return lax.axis_index("s") * NC + lax.axis_index("c")


def _local_starts(ids_hbm, ids_v, cnt_v, starts_v, lo):
    pltpu.sync_copy(ids_hbm.at[pl.ds(lo, PER)], ids_v)
    cnt_v[...] = jnp.zeros((B,), jnp.int32)
    ones = jnp.ones((L,), jnp.int32)

    def _hist(i, carry):
        v = ids_v[pl.ds(i * L, L)]
        plsc.addupdate_scatter(cnt_v, [v], ones)
        return carry

    lax.fori_loop(0, PER // L, _hist, 0)
    cnts = cnt_v[...]
    st16 = plsc.cumsum(cnts) - cnts
    starts_v[pl.ds(0, L)] = st16
    starts_v[pl.ds(L, L)] = jnp.full((L,), PER, jnp.int32)
    return st16


def _seg_bounds(starts_v, b, g_lo, g_hi):
    sv = starts_v[pl.ds(b, L)]
    a = jnp.maximum(sv[0], g_lo)
    e = jnp.minimum(sv[1], g_hi)
    return a, e


def _stats_body(data_hbm, ids_hbm, part_hbm, cnt_hbm,
                ids_v, acc_v, starts_v, cnt_v, buf0, buf1, sin0, sin1):
    wid = _worker_id()
    lo = wid * PER

    pltpu.async_copy(data_hbm.at[pl.ds(lo, RS), :], buf0, sin0)
    pltpu.async_copy(data_hbm.at[pl.ds(lo + RS, RS), :], buf1, sin1)

    st16 = _local_starts(ids_hbm, ids_v, cnt_v, starts_v, lo)

    z = jnp.zeros((L,), jnp.float32)

    def _zero(i, carry):
        acc_v[pl.ds(i * L, L)] = z
        return carry

    lax.fori_loop(0, SD // L, _zero, 0)

    def _chunk(g, buf):
        g_lo = g * RS
        b_first = jnp.sum((st16 <= g_lo).astype(jnp.int32)) - 1
        b_last = jnp.sum((st16 <= g_lo + RS - 1).astype(jnp.int32)) - 1

        def _seg(b, carry):
            a, e = _seg_bounds(starts_v, b, g_lo, g_lo + RS)

            @pl.when(e > a)
            def _():
                def _rows(r, rcarry):
                    rr = r - g_lo
                    x = [buf[rr, pl.ds(j * L, L)] for j in range(CV)]
                    return (tuple(rcarry[j] + x[j] for j in range(CV))
                            + tuple(rcarry[CV + j] + x[j] * x[j]
                                    for j in range(CV)))

                init = tuple(jnp.zeros((L,), jnp.float32)
                             for _ in range(2 * CV))
                acc = lax.fori_loop(a, e, _rows, init)
                for j in range(CV):
                    plsc.addupdate(
                        acc_v.at[pl.ds(b * 2 * C + j * L, L)], acc[j])
                    plsc.addupdate(
                        acc_v.at[pl.ds(b * 2 * C + C + j * L, L)],
                        acc[CV + j])

            return carry

        lax.fori_loop(b_first, b_last + 1, _seg, 0)

    def _pair(p, carry):
        g0 = 2 * p
        pltpu.make_async_copy(
            data_hbm.at[pl.ds(lo + g0 * RS, RS), :], buf0, sin0).wait()
        _chunk(g0, buf0)

        @pl.when(g0 + 2 < NCHS)
        def _():
            pltpu.async_copy(
                data_hbm.at[pl.ds(lo + (g0 + 2) * RS, RS), :], buf0, sin0)

        pltpu.make_async_copy(
            data_hbm.at[pl.ds(lo + (g0 + 1) * RS, RS), :], buf1, sin1).wait()
        _chunk(g0 + 1, buf1)

        @pl.when(g0 + 3 < NCHS)
        def _():
            pltpu.async_copy(
                data_hbm.at[pl.ds(lo + (g0 + 3) * RS, RS), :], buf1, sin1)

        return carry

    lax.fori_loop(0, NCHS // 2, _pair, 0)

    pltpu.make_async_copy(
        data_hbm.at[pl.ds(lo + (NCHS - 1) * RS, RS), :], buf0, sin0).wait()
    _chunk(NCHS - 1, buf0)

    pltpu.sync_copy(acc_v, part_hbm.at[wid])
    pltpu.sync_copy(cnt_v, cnt_hbm.at[wid])


def _apply_body(data_hbm, part_hbm, cnt_hbm, wb_hbm,
                out_hbm,
                starts_v, stat_v, pbuf, cbuf, wb_v,
                sc_v, sh_v, bin0, bin1, bout0, bout1,
                sin0, sin1, sout0, sout1, saux):
    wid = _worker_id()
    lo = wid * PER

    pltpu.async_copy(data_hbm.at[pl.ds(lo, RA), :], bin0, sin0)
    pltpu.async_copy(data_hbm.at[pl.ds(lo + RA, RA), :], bin1, sin1)
    cp_cnt = pltpu.async_copy(cnt_hbm, cbuf, saux)
    cp_wb = pltpu.async_copy(wb_hbm, wb_v, saux)
    cp_cnt.wait()
    cp_wb.wait()

    tot = jnp.zeros((B,), jnp.int32)
    for w2 in range(NW):
        tot = tot + cbuf[w2, :]
    own = cbuf[wid, :]
    st16 = plsc.cumsum(own) - own
    starts_v[pl.ds(0, L)] = st16
    starts_v[pl.ds(L, L)] = jnp.full((L,), PER, jnp.int32)

    totf = tot.astype(jnp.float32)
    stat_v[pl.ds(0, L)] = totf
    stat_v[pl.ds(L, L)] = jnp.full((L,), 1.0, jnp.float32)

    b_lo = jnp.sum((st16 <= 0).astype(jnp.int32)) - 1
    b_hi = jnp.sum((st16 <= PER - 1).astype(jnp.int32)) - 1

    def _mkseg(b, carry):
        pltpu.sync_copy(part_hbm.at[:, pl.ds(b * 2 * C, 2 * C)], pbuf)

        def _racc(w2, acc):
            return tuple(acc[j] + pbuf[w2, pl.ds(j * L, L)]
                         for j in range(2 * CV))

        red = lax.fori_loop(
            0, NW, _racc,
            tuple(jnp.zeros((L,), jnp.float32) for _ in range(2 * CV)))

        n = jnp.full((L,), stat_v[pl.ds(b, L)][0])
        eta = 1.0 / (n + EPS)
        for j in range(CV):
            s_sum = red[j]
            q_sum = red[CV + j]
            mean = s_sum * eta
            var = eta * q_sum - (eta * eta) * (s_sum * s_sum) * (2.0 - n * eta)
            v = var + EPS
            i = plsc.bitcast(v, jnp.int32)
            y = plsc.bitcast(jnp.int32(0x5F3759DF) - (i >> 1), jnp.float32)
            for _ in range(3):
                y = y * (1.5 - 0.5 * v * y * y)
            wv = wb_v[0, pl.ds(j * L, L)]
            bv = wb_v[1, pl.ds(j * L, L)]
            scale = y * wv
            sc_v[pl.ds(b * C + j * L, L)] = scale
            sh_v[pl.ds(b * C + j * L, L)] = bv - mean * scale
        return carry

    lax.fori_loop(b_lo, b_hi + 1, _mkseg, 0)

    def _chunk(g, bin_, bout):
        g_lo = g * RA
        b_first = jnp.sum((st16 <= g_lo).astype(jnp.int32)) - 1
        b_last = jnp.sum((st16 <= g_lo + RA - 1).astype(jnp.int32)) - 1

        def _seg(b, carry):
            a, e = _seg_bounds(starts_v, b, g_lo, g_lo + RA)

            @pl.when(e > a)
            def _():
                sc = [sc_v[pl.ds(b * C + j * L, L)] for j in range(CV)]
                sh = [sh_v[pl.ds(b * C + j * L, L)] for j in range(CV)]

                @plsc.parallel_loop(a - g_lo, e - g_lo)
                def _rows(rr):
                    x = [bin_[rr, pl.ds(j * L, L)] for j in range(CV)]
                    for j in range(CV):
                        bout[rr, pl.ds(j * L, L)] = x[j] * sc[j] + sh[j]

            return carry

        lax.fori_loop(b_first, b_last + 1, _seg, 0)

    def _pair(p, carry):
        g0 = 2 * p

        @pl.when(g0 >= 2)
        def _():
            pltpu.make_async_copy(
                bout0, out_hbm.at[pl.ds(lo + (g0 - 2) * RA, RA), :],
                sout0).wait()

        pltpu.make_async_copy(
            data_hbm.at[pl.ds(lo + g0 * RA, RA), :], bin0, sin0).wait()
        _chunk(g0, bin0, bout0)
        pltpu.async_copy(
            bout0, out_hbm.at[pl.ds(lo + g0 * RA, RA), :], sout0)

        @pl.when(g0 + 2 < NCHA)
        def _():
            pltpu.async_copy(
                data_hbm.at[pl.ds(lo + (g0 + 2) * RA, RA), :], bin0, sin0)

        @pl.when(g0 >= 2)
        def _():
            pltpu.make_async_copy(
                bout1, out_hbm.at[pl.ds(lo + (g0 - 1) * RA, RA), :],
                sout1).wait()

        pltpu.make_async_copy(
            data_hbm.at[pl.ds(lo + (g0 + 1) * RA, RA), :], bin1, sin1).wait()
        _chunk(g0 + 1, bin1, bout1)
        pltpu.async_copy(
            bout1, out_hbm.at[pl.ds(lo + (g0 + 1) * RA, RA), :], sout1)

        @pl.when(g0 + 3 < NCHA)
        def _():
            pltpu.async_copy(
                data_hbm.at[pl.ds(lo + (g0 + 3) * RA, RA), :], bin1, sin1)

        return carry

    lax.fori_loop(0, NCHA // 2, _pair, 0)

    pltpu.make_async_copy(
        bout0, out_hbm.at[pl.ds(lo + (NCHA - 2) * RA, RA), :], sout0).wait()
    pltpu.make_async_copy(
        bout1, out_hbm.at[pl.ds(lo + (NCHA - 1) * RA, RA), :], sout1).wait()


def kernel(data, batch_id, batch_size, weights, bias):
    del batch_size
    ids = batch_id.astype(jnp.int32)
    mesh = plsc.VectorSubcoreMesh(core_axis_name="c", subcore_axis_name="s",
                                  num_cores=NC, num_subcores=NS)

    stats = pl.kernel(
        _stats_body,
        out_type=(jax.ShapeDtypeStruct((NW, SD), jnp.float32),
                  jax.ShapeDtypeStruct((NW, B), jnp.int32)),
        mesh=mesh,
        scratch_types=[
            pltpu.VMEM((PER,), jnp.int32),
            pltpu.VMEM((SD,), jnp.float32),
            pltpu.VMEM((2 * B,), jnp.int32),
            pltpu.VMEM((B,), jnp.int32),
            pltpu.VMEM((RS, C), jnp.float32),
            pltpu.VMEM((RS, C), jnp.float32),
            pltpu.SemaphoreType.DMA,
            pltpu.SemaphoreType.DMA,
        ],
        compiler_params=pltpu.CompilerParams(needs_layout_passes=False),
        name="octree_in_stats",
    )
    part, cnt = stats(data, ids)

    apply_k = pl.kernel(
        _apply_body,
        out_type=jax.ShapeDtypeStruct((N, C), jnp.float32),
        mesh=mesh,
        scratch_types=[
            pltpu.VMEM((2 * B,), jnp.int32),
            pltpu.VMEM((2 * B,), jnp.float32),
            pltpu.VMEM((NW, 2 * C), jnp.float32),
            pltpu.VMEM((NW, B), jnp.int32),
            pltpu.VMEM((2, C), jnp.float32),
            pltpu.VMEM((B * C,), jnp.float32),
            pltpu.VMEM((B * C,), jnp.float32),
            pltpu.VMEM((RA, C), jnp.float32),
            pltpu.VMEM((RA, C), jnp.float32),
            pltpu.VMEM((RA, C), jnp.float32),
            pltpu.VMEM((RA, C), jnp.float32),
            pltpu.SemaphoreType.DMA,
            pltpu.SemaphoreType.DMA,
            pltpu.SemaphoreType.DMA,
            pltpu.SemaphoreType.DMA,
            pltpu.SemaphoreType.DMA,
        ],
        compiler_params=pltpu.CompilerParams(needs_layout_passes=False),
        name="octree_in_apply",
    )
    wb = jnp.concatenate([weights, bias], axis=0)
    return apply_k(data, part, cnt, wb)

# --- scband reference (transcript-rebuilt; emitter-appended) ---
"""Pipeline reference for scband-octree-instance-norm-90117003804711 (READ-ONLY COPY).

The authoritative reference and input builder live on the scoring server;
editing this copy changes nothing except your own understanding.
"""

import jax, jax.numpy as jnp
import numpy as np

N, C, B = 320000, 128, 16

def setup_inputs(seed: int = 0) -> dict:
    key = jax.random.key(seed)
    k1, k2 = jax.random.split(key)
    data = jax.random.normal(k1, (N, C), dtype=jnp.float32)
    batch_id = jnp.sort(jax.random.randint(k2, (N,), 0, B, dtype=jnp.int64))
    weights = jnp.ones((1, C), dtype=jnp.float32)
    bias = jnp.zeros((1, C), dtype=jnp.float32)
    return {"data": data, "batch_id": batch_id, "batch_size": B, "weights": weights, "bias": bias}

def reference(data, batch_id, batch_size, weights, bias):
    eps = 1e-05
    ones = jnp.ones((data.shape[0], 1), dtype=data.dtype)
    count = jax.ops.segment_sum(ones, batch_id, num_segments=B)
    norm = 1.0 / (count + eps)
    mean = jax.ops.segment_sum(data, batch_id, num_segments=B) * norm
    out = data - mean[batch_id]
    var = jax.ops.segment_sum(out * out, batch_id, num_segments=B) * norm
    inv_std = 1.0 / jnp.sqrt(var + eps)
    out = out * inv_std[batch_id]
    out = out * weights + bias
    out = out + jnp.zeros((), dtype=out.dtype) * batch_size
    return out

if __name__ == "__main__":
    import jax
    _d = setup_inputs()
    print(jax.jit(kernel)(*tuple(_d.values())))

</pallas_src>

<mosaic_0001>
#map = affine_map<(d0, d1) -> (0, 0)>
#map1 = affine_map<(d0, d1) -> (0)>
module attributes {stable_mosaic.version = 14 : i64} {
  func.func @octree_in_stats(%arg0: i32, %arg1: i32, %arg2: memref<320000x128xf32, #tpu.memory_space<hbm>>, %arg3: memref<320000xi32, #tpu.memory_space<hbm>>, %arg4: memref<32x4096xf32, #tpu.memory_space<hbm>>, %arg5: memref<32x16xi32, #tpu.memory_space<hbm>>, %arg6: memref<10000xi32, #tpu.memory_space<vmem>>, %arg7: memref<4096xf32, #tpu.memory_space<vmem>>, %arg8: memref<32xi32, #tpu.memory_space<vmem>>, %arg9: memref<16xi32, #tpu.memory_space<vmem>>, %arg10: memref<400x128xf32, #tpu.memory_space<vmem>>, %arg11: memref<400x128xf32, #tpu.memory_space<vmem>>, %arg12: memref<!tpu.dma_semaphore, #tpu.memory_space<semaphore_mem>>, %arg13: memref<!tpu.dma_semaphore, #tpu.memory_space<semaphore_mem>>) attributes {dimension_semantics = [#tpu.dimension_semantics<core_parallel>, #tpu.dimension_semantics<subcore_parallel>], iteration_bounds = array<i64: 2, 16>, scalar_prefetch = 0 : i64, scratch_operands = 8 : i64, tpu.core_type = #tpu.core_type<sc_vector_subcore>, window_params = [{transform_indices = #map}, {transform_indices = #map1}, {transform_indices = #map}, {transform_indices = #map}]} {
    %mul3A = arith.constant 2 : i32
    %mul3A_0 = arith.muli %arg1, %mul3A : i32
    %add3A = arith.addi %mul3A_0, %arg0 : i32
    %mul3A_1 = arith.constant 10000 : i32
    %mul3A_2 = arith.muli %add3A, %mul3A_1 : i32
    %dma_start3A = arith.constant 0 : i32
    %dma_start3A_3 = tpu.memref_slice %arg2[%mul3A_2, %dma_start3A] : memref<320000x128xf32, #tpu.memory_space<hbm>> -> memref<400x128xf32, #tpu.memory_space<hbm>>
    %dma_start3A_4 = arith.constant 0 : i32
    %dma_start3A_5 = tpu.memref_slice %arg2[%mul3A_2, %dma_start3A_4] : memref<320000x128xf32, #tpu.memory_space<hbm>> -> memref<400x128xf32, #tpu.memory_space<hbm>>
    tpu.enqueue_dma source(%dma_start3A_5 : memref<400x128xf32, #tpu.memory_space<hbm>>) target(%arg10 : memref<400x128xf32, #tpu.memory_space<vmem>>) target_semaphore(%arg12 : memref<!tpu.dma_semaphore, #tpu.memory_space<semaphore_mem>>)
    %add3A_6 = arith.constant 400 : i32
    %add3A_7 = arith.addi %mul3A_2, %add3A_6 : i32
    %dma_start3A_8 = arith.constant 0 : i32
    %dma_start3A_9 = tpu.memref_slice %arg2[%add3A_7, %dma_start3A_8] : memref<320000x128xf32, #tpu.memory_space<hbm>> -> memref<400x128xf32, #tpu.memory_space<hbm>>
    %dma_start3A_10 = arith.constant 0 : i32
    %dma_start3A_11 = tpu.memref_slice %arg2[%add3A_7, %dma_start3A_10] : memref<320000x128xf32, #tpu.memory_space<hbm>> -> memref<400x128xf32, #tpu.memory_space<hbm>>
    tpu.enqueue_dma source(%dma_start3A_11 : memref<400x128xf32, #tpu.memory_space<hbm>>) target(%arg11 : memref<400x128xf32, #tpu.memory_space<vmem>>) target_semaphore(%arg13 : memref<!tpu.dma_semaphore, #tpu.memory_space<semaphore_mem>>)
    "tpu.region"() ({
      %run_scoped3A = tpu.sem_alloc : memref<!tpu.dma_semaphore, #tpu.memory_space<semaphore_mem>>
      %dma_start3A_76 = tpu.memref_slice %arg3[%mul3A_2] : memref<320000xi32, #tpu.memory_space<hbm>> -> memref<10000xi32, #tpu.memory_space<hbm>>
      %dma_start3A_77 = tpu.memref_slice %arg3[%mul3A_2] : memref<320000xi32, #tpu.memory_space<hbm>> -> memref<10000xi32, #tpu.memory_space<hbm>>
      tpu.enqueue_dma source(%dma_start3A_77 : memref<10000xi32, #tpu.memory_space<hbm>>) target(%arg6 : memref<10000xi32, #tpu.memory_space<vmem>>) target_semaphore(%run_scoped3A : memref<!tpu.dma_semaphore, #tpu.memory_space<semaphore_mem>>)
      %dma_wait3A_78 = tpu.memref_slice %arg3[%mul3A_2] : memref<320000xi32, #tpu.memory_space<hbm>> -> memref<10000xi32, #tpu.memory_space<hbm>>
      %dma_wait3A_79 = tpu.memref_slice %arg3[%mul3A_2] : memref<320000xi32, #tpu.memory_space<hbm>> -> memref<10000xi32, #tpu.memory_space<hbm>>
      tpu.wait_dma2 semaphore(%run_scoped3A : memref<!tpu.dma_semaphore, #tpu.memory_space<semaphore_mem>>) src(%dma_wait3A_79 : memref<10000xi32, #tpu.memory_space<hbm>>) dst(%arg6 : memref<10000xi32, #tpu.memory_space<vmem>>)
      tpu.yield
    }) : () -> ()
    %broadcast_in_dim3A = arith.constant 0 : i32
    %broadcast_in_dim3A_12 = vector.broadcast %broadcast_in_dim3A : i32 to vector<16xi32>
    %swap3A = arith.constant 0 : index
    %swap3A_13 = tpu.vector_load %arg9[%swap3A] {strides = array<i32>} : memref<16xi32, #tpu.memory_space<vmem>>, vector<16xi32>,
    tpu.vector_store %arg9[%swap3A], %broadcast_in_dim3A_12 {strides = array<i32>} : memref<16xi32, #tpu.memory_space<vmem>>, vector<16xi32>,
    %broadcast_in_dim3A_14 = arith.constant 1 : i32
    %broadcast_in_dim3A_15 = vector.broadcast %broadcast_in_dim3A_14 : i32 to vector<16xi32>
    %scan3A = arith.constant 0 : i32
    %scan3A_16 = arith.constant 0 : i32
    %scan3A_17 = arith.constant 625 : i32
    %scan3A_18 = arith.addi %scan3A_16, %scan3A_17 : i32
    %scan3A_19 = arith.constant 1 : i32
    scf.for %scan3A_76 = %scan3A_16 to %scan3A_18 step %scan3A_19  : i32 {
      %mul3A_77 = arith.constant 16 : i32
      %mul3A_78 = arith.muli %scan3A_76, %mul3A_77 : i32
      %get3A_79 = arith.index_cast %mul3A_78 : i32 to index
      %get3A_80 = tpu.vector_load %arg6[%get3A_79] {strides = array<i32>} : memref<10000xi32, #tpu.memory_space<vmem>>, vector<16xi32>,
      tpu.vector_store_idx %arg9[%get3A_80], %broadcast_in_dim3A_15 {add = true} : memref<16xi32, #tpu.memory_space<vmem>>[vector<16xi32>], vector<16xi32>,
    }
    %scan3A_20 = arith.constant 625 : i32
    %get3A = arith.constant 0 : index
    %get3A_21 = tpu.vector_load %arg9[%get3A] {strides = array<i32>} : memref<16xi32, #tpu.memory_space<vmem>>, vector<16xi32>,
    %broadcast_in_dim3A_22 = arith.constant true
    %broadcast_in_dim3A_23 = vector.broadcast %broadcast_in_dim3A_22 : i1 to vector<16xi1>
    %masked_cumsum3A = tpu.scan <sum>, %get3A_21 masked %broadcast_in_dim3A_23 : vector<16xi32>, vector<16xi1> -> vector<16xi32>
    %sub3A = arith.subi %masked_cumsum3A, %get3A_21 : vector<16xi32>
    %swap3A_24 = arith.constant 0 : index
    %swap3A_25 = tpu.vector_load %arg8[%swap3A_24] {strides = array<i32>} : memref<32xi32, #tpu.memory_space<vmem>>, vector<16xi32>,
    tpu.vector_store %arg8[%swap3A_24], %sub3A {strides = array<i32>} : memref<32xi32, #tpu.memory_space<vmem>>, vector<16xi32>,
    %broadcast_in_dim3A_26 = arith.constant 10000 : i32
    %broadcast_in_dim3A_27 = vector.broadcast %broadcast_in_dim3A_26 : i32 to vector<16xi32>
    %swap3A_28 = arith.constant 16 : index
    %swap3A_29 = tpu.vector_load %arg8[%swap3A_28] {strides = array<i32>} : memref<32xi32, #tpu.memory_space<vmem>>, vector<16xi32>,
    tpu.vector_store %arg8[%swap3A_28], %broadcast_in_dim3A_27 {strides = array<i32>} : memref<32xi32, #tpu.memory_space<vmem>>, vector<16xi32>,
    %broadcast_in_dim3A_30 = arith.constant 0.000000e+00 : f32
    %broadcast_in_dim3A_31 = vector.broadcast %broadcast_in_dim3A_30 : f32 to vector<16xf32>
    %scan3A_32 = arith.constant 0 : i32
    %scan3A_33 = arith.constant 0 : i32
    %scan3A_34 = arith.constant 256 : i32
    %scan3A_35 = arith.addi %scan3A_33, %scan3A_34 : i32
    %scan3A_36 = arith.constant 1 : i32
    scf.for %scan3A_76 = %scan3A_33 to %scan3A_35 step %scan3A_36  : i32 {
      %mul3A_77 = arith.constant 16 : i32
      %mul3A_78 = arith.muli %scan3A_76, %mul3A_77 : i32
      %swap3A_79 = arith.index_cast %mul3A_78 : i32 to index
      %swap3A_80 = tpu.vector_load %arg7[%swap3A_79] {strides = array<i32>} : memref<4096xf32, #tpu.memory_space<vmem>>, vector<16xf32>,
      tpu.vector_store %arg7[%swap3A_79], %broadcast_in_dim3A_31 {strides = array<i32>} : memref<4096xf32, #tpu.memory_space<vmem>>, vector<16xf32>,
    }
    %scan3A_37 = arith.constant 256 : i32
    %scan3A_38 = arith.constant 0 : i32
    %scan3A_39 = arith.constant 0 : i32
    %scan3A_40 = arith.constant 12 : i32
    %scan3A_41 = arith.addi %scan3A_39, %scan3A_40 : i32
    %scan3A_42 = arith.constant 1 : i32
    scf.for %scan3A_76 = %scan3A_39 to %scan3A_41 step %scan3A_42  : i32 {
      %mul3A_77 = arith.constant 2 : i32
      %mul3A_78 = arith.muli %mul3A_77, %scan3A_76 : i32
      %mul3A_79 = arith.constant 400 : i32
      %mul3A_80 = arith.muli %mul3A_78, %mul3A_79 : i32
      %add3A_81 = arith.addi %mul3A_2, %mul3A_80 : i32
      %dma_wait3A_82 = arith.constant 0 : i32
      %dma_wait3A_83 = tpu.memref_slice %arg2[%add3A_81, %dma_wait3A_82] : memref<320000x128xf32, #tpu.memory_space<hbm>> -> memref<400x128xf32, #tpu.memory_space<hbm>>
      %dma_wait3A_84 = arith.constant 0 : i32
      %dma_wait3A_85 = tpu.memref_slice %arg2[%add3A_81, %dma_wait3A_84] : memref<320000x128xf32, #tpu.memory_space<hbm>> -> memref<400x128xf32, #tpu.memory_space<hbm>>
      tpu.wait_dma2 semaphore(%arg12 : memref<!tpu.dma_semaphore, #tpu.memory_space<semaphore_mem>>) src(%dma_wait3A_85 : memref<400x128xf32, #tpu.memory_space<hbm>>) dst(%arg10 : memref<400x128xf32, #tpu.memory_space<vmem>>)
      %mul3A_86 = arith.constant 400 : i32
      %mul3A_87 = arith.muli %mul3A_78, %mul3A_86 : i32
      %le3A_88 = vector.broadcast %mul3A_87 : i32 to vector<16xi32>
      %le3A_89 = arith.cmpi sle, %sub3A, %le3A_88 : vector<16xi32>
      %convert_element_type3A_90 = arith.extui %le3A_89 : vector<16xi1> to vector<16xi32>
      %reduce_sum3A_91 = arith.constant true
      %reduce_sum3A_92 = vector.broadcast %reduce_sum3A_91 : i1 to vector<16xi1>
      %reduce_sum3A_93 = tpu.scan <sum>, %convert_element_type3A_90 masked %reduce_sum3A_92 : vector<16xi32>, vector<16xi1> -> vector<16xi32>
      %reduce_sum3A_94 = vector.extract %reduce_sum3A_93[15] : i32 from vector<16xi32>
      %sub3A_95 = arith.constant 1 : i32
      %sub3A_96 = arith.subi %reduce_sum3A_94, %sub3A_95 : i32
      %add3A_97 = arith.constant 400 : i32
      %add3A_98 = arith.addi %mul3A_87, %add3A_97 : i32
      %sub3A_99 = arith.constant 1 : i32
      %sub3A_100 = arith.subi %add3A_98, %sub3A_99 : i32
      %le3A_101 = vector.broadcast %sub3A_100 : i32 to vector<16xi32>
      %le3A_102 = arith.cmpi sle, %sub3A, %le3A_101 : vector<16xi32>
      %convert_element_type3A_103 = arith.extui %le3A_102 : vector<16xi1> to vector<16xi32>
      %reduce_sum3A_104 = arith.constant true
      %reduce_sum3A_105 = vector.broadcast %reduce_sum3A_104 : i1 to vector<16xi1>
      %reduce_sum3A_106 = tpu.scan <sum>, %convert_element_type3A_103 masked %reduce_sum3A_105 : vector<16xi32>, vector<16xi1> -> vector<16xi32>
      %reduce_sum3A_107 = vector.extract %reduce_sum3A_106[15] : i32 from vector<16xi32>
      %sub3A_108 = arith.constant 1 : i32
      %sub3A_109 = arith.subi %reduce_sum3A_107, %sub3A_108 : i32
      %add3A_110 = arith.constant 1 : i32
      %add3A_111 = arith.addi %sub3A_109, %add3A_110 : i32
      %while3A_112 = arith.constant 0 : i32
      %while3A_113 = arith.subi %add3A_111, %sub3A_96 : i32
      %while3A_114 = arith.addi %sub3A_96, %while3A_113 : i32
      %while3A_115 = arith.constant 1 : i32
      %while3A_116 = arith.divsi %while3A_113, %while3A_115 : i32
      %while3A_117 = arith.muli %while3A_116, %while3A_115 : i32
      %while3A_118 = arith.addi %sub3A_96, %while3A_117 : i32
      %while3A_119 = arith.constant 1 : i32
      scf.for %while3A_179 = %sub3A_96 to %while3A_118 step %while3A_119  : i32 {
        %add3A_180 = arith.constant 400 : i32
        %add3A_181 = arith.addi %mul3A_87, %add3A_180 : i32
        %get3A_182 = arith.index_cast %while3A_179 : i32 to index
        %get3A_183 = tpu.vector_load %arg8[%get3A_182] {strides = array<i32>} : memref<32xi32, #tpu.memory_space<vmem>>, vector<16xi32>,
        %slice3A = vector.extract_strided_slice %get3A_183 {offsets = [0], sizes = [1], strides = [1]} : vector<16xi32> to vector<1xi32>
        %squeeze3A = vector.extract %slice3A[0] : i32 from vector<1xi32>
        %max3A = arith.maxsi %squeeze3A, %mul3A_87 : i32
        %slice3A_184 = vector.extract_strided_slice %get3A_183 {offsets = [1], sizes = [1], strides = [1]} : vector<16xi32> to vector<1xi32>
        %squeeze3A_185 = vector.extract %slice3A_184[0] : i32 from vector<1xi32>
        %min3A = arith.minsi %squeeze3A_185, %add3A_181 : i32
        %gt3A = arith.cmpi sgt, %min3A, %max3A : i32
        %convert_element_type3A_186 = arith.extui %gt3A : i1 to i32
        %cond3A_187 = arith.constant 0 : i32
        %cond3A_188 = arith.cmpi ne, %convert_element_type3A_186, %cond3A_187 : i32
        scf.if %cond3A_188 {
          %broadcast_in_dim3A_189 = arith.constant 0.000000e+00 : f32
          %broadcast_in_dim3A_190 = vector.broadcast %broadcast_in_dim3A_189 : f32 to vector<16xf32>
          %broadcast_in_dim3A_191 = arith.constant 0.000000e+00 : f32
          %broadcast_in_dim3A_192 = vector.broadcast %broadcast_in_dim3A_191 : f32 to vector<16xf32>
          %broadcast_in_dim3A_193 = arith.constant 0.000000e+00 : f32
          %broadcast_in_dim3A_194 = vector.broadcast %broadcast_in_dim3A_193 : f32 to vector<16xf32>
          %broadcast_in_dim3A_195 = arith.constant 0.000000e+00 : f32
          %broadcast_in_dim3A_196 = vector.broadcast %broadcast_in_dim3A_195 : f32 to vector<16xf32>
          %broadcast_in_dim3A_197 = arith.constant 0.000000e+00 : f32
          %broadcast_in_dim3A_198 = vector.broadcast %broadcast_in_dim3A_197 : f32 to vector<16xf32>
          %broadcast_in_dim3A_199 = arith.constant 0.000000e+00 : f32
          %broadcast_in_dim3A_200 = vector.broadcast %broadcast_in_dim3A_199 : f32 to vector<16xf32>
          %broadcast_in_dim3A_201 = arith.constant 0.000000e+00 : f32
          %broadcast_in_dim3A_202 = vector.broadcast %broadcast_in_dim3A_201 : f32 to vector<16xf32>
          %broadcast_in_dim3A_203 = arith.constant 0.000000e+00 : f32
          %broadcast_in_dim3A_204 = vector.broadcast %broadcast_in_dim3A_203 : f32 to vector<16xf32>
          %broadcast_in_dim3A_205 = arith.constant 0.000000e+00 : f32
          %broadcast_in_dim3A_206 = vector.broadcast %broadcast_in_dim3A_205 : f32 to vector<16xf32>
          %broadcast_in_dim3A_207 = arith.constant 0.000000e+00 : f32
          %broadcast_in_dim3A_208 = vector.broadcast %broadcast_in_dim3A_207 : f32 to vector<16xf32>
          %broadcast_in_dim3A_209 = arith.constant 0.000000e+00 : f32
          %broadcast_in_dim3A_210 = vector.broadcast %broadcast_in_dim3A_209 : f32 to vector<16xf32>
          %broadcast_in_dim3A_211 = arith.constant 0.000000e+00 : f32
          %broadcast_in_dim3A_212 = vector.broadcast %broadcast_in_dim3A_211 : f32 to vector<16xf32>
          %broadcast_in_dim3A_213 = arith.constant 0.000000e+00 : f32
          %broadcast_in_dim3A_214 = vector.broadcast %broadcast_in_dim3A_213 : f32 to vector<16xf32>
          %broadcast_in_dim3A_215 = arith.constant 0.000000e+00 : f32
          %broadcast_in_dim3A_216 = vector.broadcast %broadcast_in_dim3A_215 : f32 to vector<16xf32>
          %broadcast_in_dim3A_217 = arith.constant 0.000000e+00 : f32
          %broadcast_in_dim3A_218 = vector.broadcast %broadcast_in_dim3A_217 : f32 to vector<16xf32>
          %broadcast_in_dim3A_219 = arith.constant 0.000000e+00 : f32
          %broadcast_in_dim3A_220 = vector.broadcast %broadcast_in_dim3A_219 : f32 to vector<16xf32>
          %while3A_221 = arith.subi %min3A, %max3A : i32
          %while3A_222 = arith.addi %max3A, %while3A_221 : i32
          %while3A_223 = arith.constant 1 : i32
          %while3A_224 = arith.divsi %while3A_221, %while3A_223 : i32
          %while3A_225 = arith.muli %while3A_224, %while3A_223 : i32
          %while3A_226 = arith.addi %max3A, %while3A_225 : i32
          %while3A_227 = arith.constant 1 : i32
          %while3A_228:16 = scf.for %while3A_375 = %max3A to %while3A_226 step %while3A_227 iter_args(%while3A_376 = %broadcast_in_dim3A_190, %while3A_377 = %broadcast_in_dim3A_192, %while3A_378 = %broadcast_in_dim3A_194, %while3A_379 = %broadcast_in_dim3A_196, %while3A_380 = %broadcast_in_dim3A_198, %while3A_381 = %broadcast_in_dim3A_200, %while3A_382 = %broadcast_in_dim3A_202, %while3A_383 = %broadcast_in_dim3A_204, %while3A_384 = %broadcast_in_dim3A_206, %while3A_385 = %broadcast_in_dim3A_208, %while3A_386 = %broadcast_in_dim3A_210, %while3A_387 = %broadcast_in_dim3A_212, %while3A_388 = %broadcast_in_dim3A_214, %while3A_389 = %broadcast_in_dim3A_216, %while3A_390 = %broadcast_in_dim3A_218, %while3A_391 = %broadcast_in_dim3A_220) -> (vector<16xf32>, vector<16xf32>, vector<16xf32>, vector<16xf32>, vector<16xf32>, vector<16xf32>, vector<16xf32>, vector<16xf32>, vector<16xf32>, vector<16xf32>, vector<16xf32>, vector<16xf32>, vector<16xf32>, vector<16xf32>, vector<16xf32>, vector<16xf32>)  : i32 {
            %sub3A_392 = arith.subi %while3A_375, %mul3A_87 : i32
            %get3A_393 = arith.index_cast %sub3A_392 : i32 to index
            %get3A_394 = arith.constant 0 : index
            %get3A_395 = tpu.vector_load %arg10[%get3A_393, %get3A_394] {strides = array<i32>} : memref<400x128xf32, #tpu.memory_space<vmem>>, vector<16xf32>,
            %get3A_396 = arith.index_cast %sub3A_392 : i32 to index
            %get3A_397 = arith.constant 16 : index
            %get3A_398 = tpu.vector_load %arg10[%get3A_396, %get3A_397] {strides = array<i32>} : memref<400x128xf32, #tpu.memory_space<vmem>>, vector<16xf32>,
            %get3A_399 = arith.index_cast %sub3A_392 : i32 to index
            %get3A_400 = arith.constant 32 : index
            %get3A_401 = tpu.vector_load %arg10[%get3A_399, %get3A_400] {strides = array<i32>} : memref<400x128xf32, #tpu.memory_space<vmem>>, vector<16xf32>,
            %get3A_402 = arith.index_cast %sub3A_392 : i32 to index
            %get3A_403 = arith.constant 48 : index
            %get3A_404 = tpu.vector_load %arg10[%get3A_402, %get3A_403] {strides = array<i32>} : memref<400x128xf32, #tpu.memory_space<vmem>>, vector<16xf32>,
            %get3A_405 = arith.index_cast %sub3A_392 : i32 to index
            %get3A_406 = arith.constant 64 : index
            %get3A_407 = tpu.vector_load %arg10[%get3A_405, %get3A_406] {strides = array<i32>} : memref<400x128xf32, #tpu.memory_space<vmem>>, vector<16xf32>,
            %get3A_408 = arith.index_cast %sub3A_392 : i32 to index
            %get3A_409 = arith.constant 80 : index
            %get3A_410 = tpu.vector_load %arg10[%get3A_408, %get3A_409] {strides = array<i32>} : memref<400x128xf32, #tpu.memory_space<vmem>>, vector<16xf32>,
            %get3A_411 = arith.index_cast %sub3A_392 : i32 to index
            %get3A_412 = arith.constant 96 : index
            %get3A_413 = tpu.vector_load %arg10[%get3A_411, %get3A_412] {strides = array<i32>} : memref<400x128xf32, #tpu.memory_space<vmem>>, vector<16xf32>,
            %get3A_414 = arith.index_cast %sub3A_392 : i32 to index
            %get3A_415 = arith.constant 112 : index
            %get3A_416 = tpu.vector_load %arg10[%get3A_414, %get3A_415] {strides = array<i32>} : memref<400x128xf32, #tpu.memory_space<vmem>>, vector<16xf32>,
            %add3A_417 = arith.addf %while3A_376, %get3A_395 : vector<16xf32>
            %add3A_418 = arith.addf %while3A_377, %get3A_398 : vector<16xf32>
            %add3A_419 = arith.addf %while3A_378, %get3A_401 : vector<16xf32>
            %add3A_420 = arith.addf %while3A_379, %get3A_404 : vector<16xf32>
            %add3A_421 = arith.addf %while3A_380, %get3A_407 : vector<16xf32>
            %add3A_422 = arith.addf %while3A_381, %get3A_410 : vector<16xf32>
            %add3A_423 = arith.addf %while3A_382, %get3A_413 : vector<16xf32>
            %add3A_424 = arith.addf %while3A_383, %get3A_416 : vector<16xf32>
            %mul3A_425 = arith.mulf %get3A_395, %get3A_395 : vector<16xf32>
            %add3A_426 = arith.addf %while3A_384, %mul3A_425 : vector<16xf32>
            %mul3A_427 = arith.mulf %get3A_398, %get3A_398 : vector<16xf32>
            %add3A_428 = arith.addf %while3A_385, %mul3A_427 : vector<16xf32>
            %mul3A_429 = arith.mulf %get3A_401, %get3A_401 : vector<16xf32>
            %add3A_430 = arith.addf %while3A_386, %mul3A_429 : vector<16xf32>
            %mul3A_431 = arith.mulf %get3A_404, %get3A_404 : vector<16xf32>
            %add3A_432 = arith.addf %while3A_387, %mul3A_431 : vector<16xf32>
            %mul3A_433 = arith.mulf %get3A_407, %get3A_407 : vector<16xf32>
            %add3A_434 = arith.addf %while3A_388, %mul3A_433 : vector<16xf32>
            %mul3A_435 = arith.mulf %get3A_410, %get3A_410 : vector<16xf32>
            %add3A_436 = arith.addf %while3A_389, %mul3A_435 : vector<16xf32>
            %mul3A_437 = arith.mulf %get3A_413, %get3A_413 : vector<16xf32>
            %add3A_438 = arith.addf %while3A_390, %mul3A_437 : vector<16xf32>
            %mul3A_439 = arith.mulf %get3A_416, %get3A_416 : vector<16xf32>
            %add3A_440 = arith.addf %while3A_391, %mul3A_439 : vector<16xf32>
            scf.yield %add3A_417, %add3A_418, %add3A_419, %add3A_420, %add3A_421, %add3A_422, %add3A_423, %add3A_424, %add3A_426, %add3A_428, %add3A_430, %add3A_432, %add3A_434, %add3A_436, %add3A_438, %add3A_440 : vector<16xf32>, vector<16xf32>, vector<16xf32>, vector<16xf32>, vector<16xf32>, vector<16xf32>, vector<16xf32>, vector<16xf32>, vector<16xf32>, vector<16xf32>, vector<16xf32>, vector<16xf32>, vector<16xf32>, vector<16xf32>, vector<16xf32>, vector<16xf32>
          }
          %while3A_229 = arith.constant 1 : i32
          %while3A_230:16 = scf.for %while3A_375 = %while3A_226 to %while3A_222 step %while3A_229 iter_args(%while3A_376 = %while3A_228#0, %while3A_377 = %while3A_228#1, %while3A_378 = %while3A_228#2, %while3A_379 = %while3A_228#3, %while3A_380 = %while3A_228#4, %while3A_381 = %while3A_228#5, %while3A_382 = %while3A_228#6, %while3A_383 = %while3A_228#7, %while3A_384 = %while3A_228#8, %while3A_385 = %while3A_228#9, %while3A_386 = %while3A_228#10, %while3A_387 = %while3A_228#11, %while3A_388 = %while3A_228#12, %while3A_389 = %while3A_228#13, %while3A_390 = %while3A_228#14, %while3A_391 = %while3A_228#15) -> (vector<16xf32>, vector<16xf32>, vector<16xf32>, vector<16xf32>, vector<16xf32>, vector<16xf32>, vector<16xf32>, vector<16xf32>, vector<16xf32>, vector<16xf32>, vector<16xf32>, vector<16xf32>, vector<16xf32>, vector<16xf32>, vector<16xf32>, vector<16xf32>)  : i32 {
            %sub3A_392 = arith.subi %while3A_375, %mul3A_87 : i32
            %get3A_393 = arith.index_cast %sub3A_392 : i32 to index
            %get3A_394 = arith.constant 0 : index
            %get3A_395 = tpu.vector_load %arg10[%get3A_393, %get3A_394] {strides = array<i32>} : memref<400x128xf32, #tpu.memory_space<vmem>>, vector<16xf32>,
            %get3A_396 = arith.index_cast %sub3A_392 : i32 to index
            %get3A_397 = arith.constant 16 : index
            %get3A_398 = tpu.vector_load %arg10[%get3A_396, %get3A_397] {strides = array<i32>} : memref<400x128xf32, #tpu.memory_space<vmem>>, vector<16xf32>,
            %get3A_399 = arith.index_cast %sub3A_392 : i32 to index
            %get3A_400 = arith.constant 32 : index
            %get3A_401 = tpu.vector_load %arg10[%get3A_399, %get3A_400] {strides = array<i32>} : memref<400x128xf32, #tpu.memory_space<vmem>>, vector<16xf32>,
            %get3A_402 = arith.index_cast %sub3A_392 : i32 to index
            %get3A_403 = arith.constant 48 : index
            %get3A_404 = tpu.vector_load %arg10[%get3A_402, %get3A_403] {strides = array<i32>} : memref<400x128xf32, #tpu.memory_space<vmem>>, vector<16xf32>,
            %get3A_405 = arith.index_cast %sub3A_392 : i32 to index
            %get3A_406 = arith.constant 64 : index
            %get3A_407 = tpu.vector_load %arg10[%get3A_405, %get3A_406] {strides = array<i32>} : memref<400x128xf32, #tpu.memory_space<vmem>>, vector<16xf32>,
            %get3A_408 = arith.index_cast %sub3A_392 : i32 to index
            %get3A_409 = arith.constant 80 : index
            %get3A_410 = tpu.vector_load %arg10[%get3A_408, %get3A_409] {strides = array<i32>} : memref<400x128xf32, #tpu.memory_space<vmem>>, vector<16xf32>,
            %get3A_411 = arith.index_cast %sub3A_392 : i32 to index
            %get3A_412 = arith.constant 96 : index
            %get3A_413 = tpu.vector_load %arg10[%get3A_411, %get3A_412] {strides = array<i32>} : memref<400x128xf32, #tpu.memory_space<vmem>>, vector<16xf32>,
            %get3A_414 = arith.index_cast %sub3A_392 : i32 to index
            %get3A_415 = arith.constant 112 : index
            %get3A_416 = tpu.vector_load %arg10[%get3A_414, %get3A_415] {strides = array<i32>} : memref<400x128xf32, #tpu.memory_space<vmem>>, vector<16xf32>,
            %add3A_417 = arith.addf %while3A_376, %get3A_395 : vector<16xf32>
            %add3A_418 = arith.addf %while3A_377, %get3A_398 : vector<16xf32>
            %add3A_419 = arith.addf %while3A_378, %get3A_401 : vector<16xf32>
            %add3A_420 = arith.addf %while3A_379, %get3A_404 : vector<16xf32>
            %add3A_421 = arith.addf %while3A_380, %get3A_407 : vector<16xf32>
            %add3A_422 = arith.addf %while3A_381, %get3A_410 : vector<16xf32>
            %add3A_423 = arith.addf %while3A_382, %get3A_413 : vector<16xf32>
            %add3A_424 = arith.addf %while3A_383, %get3A_416 : vector<16xf32>
            %mul3A_425 = arith.mulf %get3A_395, %get3A_395 : vector<16xf32>
            %add3A_426 = arith.addf %while3A_384, %mul3A_425 : vector<16xf32>
            %mul3A_427 = arith.mulf %get3A_398, %get3A_398 : vector<16xf32>
            %add3A_428 = arith.addf %while3A_385, %mul3A_427 : vector<16xf32>
            %mul3A_429 = arith.mulf %get3A_401, %get3A_401 : vector<16xf32>
            %add3A_430 = arith.addf %while3A_386, %mul3A_429 : vector<16xf32>
            %mul3A_431 = arith.mulf %get3A_404, %get3A_404 : vector<16xf32>
            %add3A_432 = arith.addf %while3A_387, %mul3A_431 : vector<16xf32>
            %mul3A_433 = arith.mulf %get3A_407, %get3A_407 : vector<16xf32>
            %add3A_434 = arith.addf %while3A_388, %mul3A_433 : vector<16xf32>
            %mul3A_435 = arith.mulf %get3A_410, %get3A_410 : vector<16xf32>
            %add3A_436 = arith.addf %while3A_389, %mul3A_435 : vector<16xf32>
            %mul3A_437 = arith.mulf %get3A_413, %get3A_413 : vector<16xf32>
            %add3A_438 = arith.addf %while3A_390, %mul3A_437 : vector<16xf32>
            %mul3A_439 = arith.mulf %get3A_416, %get3A_416 : vector<16xf32>
            %add3A_440 = arith.addf %while3A_391, %mul3A_439 : vector<16xf32>
            scf.yield %add3A_417, %add3A_418, %add3A_419, %add3A_420, %add3A_421, %add3A_422, %add3A_423, %add3A_424, %add3A_426, %add3A_428, %add3A_430, %add3A_432, %add3A_434, %add3A_436, %add3A_438, %add3A_440 : vector<16xf32>, vector<16xf32>, vector<16xf32>, vector<16xf32>, vector<16xf32>, vector<16xf32>, vector<16xf32>, vector<16xf32>, vector<16xf32>, vector<16xf32>, vector<16xf32>, vector<16xf32>, vector<16xf32>, vector<16xf32>, vector<16xf32>, vector<16xf32>
          }
          %mul3A_231 = arith.constant 2 : i32
          %mul3A_232 = arith.muli %while3A_179, %mul3A_231 : i32
          %mul3A_233 = arith.constant 128 : i32
          %mul3A_234 = arith.muli %mul3A_232, %mul3A_233 : i32
          %add3A_235 = arith.constant 0 : i32
          %add3A_236 = arith.addi %mul3A_234, %add3A_235 : i32
          %swap3A_237 = arith.index_cast %add3A_236 : i32 to index
          %swap3A_238 = tpu.vector_load %arg7[%swap3A_237] {strides = array<i32>} : memref<4096xf32, #tpu.memory_space<vmem>>, vector<16xf32>,
          tpu.vector_store %arg7[%swap3A_237], %while3A_230#0 {add = true, strides = array<i32>} : memref<4096xf32, #tpu.memory_space<vmem>>, vector<16xf32>,
          %mul3A_239 = arith.constant 2 : i32
          %mul3A_240 = arith.muli %while3A_179, %mul3A_239 : i32
          %mul3A_241 = arith.constant 128 : i32
          %mul3A_242 = arith.muli %mul3A_240, %mul3A_241 : i32
          %add3A_243 = arith.constant 128 : i32
          %add3A_244 = arith.addi %mul3A_242, %add3A_243 : i32
          %add3A_245 = arith.constant 0 : i32
          %add3A_246 = arith.addi %add3A_244, %add3A_245 : i32
          %swap3A_247 = arith.index_cast %add3A_246 : i32 to index
          %swap3A_248 = tpu.vector_load %arg7[%swap3A_247] {strides = array<i32>} : memref<4096xf32, #tpu.memory_space<vmem>>, vector<16xf32>,
          tpu.vector_store %arg7[%swap3A_247], %while3A_230#8 {add = true, strides = array<i32>} : memref<4096xf32, #tpu.memory_space<vmem>>, vector<16xf32>,
          %mul3A_249 = arith.constant 2 : i32
          %mul3A_250 = arith.muli %while3A_179, %mul3A_249 : i32
          %mul3A_251 = arith.constant 128 : i32
          %mul3A_252 = arith.muli %mul3A_250, %mul3A_251 : i32
          %add3A_253 = arith.constant 16 : i32
          %add3A_254 = arith.addi %mul3A_252, %add3A_253 : i32
          %swap3A_255 = arith.index_cast %add3A_254 : i32 to index
          %swap3A_256 = tpu.vector_load %arg7[%swap3A_255] {strides = array<i32>} : memref<4096xf32, #tpu.memory_space<vmem>>, vector<16xf32>,
          tpu.vector_store %arg7[%swap3A_255], %while3A_230#1 {add = true, strides = array<i32>} : memref<4096xf32, #tpu.memory_space<vmem>>, vector<16xf32>,
          %mul3A_257 = arith.constant 2 : i32
          %mul3A_258 = arith.muli %while3A_179, %mul3A_257 : i32
          %mul3A_259 = arith.constant 128 : i32
          %mul3A_260 = arith.muli %mul3A_258, %mul3A_259 : i32
          %add3A_261 = arith.constant 128 : i32
          %add3A_262 = arith.addi %mul3A_260, %add3A_261 : i32
          %add3A_263 = arith.constant 16 : i32
          %add3A_264 = arith.addi %add3A_262, %add3A_263 : i32
          %swap3A_265 = arith.index_cast %add3A_264 : i32 to index
          %swap3A_266 = tpu.vector_load %arg7[%swap3A_265] {strides = array<i32>} : memref<4096xf32, #tpu.memory_space<vmem>>, vector<16xf32>,
          tpu.vector_store %arg7[%swap3A_265], %while3A_230#9 {add = true, strides = array<i32>} : memref<4096xf32, #tpu.memory_space<vmem>>, vector<16xf32>,
          %mul3A_267 = arith.constant 2 : i32
          %mul3A_268 = arith.muli %while3A_179, %mul3A_267 : i32
          %mul3A_269 = arith.constant 128 : i32
          %mul3A_270 = arith.muli %mul3A_268, %mul3A_269 : i32
          %add3A_271 = arith.constant 32 : i32
          %add3A_272 = arith.addi %mul3A_270, %add3A_271 : i32
          %swap3A_273 = arith.index_cast %add3A_272 : i32 to index
          %swap3A_274 = tpu.vector_load %arg7[%swap3A_273] {strides = array<i32>} : memref<4096xf32, #tpu.memory_space<vmem>>, vector<16xf32>,
          tpu.vector_store %arg7[%swap3A_273], %while3A_230#2 {add = true, strides = array<i32>} : memref<4096xf32, #tpu.memory_space<vmem>>, vector<16xf32>,
          %mul3A_275 = arith.constant 2 : i32
          %mul3A_276 = arith.muli %while3A_179, %mul3A_275 : i32
          %mul3A_277 = arith.constant 128 : i32
          %mul3A_278 = arith.muli %mul3A_276, %mul3A_277 : i32
          %add3A_279 = arith.constant 128 : i32
          %add3A_280 = arith.addi %mul3A_278, %add3A_279 : i32
          %add3A_281 = arith.constant 32 : i32
          %add3A_282 = arith.addi %add3A_280, %add3A_281 : i32
          %swap3A_283 = arith.index_cast %add3A_282 : i32 to index
          %swap3A_284 = tpu.vector_load %arg7[%swap3A_283] {strides = array<i32>} : memref<4096xf32, #tpu.memory_space<vmem>>, vector<16xf32>,
          tpu.vector_store %arg7[%swap3A_283], %while3A_230#10 {add = true, strides = array<i32>} : memref<4096xf32, #tpu.memory_space<vmem>>, vector<16xf32>,
          %mul3A_285 = arith.constant 2 : i32
          %mul3A_286 = arith.muli %while3A_179, %mul3A_285 : i32
          %mul3A_287 = arith.constant 128 : i32
          %mul3A_288 = arith.muli %mul3A_286, %mul3A_287 : i32
          %add3A_289 = arith.constant 48 : i32
          %add3A_290 = arith.addi %mul3A_288, %add3A_289 : i32
          %swap3A_291 = arith.index_cast %add3A_290 : i32 to index
          %swap3A_292 = tpu.vector_load %arg7[%swap3A_291] {strides = array<i32>} : memref<4096xf32, #tpu.memory_space<vmem>>, vector<16xf32>,
          tpu.vector_store %arg7[%swap3A_291], %while3A_230#3 {add = true, strides = array<i32>} : memref<4096xf32, #tpu.memory_space<vmem>>, vector<16xf32>,
          %mul3A_293 = arith.constant 2 : i32
          %mul3A_294 = arith.muli %while3A_179, %mul3A_293 : i32
          %mul3A_295 = arith.constant 128 : i32
          %mul3A_296 = arith.muli %mul3A_294, %mul3A_295 : i32
          %add3A_297 = arith.constant 128 : i32
          %add3A_298 = arith.addi %mul3A_296, %add3A_297 : i32
          %add3A_299 = arith.constant 48 : i32
          %add3A_300 = arith.addi %add3A_298, %add3A_299 : i32
          %swap3A_301 = arith.index_cast %add3A_300 : i32 to index
          %swap3A_302 = tpu.vector_load %arg7[%swap3A_301] {strides = array<i32>} : memref<4096xf32, #tpu.memory_space<vmem>>, vector<16xf32>,
          tpu.vector_store %arg7[%swap3A_301], %while3A_230#11 {add = true, strides = array<i32>} : memref<4096xf32, #tpu.memory_space<vmem>>, vector<16xf32>,
          %mul3A_303 = arith.constant 2 : i32
          %mul3A_304 = arith.muli %while3A_179, %mul3A_303 : i32
          %mul3A_305 = arith.constant 128 : i32
          %mul3A_306 = arith.muli %mul3A_304, %mul3A_305 : i32
          %add3A_307 = arith.constant 64 : i32
          %add3A_308 = arith.addi %mul3A_306, %add3A_307 : i32
          %swap3A_309 = arith.index_cast %add3A_308 : i32 to index
          %swap3A_310 = tpu.vector_load %arg7[%swap3A_309] {strides = array<i32>} : memref<4096xf32, #tpu.memory_space<vmem>>, vector<16xf32>,
          tpu.vector_store %arg7[%swap3A_309], %while3A_230#4 {add = true, strides = array<i32>} : memref<4096xf32, #tpu.memory_space<vmem>>, vector<16xf32>,
          %mul3A_311 = arith.constant 2 : i32
          %mul3A_312 = arith.muli %while3A_179, %mul3A_311 : i32
          %mul3A_313 = arith.constant 128 : i32
          %mul3A_314 = arith.muli %mul3A_312, %mul3A_313 : i32
          %add3A_315 = arith.constant 128 : i32
          %add3A_316 = arith.addi %mul3A_314, %add3A_315 : i32
          %add3A_317 = arith.constant 64 : i32
          %add3A_318 = arith.addi %add3A_316, %add3A_317 : i32
          %swap3A_319 = arith.index_cast %add3A_318 : i32 to index
          %swap3A_320 = tpu.vector_load %arg7[%swap3A_319] {strides = array<i32>} : memref<4096xf32, #tpu.memory_space<vmem>>, vector<16xf32>,
          tpu.vector_store %arg7[%swap3A_319], %while3A_230#12 {add = true, strides = array<i32>} : memref<4096xf32, #tpu.memory_space<vmem>>, vector<16xf32>,
          %mul3A_321 = arith.constant 2 : i32
          %mul3A_322 = arith.muli %while3A_179, %mul3A_321 : i32
          %mul3A_323 = arith.constant 128 : i32
          %mul3A_324 = arith.muli %mul3A_322, %mul3A_323 : i32
          %add3A_325 = arith.constant 80 : i32
          %add3A_326 = arith.addi %mul3A_324, %add3A_325 : i32
          %swap3A_327 = arith.index_cast %add3A_326 : i32 to index
          %swap3A_328 = tpu.vector_load %arg7[%swap3A_327] {strides = array<i32>} : memref<4096xf32, #tpu.memory_space<vmem>>, vector<16xf32>,
          tpu.vector_store %arg7[%swap3A_327], %while3A_230#5 {add = true, strides = array<i32>} : memref<4096xf32, #tpu.memory_space<vmem>>, vector<16xf32>,
          %mul3A_329 = arith.constant 2 : i32
          %mul3A_330 = arith.muli %while3A_179, %mul3A_329 : i32
          %mul3A_331 = arith.constant 128 : i32
          %mul3A_332 = arith.muli %mul3A_330, %mul3A_331 : i32
          %add3A_333 = arith.constant 128 : i32
          %add3A_334 = arith.addi %mul3A_332, %add3A_333 : i32
          %add3A_335 = arith.constant 80 : i32
          %add3A_336 = arith.addi %add3A_334, %add3A_335 : i32
          %swap3A_337 = arith.index_cast %add3A_336 : i32 to index
          %swap3A_338 = tpu.vector_load %arg7[%swap3A_337] {strides = array<i32>} : memref<4096xf32, #tpu.memory_space<vmem>>, vector<16xf32>,
          tpu.vector_store %arg7[%swap3A_337], %while3A_230#13 {add = true, strides = array<i32>} : memref<4096xf32, #tpu.memory_space<vmem>>, vector<16xf32>,
          %mul3A_339 = arith.constant 2 : i32
          %mul3A_340 = arith.muli %while3A_179, %mul3A_339 : i32
          %mul3A_341 = arith.constant 128 : i32
          %mul3A_342 = arith.muli %mul3A_340, %mul3A_341 : i32
          %add3A_343 = arith.constant 96 : i32
          %add3A_344 = arith.addi %mul3A_342, %add3A_343 : i32
          %swap3A_345 = arith.index_cast %add3A_344 : i32 to index
          %swap3A_346 = tpu.vector_load %arg7[%swap3A_345] {strides = array<i32>} : memref<4096xf32, #tpu.memory_space<vmem>>, vector<16xf32>,
          tpu.vector_store %arg7[%swap3A_345], %while3A_230#6 {add = true, strides = array<i32>} : memref<4096xf32, #tpu.memory_space<vmem>>, vector<16xf32>,
          %mul3A_347 = arith.constant 2 : i32
          %mul3A_348 = arith.muli %while3A_179, %mul3A_347 : i32
          %mul3A_349 = arith.constant 128 : i32
          %mul3A_350 = arith.muli %mul3A_348, %mul3A_349 : i32
          %add3A_351 = arith.constant 128 : i32
          %add3A_352 = arith.addi %mul3A_350, %add3A_351 : i32
          %add3A_353 = arith.constant 96 : i32
          %add3A_354 = arith.addi %add3A_352, %add3A_353 : i32
          %swap3A_355 = arith.index_cast %add3A_354 : i32 to index
          %swap3A_356 = tpu.vector_load %arg7[%swap3A_355] {strides = array<i32>} : memref<4096xf32, #tpu.memory_space<vmem>>, vector<16xf32>,
          tpu.vector_store %arg7[%swap3A_355], %while3A_230#14 {add = true, strides = array<i32>} : memref<4096xf32, #tpu.memory_space<vmem>>, vector<16xf32>,
          %mul3A_357 = arith.constant 2 : i32
          %mul3A_358 = arith.muli %while3A_179, %mul3A_357 : i32
          %mul3A_359 = arith.constant 128 : i32
          %mul3A_360 = arith.muli %mul3A_358, %mul3A_359 : i32
          %add3A_361 = arith.constant 112 : i32
          %add3A_362 = arith.addi %mul3A_360, %add3A_361 : i32
          %swap3A_363 = arith.index_cast %add3A_362 : i32 to index
          %swap3A_364 = tpu.vector_load %arg7[%swap3A_363] {strides = array<i32>} : memref<4096xf32, #tpu.memory_space<vmem>>, vector<16xf32>,
          tpu.vector_store %arg7[%swap3A_363], %while3A_230#7 {add = true, strides = array<i32>} : memref<4096xf32, #tpu.memory_space<vmem>>, vector<16xf32>,
          %mul3A_365 = arith.constant 2 : i32
          %mul3A_366 = arith.muli %while3A_179, %mul3A_365 : i32
          %mul3A_367 = arith.constant 128 : i32
          %mul3A_368 = arith.muli %mul3A_366, %mul3A_367 : i32
          %add3A_369 = arith.constant 128 : i32
          %add3A_370 = arith.addi %mul3A_368, %add3A_369 : i32
          %add3A_371 = arith.constant 112 : i32
          %add3A_372 = arith.addi %add3A_370, %add3A_371 : i32
          %swap3A_373 = arith.index_cast %add3A_372 : i32 to index
          %swap3A_374 = tpu.vector_load %arg7[%swap3A_373] {strides = array<i32>} : memref<4096xf32, #tpu.memory_space<vmem>>, vector<16xf32>,
          tpu.vector_store %arg7[%swap3A_373], %while3A_230#15 {add = true, strides = array<i32>} : memref<4096xf32, #tpu.memory_space<vmem>>, vector<16xf32>,
        } else {
        }
      }
      %while3A_120 = arith.constant 1 : i32
      scf.for %while3A_179 = %while3A_118 to %while3A_114 step %while3A_120  : i32 {
        %add3A_180 = arith.constant 400 : i32
        %add3A_181 = arith.addi %mul3A_87, %add3A_180 : i32
        %get3A_182 = arith.index_cast %while3A_179 : i32 to index
        %get3A_183 = tpu.vector_load %arg8[%get3A_182] {strides = array<i32>} : memref<32xi32, #tpu.memory_space<vmem>>, vector<16xi32>,
        %slice3A = vector.extract_strided_slice %get3A_183 {offsets = [0], sizes = [1], strides = [1]} : vector<16xi32> to vector<1xi32>
        %squeeze3A = vector.extract %slice3A[0] : i32 from vector<1xi32>
        %max3A = arith.maxsi %squeeze3A, %mul3A_87 : i32
        %slice3A_184 = vector.extract_strided_slice %get3A_183 {offsets = [1], sizes = [1], strides = [1]} : vector<16xi32> to vector<1xi32>
        %squeeze3A_185 = vector.extract %slice3A_184[0] : i32 from vector<1xi32>
        %min3A = arith.minsi %squeeze3A_185, %add3A_181 : i32
        %gt3A = arith.cmpi sgt, %min3A, %max3A : i32
        %convert_element_type3A_186 = arith.extui %gt3A : i1 to i32
        %cond3A_187 = arith.constant 0 : i32
        %cond3A_188 = arith.cmpi ne, %convert_element_type3A_186, %cond3A_187 : i32
        scf.if %cond3A_188 {
          %broadcast_in_dim3A_189 = arith.constant 0.000000e+00 : f32
          %broadcast_in_dim3A_190 = vector.broadcast %broadcast_in_dim3A_189 : f32 to vector<16xf32>
          %broadcast_in_dim3A_191 = arith.constant 0.000000e+00 : f32
          %broadcast_in_dim3A_192 = vector.broadcast %broadcast_in_dim3A_191 : f32 to vector<16xf32>
          %broadcast_in_dim3A_193 = arith.constant 0.000000e+00 : f32
          %broadcast_in_dim3A_194 = vector.broadcast %broadcast_in_dim3A_193 : f32 to vector<16xf32>
          %broadcast_in_dim3A_195 = arith.constant 0.000000e+00 : f32
          %broadcast_in_dim3A_196 = vector.broadcast %broadcast_in_dim3A_195 : f32 to vector<16xf32>
          %broadcast_in_dim3A_197 = arith.constant 0.000000e+00 : f32
          %broadcast_in_dim3A_198 = vector.broadcast %broadcast_in_dim3A_197 : f32 to vector<16xf32>
          %broadcast_in_dim3A_199 = arith.constant 0.000000e+00 : f32
          %broadcast_in_dim3A_200 = vector.broadcast %broadcast_in_dim3A_199 : f32 to vector<16xf32>
          %broadcast_in_dim3A_201 = arith.constant 0.000000e+00 : f32
          %broadcast_in_dim3A_202 = vector.broadcast %broadcast_in_dim3A_201 : f32 to vector<16xf32>
          %broadcast_in_dim3A_203 = arith.constant 0.000000e+00 : f32
          %broadcast_in_dim3A_204 = vector.broadcast %broadcast_in_dim3A_203 : f32 to vector<16xf32>
          %broadcast_in_dim3A_205 = arith.constant 0.000000e+00 : f32
          %broadcast_in_dim3A_206 = vector.broadcast %broadcast_in_dim3A_205 : f32 to vector<16xf32>
          %broadcast_in_dim3A_207 = arith.constant 0.000000e+00 : f32
          %broadcast_in_dim3A_208 = vector.broadcast %broadcast_in_dim3A_207 : f32 to vector<16xf32>
          %broadcast_in_dim3A_209 = arith.constant 0.000000e+00 : f32
          %broadcast_in_dim3A_210 = vector.broadcast %broadcast_in_dim3A_209 : f32 to vector<16xf32>
          %broadcast_in_dim3A_211 = arith.constant 0.000000e+00 : f32
          %broadcast_in_dim3A_212 = vector.broadcast %broadcast_in_dim3A_211 : f32 to vector<16xf32>
          %broadcast_in_dim3A_213 = arith.constant 0.000000e+00 : f32
          %broadcast_in_dim3A_214 = vector.broadcast %broadcast_in_dim3A_213 : f32 to vector<16xf32>
          %broadcast_in_dim3A_215 = arith.constant 0.000000e+00 : f32
          %broadcast_in_dim3A_216 = vector.broadcast %broadcast_in_dim3A_215 : f32 to vector<16xf32>
          %broadcast_in_dim3A_217 = arith.constant 0.000000e+00 : f32
          %broadcast_in_dim3A_218 = vector.broadcast %broadcast_in_dim3A_217 : f32 to vector<16xf32>
          %broadcast_in_dim3A_219 = arith.constant 0.000000e+00 : f32
          %broadcast_in_dim3A_220 = vector.broadcast %broadcast_in_dim3A_219 : f32 to vector<16xf32>
          %while3A_221 = arith.subi %min3A, %max3A : i32
          %while3A_222 = arith.addi %max3A, %while3A_221 : i32
          %while3A_223 = arith.constant 1 : i32
          %while3A_224 = arith.divsi %while3A_221, %while3A_223 : i32
          %while3A_225 = arith.muli %while3A_224, %while3A_223 : i32
          %while3A_226 = arith.addi %max3A, %while3A_225 : i32
          %while3A_227 = arith.constant 1 : i32
          %while3A_228:16 = scf.for %while3A_375 = %max3A to %while3A_226 step %while3A_227 iter_args(%while3A_376 = %broadcast_in_dim3A_190, %while3A_377 = %broadcast_in_dim3A_192, %while3A_378 = %broadcast_in_dim3A_194, %while3A_379 = %broadcast_in_dim3A_196, %while3A_380 = %broadcast_in_dim3A_198, %while3A_381 = %broadcast_in_dim3A_200, %while3A_382 = %broadcast_in_dim3A_202, %while3A_383 = %broadcast_in_dim3A_204, %while3A_384 = %broadcast_in_dim3A_206, %while3A_385 = %broadcast_in_dim3A_208, %while3A_386 = %broadcast_in_dim3A_210, %while3A_387 = %broadcast_in_dim3A_212, %while3A_388 = %broadcast_in_dim3A_214, %while3A_389 = %broadcast_in_dim3A_216, %while3A_390 = %broadcast_in_dim3A_218, %while3A_391 = %broadcast_in_dim3A_220) -> (vector<16xf32>, vector<16xf32>, vector<16xf32>, vector<16xf32>, vector<16xf32>, vector<16xf32>, vector<16xf32>, vector<16xf32>, vector<16xf32>, vector<16xf32>, vector<16xf32>, vector<16xf32>, vector<16xf32>, vector<16xf32>, vector<16xf32>, vector<16xf32>)  : i32 {
            %sub3A_392 = arith.subi %while3A_375, %mul3A_87 : i32
            %get3A_393 = arith.index_cast %sub3A_392 : i32 to index
            %get3A_394 = arith.constant 0 : index
            %get3A_395 = tpu.vector_load %arg10[%get3A_393, %get3A_394] {strides = array<i32>} : memref<400x128xf32, #tpu.memory_space<vmem>>, vector<16xf32>,
            %get3A_396 = arith.index_cast %sub3A_392 : i32 to index
            %get3A_397 = arith.constant 16 : index
            %get3A_398 = tpu.vector_load %arg10[%get3A_396, %get3A_397] {strides = array<i32>} : memref<400x128xf32, #tpu.memory_space<vmem>>, vector<16xf32>,
            %get3A_399 = arith.index_cast %sub3A_392 : i32 to index
            %get3A_400 = arith.constant 32 : index
            %get3A_401 = tpu.vector_load %arg10[%get3A_399, %get3A_400] {strides = array<i32>} : memref<400x128xf32, #tpu.memory_space<vmem>>, vector<16xf32>,
            %get3A_402 = arith.index_cast %sub3A_392 : i32 to index
            %get3A_403 = arith.constant 48 : index
            %get3A_404 = tpu.vector_load %arg10[%get3A_402, %get3A_403] {strides = array<i32>} : memref<400x128xf32, #tpu.memory_space<vmem>>, vector<16xf32>,
            %get3A_405 = arith.index_cast %sub3A_392 : i32 to index
            %get3A_406 = arith.constant 64 : index
            %get3A_407 = tpu.vector_load %arg10[%get3A_405, %get3A_406] {strides = array<i32>} : memref<400x128xf32, #tpu.memory_space<vmem>>, vector<16xf32>,
            %get3A_408 = arith.index_cast %sub3A_392 : i32 to index
            %get3A_409 = arith.constant 80 : index
            %get3A_410 = tpu.vector_load %arg10[%get3A_408, %get3A_409] {strides = array<i32>} : memref<400x128xf32, #tpu.memory_space<vmem>>, vector<16xf32>,
            %get3A_411 = arith.index_cast %sub3A_392 : i32 to index
            %get3A_412 = arith.constant 96 : index
            %get3A_413 = tpu.vector_load %arg10[%get3A_411, %get3A_412] {strides = array<i32>} : memref<400x128xf32, #tpu.memory_space<vmem>>, vector<16xf32>,
            %get3A_414 = arith.index_cast %sub3A_392 : i32 to index
            %get3A_415 = arith.constant 112 : index
            %get3A_416 = tpu.vector_load %arg10[%get3A_414, %get3A_415] {strides = array<i32>} : memref<400x128xf32, #tpu.memory_space<vmem>>, vector<16xf32>,
            %add3A_417 = arith.addf %while3A_376, %get3A_395 : vector<16xf32>
            %add3A_418 = arith.addf %while3A_377, %get3A_398 : vector<16xf32>
            %add3A_419 = arith.addf %while3A_378, %get3A_401 : vector<16xf32>
            %add3A_420 = arith.addf %while3A_379, %get3A_404 : vector<16xf32>
            %add3A_421 = arith.addf %while3A_380, %get3A_407 : vector<16xf32>
            %add3A_422 = arith.addf %while3A_381, %get3A_410 : vector<16xf32>
            %add3A_423 = arith.addf %while3A_382, %get3A_413 : vector<16xf32>
            %add3A_424 = arith.addf %while3A_383, %get3A_416 : vector<16xf32>
            %mul3A_425 = arith.mulf %get3A_395, %get3A_395 : vector<16xf32>
            %add3A_426 = arith.addf %while3A_384, %mul3A_425 : vector<16xf32>
            %mul3A_427 = arith.mulf %get3A_398, %get3A_398 : vector<16xf32>
            %add3A_428 = arith.addf %while3A_385, %mul3A_427 : vector<16xf32>
            %mul3A_429 = arith.mulf %get3A_401, %get3A_401 : vector<16xf32>
            %add3A_430 = arith.addf %while3A_386, %mul3A_429 : vector<16xf32>
            %mul3A_431 = arith.mulf %get3A_404, %get3A_404 : vector<16xf32>
            %add3A_432 = arith.addf %while3A_387, %mul3A_431 : vector<16xf32>
            %mul3A_433 = arith.mulf %get3A_407, %get3A_407 : vector<16xf32>
            %add3A_434 = arith.addf %while3A_388, %mul3A_433 : vector<16xf32>
            %mul3A_435 = arith.mulf %get3A_410, %get3A_410 : vector<16xf32>
            %add3A_436 = arith.addf %while3A_389, %mul3A_435 : vector<16xf32>
            %mul3A_437 = arith.mulf %get3A_413, %get3A_413 : vector<16xf32>
            %add3A_438 = arith.addf %while3A_390, %mul3A_437 : vector<16xf32>
            %mul3A_439 = arith.mulf %get3A_416, %get3A_416 : vector<16xf32>
            %add3A_440 = arith.addf %while3A_391, %mul3A_439 : vector<16xf32>
            scf.yield %add3A_417, %add3A_418, %add3A_419, %add3A_420, %add3A_421, %add3A_422, %add3A_423, %add3A_424, %add3A_426, %add3A_428, %add3A_430, %add3A_432, %add3A_434, %add3A_436, %add3A_438, %add3A_440 : vector<16xf32>, vector<16xf32>, vector<16xf32>, vector<16xf32>, vector<16xf32>, vector<16xf32>, vector<16xf32>, vector<16xf32>, vector<16xf32>, vector<16xf32>, vector<16xf32>, vector<16xf32>, vector<16xf32>, vector<16xf32>, vector<16xf32>, vector<16xf32>
          }
          %while3A_229 = arith.constant 1 : i32
          %while3A_230:16 = scf.for %while3A_375 = %while3A_226 to %while3A_222 step %while3A_229 iter_args(%while3A_376 = %while3A_228#0, %while3A_377 = %while3A_228#1, %while3A_378 = %while3A_228#2, %while3A_379 = %while3A_228#3, %while3A_380 = %while3A_228#4, %while3A_381 = %while3A_228#5, %while3A_382 = %while3A_228#6, %while3A_383 = %while3A_228#7, %while3A_384 = %while3A_228#8, %while3A_385 = %while3A_228#9, %while3A_386 = %while3A_228#10, %while3A_387 = %while3A_228#11, %while3A_388 = %while3A_228#12, %while3A_389 = %while3A_228#13, %while3A_390 = %while3A_228#14, %while3A_391 = %while3A_228#15) -> (vector<16xf32>, vector<16xf32>, vector<16xf32>, vector<16xf32>, vector<16xf32>, vector<16xf32>, vector<16xf32>, vector<16xf32>, vector<16xf32>, vector<16xf32>, vector<16xf32>, vector<16xf32>, vector<16xf32>, vector<16xf32>, vector<16xf32>, vector<16xf32>)  : i32 {
            %sub3A_392 = arith.subi %while3A_375, %mul3A_87 : i32
            %get3A_393 = arith.index_cast %sub3A_392 : i32 to index
            %get3A_394 = arith.constant 0 : index
            %get3A_395 = tpu.vector_load %arg10[%get3A_393, %get3A_394] {strides = array<i32>} : memref<400x128xf32, #tpu.memory_space<vmem>>, vector<16xf32>,
            %get3A_396 = arith.index_cast %sub3A_392 : i32 to index
            %get3A_397 = arith.constant 16 : index
            %get3A_398 = tpu.vector_load %arg10[%get3A_396, %get3A_397] {strides = array<i32>} : memref<400x128xf32, #tpu.memory_space<vmem>>, vector<16xf32>,
            %get3A_399 = arith.index_cast %sub3A_392 : i32 to index
            %get3A_400 = arith.constant 32 : index
            %get3A_401 = tpu.vector_load %arg10[%get3A_399, %get3A_400] {strides = array<i32>} : memref<400x128xf32, #tpu.memory_space<vmem>>, vector<16xf32>,
            %get3A_402 = arith.index_cast %sub3A_392 : i32 to index
            %get3A_403 = arith.constant 48 : index
            %get3A_404 = tpu.vector_load %arg10[%get3A_402, %get3A_403] {strides = array<i32>} : memref<400x128xf32, #tpu.memory_space<vmem>>, vector<16xf32>,
            %get3A_405 = arith.index_cast %sub3A_392 : i32 to index
            %get3A_406 = arith.constant 64 : index
            %get3A_407 = tpu.vector_load %arg10[%get3A_405, %get3A_406] {strides = array<i32>} : memref<400x128xf32, #tpu.memory_space<vmem>>, vector<16xf32>,
            %get3A_408 = arith.index_cast %sub3A_392 : i32 to index
            %get3A_409 = arith.constant 80 : index
            %get3A_410 = tpu.vector_load %arg10[%get3A_408, %get3A_409] {strides = array<i32>} : memref<400x128xf32, #tpu.memory_space<vmem>>, vector<16xf32>,
            %get3A_411 = arith.index_cast %sub3A_392 : i32 to index
            %get3A_412 = arith.constant 96 : index
            %get3A_413 = tpu.vector_load %arg10[%get3A_411, %get3A_412] {strides = array<i32>} : memref<400x128xf32, #tpu.memory_space<vmem>>, vector<16xf32>,
            %get3A_414 = arith.index_cast %sub3A_392 : i32 to index
            %get3A_415 = arith.constant 112 : index
            %get3A_416 = tpu.vector_load %arg10[%get3A_414, %get3A_415] {strides = array<i32>} : memref<400x128xf32, #tpu.memory_space<vmem>>, vector<16xf32>,
            %add3A_417 = arith.addf %while3A_376, %get3A_395 : vector<16xf32>
            %add3A_418 = arith.addf %while3A_377, %get3A_398 : vector<16xf32>
            %add3A_419 = arith.addf %while3A_378, %get3A_401 : vector<16xf32>
            %add3A_420 = arith.addf %while3A_379, %get3A_404 : vector<16xf32>
            %add3A_421 = arith.addf %while3A_380, %get3A_407 : vector<16xf32>
            %add3A_422 = arith.addf %while3A_381, %get3A_410 : vector<16xf32>
            %add3A_423 = arith.addf %while3A_382, %get3A_413 : vector<16xf32>
            %add3A_424 = arith.addf %while3A_383, %get3A_416 : vector<16xf32>
            %mul3A_425 = arith.mulf %get3A_395, %get3A_395 : vector<16xf32>
            %add3A_426 = arith.addf %while3A_384, %mul3A_425 : vector<16xf32>
            %mul3A_427 = arith.mulf %get3A_398, %get3A_398 : vector<16xf32>
            %add3A_428 = arith.addf %while3A_385, %mul3A_427 : vector<16xf32>
            %mul3A_429 = arith.mulf %get3A_401, %get3A_401 : vector<16xf32>
            %add3A_430 = arith.addf %while3A_386, %mul3A_429 : vector<16xf32>
            %mul3A_431 = arith.mulf %get3A_404, %get3A_404 : vector<16xf32>
            %add3A_432 = arith.addf %while3A_387, %mul3A_431 : vector<16xf32>
            %mul3A_433 = arith.mulf %get3A_407, %get3A_407 : vector<16xf32>
            %add3A_434 = arith.addf %while3A_388, %mul3A_433 : vector<16xf32>
            %mul3A_435 = arith.mulf %get3A_410, %get3A_410 : vector<16xf32>
            %add3A_436 = arith.addf %while3A_389, %mul3A_435 : vector<16xf32>
            %mul3A_437 = arith.mulf %get3A_413, %get3A_413 : vector<16xf32>
            %add3A_438 = arith.addf %while3A_390, %mul3A_437 : vector<16xf32>
            %mul3A_439 = arith.mulf %get3A_416, %get3A_416 : vector<16xf32>
            %add3A_440 = arith.addf %while3A_391, %mul3A_439 : vector<16xf32>
            scf.yield %add3A_417, %add3A_418, %add3A_419, %add3A_420, %add3A_421, %add3A_422, %add3A_423, %add3A_424, %add3A_426, %add3A_428, %add3A_430, %add3A_432, %add3A_434, %add3A_436, %add3A_438, %add3A_440 : vector<16xf32>, vector<16xf32>, vector<16xf32>, vector<16xf32>, vector<16xf32>, vector<16xf32>, vector<16xf32>, vector<16xf32>, vector<16xf32>, vector<16xf32>, vector<16xf32>, vector<16xf32>, vector<16xf32>, vector<16xf32>, vector<16xf32>, vector<16xf32>
          }
          %mul3A_231 = arith.constant 2 : i32
          %mul3A_232 = arith.muli %while3A_179, %mul3A_231 : i32
          %mul3A_233 = arith.constant 128 : i32
          %mul3A_234 = arith.muli %mul3A_232, %mul3A_233 : i32
          %add3A_235 = arith.constant 0 : i32
          %add3A_236 = arith.addi %mul3A_234, %add3A_235 : i32
          %swap3A_237 = arith.index_cast %add3A_236 : i32 to index
          %swap3A_238 = tpu.vector_load %arg7[%swap3A_237] {strides = array<i32>} : memref<4096xf32, #tpu.memory_space<vmem>>, vector<16xf32>,
          tpu.vector_store %arg7[%swap3A_237], %while3A_230#0 {add = true, strides = array<i32>} : memref<4096xf32, #tpu.memory_space<vmem>>, vector<16xf32>,
          %mul3A_239 = arith.constant 2 : i32
          %mul3A_240 = arith.muli %while3A_179, %mul3A_239 : i32
          %mul3A_241 = arith.constant 128 : i32
          %mul3A_242 = arith.muli %mul3A_240, %mul3A_241 : i32
          %add3A_243 = arith.constant 128 : i32
          %add3A_244 = arith.addi %mul3A_242, %add3A_243 : i32
          %add3A_245 = arith.constant 0 : i32
          %add3A_246 = arith.addi %add3A_244, %add3A_245 : i32
          %swap3A_247 = arith.index_cast %add3A_246 : i32 to index
          %swap3A_248 = tpu.vector_load %arg7[%swap3A_247] {strides = array<i32>} : memref<4096xf32, #tpu.memory_space<vmem>>, vector<16xf32>,
          tpu.vector_store %arg7[%swap3A_247], %while3A_230#8 {add = true, strides = array<i32>} : memref<4096xf32, #tpu.memory_space<vmem>>, vector<16xf32>,
          %mul3A_249 = arith.constant 2 : i32
          %mul3A_250 = arith.muli %while3A_179, %mul3A_249 : i32
          %mul3A_251 = arith.constant 128 : i32
          %mul3A_252 = arith.muli %mul3A_250, %mul3A_251 : i32
          %add3A_253 = arith.constant 16 : i32
          %add3A_254 = arith.addi %mul3A_252, %add3A_253 : i32
          %swap3A_255 = arith.index_cast %add3A_254 : i32 to index
          %swap3A_256 = tpu.vector_load %arg7[%swap3A_255] {strides = array<i32>} : memref<4096xf32, #tpu.memory_space<vmem>>, vector<16xf32>,
          tpu.vector_store %arg7[%swap3A_255], %while3A_230#1 {add = true, strides = array<i32>} : memref<4096xf32, #tpu.memory_space<vmem>>, vector<16xf32>,
          %mul3A_257 = arith.constant 2 : i32
          %mul3A_258 = arith.muli %while3A_179, %mul3A_257 : i32
          %mul3A_259 = arith.constant 128 : i32
          %mul3A_260 = arith.muli %mul3A_258, %mul3A_259 : i32
          %add3A_261 = arith.constant 128 : i32
          %add3A_262 = arith.addi %mul3A_260, %add3A_261 : i32
          %add3A_263 = arith.constant 16 : i32
          %add3A_264 = arith.addi %add3A_262, %add3A_263 : i32
          %swap3A_265 = arith.index_cast %add3A_264 : i32 to index
          %swap3A_266 = tpu.vector_load %arg7[%swap3A_265] {strides = array<i32>} : memref<4096xf32, #tpu.memory_space<vmem>>, vector<16xf32>,
          tpu.vector_store %arg7[%swap3A_265], %while3A_230#9 {add = true, strides = array<i32>} : memref<4096xf32, #tpu.memory_space<vmem>>, vector<16xf32>,
          %mul3A_267 = arith.constant 2 : i32
          %mul3A_268 = arith.muli %while3A_179, %mul3A_267 : i32
          %mul3A_269 = arith.constant 128 : i32
          %mul3A_270 = arith.muli %mul3A_268, %mul3A_269 : i32
          %add3A_271 = arith.constant 32 : i32
          %add3A_272 = arith.addi %mul3A_270, %add3A_271 : i32
          %swap3A_273 = arith.index_cast %add3A_272 : i32 to index
          %swap3A_274 = tpu.vector_load %arg7[%swap3A_273] {strides = array<i32>} : memref<4096xf32, #tpu.memory_space<vmem>>, vector<16xf32>,
          tpu.vector_store %arg7[%swap3A_273], %while3A_230#2 {add = true, strides = array<i32>} : memref<4096xf32, #tpu.memory_space<vmem>>, vector<16xf32>,
          %mul3A_275 = arith.constant 2 : i32
          %mul3A_276 = arith.muli %while3A_179, %mul3A_275 : i32
          %mul3A_277 = arith.constant 128 : i32
          %mul3A_278 = arith.muli %mul3A_276, %mul3A_277 : i32
          %add3A_279 = arith.constant 128 : i32
          %add3A_280 = arith.addi %mul3A_278, %add3A_279 : i32
          %add3A_281 = arith.constant 32 : i32
          %add3A_282 = arith.addi %add3A_280, %add3A_281 : i32
          %swap3A_283 = arith.index_cast %add3A_282 : i32 to index
          %swap3A_284 = tpu.vector_load %arg7[%swap3A_283] {strides = array<i32>} : memref<4096xf32, #tpu.memory_space<vmem>>, vector<16xf32>,
          tpu.vector_store %arg7[%swap3A_283], %while3A_230#10 {add = true, strides = array<i32>} : memref<4096xf32, #tpu.memory_space<vmem>>, vector<16xf32>,
          %mul3A_285 = arith.constant 2 : i32
          %mul3A_286 = arith.muli %while3A_179, %mul3A_285 : i32
          %mul3A_287 = arith.constant 128 : i32
          %mul3A_288 = arith.muli %mul3A_286, %mul3A_287 : i32
          %add3A_289 = arith.constant 48 : i32
          %add3A_290 = arith.addi %mul3A_288, %add3A_289 : i32
          %swap3A_291 = arith.index_cast %add3A_290 : i32 to index
          %swap3A_292 = tpu.vector_load %arg7[%swap3A_291] {strides = array<i32>} : memref<4096xf32, #tpu.memory_space<vmem>>, vector<16xf32>,
          tpu.vector_store %arg7[%swap3A_291], %while3A_230#3 {add = true, strides = array<i32>} : memref<4096xf32, #tpu.memory_space<vmem>>, vector<16xf32>,
          %mul3A_293 = arith.constant 2 : i32
          %mul3A_294 = arith.muli %while3A_179, %mul3A_293 : i32
          %mul3A_295 = arith.constant 128 : i32
          %mul3A_296 = arith.muli %mul3A_294, %mul3A_295 : i32
          %add3A_297 = arith.constant 128 : i32
          %add3A_298 = arith.addi %mul3A_296, %add3A_297 : i32
          %add3A_299 = arith.constant 48 : i32
          %add3A_300 = arith.addi %add3A_298, %add3A_299 : i32
          %swap3A_301 = arith.index_cast %add3A_300 : i32 to index
          %swap3A_302 = tpu.vector_load %arg7[%swap3A_301] {strides = array<i32>} : memref<4096xf32, #tpu.memory_space<vmem>>, vector<16xf32>,
          tpu.vector_store %arg7[%swap3A_301], %while3A_230#11 {add = true, strides = array<i32>} : memref<4096xf32, #tpu.memory_space<vmem>>, vector<16xf32>,
          %mul3A_303 = arith.constant 2 : i32
          %mul3A_304 = arith.muli %while3A_179, %mul3A_303 : i32
          %mul3A_305 = arith.constant 128 : i32
          %mul3A_306 = arith.muli %mul3A_304, %mul3A_305 : i32
          %add3A_307 = arith.constant 64 : i32
          %add3A_308 = arith.addi %mul3A_306, %add3A_307 : i32
          %swap3A_309 = arith.index_cast %add3A_308 : i32 to index
          %swap3A_310 = tpu.vector_load %arg7[%swap3A_309] {strides = array<i32>} : memref<4096xf32, #tpu.memory_space<vmem>>, vector<16xf32>,
          tpu.vector_store %arg7[%swap3A_309], %while3A_230#4 {add = true, strides = array<i32>} : memref<4096xf32, #tpu.memory_space<vmem>>, vector<16xf32>,
          %mul3A_311 = arith.constant 2 : i32
          %mul3A_312 = arith.muli %while3A_179, %mul3A_311 : i32
          %mul3A_313 = arith.constant 128 : i32
          %mul3A_314 = arith.muli %mul3A_312, %mul3A_313 : i32
          %add3A_315 = arith.constant 128 : i32
          %add3A_316 = arith.addi %mul3A_314, %add3A_315 : i32
          %add3A_317 = arith.constant 64 : i32
          %add3A_318 = arith.addi %add3A_316, %add3A_317 : i32
          %swap3A_319 = arith.index_cast %add3A_318 : i32 to index
          %swap3A_320 = tpu.vector_load %arg7[%swap3A_319] {strides = array<i32>} : memref<4096xf32, #tpu.memory_space<vmem>>, vector<16xf32>,
          tpu.vector_store %arg7[%swap3A_319], %while3A_230#12 {add = true, strides = array<i32>} : memref<4096xf32, #tpu.memory_space<vmem>>, vector<16xf32>,
          %mul3A_321 = arith.constant 2 : i32
          %mul3A_322 = arith.muli %while3A_179, %mul3A_321 : i32
          %mul3A_323 = arith.constant 128 : i32
          %mul3A_324 = arith.muli %mul3A_322, %mul3A_323 : i32
          %add3A_325 = arith.constant 80 : i32
          %add3A_326 = arith.addi %mul3A_324, %add3A_325 : i32
          %swap3A_327 = arith.index_cast %add3A_326 : i32 to index
          %swap3A_328 = tpu.vector_load %arg7[%swap3A_327] {strides = array<i32>} : memref<4096xf32, #tpu.memory_space<vmem>>, vector<16xf32>,
          tpu.vector_store %arg7[%swap3A_327], %while3A_230#5 {add = true, strides = array<i32>} : memref<4096xf32, #tpu.memory_space<vmem>>, vector<16xf32>,
          %mul3A_329 = arith.constant 2 : i32
          %mul3A_330 = arith.muli %while3A_179, %mul3A_329 : i32
          %mul3A_331 = arith.constant 128 : i32
          %mul3A_332 = arith.muli %mul3A_330, %mul3A_331 : i32
          %add3A_333 = arith.constant 128 : i32
          %add3A_334 = arith.addi %mul3A_332, %add3A_333 : i32
          %add3A_335 = arith.constant 80 : i32
          %add3A_336 = arith.addi %add3A_334, %add3A_335 : i32
          %swap3A_337 = arith.index_cast %add3A_336 : i32 to index
          %swap3A_338 = tpu.vector_load %arg7[%swap3A_337] {strides = array<i32>} : memref<4096xf32, #tpu.memory_space<vmem>>, vector<16xf32>,
          tpu.vector_store %arg7[%swap3A_337], %while3A_230#13 {add = true, strides = array<i32>} : memref<4096xf32, #tpu.memory_space<vmem>>, vector<16xf32>,
          %mul3A_339 = arith.constant 2 : i32
          %mul3A_340 = arith.muli %while3A_179, %mul3A_339 : i32
          %mul3A_341 = arith.constant 128 : i32
          %mul3A_342 = arith.muli %mul3A_340, %mul3A_341 : i32
          %add3A_343 = arith.constant 96 : i32
          %add3A_344 = arith.addi %mul3A_342, %add3A_343 : i32
          %swap3A_345 = arith.index_cast %add3A_344 : i32 to index
          %swap3A_346 = tpu.vector_load %arg7[%swap3A_345] {strides = array<i32>} : memref<4096xf32, #tpu.memory_space<vmem>>, vector<16xf32>,
          tpu.vector_store %arg7[%swap3A_345], %while3A_230#6 {add = true, strides = array<i32>} : memref<4096xf32, #tpu.memory_space<vmem>>, vector<16xf32>,
          %mul3A_347 = arith.constant 2 : i32
          %mul3A_348 = arith.muli %while3A_179, %mul3A_347 : i32
          %mul3A_349 = arith.constant 128 : i32
          %mul3A_350 = arith.muli %mul3A_348, %mul3A_349 : i32
          %add3A_351 = arith.constant 128 : i32
          %add3A_352 = arith.addi %mul3A_350, %add3A_351 : i32
          %add3A_353 = arith.constant 96 : i32
          %add3A_354 = arith.addi %add3A_352, %add3A_353 : i32
          %swap3A_355 = arith.index_cast %add3A_354 : i32 to index
          %swap3A_356 = tpu.vector_load %arg7[%swap3A_355] {strides = array<i32>} : memref<4096xf32, #tpu.memory_space<vmem>>, vector<16xf32>,
          tpu.vector_store %arg7[%swap3A_355], %while3A_230#14 {add = true, strides = array<i32>} : memref<4096xf32, #tpu.memory_space<vmem>>, vector<16xf32>,
          %mul3A_357 = arith.constant 2 : i32
          %mul3A_358 = arith.muli %while3A_179, %mul3A_357 : i32
          %mul3A_359 = arith.constant 128 : i32
          %mul3A_360 = arith.muli %mul3A_358, %mul3A_359 : i32
          %add3A_361 = arith.constant 112 : i32
          %add3A_362 = arith.addi %mul3A_360, %add3A_361 : i32
          %swap3A_363 = arith.index_cast %add3A_362 : i32 to index
          %swap3A_364 = tpu.vector_load %arg7[%swap3A_363] {strides = array<i32>} : memref<4096xf32, #tpu.memory_space<vmem>>, vector<16xf32>,
          tpu.vector_store %arg7[%swap3A_363], %while3A_230#7 {add = true, strides = array<i32>} : memref<4096xf32, #tpu.memory_space<vmem>>, vector<16xf32>,
          %mul3A_365 = arith.constant 2 : i32
          %mul3A_366 = arith.muli %while3A_179, %mul3A_365 : i32
          %mul3A_367 = arith.constant 128 : i32
          %mul3A_368 = arith.muli %mul3A_366, %mul3A_367 : i32
          %add3A_369 = arith.constant 128 : i32
          %add3A_370 = arith.addi %mul3A_368, %add3A_369 : i32
          %add3A_371 = arith.constant 112 : i32
          %add3A_372 = arith.addi %add3A_370, %add3A_371 : i32
          %swap3A_373 = arith.index_cast %add3A_372 : i32 to index
          %swap3A_374 = tpu.vector_load %arg7[%swap3A_373] {strides = array<i32>} : memref<4096xf32, #tpu.memory_space<vmem>>, vector<16xf32>,
          tpu.vector_store %arg7[%swap3A_373], %while3A_230#15 {add = true, strides = array<i32>} : memref<4096xf32, #tpu.memory_space<vmem>>, vector<16xf32>,
        } else {
        }
      }
      %add3A_121 = arith.constant 2 : i32
      %add3A_122 = arith.addi %mul3A_78, %add3A_121 : i32
      %lt3A = arith.constant 25 : i32
      %lt3A_123 = arith.cmpi slt, %add3A_122, %lt3A : i32
      %convert_element_type3A_124 = arith.extui %lt3A_123 : i1 to i32
      %cond3A = arith.constant 0 : i32
      %cond3A_125 = arith.cmpi ne, %convert_element_type3A_124, %cond3A : i32
      scf.if %cond3A_125 {
        %add3A_179 = arith.constant 2 : i32
        %add3A_180 = arith.addi %mul3A_78, %add3A_179 : i32
        %mul3A_181 = arith.constant 400 : i32
        %mul3A_182 = arith.muli %add3A_180, %mul3A_181 : i32
        %add3A_183 = arith.addi %mul3A_2, %mul3A_182 : i32
        %dma_start3A_184 = arith.constant 0 : i32
        %dma_start3A_185 = tpu.memref_slice %arg2[%add3A_183, %dma_start3A_184] : memref<320000x128xf32, #tpu.memory_space<hbm>> -> memref<400x128xf32, #tpu.memory_space<hbm>>
        %dma_start3A_186 = arith.constant 0 : i32
        %dma_start3A_187 = tpu.memref_slice %arg2[%add3A_183, %dma_start3A_186] : memref<320000x128xf32, #tpu.memory_space<hbm>> -> memref<400x128xf32, #tpu.memory_space<hbm>>
        tpu.enqueue_dma source(%dma_start3A_187 : memref<400x128xf32, #tpu.memory_space<hbm>>) target(%arg10 : memref<400x128xf32, #tpu.memory_space<vmem>>) target_semaphore(%arg12 : memref<!tpu.dma_semaphore, #tpu.memory_space<semaphore_mem>>)
      } else {
      }
      %add3A_126 = arith.constant 1 : i32
      %add3A_127 = arith.addi %mul3A_78, %add3A_126 : i32
      %mul3A_128 = arith.constant 400 : i32
      %mul3A_129 = arith.muli %add3A_127, %mul3A_128 : i32
      %add3A_130 = arith.addi %mul3A_2, %mul3A_129 : i32
      %dma_wait3A_131 = arith.constant 0 : i32
      %dma_wait3A_132 = tpu.memref_slice %arg2[%add3A_130, %dma_wait3A_131] : memref<320000x128xf32, #tpu.memory_space<hbm>> -> memref<400x128xf32, #tpu.memory_space<hbm>>
      %dma_wait3A_133 = arith.constant 0 : i32
      %dma_wait3A_134 = tpu.memref_slice %arg2[%add3A_130, %dma_wait3A_133] : memref<320000x128xf32, #tpu.memory_space<hbm>> -> memref<400x128xf32, #tpu.memory_space<hbm>>
      tpu.wait_dma2 semaphore(%arg13 : memref<!tpu.dma_semaphore, #tpu.memory_space<semaphore_mem>>) src(%dma_wait3A_134 : memref<400x128xf32, #tpu.memory_space<hbm>>) dst(%arg11 : memref<400x128xf32, #tpu.memory_space<vmem>>)
      %add3A_135 = arith.constant 1 : i32
      %add3A_136 = arith.addi %mul3A_78, %add3A_135 : i32
      %mul3A_137 = arith.constant 400 : i32
      %mul3A_138 = arith.muli %add3A_136, %mul3A_137 : i32
      %le3A_139 = vector.broadcast %mul3A_138 : i32 to vector<16xi32>
      %le3A_140 = arith.cmpi sle, %sub3A, %le3A_139 : vector<16xi32>
      %convert_element_type3A_141 = arith.extui %le3A_140 : vector<16xi1> to vector<16xi32>
      %reduce_sum3A_142 = arith.constant true
      %reduce_sum3A_143 = vector.broadcast %reduce_sum3A_142 : i1 to vector<16xi1>
      %reduce_sum3A_144 = tpu.scan <sum>, %convert_element_type3A_141 masked %reduce_sum3A_143 : vector<16xi32>, vector<16xi1> -> vector<16xi32>
      %reduce_sum3A_145 = vector.extract %reduce_sum3A_144[15] : i32 from vector<16xi32>
      %sub3A_146 = arith.constant 1 : i32
      %sub3A_147 = arith.subi %reduce_sum3A_145, %sub3A_146 : i32
      %add3A_148 = arith.constant 400 : i32
      %add3A_149 = arith.addi %mul3A_138, %add3A_148 : i32
      %sub3A_150 = arith.constant 1 : i32
      %sub3A_151 = arith.subi %add3A_149, %sub3A_150 : i32
      %le3A_152 = vector.broadcast %sub3A_151 : i32 to vector<16xi32>
      %le3A_153 = arith.cmpi sle, %sub3A, %le3A_152 : vector<16xi32>
      %convert_element_type3A_154 = arith.extui %le3A_153 : vector<16xi1> to vector<16xi32>
      %reduce_sum3A_155 = arith.constant true
      %reduce_sum3A_156 = vector.broadcast %reduce_sum3A_155 : i1 to vector<16xi1>
      %reduce_sum3A_157 = tpu.scan <sum>, %convert_element_type3A_154 masked %reduce_sum3A_156 : vector<16xi32>, vector<16xi1> -> vector<16xi32>
      %reduce_sum3A_158 = vector.extract %reduce_sum3A_157[15] : i32 from vector<16xi32>
      %sub3A_159 = arith.constant 1 : i32
      %sub3A_160 = arith.subi %reduce_sum3A_158, %sub3A_159 : i32
      %add3A_161 = arith.constant 1 : i32
      %add3A_162 = arith.addi %sub3A_160, %add3A_161 : i32
      %while3A_163 = arith.constant 0 : i32
      %while3A_164 = arith.subi %add3A_162, %sub3A_147 : i32
      %while3A_165 = arith.addi %sub3A_147, %while3A_164 : i32
      %while3A_166 = arith.constant 1 : i32
      %while3A_167 = arith.divsi %while3A_164, %while3A_166 : i32
      %while3A_168 = arith.muli %while3A_167, %while3A_166 : i32
      %while3A_169 = arith.addi %sub3A_147, %while3A_168 : i32
      %while3A_170 = arith.constant 1 : i32
      scf.for %while3A_179 = %sub3A_147 to %while3A_169 step %while3A_170  : i32 {
        %add3A_180 = arith.constant 400 : i32
        %add3A_181 = arith.addi %mul3A_138, %add3A_180 : i32
        %get3A_182 = arith.index_cast %while3A_179 : i32 to index
        %get3A_183 = tpu.vector_load %arg8[%get3A_182] {strides = array<i32>} : memref<32xi32, #tpu.memory_space<vmem>>, vector<16xi32>,
        %slice3A = vector.extract_strided_slice %get3A_183 {offsets = [0], sizes = [1], strides = [1]} : vector<16xi32> to vector<1xi32>
        %squeeze3A = vector.extract %slice3A[0] : i32 from vector<1xi32>
        %max3A = arith.maxsi %squeeze3A, %mul3A_138 : i32
        %slice3A_184 = vector.extract_strided_slice %get3A_183 {offsets = [1], sizes = [1], strides = [1]} : vector<16xi32> to vector<1xi32>
        %squeeze3A_185 = vector.extract %slice3A_184[0] : i32 from vector<1xi32>
        %min3A = arith.minsi %squeeze3A_185, %add3A_181 : i32
        %gt3A = arith.cmpi sgt, %min3A, %max3A : i32
        %convert_element_type3A_186 = arith.extui %gt3A : i1 to i32
        %cond3A_187 = arith.constant 0 : i32
        %cond3A_188 = arith.cmpi ne, %convert_element_type3A_186, %cond3A_187 : i32
        scf.if %cond3A_188 {
          %broadcast_in_dim3A_189 = arith.constant 0.000000e+00 : f32
          %broadcast_in_dim3A_190 = vector.broadcast %broadcast_in_dim3A_189 : f32 to vector<16xf32>
          %broadcast_in_dim3A_191 = arith.constant 0.000000e+00 : f32
          %broadcast_in_dim3A_192 = vector.broadcast %broadcast_in_dim3A_191 : f32 to vector<16xf32>
          %broadcast_in_dim3A_193 = arith.constant 0.000000e+00 : f32
          %broadcast_in_dim3A_194 = vector.broadcast %broadcast_in_dim3A_193 : f32 to vector<16xf32>
          %broadcast_in_dim3A_195 = arith.constant 0.000000e+00 : f32
          %broadcast_in_dim3A_196 = vector.broadcast %broadcast_in_dim3A_195 : f32 to vector<16xf32>
          %broadcast_in_dim3A_197 = arith.constant 0.000000e+00 : f32
          %broadcast_in_dim3A_198 = vector.broadcast %broadcast_in_dim3A_197 : f32 to vector<16xf32>
          %broadcast_in_dim3A_199 = arith.constant 0.000000e+00 : f32
          %broadcast_in_dim3A_200 = vector.broadcast %broadcast_in_dim3A_199 : f32 to vector<16xf32>
          %broadcast_in_dim3A_201 = arith.constant 0.000000e+00 : f32
          %broadcast_in_dim3A_202 = vector.broadcast %broadcast_in_dim3A_201 : f32 to vector<16xf32>
          %broadcast_in_dim3A_203 = arith.constant 0.000000e+00 : f32
          %broadcast_in_dim3A_204 = vector.broadcast %broadcast_in_dim3A_203 : f32 to vector<16xf32>
          %broadcast_in_dim3A_205 = arith.constant 0.000000e+00 : f32
          %broadcast_in_dim3A_206 = vector.broadcast %broadcast_in_dim3A_205 : f32 to vector<16xf32>
          %broadcast_in_dim3A_207 = arith.constant 0.000000e+00 : f32
          %broadcast_in_dim3A_208 = vector.broadcast %broadcast_in_dim3A_207 : f32 to vector<16xf32>
          %broadcast_in_dim3A_209 = arith.constant 0.000000e+00 : f32
          %broadcast_in_dim3A_210 = vector.broadcast %broadcast_in_dim3A_209 : f32 to vector<16xf32>
          %broadcast_in_dim3A_211 = arith.constant 0.000000e+00 : f32
          %broadcast_in_dim3A_212 = vector.broadcast %broadcast_in_dim3A_211 : f32 to vector<16xf32>
          %broadcast_in_dim3A_213 = arith.constant 0.000000e+00 : f32
          %broadcast_in_dim3A_214 = vector.broadcast %broadcast_in_dim3A_213 : f32 to vector<16xf32>
          %broadcast_in_dim3A_215 = arith.constant 0.000000e+00 : f32
          %broadcast_in_dim3A_216 = vector.broadcast %broadcast_in_dim3A_215 : f32 to vector<16xf32>
          %broadcast_in_dim3A_217 = arith.constant 0.000000e+00 : f32
          %broadcast_in_dim3A_218 = vector.broadcast %broadcast_in_dim3A_217 : f32 to vector<16xf32>
          %broadcast_in_dim3A_219 = arith.constant 0.000000e+00 : f32
          %broadcast_in_dim3A_220 = vector.broadcast %broadcast_in_dim3A_219 : f32 to vector<16xf32>
          %while3A_221 = arith.subi %min3A, %max3A : i32
          %while3A_222 = arith.addi %max3A, %while3A_221 : i32
          %while3A_223 = arith.constant 1 : i32
          %while3A_224 = arith.divsi %while3A_221, %while3A_223 : i32
          %while3A_225 = arith.muli %while3A_224, %while3A_223 : i32
          %while3A_226 = arith.addi %max3A, %while3A_225 : i32
          %while3A_227 = arith.constant 1 : i32
          %while3A_228:16 = scf.for %while3A_375 = %max3A to %while3A_226 step %while3A_227 iter_args(%while3A_376 = %broadcast_in_dim3A_190, %while3A_377 = %broadcast_in_dim3A_192, %while3A_378 = %broadcast_in_dim3A_194, %while3A_379 = %broadcast_in_dim3A_196, %while3A_380 = %broadcast_in_dim3A_198, %while3A_381 = %broadcast_in_dim3A_200, %while3A_382 = %broadcast_in_dim3A_202, %while3A_383 = %broadcast_in_dim3A_204, %while3A_384 = %broadcast_in_dim3A_206, %while3A_385 = %broadcast_in_dim3A_208, %while3A_386 = %broadcast_in_dim3A_210, %while3A_387 = %broadcast_in_dim3A_212, %while3A_388 = %broadcast_in_dim3A_214, %while3A_389 = %broadcast_in_dim3A_216, %while3A_390 = %broadcast_in_dim3A_218, %while3A_391 = %broadcast_in_dim3A_220) -> (vector<16xf32>, vector<16xf32>, vector<16xf32>, vector<16xf32>, vector<16xf32>, vector<16xf32>, vector<16xf32>, vector<16xf32>, vector<16xf32>, vector<16xf32>, vector<16xf32>, vector<16xf32>, vector<16xf32>, vector<16xf32>, vector<16xf32>, vector<16xf32>)  : i32 {
            %sub3A_392 = arith.subi %while3A_375, %mul3A_138 : i32
            %get3A_393 = arith.index_cast %sub3A_392 : i32 to index
            %get3A_394 = arith.constant 0 : index
            %get3A_395 = tpu.vector_load %arg11[%get3A_393, %get3A_394] {strides = array<i32>} : memref<400x128xf32, #tpu.memory_space<vmem>>, vector<16xf32>,
            %get3A_396 = arith.index_cast %sub3A_392 : i32 to index
            %get3A_397 = arith.constant 16 : index
            %get3A_398 = tpu.vector_load %arg11[%get3A_396, %get3A_397] {strides = array<i32>} : memref<400x128xf32, #tpu.memory_space<vmem>>, vector<16xf32>,
            %get3A_399 = arith.index_cast %sub3A_392 : i32 to index
            %get3A_400 = arith.constant 32 : index
            %get3A_401 = tpu.vector_load %arg11[%get3A_399, %get3A_400] {strides = array<i32>} : memref<400x128xf32, #tpu.memory_space<vmem>>, vector<16xf32>,
            %get3A_402 = arith.index_cast %sub3A_392 : i32 to index
            %get3A_403 = arith.constant 48 : index
            %get3A_404 = tpu.vector_load %arg11[%get3A_402, %get3A_403] {strides = array<i32>} : memref<400x128xf32, #tpu.memory_space<vmem>>, vector<16xf32>,
            %get3A_405 = arith.index_cast %sub3A_392 : i32 to index
            %get3A_406 = arith.constant 64 : index
            %get3A_407 = tpu.vector_load %arg11[%get3A_405, %get3A_406] {strides = array<i32>} : memref<400x128xf32, #tpu.memory_space<vmem>>, vector<16xf32>,
            %get3A_408 = arith.index_cast %sub3A_392 : i32 to index
            %get3A_409 = arith.constant 80 : index
            %get3A_410 = tpu.vector_load %arg11[%get3A_408, %get3A_409] {strides = array<i32>} : memref<400x128xf32, #tpu.memory_space<vmem>>, vector<16xf32>,
            %get3A_411 = arith.index_cast %sub3A_392 : i32 to index
            %get3A_412 = arith.constant 96 : index
            %get3A_413 = tpu.vector_load %arg11[%get3A_411, %get3A_412] {strides = array<i32>} : memref<400x128xf32, #tpu.memory_space<vmem>>, vector<16xf32>,
            %get3A_414 = arith.index_cast %sub3A_392 : i32 to index
            %get3A_415 = arith.constant 112 : index
            %get3A_416 = tpu.vector_load %arg11[%get3A_414, %get3A_415] {strides = array<i32>} : memref<400x128xf32, #tpu.memory_space<vmem>>, vector<16xf32>,
            %add3A_417 = arith.addf %while3A_376, %get3A_395 : vector<16xf32>
            %add3A_418 = arith.addf %while3A_377, %get3A_398 : vector<16xf32>
            %add3A_419 = arith.addf %while3A_378, %get3A_401 : vector<16xf32>
            %add3A_420 = arith.addf %while3A_379, %get3A_404 : vector<16xf32>
            %add3A_421 = arith.addf %while3A_380, %get3A_407 : vector<16xf32>
            %add3A_422 = arith.addf %while3A_381, %get3A_410 : vector<16xf32>
            %add3A_423 = arith.addf %while3A_382, %get3A_413 : vector<16xf32>
            %add3A_424 = arith.addf %while3A_383, %get3A_416 : vector<16xf32>
            %mul3A_425 = arith.mulf %get3A_395, %get3A_395 : vector<16xf32>
            %add3A_426 = arith.addf %while3A_384, %mul3A_425 : vector<16xf32>
            %mul3A_427 = arith.mulf %get3A_398, %get3A_398 : vector<16xf32>
            %add3A_428 = arith.addf %while3A_385, %mul3A_427 : vector<16xf32>
            %mul3A_429 = arith.mulf %get3A_401, %get3A_401 : vector<16xf32>
            %add3A_430 = arith.addf %while3A_386, %mul3A_429 : vector<16xf32>
            %mul3A_431 = arith.mulf %get3A_404, %get3A_404 : vector<16xf32>
            %add3A_432 = arith.addf %while3A_387, %mul3A_431 : vector<16xf32>
            %mul3A_433 = arith.mulf %get3A_407, %get3A_407 : vector<16xf32>
            %add3A_434 = arith.addf %while3A_388, %mul3A_433 : vector<16xf32>
            %mul3A_435 = arith.mulf %get3A_410, %get3A_410 : vector<16xf32>
            %add3A_436 = arith.addf %while3A_389, %mul3A_435 : vector<16xf32>
            %mul3A_437 = arith.mulf %get3A_413, %get3A_413 : vector<16xf32>
            %add3A_438 = arith.addf %while3A_390, %mul3A_437 : vector<16xf32>
            %mul3A_439 = arith.mulf %get3A_416, %get3A_416 : vector<16xf32>
            %add3A_440 = arith.addf %while3A_391, %mul3A_439 : vector<16xf32>
            scf.yield %add3A_417, %add3A_418, %add3A_419, %add3A_420, %add3A_421, %add3A_422, %add3A_423, %add3A_424, %add3A_426, %add3A_428, %add3A_430, %add3A_432, %add3A_434, %add3A_436, %add3A_438, %add3A_440 : vector<16xf32>, vector<16xf32>, vector<16xf32>, vector<16xf32>, vector<16xf32>, vector<16xf32>, vector<16xf32>, vector<16xf32>, vector<16xf32>, vector<16xf32>, vector<16xf32>, vector<16xf32>, vector<16xf32>, vector<16xf32>, vector<16xf32>, vector<16xf32>
          }
          %while3A_229 = arith.constant 1 : i32
          %while3A_230:16 = scf.for %while3A_375 = %while3A_226 to %while3A_222 step %while3A_229 iter_args(%while3A_376 = %while3A_228#0, %while3A_377 = %while3A_228#1, %while3A_378 = %while3A_228#2, %while3A_379 = %while3A_228#3, %while3A_380 = %while3A_228#4, %while3A_381 = %while3A_228#5, %while3A_382 = %while3A_228#6, %while3A_383 = %while3A_228#7, %while3A_384 = %while3A_228#8, %while3A_385 = %while3A_228#9, %while3A_386 = %while3A_228#10, %while3A_387 = %while3A_228#11, %while3A_388 = %while3A_228#12, %while3A_389 = %while3A_228#13, %while3A_390 = %while3A_228#14, %while3A_391 = %while3A_228#15) -> (vector<16xf32>, vector<16xf32>, vector<16xf32>, vector<16xf32>, vector<16xf32>, vector<16xf32>, vector<16xf32>, vector<16xf32>, vector<16xf32>, vector<16xf32>, vector<16xf32>, vector<16xf32>, vector<16xf32>, vector<16xf32>, vector<16xf32>, vector<16xf32>)  : i32 {
            %sub3A_392 = arith.subi %while3A_375, %mul3A_138 : i32
            %get3A_393 = arith.index_cast %sub3A_392 : i32 to index
            %get3A_394 = arith.constant 0 : index
            %get3A_395 = tpu.vector_load %arg11[%get3A_393, %get3A_394] {strides = array<i32>} : memref<400x128xf32, #tpu.memory_space<vmem>>, vector<16xf32>,
            %get3A_396 = arith.index_cast %sub3A_392 : i32 to index
            %get3A_397 = arith.constant 16 : index
            %get3A_398 = tpu.vector_load %arg11[%get3A_396, %get3A_397] {strides = array<i32>} : memref<400x128xf32, #tpu.memory_space<vmem>>, vector<16xf32>,
            %get3A_399 = arith.index_cast %sub3A_392 : i32 to index
            %get3A_400 = arith.constant 32 : index
            %get3A_401 = tpu.vector_load %arg11[%get3A_399, %get3A_400] {strides = array<i32>} : memref<400x128xf32, #tpu.memory_space<vmem>>, vector<16xf32>,
            %get3A_402 = arith.index_cast %sub3A_392 : i32 to index
            %get3A_403 = arith.constant 48 : index
            %get3A_404 = tpu.vector_load %arg11[%get3A_402, %get3A_403] {strides = array<i32>} : memref<400x128xf32, #tpu.memory_space<vmem>>, vector<16xf32>,
            %get3A_405 = arith.index_cast %sub3A_392 : i32 to index
            %get3A_406 = arith.constant 64 : index
            %get3A_407 = tpu.vector_load %arg11[%get3A_405, %get3A_406] {strides = array<i32>} : memref<400x128xf32, #tpu.memory_space<vmem>>, vector<16xf32>,
            %get3A_408 = arith.index_cast %sub3A_392 : i32 to index
            %get3A_409 = arith.constant 80 : index
            %get3A_410 = tpu.vector_load %arg11[%get3A_408, %get3A_409] {strides = array<i32>} : memref<400x128xf32, #tpu.memory_space<vmem>>, vector<16xf32>,
            %get3A_411 = arith.index_cast %sub3A_392 : i32 to index
            %get3A_412 = arith.constant 96 : index
            %get3A_413 = tpu.vector_load %arg11[%get3A_411, %get3A_412] {strides = array<i32>} : memref<400x128xf32, #tpu.memory_space<vmem>>, vector<16xf32>,
            %get3A_414 = arith.index_cast %sub3A_392 : i32 to index
            %get3A_415 = arith.constant 112 : index
            %get3A_416 = tpu.vector_load %arg11[%get3A_414, %get3A_415] {strides = array<i32>} : memref<400x128xf32, #tpu.memory_space<vmem>>, vector<16xf32>,
            %add3A_417 = arith.addf %while3A_376, %get3A_395 : vector<16xf32>
            %add3A_418 = arith.addf %while3A_377, %get3A_398 : vector<16xf32>
            %add3A_419 = arith.addf %while3A_378, %get3A_401 : vector<16xf32>
            %add3A_420 = arith.addf %while3A_379, %get3A_404 : vector<16xf32>
            %add3A_421 = arith.addf %while3A_380, %get3A_407 : vector<16xf32>
            %add3A_422 = arith.addf %while3A_381, %get3A_410 : vector<16xf32>
            %add3A_423 = arith.addf %while3A_382, %get3A_413 : vector<16xf32>
            %add3A_424 = arith.addf %while3A_383, %get3A_416 : vector<16xf32>
            %mul3A_425 = arith.mulf %get3A_395, %get3A_395 : vector<16xf32>
            %add3A_426 = arith.addf %while3A_384, %mul3A_425 : vector<16xf32>
            %mul3A_427 = arith.mulf %get3A_398, %get3A_398 : vector<16xf32>
            %add3A_428 = arith.addf %while3A_385, %mul3A_427 : vector<16xf32>
            %mul3A_429 = arith.mulf %get3A_401, %get3A_401 : vector<16xf32>
            %add3A_430 = arith.addf %while3A_386, %mul3A_429 : vector<16xf32>
            %mul3A_431 = arith.mulf %get3A_404, %get3A_404 : vector<16xf32>
            %add3A_432 = arith.addf %while3A_387, %mul3A_431 : vector<16xf32>
            %mul3A_433 = arith.mulf %get3A_407, %get3A_407 : vector<16xf32>
            %add3A_434 = arith.addf %while3A_388, %mul3A_433 : vector<16xf32>
            %mul3A_435 = arith.mulf %get3A_410, %get3A_410 : vector<16xf32>
            %add3A_436 = arith.addf %while3A_389, %mul3A_435 : vector<16xf32>
            %mul3A_437 = arith.mulf %get3A_413, %get3A_413 : vector<16xf32>
            %add3A_438 = arith.addf %while3A_390, %mul3A_437 : vector<16xf32>
            %mul3A_439 = arith.mulf %get3A_416, %get3A_416 : vector<16xf32>
            %add3A_440 = arith.addf %while3A_391, %mul3A_439 : vector<16xf32>
            scf.yield %add3A_417, %add3A_418, %add3A_419, %add3A_420, %add3A_421, %add3A_422, %add3A_423, %add3A_424, %add3A_426, %add3A_428, %add3A_430, %add3A_432, %add3A_434, %add3A_436, %add3A_438, %add3A_440 : vector<16xf32>, vector<16xf32>, vector<16xf32>, vector<16xf32>, vector<16xf32>, vector<16xf32>, vector<16xf32>, vector<16xf32>, vector<16xf32>, vector<16xf32>, vector<16xf32>, vector<16xf32>, vector<16xf32>, vector<16xf32>, vector<16xf32>, vector<16xf32>
          }
          %mul3A_231 = arith.constant 2 : i32
          %mul3A_232 = arith.muli %while3A_179, %mul3A_231 : i32
          %mul3A_233 = arith.constant 128 : i32
          %mul3A_234 = arith.muli %mul3A_232, %mul3A_233 : i32
          %add3A_235 = arith.constant 0 : i32
          %add3A_236 = arith.addi %mul3A_234, %add3A_235 : i32
          %swap3A_237 = arith.index_cast %add3A_236 : i32 to index
          %swap3A_238 = tpu.vector_load %arg7[%swap3A_237] {strides = array<i32>} : memref<4096xf32, #tpu.memory_space<vmem>>, vector<16xf32>,
          tpu.vector_store %arg7[%swap3A_237], %while3A_230#0 {add = true, strides = array<i32>} : memref<4096xf32, #tpu.memory_space<vmem>>, vector<16xf32>,
          %mul3A_239 = arith.constant 2 : i32
          %mul3A_240 = arith.muli %while3A_179, %mul3A_239 : i32
          %mul3A_241 = arith.constant 128 : i32
          %mul3A_242 = arith.muli %mul3A_240, %mul3A_241 : i32
          %add3A_243 = arith.constant 128 : i32
          %add3A_244 = arith.addi %mul3A_242, %add3A_243 : i32
          %add3A_245 = arith.constant 0 : i32
          %add3A_246 = arith.addi %add3A_244, %add3A_245 : i32
          %swap3A_247 = arith.index_cast %add3A_246 : i32 to index
          %swap3A_248 = tpu.vector_load %arg7[%swap3A_247] {strides = array<i32>} : memref<4096xf32, #tpu.memory_space<vmem>>, vector<16xf32>,
          tpu.vector_store %arg7[%swap3A_247], %while3A_230#8 {add = true, strides = array<i32>} : memref<4096xf32, #tpu.memory_space<vmem>>, vector<16xf32>,
          %mul3A_249 = arith.constant 2 : i32
          %mul3A_250 = arith.muli %while3A_179, %mul3A_249 : i32
          %mul3A_251 = arith.constant 128 : i32
          %mul3A_252 = arith.muli %mul3A_250, %mul3A_251 : i32
          %add3A_253 = arith.constant 16 : i32
          %add3A_254 = arith.addi %mul3A_252, %add3A_253 : i32
          %swap3A_255 = arith.index_cast %add3A_254 : i32 to index
          %swap3A_256 = tpu.vector_load %arg7[%swap3A_255] {strides = array<i32>} : memref<4096xf32, #tpu.memory_space<vmem>>, vector<16xf32>,
          tpu.vector_store %arg7[%swap3A_255], %while3A_230#1 {add = true, strides = array<i32>} : memref<4096xf32, #tpu.memory_space<vmem>>, vector<16xf32>,
          %mul3A_257 = arith.constant 2 : i32
          %mul3A_258 = arith.muli %while3A_179, %mul3A_257 : i32
          %mul3A_259 = arith.constant 128 : i32
          %mul3A_260 = arith.muli %mul3A_258, %mul3A_259 : i32
          %add3A_261 = arith.constant 128 : i32
          %add3A_262 = arith.addi %mul3A_260, %add3A_261 : i32
          %add3A_263 = arith.constant 16 : i32
          %add3A_264 = arith.addi %add3A_262, %add3A_263 : i32
          %swap3A_265 = arith.index_cast %add3A_264 : i32 to index
          %swap3A_266 = tpu.vector_load %arg7[%swap3A_265] {strides = array<i32>} : memref<4096xf32, #tpu.memory_space<vmem>>, vector<16xf32>,
          tpu.vector_store %arg7[%swap3A_265], %while3A_230#9 {add = true, strides = array<i32>} : memref<4096xf32, #tpu.memory_space<vmem>>, vector<16xf32>,
          %mul3A_267 = arith.constant 2 : i32
          %mul3A_268 = arith.muli %while3A_179, %mul3A_267 : i32
          %mul3A_269 = arith.constant 128 : i32
          %mul3A_270 = arith.muli %mul3A_268, %mul3A_269 : i32
          %add3A_271 = arith.constant 32 : i32
          %add3A_272 = arith.addi %mul3A_270, %add3A_271 : i32
          %swap3A_273 = arith.index_cast %add3A_272 : i32 to index
          %swap3A_274 = tpu.vector_load %arg7[%swap3A_273] {strides = array<i32>} : memref<4096xf32, #tpu.memory_space<vmem>>, vector<16xf32>,
          tpu.vector_store %arg7[%swap3A_273], %while3A_230#2 {add = true, strides = array<i32>} : memref<4096xf32, #tpu.memory_space<vmem>>, vector<16xf32>,
          %mul3A_275 = arith.constant 2 : i32
          %mul3A_276 = arith.muli %while3A_179, %mul3A_275 : i32
          %mul3A_277 = arith.constant 128 : i32
          %mul3A_278 = arith.muli %mul3A_276, %mul3A_277 : i32
          %add3A_279 = arith.constant 128 : i32
          %add3A_280 = arith.addi %mul3A_278, %add3A_279 : i32
          %add3A_281 = arith.constant 32 : i32
          %add3A_282 = arith.addi %add3A_280, %add3A_281 : i32
          %swap3A_283 = arith.index_cast %add3A_282 : i32 to index
          %swap3A_284 = tpu.vector_load %arg7[%swap3A_283] {strides = array<i32>} : memref<4096xf32, #tpu.memory_space<vmem>>, vector<16xf32>,
          tpu.vector_store %arg7[%swap3A_283], %while3A_230#10 {add = true, strides = array<i32>} : memref<4096xf32, #tpu.memory_space<vmem>>, vector<16xf32>,
          %mul3A_285 = arith.constant 2 : i32
          %mul3A_286 = arith.muli %while3A_179, %mul3A_285 : i32
          %mul3A_287 = arith.constant 128 : i32
          %mul3A_288 = arith.muli %mul3A_286, %mul3A_287 : i32
          %add3A_289 = arith.constant 48 : i32
          %add3A_290 = arith.addi %mul3A_288, %add3A_289 : i32
          %swap3A_291 = arith.index_cast %add3A_290 : i32 to index
          %swap3A_292 = tpu.vector_load %arg7[%swap3A_291] {strides = array<i32>} : memref<4096xf32, #tpu.memory_space<vmem>>, vector<16xf32>,
          tpu.vector_store %arg7[%swap3A_291], %while3A_230#3 {add = true, strides = array<i32>} : memref<4096xf32, #tpu.memory_space<vmem>>, vector<16xf32>,
          %mul3A_293 = arith.constant 2 : i32
          %mul3A_294 = arith.muli %while3A_179, %mul3A_293 : i32
          %mul3A_295 = arith.constant 128 : i32
          %mul3A_296 = arith.muli %mul3A_294, %mul3A_295 : i32
          %add3A_297 = arith.constant 128 : i32
          %add3A_298 = arith.addi %mul3A_296, %add3A_297 : i32
          %add3A_299 = arith.constant 48 : i32
          %add3A_300 = arith.addi %add3A_298, %add3A_299 : i32
          %swap3A_301 = arith.index_cast %add3A_300 : i32 to index
          %swap3A_302 = tpu.vector_load %arg7[%swap3A_301] {strides = array<i32>} : memref<4096xf32, #tpu.memory_space<vmem>>, vector<16xf32>,
          tpu.vector_store %arg7[%swap3A_301], %while3A_230#11 {add = true, strides = array<i32>} : memref<4096xf32, #tpu.memory_space<vmem>>, vector<16xf32>,
          %mul3A_303 = arith.constant 2 : i32
          %mul3A_304 = arith.muli %while3A_179, %mul3A_303 : i32
          %mul3A_305 = arith.constant 128 : i32
          %mul3A_306 = arith.muli %mul3A_304, %mul3A_305 : i32
          %add3A_307 = arith.constant 64 : i32
          %add3A_308 = arith.addi %mul3A_306, %add3A_307 : i32
          %swap3A_309 = arith.index_cast %add3A_308 : i32 to index
          %swap3A_310 = tpu.vector_load %arg7[%swap3A_309] {strides = array<i32>} : memref<4096xf32, #tpu.memory_space<vmem>>, vector<16xf32>,
          tpu.vector_store %arg7[%swap3A_309], %while3A_230#4 {add = true, strides = array<i32>} : memref<4096xf32, #tpu.memory_space<vmem>>, vector<16xf32>,
          %mul3A_311 = arith.constant 2 : i32
          %mul3A_312 = arith.muli %while3A_179, %mul3A_311 : i32
          %mul3A_313 = arith.constant 128 : i32
          %mul3A_314 = arith.muli %mul3A_312, %mul3A_313 : i32
          %add3A_315 = arith.constant 128 : i32
          %add3A_316 = arith.addi %mul3A_314, %add3A_315 : i32
          %add3A_317 = arith.constant 64 : i32
          %add3A_318 = arith.addi %add3A_316, %add3A_317 : i32
          %swap3A_319 = arith.index_cast %add3A_318 : i32 to index
          %swap3A_320 = tpu.vector_load %arg7[%swap3A_319] {strides = array<i32>} : memref<4096xf32, #tpu.memory_space<vmem>>, vector<16xf32>,
          tpu.vector_store %arg7[%swap3A_319], %while3A_230#12 {add = true, strides = array<i32>} : memref<4096xf32, #tpu.memory_space<vmem>>, vector<16xf32>,
          %mul3A_321 = arith.constant 2 : i32
          %mul3A_322 = arith.muli %while3A_179, %mul3A_321 : i32
          %mul3A_323 = arith.constant 128 : i32
          %mul3A_324 = arith.muli %mul3A_322, %mul3A_323 : i32
          %add3A_325 = arith.constant 80 : i32
          %add3A_326 = arith.addi %mul3A_324, %add3A_325 : i32
          %swap3A_327 = arith.index_cast %add3A_326 : i32 to index
          %swap3A_328 = tpu.vector_load %arg7[%swap3A_327] {strides = array<i32>} : memref<4096xf32, #tpu.memory_space<vmem>>, vector<16xf32>,
          tpu.vector_store %arg7[%swap3A_327], %while3A_230#5 {add = true, strides = array<i32>} : memref<4096xf32, #tpu.memory_space<vmem>>, vector<16xf32>,
          %mul3A_329 = arith.constant 2 : i32
          %mul3A_330 = arith.muli %while3A_179, %mul3A_329 : i32
          %mul3A_331 = arith.constant 128 : i32
          %mul3A_332 = arith.muli %mul3A_330, %mul3A_331 : i32
          %add3A_333 = arith.constant 128 : i32
          %add3A_334 = arith.addi %mul3A_332, %add3A_333 : i32
          %add3A_335 = arith.constant 80 : i32
          %add3A_336 = arith.addi %add3A_334, %add3A_335 : i32
          %swap3A_337 = arith.index_cast %add3A_336 : i32 to index
          %swap3A_338 = tpu.vector_load %arg7[%swap3A_337] {strides = array<i32>} : memref<4096xf32, #tpu.memory_space<vmem>>, vector<16xf32>,
          tpu.vector_store %arg7[%swap3A_337], %while3A_230#13 {add = true, strides = array<i32>} : memref<4096xf32, #tpu.memory_space<vmem>>, vector<16xf32>,
          %mul3A_339 = arith.constant 2 : i32
          %mul3A_340 = arith.muli %while3A_179, %mul3A_339 : i32
          %mul3A_341 = arith.constant 128 : i32
          %mul3A_342 = arith.muli %mul3A_340, %mul3A_341 : i32
          %add3A_343 = arith.constant 96 : i32
          %add3A_344 = arith.addi %mul3A_342, %add3A_343 : i32
          %swap3A_345 = arith.index_cast %add3A_344 : i32 to index
          %swap3A_346 = tpu.vector_load %arg7[%swap3A_345] {strides = array<i32>} : memref<4096xf32, #tpu.memory_space<vmem>>, vector<16xf32>,
          tpu.vector_store %arg7[%swap3A_345], %while3A_230#6 {add = true, strides = array<i32>} : memref<4096xf32, #tpu.memory_space<vmem>>, vector<16xf32>,
          %mul3A_347 = arith.constant 2 : i32
          %mul3A_348 = arith.muli %while3A_179, %mul3A_347 : i32
          %mul3A_349 = arith.constant 128 : i32
          %mul3A_350 = arith.muli %mul3A_348, %mul3A_349 : i32
          %add3A_351 = arith.constant 128 : i32
          %add3A_352 = arith.addi %mul3A_350, %add3A_351 : i32
          %add3A_353 = arith.constant 96 : i32
          %add3A_354 = arith.addi %add3A_352, %add3A_353 : i32
          %swap3A_355 = arith.index_cast %add3A_354 : i32 to index
          %swap3A_356 = tpu.vector_load %arg7[%swap3A_355] {strides = array<i32>} : memref<4096xf32, #tpu.memory_space<vmem>>, vector<16xf32>,
          tpu.vector_store %arg7[%swap3A_355], %while3A_230#14 {add = true, strides = array<i32>} : memref<4096xf32, #tpu.memory_space<vmem>>, vector<16xf32>,
          %mul3A_357 = arith.constant 2 : i32
          %mul3A_358 = arith.muli %while3A_179, %mul3A_357 : i32
          %mul3A_359 = arith.constant 128 : i32
          %mul3A_360 = arith.muli %mul3A_358, %mul3A_359 : i32
          %add3A_361 = arith.constant 112 : i32
          %add3A_362 = arith.addi %mul3A_360, %add3A_361 : i32
          %swap3A_363 = arith.index_cast %add3A_362 : i32 to index
          %swap3A_364 = tpu.vector_load %arg7[%swap3A_363] {strides = array<i32>} : memref<4096xf32, #tpu.memory_space<vmem>>, vector<16xf32>,
          tpu.vector_store %arg7[%swap3A_363], %while3A_230#7 {add = true, strides = array<i32>} : memref<4096xf32, #tpu.memory_space<vmem>>, vector<16xf32>,
          %mul3A_365 = arith.constant 2 : i32
          %mul3A_366 = arith.muli %while3A_179, %mul3A_365 : i32
          %mul3A_367 = arith.constant 128 : i32
          %mul3A_368 = arith.muli %mul3A_366, %mul3A_367 : i32
          %add3A_369 = arith.constant 128 : i32
          %add3A_370 = arith.addi %mul3A_368, %add3A_369 : i32
          %add3A_371 = arith.constant 112 : i32
          %add3A_372 = arith.addi %add3A_370, %add3A_371 : i32
          %swap3A_373 = arith.index_cast %add3A_372 : i32 to index
          %swap3A_374 = tpu.vector_load %arg7[%swap3A_373] {strides = array<i32>} : memref<4096xf32, #tpu.memory_space<vmem>>, vector<16xf32>,
          tpu.vector_store %arg7[%swap3A_373], %while3A_230#15 {add = true, strides = array<i32>} : memref<4096xf32, #tpu.memory_space<vmem>>, vector<16xf32>,
        } else {
        }
      }
      %while3A_171 = arith.constant 1 : i32
      scf.for %while3A_179 = %while3A_169 to %while3A_165 step %while3A_171  : i32 {
        %add3A_180 = arith.constant 400 : i32
        %add3A_181 = arith.addi %mul3A_138, %add3A_180 : i32
        %get3A_182 = arith.index_cast %while3A_179 : i32 to index
        %get3A_183 = tpu.vector_load %arg8[%get3A_182] {strides = array<i32>} : memref<32xi32, #tpu.memory_space<vmem>>, vector<16xi32>,
        %slice3A = vector.extract_strided_slice %get3A_183 {offsets = [0], sizes = [1], strides = [1]} : vector<16xi32> to vector<1xi32>
        %squeeze3A = vector.extract %slice3A[0] : i32 from vector<1xi32>
        %max3A = arith.maxsi %squeeze3A, %mul3A_138 : i32
        %slice3A_184 = vector.extract_strided_slice %get3A_183 {offsets = [1], sizes = [1], strides = [1]} : vector<16xi32> to vector<1xi32>
        %squeeze3A_185 = vector.extract %slice3A_184[0] : i32 from vector<1xi32>
        %min3A = arith.minsi %squeeze3A_185, %add3A_181 : i32
        %gt3A = arith.cmpi sgt, %min3A, %max3A : i32
        %convert_element_type3A_186 = arith.extui %gt3A : i1 to i32
        %cond3A_187 = arith.constant 0 : i32
        %cond3A_188 = arith.cmpi ne, %convert_element_type3A_186, %cond3A_187 : i32
        scf.if %cond3A_188 {
          %broadcast_in_dim3A_189 = arith.constant 0.000000e+00 : f32
          %broadcast_in_dim3A_190 = vector.broadcast %broadcast_in_dim3A_189 : f32 to vector<16xf32>
          %broadcast_in_dim3A_191 = arith.constant 0.000000e+00 : f32
          %broadcast_in_dim3A_192 = vector.broadcast %broadcast_in_dim3A_191 : f32 to vector<16xf32>
          %broadcast_in_dim3A_193 = arith.constant 0.000000e+00 : f32
          %broadcast_in_dim3A_194 = vector.broadcast %broadcast_in_dim3A_193 : f32 to vector<16xf32>
          %broadcast_in_dim3A_195 = arith.constant 0.000000e+00 : f32
          %broadcast_in_dim3A_196 = vector.broadcast %broadcast_in_dim3A_195 : f32 to vector<16xf32>
          %broadcast_in_dim3A_197 = arith.constant 0.000000e+00 : f32
          %broadcast_in_dim3A_198 = vector.broadcast %broadcast_in_dim3A_197 : f32 to vector<16xf32>
          %broadcast_in_dim3A_199 = arith.constant 0.000000e+00 : f32
          %broadcast_in_dim3A_200 = vector.broadcast %broadcast_in_dim3A_199 : f32 to vector<16xf32>
          %broadcast_in_dim3A_201 = arith.constant 0.000000e+00 : f32
          %broadcast_in_dim3A_202 = vector.broadcast %broadcast_in_dim3A_201 : f32 to vector<16xf32>
          %broadcast_in_dim3A_203 = arith.constant 0.000000e+00 : f32
          %broadcast_in_dim3A_204 = vector.broadcast %broadcast_in_dim3A_203 : f32 to vector<16xf32>
          %broadcast_in_dim3A_205 = arith.constant 0.000000e+00 : f32
          %broadcast_in_dim3A_206 = vector.broadcast %broadcast_in_dim3A_205 : f32 to vector<16xf32>
          %broadcast_in_dim3A_207 = arith.constant 0.000000e+00 : f32
          %broadcast_in_dim3A_208 = vector.broadcast %broadcast_in_dim3A_207 : f32 to vector<16xf32>
          %broadcast_in_dim3A_209 = arith.constant 0.000000e+00 : f32
          %broadcast_in_dim3A_210 = vector.broadcast %broadcast_in_dim3A_209 : f32 to vector<16xf32>
          %broadcast_in_dim3A_211 = arith.constant 0.000000e+00 : f32
          %broadcast_in_dim3A_212 = vector.broadcast %broadcast_in_dim3A_211 : f32 to vector<16xf32>
          %broadcast_in_dim3A_213 = arith.constant 0.000000e+00 : f32
          %broadcast_in_dim3A_214 = vector.broadcast %broadcast_in_dim3A_213 : f32 to vector<16xf32>
          %broadcast_in_dim3A_215 = arith.constant 0.000000e+00 : f32
          %broadcast_in_dim3A_216 = vector.broadcast %broadcast_in_dim3A_215 : f32 to vector<16xf32>
          %broadcast_in_dim3A_217 = arith.constant 0.000000e+00 : f32
          %broadcast_in_dim3A_218 = vector.broadcast %broadcast_in_dim3A_217 : f32 to vector<16xf32>
          %broadcast_in_dim3A_219 = arith.constant 0.000000e+00 : f32
          %broadcast_in_dim3A_220 = vector.broadcast %broadcast_in_dim3A_219 : f32 to vector<16xf32>
          %while3A_221 = arith.subi %min3A, %max3A : i32
          %while3A_222 = arith.addi %max3A, %while3A_221 : i32
          %while3A_223 = arith.constant 1 : i32
          %while3A_224 = arith.divsi %while3A_221, %while3A_223 : i32
          %while3A_225 = arith.muli %while3A_224, %while3A_223 : i32
          %while3A_226 = arith.addi %max3A, %while3A_225 : i32
          %while3A_227 = arith.constant 1 : i32
          %while3A_228:16 = scf.for %while3A_375 = %max3A to %while3A_226 step %while3A_227 iter_args(%while3A_376 = %broadcast_in_dim3A_190, %while3A_377 = %broadcast_in_dim3A_192, %while3A_378 = %broadcast_in_dim3A_194, %while3A_379 = %broadcast_in_dim3A_196, %while3A_380 = %broadcast_in_dim3A_198, %while3A_381 = %broadcast_in_dim3A_200, %while3A_382 = %broadcast_in_dim3A_202, %while3A_383 = %broadcast_in_dim3A_204, %while3A_384 = %broadcast_in_dim3A_206, %while3A_385 = %broadcast_in_dim3A_208, %while3A_386 = %broadcast_in_dim3A_210, %while3A_387 = %broadcast_in_dim3A_212, %while3A_388 = %broadcast_in_dim3A_214, %while3A_389 = %broadcast_in_dim3A_216, %while3A_390 = %broadcast_in_dim3A_218, %while3A_391 = %broadcast_in_dim3A_220) -> (vector<16xf32>, vector<16xf32>, vector<16xf32>, vector<16xf32>, vector<16xf32>, vector<16xf32>, vector<16xf32>, vector<16xf32>, vector<16xf32>, vector<16xf32>, vector<16xf32>, vector<16xf32>, vector<16xf32>, vector<16xf32>, vector<16xf32>, vector<16xf32>)  : i32 {
            %sub3A_392 = arith.subi %while3A_375, %mul3A_138 : i32
            %get3A_393 = arith.index_cast %sub3A_392 : i32 to index
            %get3A_394 = arith.constant 0 : index
            %get3A_395 = tpu.vector_load %arg11[%get3A_393, %get3A_394] {strides = array<i32>} : memref<400x128xf32, #tpu.memory_space<vmem>>, vector<16xf32>,
            %get3A_396 = arith.index_cast %sub3A_392 : i32 to index
            %get3A_397 = arith.constant 16 : index
            %get3A_398 = tpu.vector_load %arg11[%get3A_396, %get3A_397] {strides = array<i32>} : memref<400x128xf32, #tpu.memory_space<vmem>>, vector<16xf32>,
            %get3A_399 = arith.index_cast %sub3A_392 : i32 to index
            %get3A_400 = arith.constant 32 : index
            %get3A_401 = tpu.vector_load %arg11[%get3A_399, %get3A_400] {strides = array<i32>} : memref<400x128xf32, #tpu.memory_space<vmem>>, vector<16xf32>,
            %get3A_402 = arith.index_cast %sub3A_392 : i32 to index
            %get3A_403 = arith.constant 48 : index
            %get3A_404 = tpu.vector_load %arg11[%get3A_402, %get3A_403] {strides = array<i32>} : memref<400x128xf32, #tpu.memory_space<vmem>>, vector<16xf32>,
            %get3A_405 = arith.index_cast %sub3A_392 : i32 to index
            %get3A_406 = arith.constant 64 : index
            %get3A_407 = tpu.vector_load %arg11[%get3A_405, %get3A_406] {strides = array<i32>} : memref<400x128xf32, #tpu.memory_space<vmem>>, vector<16xf32>,
            %get3A_408 = arith.index_cast %sub3A_392 : i32 to index
            %get3A_409 = arith.constant 80 : index
            %get3A_410 = tpu.vector_load %arg11[%get3A_408, %get3A_409] {strides = array<i32>} : memref<400x128xf32, #tpu.memory_space<vmem>>, vector<16xf32>,
            %get3A_411 = arith.index_cast %sub3A_392 : i32 to index
            %get3A_412 = arith.constant 96 : index
            %get3A_413 = tpu.vector_load %arg11[%get3A_411, %get3A_412] {strides = array<i32>} : memref<400x128xf32, #tpu.memory_space<vmem>>, vector<16xf32>,
            %get3A_414 = arith.index_cast %sub3A_392 : i32 to index
            %get3A_415 = arith.constant 112 : index
            %get3A_416 = tpu.vector_load %arg11[%get3A_414, %get3A_415] {strides = array<i32>} : memref<400x128xf32, #tpu.memory_space<vmem>>, vector<16xf32>,
            %add3A_417 = arith.addf %while3A_376, %get3A_395 : vector<16xf32>
            %add3A_418 = arith.addf %while3A_377, %get3A_398 : vector<16xf32>
            %add3A_419 = arith.addf %while3A_378, %get3A_401 : vector<16xf32>
            %add3A_420 = arith.addf %while3A_379, %get3A_404 : vector<16xf32>
            %add3A_421 = arith.addf %while3A_380, %get3A_407 : vector<16xf32>
            %add3A_422 = arith.addf %while3A_381, %get3A_410 : vector<16xf32>
            %add3A_423 = arith.addf %while3A_382, %get3A_413 : vector<16xf32>
            %add3A_424 = arith.addf %while3A_383, %get3A_416 : vector<16xf32>
            %mul3A_425 = arith.mulf %get3A_395, %get3A_395 : vector<16xf32>
            %add3A_426 = arith.addf %while3A_384, %mul3A_425 : vector<16xf32>
            %mul3A_427 = arith.mulf %get3A_398, %get3A_398 : vector<16xf32>
            %add3A_428 = arith.addf %while3A_385, %mul3A_427 : vector<16xf32>
            %mul3A_429 = arith.mulf %get3A_401, %get3A_401 : vector<16xf32>
            %add3A_430 = arith.addf %while3A_386, %mul3A_429 : vector<16xf32>
            %mul3A_431 = arith.mulf %get3A_404, %get3A_404 : vector<16xf32>
            %add3A_432 = arith.addf %while3A_387, %mul3A_431 : vector<16xf32>
            %mul3A_433 = arith.mulf %get3A_407, %get3A_407 : vector<16xf32>
            %add3A_434 = arith.addf %while3A_388, %mul3A_433 : vector<16xf32>
            %mul3A_435 = arith.mulf %get3A_410, %get3A_410 : vector<16xf32>
            %add3A_436 = arith.addf %while3A_389, %mul3A_435 : vector<16xf32>
            %mul3A_437 = arith.mulf %get3A_413, %get3A_413 : vector<16xf32>
            %add3A_438 = arith.addf %while3A_390, %mul3A_437 : vector<16xf32>
            %mul3A_439 = arith.mulf %get3A_416, %get3A_416 : vector<16xf32>
            %add3A_440 = arith.addf %while3A_391, %mul3A_439 : vector<16xf32>
            scf.yield %add3A_417, %add3A_418, %add3A_419, %add3A_420, %add3A_421, %add3A_422, %add3A_423, %add3A_424, %add3A_426, %add3A_428, %add3A_430, %add3A_432, %add3A_434, %add3A_436, %add3A_438, %add3A_440 : vector<16xf32>, vector<16xf32>, vector<16xf32>, vector<16xf32>, vector<16xf32>, vector<16xf32>, vector<16xf32>, vector<16xf32>, vector<16xf32>, vector<16xf32>, vector<16xf32>, vector<16xf32>, vector<16xf32>, vector<16xf32>, vector<16xf32>, vector<16xf32>
          }
          %while3A_229 = arith.constant 1 : i32
          %while3A_230:16 = scf.for %while3A_375 = %while3A_226 to %while3A_222 step %while3A_229 iter_args(%while3A_376 = %while3A_228#0, %while3A_377 = %while3A_228#1, %while3A_378 = %while3A_228#2, %while3A_379 = %while3A_228#3, %while3A_380 = %while3A_228#4, %while3A_381 = %while3A_228#5, %while3A_382 = %while3A_228#6, %while3A_383 = %while3A_228#7, %while3A_384 = %while3A_228#8, %while3A_385 = %while3A_228#9, %while3A_386 = %while3A_228#10, %while3A_387 = %while3A_228#11, %while3A_388 = %while3A_228#12, %while3A_389 = %while3A_228#13, %while3A_390 = %while3A_228#14, %while3A_391 = %while3A_228#15) -> (vector<16xf32>, vector<16xf32>, vector<16xf32>, vector<16xf32>, vector<16xf32>, vector<16xf32>, vector<16xf32>, vector<16xf32>, vector<16xf32>, vector<16xf32>, vector<16xf32>, vector<16xf32>, vector<16xf32>, vector<16xf32>, vector<16xf32>, vector<16xf32>)  : i32 {
            %sub3A_392 = arith.subi %while3A_375, %mul3A_138 : i32
            %get3A_393 = arith.index_cast %sub3A_392 : i32 to index
            %get3A_394 = arith.constant 0 : index
            %get3A_395 = tpu.vector_load %arg11[%get3A_393, %get3A_394] {strides = array<i32>} : memref<400x128xf32, #tpu.memory_space<vmem>>, vector<16xf32>,
            %get3A_396 = arith.index_cast %sub3A_392 : i32 to index
            %get3A_397 = arith.constant 16 : index
            %get3A_398 = tpu.vector_load %arg11[%get3A_396, %get3A_397] {strides = array<i32>} : memref<400x128xf32, #tpu.memory_space<vmem>>, vector<16xf32>,
            %get3A_399 = arith.index_cast %sub3A_392 : i32 to index
            %get3A_400 = arith.constant 32 : index
            %get3A_401 = tpu.vector_load %arg11[%get3A_399, %get3A_400] {strides = array<i32>} : memref<400x128xf32, #tpu.memory_space<vmem>>, vector<16xf32>,
            %get3A_402 = arith.index_cast %sub3A_392 : i32 to index
            %get3A_403 = arith.constant 48 : index
            %get3A_404 = tpu.vector_load %arg11[%get3A_402, %get3A_403] {strides = array<i32>} : memref<400x128xf32, #tpu.memory_space<vmem>>, vector<16xf32>,
            %get3A_405 = arith.index_cast %sub3A_392 : i32 to index
            %get3A_406 = arith.constant 64 : index
            %get3A_407 = tpu.vector_load %arg11[%get3A_405, %get3A_406] {strides = array<i32>} : memref<400x128xf32, #tpu.memory_space<vmem>>, vector<16xf32>,
            %get3A_408 = arith.index_cast %sub3A_392 : i32 to index
            %get3A_409 = arith.constant 80 : index
            %get3A_410 = tpu.vector_load %arg11[%get3A_408, %get3A_409] {strides = array<i32>} : memref<400x128xf32, #tpu.memory_space<vmem>>, vector<16xf32>,
            %get3A_411 = arith.index_cast %sub3A_392 : i32 to index
            %get3A_412 = arith.constant 96 : index
            %get3A_413 = tpu.vector_load %arg11[%get3A_411, %get3A_412] {strides = array<i32>} : memref<400x128xf32, #tpu.memory_space<vmem>>, vector<16xf32>,
            %get3A_414 = arith.index_cast %sub3A_392 : i32 to index
            %get3A_415 = arith.constant 112 : index
            %get3A_416 = tpu.vector_load %arg11[%get3A_414, %get3A_415] {strides = array<i32>} : memref<400x128xf32, #tpu.memory_space<vmem>>, vector<16xf32>,
            %add3A_417 = arith.addf %while3A_376, %get3A_395 : vector<16xf32>
            %add3A_418 = arith.addf %while3A_377, %get3A_398 : vector<16xf32>
            %add3A_419 = arith.addf %while3A_378, %get3A_401 : vector<16xf32>
            %add3A_420 = arith.addf %while3A_379, %get3A_404 : vector<16xf32>
            %add3A_421 = arith.addf %while3A_380, %get3A_407 : vector<16xf32>
            %add3A_422 = arith.addf %while3A_381, %get3A_410 : vector<16xf32>
            %add3A_423 = arith.addf %while3A_382, %get3A_413 : vector<16xf32>
            %add3A_424 = arith.addf %while3A_383, %get3A_416 : vector<16xf32>
            %mul3A_425 = arith.mulf %get3A_395, %get3A_395 : vector<16xf32>
            %add3A_426 = arith.addf %while3A_384, %mul3A_425 : vector<16xf32>
            %mul3A_427 = arith.mulf %get3A_398, %get3A_398 : vector<16xf32>
            %add3A_428 = arith.addf %while3A_385, %mul3A_427 : vector<16xf32>
            %mul3A_429 = arith.mulf %get3A_401, %get3A_401 : vector<16xf32>
            %add3A_430 = arith.addf %while3A_386, %mul3A_429 : vector<16xf32>
            %mul3A_431 = arith.mulf %get3A_404, %get3A_404 : vector<16xf32>
            %add3A_432 = arith.addf %while3A_387, %mul3A_431 : vector<16xf32>
            %mul3A_433 = arith.mulf %get3A_407, %get3A_407 : vector<16xf32>
            %add3A_434 = arith.addf %while3A_388, %mul3A_433 : vector<16xf32>
            %mul3A_435 = arith.mulf %get3A_410, %get3A_410 : vector<16xf32>
            %add3A_436 = arith.addf %while3A_389, %mul3A_435 : vector<16xf32>
            %mul3A_437 = arith.mulf %get3A_413, %get3A_413 : vector<16xf32>
            %add3A_438 = arith.addf %while3A_390, %mul3A_437 : vector<16xf32>
            %mul3A_439 = arith.mulf %get3A_416, %get3A_416 : vector<16xf32>
            %add3A_440 = arith.addf %while3A_391, %mul3A_439 : vector<16xf32>
            scf.yield %add3A_417, %add3A_418, %add3A_419, %add3A_420, %add3A_421, %add3A_422, %add3A_423, %add3A_424, %add3A_426, %add3A_428, %add3A_430, %add3A_432, %add3A_434, %add3A_436, %add3A_438, %add3A_440 : vector<16xf32>, vector<16xf32>, vector<16xf32>, vector<16xf32>, vector<16xf32>, vector<16xf32>, vector<16xf32>, vector<16xf32>, vector<16xf32>, vector<16xf32>, vector<16xf32>, vector<16xf32>, vector<16xf32>, vector<16xf32>, vector<16xf32>, vector<16xf32>
          }
          %mul3A_231 = arith.constant 2 : i32
          %mul3A_232 = arith.muli %while3A_179, %mul3A_231 : i32
          %mul3A_233 = arith.constant 128 : i32
          %mul3A_234 = arith.muli %mul3A_232, %mul3A_233 : i32
          %add3A_235 = arith.constant 0 : i32
          %add3A_236 = arith.addi %mul3A_234, %add3A_235 : i32
          %swap3A_237 = arith.index_cast %add3A_236 : i32 to index
          %swap3A_238 = tpu.vector_load %arg7[%swap3A_237] {strides = array<i32>} : memref<4096xf32, #tpu.memory_space<vmem>>, vector<16xf32>,
          tpu.vector_store %arg7[%swap3A_237], %while3A_230#0 {add = true, strides = array<i32>} : memref<4096xf32, #tpu.memory_space<vmem>>, vector<16xf32>,
          %mul3A_239 = arith.constant 2 : i32
          %mul3A_240 = arith.muli %while3A_179, %mul3A_239 : i32
          %mul3A_241 = arith.constant 128 : i32
          %mul3A_242 = arith.muli %mul3A_240, %mul3A_241 : i32
          %add3A_243 = arith.constant 128 : i32
          %add3A_244 = arith.addi %mul3A_242, %add3A_243 : i32
          %add3A_245 = arith.constant 0 : i32
          %add3A_246 = arith.addi %add3A_244, %add3A_245 : i32
          %swap3A_247 = arith.index_cast %add3A_246 : i32 to index
          %swap3A_248 = tpu.vector_load %arg7[%swap3A_247] {strides = array<i32>} : memref<4096xf32, #tpu.memory_space<vmem>>, vector<16xf32>,
          tpu.vector_store %arg7[%swap3A_247], %while3A_230#8 {add = true, strides = array<i32>} : memref<4096xf32, #tpu.memory_space<vmem>>, vector<16xf32>,
          %mul3A_249 = arith.constant 2 : i32
          %mul3A_250 = arith.muli %while3A_179, %mul3A_249 : i32
          %mul3A_251 = arith.constant 128 : i32
          %mul3A_252 = arith.muli %mul3A_250, %mul3A_251 : i32
          %add3A_253 = arith.constant 16 : i32
          %add3A_254 = arith.addi %mul3A_252, %add3A_253 : i32
          %swap3A_255 = arith.index_cast %add3A_254 : i32 to index
          %swap3A_256 = tpu.vector_load %arg7[%swap3A_255] {strides = array<i32>} : memref<4096xf32, #tpu.memory_space<vmem>>, vector<16xf32>,
          tpu.vector_store %arg7[%swap3A_255], %while3A_230#1 {add = true, strides = array<i32>} : memref<4096xf32, #tpu.memory_space<vmem>>, vector<16xf32>,
          %mul3A_257 = arith.constant 2 : i32
          %mul3A_258 = arith.muli %while3A_179, %mul3A_257 : i32
          %mul3A_259 = arith.constant 128 : i32
          %mul3A_260 = arith.muli %mul3A_258, %mul3A_259 : i32
          %add3A_261 = arith.constant 128 : i32
          %add3A_262 = arith.addi %mul3A_260, %add3A_261 : i32
          %add3A_263 = arith.constant 16 : i32
          %add3A_264 = arith.addi %add3A_262, %add3A_263 : i32
          %swap3A_265 = arith.index_cast %add3A_264 : i32 to index
          %swap3A_266 = tpu.vector_load %arg7[%swap3A_265] {strides = array<i32>} : memref<4096xf32, #tpu.memory_space<vmem>>, vector<16xf32>,
          tpu.vector_store %arg7[%swap3A_265], %while3A_230#9 {add = true, strides = array<i32>} : memref<4096xf32, #tpu.memory_space<vmem>>, vector<16xf32>,
          %mul3A_267 = arith.constant 2 : i32
          %mul3A_268 = arith.muli %while3A_179, %mul3A_267 : i32
          %mul3A_269 = arith.constant 128 : i32
          %mul3A_270 = arith.muli %mul3A_268, %mul3A_269 : i32
          %add3A_271 = arith.constant 32 : i32
          %add3A_272 = arith.addi %mul3A_270, %add3A_271 : i32
          %swap3A_273 = arith.index_cast %add3A_272 : i32 to index
          %swap3A_274 = tpu.vector_load %arg7[%swap3A_273] {strides = array<i32>} : memref<4096xf32, #tpu.memory_space<vmem>>, vector<16xf32>,
          tpu.vector_store %arg7[%swap3A_273], %while3A_230#2 {add = true, strides = array<i32>} : memref<4096xf32, #tpu.memory_space<vmem>>, vector<16xf32>,
          %mul3A_275 = arith.constant 2 : i32
          %mul3A_276 = arith.muli %while3A_179, %mul3A_275 : i32
          %mul3A_277 = arith.constant 128 : i32
          %mul3A_278 = arith.muli %mul3A_276, %mul3A_277 : i32
          %add3A_279 = arith.constant 128 : i32
          %add3A_280 = arith.addi %mul3A_278, %add3A_279 : i32
          %add3A_281 = arith.constant 32 : i32
          %add3A_282 = arith.addi %add3A_280, %add3A_281 : i32
          %swap3A_283 = arith.index_cast %add3A_282 : i32 to index
          %swap3A_284 = tpu.vector_load %arg7[%swap3A_283] {strides = array<i32>} : memref<4096xf32, #tpu.memory_space<vmem>>, vector<16xf32>,
          tpu.vector_store %arg7[%swap3A_283], %while3A_230#10 {add = true, strides = array<i32>} : memref<4096xf32, #tpu.memory_space<vmem>>, vector<16xf32>,
          %mul3A_285 = arith.constant 2 : i32
          %mul3A_286 = arith.muli %while3A_179, %mul3A_285 : i32
          %mul3A_287 = arith.constant 128 : i32
          %mul3A_288 = arith.muli %mul3A_286, %mul3A_287 : i32
          %add3A_289 = arith.constant 48 : i32
          %add3A_290 = arith.addi %mul3A_288, %add3A_289 : i32
          %swap3A_291 = arith.index_cast %add3A_290 : i32 to index
          %swap3A_292 = tpu.vector_load %arg7[%swap3A_291] {strides = array<i32>} : memref<4096xf32, #tpu.memory_space<vmem>>, vector<16xf32>,
          tpu.vector_store %arg7[%swap3A_291], %while3A_230#3 {add = true, strides = array<i32>} : memref<4096xf32, #tpu.memory_space<vmem>>, vector<16xf32>,
          %mul3A_293 = arith.constant 2 : i32
          %mul3A_294 = arith.muli %while3A_179, %mul3A_293 : i32
          %mul3A_295 = arith.constant 128 : i32
          %mul3A_296 = arith.muli %mul3A_294, %mul3A_295 : i32
          %add3A_297 = arith.constant 128 : i32
          %add3A_298 = arith.addi %mul3A_296, %add3A_297 : i32
          %add3A_299 = arith.constant 48 : i32
          %add3A_300 = arith.addi %add3A_298, %add3A_299 : i32
          %swap3A_301 = arith.index_cast %add3A_300 : i32 to index
          %swap3A_302 = tpu.vector_load %arg7[%swap3A_301] {strides = array<i32>} : memref<4096xf32, #tpu.memory_space<vmem>>, vector<16xf32>,
          tpu.vector_store %arg7[%swap3A_301], %while3A_230#11 {add = true, strides = array<i32>} : memref<4096xf32, #tpu.memory_space<vmem>>, vector<16xf32>,
          %mul3A_303 = arith.constant 2 : i32
          %mul3A_304 = arith.muli %while3A_179, %mul3A_303 : i32
          %mul3A_305 = arith.constant 128 : i32
          %mul3A_306 = arith.muli %mul3A_304, %mul3A_305 : i32
          %add3A_307 = arith.constant 64 : i32
          %add3A_308 = arith.addi %mul3A_306, %add3A_307 : i32
          %swap3A_309 = arith.index_cast %add3A_308 : i32 to index
          %swap3A_310 = tpu.vector_load %arg7[%swap3A_309] {strides = array<i32>} : memref<4096xf32, #tpu.memory_space<vmem>>, vector<16xf32>,
          tpu.vector_store %arg7[%swap3A_309], %while3A_230#4 {add = true, strides = array<i32>} : memref<4096xf32, #tpu.memory_space<vmem>>, vector<16xf32>,
          %mul3A_311 = arith.constant 2 : i32
          %mul3A_312 = arith.muli %while3A_179, %mul3A_311 : i32
          %mul3A_313 = arith.constant 128 : i32
          %mul3A_314 = arith.muli %mul3A_312, %mul3A_313 : i32
          %add3A_315 = arith.constant 128 : i32
          %add3A_316 = arith.addi %mul3A_314, %add3A_315 : i32
          %add3A_317 = arith.constant 64 : i32
          %add3A_318 = arith.addi %add3A_316, %add3A_317 : i32
          %swap3A_319 = arith.index_cast %add3A_318 : i32 to index
          %swap3A_320 = tpu.vector_load %arg7[%swap3A_319] {strides = array<i32>} : memref<4096xf32, #tpu.memory_space<vmem>>, vector<16xf32>,
          tpu.vector_store %arg7[%swap3A_319], %while3A_230#12 {add = true, strides = array<i32>} : memref<4096xf32, #tpu.memory_space<vmem>>, vector<16xf32>,
          %mul3A_321 = arith.constant 2 : i32
          %mul3A_322 = arith.muli %while3A_179, %mul3A_321 : i32
          %mul3A_323 = arith.constant 128 : i32
          %mul3A_324 = arith.muli %mul3A_322, %mul3A_323 : i32
          %add3A_325 = arith.constant 80 : i32
          %add3A_326 = arith.addi %mul3A_324, %add3A_325 : i32
          %swap3A_327 = arith.index_cast %add3A_326 : i32 to index
          %swap3A_328 = tpu.vector_load %arg7[%swap3A_327] {strides = array<i32>} : memref<4096xf32, #tpu.memory_space<vmem>>, vector<16xf32>,
          tpu.vector_store %arg7[%swap3A_327], %while3A_230#5 {add = true, strides = array<i32>} : memref<4096xf32, #tpu.memory_space<vmem>>, vector<16xf32>,
          %mul3A_329 = arith.constant 2 : i32
          %mul3A_330 = arith.muli %while3A_179, %mul3A_329 : i32
          %mul3A_331 = arith.constant 128 : i32
          %mul3A_332 = arith.muli %mul3A_330, %mul3A_331 : i32
          %add3A_333 = arith.constant 128 : i32
          %add3A_334 = arith.addi %mul3A_332, %add3A_333 : i32
          %add3A_335 = arith.constant 80 : i32
          %add3A_336 = arith.addi %add3A_334, %add3A_335 : i32
          %swap3A_337 = arith.index_cast %add3A_336 : i32 to index
          %swap3A_338 = tpu.vector_load %arg7[%swap3A_337] {strides = array<i32>} : memref<4096xf32, #tpu.memory_space<vmem>>, vector<16xf32>,
          tpu.vector_store %arg7[%swap3A_337], %while3A_230#13 {add = true, strides = array<i32>} : memref<4096xf32, #tpu.memory_space<vmem>>, vector<16xf32>,
          %mul3A_339 = arith.constant 2 : i32
          %mul3A_340 = arith.muli %while3A_179, %mul3A_339 : i32
          %mul3A_341 = arith.constant 128 : i32
          %mul3A_342 = arith.muli %mul3A_340, %mul3A_341 : i32
          %add3A_343 = arith.constant 96 : i32
          %add3A_344 = arith.addi %mul3A_342, %add3A_343 : i32
          %swap3A_345 = arith.index_cast %add3A_344 : i32 to index
          %swap3A_346 = tpu.vector_load %arg7[%swap3A_345] {strides = array<i32>} : memref<4096xf32, #tpu.memory_space<vmem>>, vector<16xf32>,
          tpu.vector_store %arg7[%swap3A_345], %while3A_230#6 {add = true, strides = array<i32>} : memref<4096xf32, #tpu.memory_space<vmem>>, vector<16xf32>,
          %mul3A_347 = arith.constant 2 : i32
          %mul3A_348 = arith.muli %while3A_179, %mul3A_347 : i32
          %mul3A_349 = arith.constant 128 : i32
          %mul3A_350 = arith.muli %mul3A_348, %mul3A_349 : i32
          %add3A_351 = arith.constant 128 : i32
          %add3A_352 = arith.addi %mul3A_350, %add3A_351 : i32
          %add3A_353 = arith.constant 96 : i32
          %add3A_354 = arith.addi %add3A_352, %add3A_353 : i32
          %swap3A_355 = arith.index_cast %add3A_354 : i32 to index
          %swap3A_356 = tpu.vector_load %arg7[%swap3A_355] {strides = array<i32>} : memref<4096xf32, #tpu.memory_space<vmem>>, vector<16xf32>,
          tpu.vector_store %arg7[%swap3A_355], %while3A_230#14 {add = true, strides = array<i32>} : memref<4096xf32, #tpu.memory_space<vmem>>, vector<16xf32>,
          %mul3A_357 = arith.constant 2 : i32
          %mul3A_358 = arith.muli %while3A_179, %mul3A_357 : i32
          %mul3A_359 = arith.constant 128 : i32
          %mul3A_360 = arith.muli %mul3A_358, %mul3A_359 : i32
          %add3A_361 = arith.constant 112 : i32
          %add3A_362 = arith.addi %mul3A_360, %add3A_361 : i32
          %swap3A_363 = arith.index_cast %add3A_362 : i32 to index
          %swap3A_364 = tpu.vector_load %arg7[%swap3A_363] {strides = array<i32>} : memref<4096xf32, #tpu.memory_space<vmem>>, vector<16xf32>,
          tpu.vector_store %arg7[%swap3A_363], %while3A_230#7 {add = true, strides = array<i32>} : memref<4096xf32, #tpu.memory_space<vmem>>, vector<16xf32>,
          %mul3A_365 = arith.constant 2 : i32
          %mul3A_366 = arith.muli %while3A_179, %mul3A_365 : i32
          %mul3A_367 = arith.constant 128 : i32
          %mul3A_368 = arith.muli %mul3A_366, %mul3A_367 : i32
          %add3A_369 = arith.constant 128 : i32
          %add3A_370 = arith.addi %mul3A_368, %add3A_369 : i32
          %add3A_371 = arith.constant 112 : i32
          %add3A_372 = arith.addi %add3A_370, %add3A_371 : i32
          %swap3A_373 = arith.index_cast %add3A_372 : i32 to index
          %swap3A_374 = tpu.vector_load %arg7[%swap3A_373] {strides = array<i32>} : memref<4096xf32, #tpu.memory_space<vmem>>, vector<16xf32>,
          tpu.vector_store %arg7[%swap3A_373], %while3A_230#15 {add = true, strides = array<i32>} : memref<4096xf32, #tpu.memory_space<vmem>>, vector<16xf32>,
        } else {
        }
      }
      %add3A_172 = arith.constant 3 : i32
      %add3A_173 = arith.addi %mul3A_78, %add3A_172 : i32
      %lt3A_174 = arith.constant 25 : i32
      %lt3A_175 = arith.cmpi slt, %add3A_173, %lt3A_174 : i32
      %convert_element_type3A_176 = arith.extui %lt3A_175 : i1 to i32
      %cond3A_177 = arith.constant 0 : i32
      %cond3A_178 = arith.cmpi ne, %convert_element_type3A_176, %cond3A_177 : i32
      scf.if %cond3A_178 {
        %add3A_179 = arith.constant 3 : i32
        %add3A_180 = arith.addi %mul3A_78, %add3A_179 : i32
        %mul3A_181 = arith.constant 400 : i32
        %mul3A_182 = arith.muli %add3A_180, %mul3A_181 : i32
        %add3A_183 = arith.addi %mul3A_2, %mul3A_182 : i32
        %dma_start3A_184 = arith.constant 0 : i32
        %dma_start3A_185 = tpu.memref_slice %arg2[%add3A_183, %dma_start3A_184] : memref<320000x128xf32, #tpu.memory_space<hbm>> -> memref<400x128xf32, #tpu.memory_space<hbm>>
        %dma_start3A_186 = arith.constant 0 : i32
        %dma_start3A_187 = tpu.memref_slice %arg2[%add3A_183, %dma_start3A_186] : memref<320000x128xf32, #tpu.memory_space<hbm>> -> memref<400x128xf32, #tpu.memory_space<hbm>>
        tpu.enqueue_dma source(%dma_start3A_187 : memref<400x128xf32, #tpu.memory_space<hbm>>) target(%arg11 : memref<400x128xf32, #tpu.memory_space<vmem>>) target_semaphore(%arg13 : memref<!tpu.dma_semaphore, #tpu.memory_space<semaphore_mem>>)
      } else {
      }
    }
    %scan3A_43 = arith.constant 12 : i32
    %add3A_44 = arith.constant 9600 : i32
    %add3A_45 = arith.addi %mul3A_2, %add3A_44 : i32
    %dma_wait3A = arith.constant 0 : i32
    %dma_wait3A_46 = tpu.memref_slice %arg2[%add3A_45, %dma_wait3A] : memref<320000x128xf32, #tpu.memory_space<hbm>> -> memref<400x128xf32, #tpu.memory_space<hbm>>
    %dma_wait3A_47 = arith.constant 0 : i32
    %dma_wait3A_48 = tpu.memref_slice %arg2[%add3A_45, %dma_wait3A_47] : memref<320000x128xf32, #tpu.memory_space<hbm>> -> memref<400x128xf32, #tpu.memory_space<hbm>>
    tpu.wait_dma2 semaphore(%arg12 : memref<!tpu.dma_semaphore, #tpu.memory_space<semaphore_mem>>) src(%dma_wait3A_48 : memref<400x128xf32, #tpu.memory_space<hbm>>) dst(%arg10 : memref<400x128xf32, #tpu.memory_space<vmem>>)
    %le3A = arith.constant 9600 : i32
    %le3A_49 = vector.broadcast %le3A : i32 to vector<16xi32>
    %le3A_50 = arith.cmpi sle, %sub3A, %le3A_49 : vector<16xi32>
    %convert_element_type3A = arith.extui %le3A_50 : vector<16xi1> to vector<16xi32>
    %reduce_sum3A = arith.constant true
    %reduce_sum3A_51 = vector.broadcast %reduce_sum3A : i1 to vector<16xi1>
    %reduce_sum3A_52 = tpu.scan <sum>, %convert_element_type3A masked %reduce_sum3A_51 : vector<16xi32>, vector<16xi1> -> vector<16xi32>
    %reduce_sum3A_53 = vector.extract %reduce_sum3A_52[15] : i32 from vector<16xi32>
    %sub3A_54 = arith.constant 1 : i32
    %sub3A_55 = arith.subi %reduce_sum3A_53, %sub3A_54 : i32
    %le3A_56 = arith.constant 9999 : i32
    %le3A_57 = vector.broadcast %le3A_56 : i32 to vector<16xi32>
    %le3A_58 = arith.cmpi sle, %sub3A, %le3A_57 : vector<16xi32>
    %convert_element_type3A_59 = arith.extui %le3A_58 : vector<16xi1> to vector<16xi32>
    %reduce_sum3A_60 = arith.constant true
    %reduce_sum3A_61 = vector.broadcast %reduce_sum3A_60 : i1 to vector<16xi1>
    %reduce_sum3A_62 = tpu.scan <sum>, %convert_element_type3A_59 masked %reduce_sum3A_61 : vector<16xi32>, vector<16xi1> -> vector<16xi32>
    %reduce_sum3A_63 = vector.extract %reduce_sum3A_62[15] : i32 from vector<16xi32>
    %sub3A_64 = arith.constant 1 : i32
    %sub3A_65 = arith.subi %reduce_sum3A_63, %sub3A_64 : i32
    %add3A_66 = arith.constant 1 : i32
    %add3A_67 = arith.addi %sub3A_65, %add3A_66 : i32
    %while3A = arith.constant 0 : i32
    %while3A_68 = arith.subi %add3A_67, %sub3A_55 : i32
    %while3A_69 = arith.addi %sub3A_55, %while3A_68 : i32
    %while3A_70 = arith.constant 1 : i32
    %while3A_71 = arith.divsi %while3A_68, %while3A_70 : i32
    %while3A_72 = arith.muli %while3A_71, %while3A_70 : i32
    %while3A_73 = arith.addi %sub3A_55, %while3A_72 : i32
    %while3A_74 = arith.constant 1 : i32
    scf.for %while3A_76 = %sub3A_55 to %while3A_73 step %while3A_74  : i32 {
      %get3A_77 = arith.index_cast %while3A_76 : i32 to index
      %get3A_78 = tpu.vector_load %arg8[%get3A_77] {strides = array<i32>} : memref<32xi32, #tpu.memory_space<vmem>>, vector<16xi32>,
      %slice3A = vector.extract_strided_slice %get3A_78 {offsets = [0], sizes = [1], strides = [1]} : vector<16xi32> to vector<1xi32>
      %squeeze3A = vector.extract %slice3A[0] : i32 from vector<1xi32>
      %max3A = arith.constant 9600 : i32
      %max3A_79 = arith.maxsi %squeeze3A, %max3A : i32
      %slice3A_80 = vector.extract_strided_slice %get3A_78 {offsets = [1], sizes = [1], strides = [1]} : vector<16xi32> to vector<1xi32>
      %squeeze3A_81 = vector.extract %slice3A_80[0] : i32 from vector<1xi32>
      %min3A = arith.constant 10000 : i32
      %min3A_82 = arith.minsi %squeeze3A_81, %min3A : i32
      %gt3A = arith.cmpi sgt, %min3A_82, %max3A_79 : i32
      %convert_element_type3A_83 = arith.extui %gt3A : i1 to i32
      %cond3A = arith.constant 0 : i32
      %cond3A_84 = arith.cmpi ne, %convert_element_type3A_83, %cond3A : i32
      scf.if %cond3A_84 {
        %broadcast_in_dim3A_85 = arith.constant 0.000000e+00 : f32
        %broadcast_in_dim3A_86 = vector.broadcast %broadcast_in_dim3A_85 : f32 to vector<16xf32>
        %broadcast_in_dim3A_87 = arith.constant 0.000000e+00 : f32
        %broadcast_in_dim3A_88 = vector.broadcast %broadcast_in_dim3A_87 : f32 to vector<16xf32>
        %broadcast_in_dim3A_89 = arith.constant 0.000000e+00 : f32
        %broadcast_in_dim3A_90 = vector.broadcast %broadcast_in_dim3A_89 : f32 to vector<16xf32>
        %broadcast_in_dim3A_91 = arith.constant 0.000000e+00 : f32
        %broadcast_in_dim3A_92 = vector.broadcast %broadcast_in_dim3A_91 : f32 to vector<16xf32>
        %broadcast_in_dim3A_93 = arith.constant 0.000000e+00 : f32
        %broadcast_in_dim3A_94 = vector.broadcast %broadcast_in_dim3A_93 : f32 to vector<16xf32>
        %broadcast_in_dim3A_95 = arith.constant 0.000000e+00 : f32
        %broadcast_in_dim3A_96 = vector.broadcast %broadcast_in_dim3A_95 : f32 to vector<16xf32>
        %broadcast_in_dim3A_97 = arith.constant 0.000000e+00 : f32
        %broadcast_in_dim3A_98 = vector.broadcast %broadcast_in_dim3A_97 : f32 to vector<16xf32>
        %broadcast_in_dim3A_99 = arith.constant 0.000000e+00 : f32
        %broadcast_in_dim3A_100 = vector.broadcast %broadcast_in_dim3A_99 : f32 to vector<16xf32>
        %broadcast_in_dim3A_101 = arith.constant 0.000000e+00 : f32
        %broadcast_in_dim3A_102 = vector.broadcast %broadcast_in_dim3A_101 : f32 to vector<16xf32>
        %broadcast_in_dim3A_103 = arith.constant 0.000000e+00 : f32
        %broadcast_in_dim3A_104 = vector.broadcast %broadcast_in_dim3A_103 : f32 to vector<16xf32>
        %broadcast_in_dim3A_105 = arith.constant 0.000000e+00 : f32
        %broadcast_in_dim3A_106 = vector.broadcast %broadcast_in_dim3A_105 : f32 to vector<16xf32>
        %broadcast_in_dim3A_107 = arith.constant 0.000000e+00 : f32
        %broadcast_in_dim3A_108 = vector.broadcast %broadcast_in_dim3A_107 : f32 to vector<16xf32>
        %broadcast_in_dim3A_109 = arith.constant 0.000000e+00 : f32
        %broadcast_in_dim3A_110 = vector.broadcast %broadcast_in_dim3A_109 : f32 to vector<16xf32>
        %broadcast_in_dim3A_111 = arith.constant 0.000000e+00 : f32
        %broadcast_in_dim3A_112 = vector.broadcast %broadcast_in_dim3A_111 : f32 to vector<16xf32>
        %broadcast_in_dim3A_113 = arith.constant 0.000000e+00 : f32
        %broadcast_in_dim3A_114 = vector.broadcast %broadcast_in_dim3A_113 : f32 to vector<16xf32>
        %broadcast_in_dim3A_115 = arith.constant 0.000000e+00 : f32
        %broadcast_in_dim3A_116 = vector.broadcast %broadcast_in_dim3A_115 : f32 to vector<16xf32>
        %while3A_117 = arith.subi %min3A_82, %max3A_79 : i32
        %while3A_118 = arith.addi %max3A_79, %while3A_117 : i32
        %while3A_119 = arith.constant 1 : i32
        %while3A_120 = arith.divsi %while3A_117, %while3A_119 : i32
        %while3A_121 = arith.muli %while3A_120, %while3A_119 : i32
        %while3A_122 = arith.addi %max3A_79, %while3A_121 : i32
        %while3A_123 = arith.constant 1 : i32
        %while3A_124:16 = scf.for %while3A_271 = %max3A_79 to %while3A_122 step %while3A_123 iter_args(%while3A_272 = %broadcast_in_dim3A_86, %while3A_273 = %broadcast_in_dim3A_88, %while3A_274 = %broadcast_in_dim3A_90, %while3A_275 = %broadcast_in_dim3A_92, %while3A_276 = %broadcast_in_dim3A_94, %while3A_277 = %broadcast_in_dim3A_96, %while3A_278 = %broadcast_in_dim3A_98, %while3A_279 = %broadcast_in_dim3A_100, %while3A_280 = %broadcast_in_dim3A_102, %while3A_281 = %broadcast_in_dim3A_104, %while3A_282 = %broadcast_in_dim3A_106, %while3A_283 = %broadcast_in_dim3A_108, %while3A_284 = %broadcast_in_dim3A_110, %while3A_285 = %broadcast_in_dim3A_112, %while3A_286 = %broadcast_in_dim3A_114, %while3A_287 = %broadcast_in_dim3A_116) -> (vector<16xf32>, vector<16xf32>, vector<16xf32>, vector<16xf32>, vector<16xf32>, vector<16xf32>, vector<16xf32>, vector<16xf32>, vector<16xf32>, vector<16xf32>, vector<16xf32>, vector<16xf32>, vector<16xf32>, vector<16xf32>, vector<16xf32>, vector<16xf32>)  : i32 {
          %sub3A_288 = arith.constant 9600 : i32
          %sub3A_289 = arith.subi %while3A_271, %sub3A_288 : i32
          %get3A_290 = arith.index_cast %sub3A_289 : i32 to index
          %get3A_291 = arith.constant 0 : index
          %get3A_292 = tpu.vector_load %arg10[%get3A_290, %get3A_291] {strides = array<i32>} : memref<400x128xf32, #tpu.memory_space<vmem>>, vector<16xf32>,
          %get3A_293 = arith.index_cast %sub3A_289 : i32 to index
          %get3A_294 = arith.constant 16 : index
          %get3A_295 = tpu.vector_load %arg10[%get3A_293, %get3A_294] {strides = array<i32>} : memref<400x128xf32, #tpu.memory_space<vmem>>, vector<16xf32>,
          %get3A_296 = arith.index_cast %sub3A_289 : i32 to index
          %get3A_297 = arith.constant 32 : index
          %get3A_298 = tpu.vector_load %arg10[%get3A_296, %get3A_297] {strides = array<i32>} : memref<400x128xf32, #tpu.memory_space<vmem>>, vector<16xf32>,
          %get3A_299 = arith.index_cast %sub3A_289 : i32 to index
          %get3A_300 = arith.constant 48 : index
          %get3A_301 = tpu.vector_load %arg10[%get3A_299, %get3A_300] {strides = array<i32>} : memref<400x128xf32, #tpu.memory_space<vmem>>, vector<16xf32>,
          %get3A_302 = arith.index_cast %sub3A_289 : i32 to index
          %get3A_303 = arith.constant 64 : index
          %get3A_304 = tpu.vector_load %arg10[%get3A_302, %get3A_303] {strides = array<i32>} : memref<400x128xf32, #tpu.memory_space<vmem>>, vector<16xf32>,
          %get3A_305 = arith.index_cast %sub3A_289 : i32 to index
          %get3A_306 = arith.constant 80 : index
          %get3A_307 = tpu.vector_load %arg10[%get3A_305, %get3A_306] {strides = array<i32>} : memref<400x128xf32, #tpu.memory_space<vmem>>, vector<16xf32>,
          %get3A_308 = arith.index_cast %sub3A_289 : i32 to index
          %get3A_309 = arith.constant 96 : index
          %get3A_310 = tpu.vector_load %arg10[%get3A_308, %get3A_309] {strides = array<i32>} : memref<400x128xf32, #tpu.memory_space<vmem>>, vector<16xf32>,
          %get3A_311 = arith.index_cast %sub3A_289 : i32 to index
          %get3A_312 = arith.constant 112 : index
          %get3A_313 = tpu.vector_load %arg10[%get3A_311, %get3A_312] {strides = array<i32>} : memref<400x128xf32, #tpu.memory_space<vmem>>, vector<16xf32>,
          %add3A_314 = arith.addf %while3A_272, %get3A_292 : vector<16xf32>
          %add3A_315 = arith.addf %while3A_273, %get3A_295 : vector<16xf32>
          %add3A_316 = arith.addf %while3A_274, %get3A_298 : vector<16xf32>
          %add3A_317 = arith.addf %while3A_275, %get3A_301 : vector<16xf32>
          %add3A_318 = arith.addf %while3A_276, %get3A_304 : vector<16xf32>
          %add3A_319 = arith.addf %while3A_277, %get3A_307 : vector<16xf32>
          %add3A_320 = arith.addf %while3A_278, %get3A_310 : vector<16xf32>
          %add3A_321 = arith.addf %while3A_279, %get3A_313 : vector<16xf32>
          %mul3A_322 = arith.mulf %get3A_292, %get3A_292 : vector<16xf32>
          %add3A_323 = arith.addf %while3A_280, %mul3A_322 : vector<16xf32>
          %mul3A_324 = arith.mulf %get3A_295, %get3A_295 : vector<16xf32>
          %add3A_325 = arith.addf %while3A_281, %mul3A_324 : vector<16xf32>
          %mul3A_326 = arith.mulf %get3A_298, %get3A_298 : vector<16xf32>
          %add3A_327 = arith.addf %while3A_282, %mul3A_326 : vector<16xf32>
          %mul3A_328 = arith.mulf %get3A_301, %get3A_301 : vector<16xf32>
          %add3A_329 = arith.addf %while3A_283, %mul3A_328 : vector<16xf32>
          %mul3A_330 = arith.mulf %get3A_304, %get3A_304 : vector<16xf32>
          %add3A_331 = arith.addf %while3A_284, %mul3A_330 : vector<16xf32>
          %mul3A_332 = arith.mulf %get3A_307, %get3A_307 : vector<16xf32>
          %add3A_333 = arith.addf %while3A_285, %mul3A_332 : vector<16xf32>
          %mul3A_334 = arith.mulf %get3A_310, %get3A_310 : vector<16xf32>
          %add3A_335 = arith.addf %while3A_286, %mul3A_334 : vector<16xf32>
          %mul3A_336 = arith.mulf %get3A_313, %get3A_313 : vector<16xf32>
          %add3A_337 = arith.addf %while3A_287, %mul3A_336 : vector<16xf32>
          scf.yield %add3A_314, %add3A_315, %add3A_316, %add3A_317, %add3A_318, %add3A_319, %add3A_320, %add3A_321, %add3A_323, %add3A_325, %add3A_327, %add3A_329, %add3A_331, %add3A_333, %add3A_335, %add3A_337 : vector<16xf32>, vector<16xf32>, vector<16xf32>, vector<16xf32>, vector<16xf32>, vector<16xf32>, vector<16xf32>, vector<16xf32>, vector<16xf32>, vector<16xf32>, vector<16xf32>, vector<16xf32>, vector<16xf32>, vector<16xf32>, vector<16xf32>, vector<16xf32>
        }
        %while3A_125 = arith.constant 1 : i32
        %while3A_126:16 = scf.for %while3A_271 = %while3A_122 to %while3A_118 step %while3A_125 iter_args(%while3A_272 = %while3A_124#0, %while3A_273 = %while3A_124#1, %while3A_274 = %while3A_124#2, %while3A_275 = %while3A_124#3, %while3A_276 = %while3A_124#4, %while3A_277 = %while3A_124#5, %while3A_278 = %while3A_124#6, %while3A_279 = %while3A_124#7, %while3A_280 = %while3A_124#8, %while3A_281 = %while3A_124#9, %while3A_282 = %while3A_124#10, %while3A_283 = %while3A_124#11, %while3A_284 = %while3A_124#12, %while3A_285 = %while3A_124#13, %while3A_286 = %while3A_124#14, %while3A_287 = %while3A_124#15) -> (vector<16xf32>, vector<16xf32>, vector<16xf32>, vector<16xf32>, vector<16xf32>, vector<16xf32>, vector<16xf32>, vector<16xf32>, vector<16xf32>, vector<16xf32>, vector<16xf32>, vector<16xf32>, vector<16xf32>, vector<16xf32>, vector<16xf32>, vector<16xf32>)  : i32 {
          %sub3A_288 = arith.constant 9600 : i32
          %sub3A_289 = arith.subi %while3A_271, %sub3A_288 : i32
          %get3A_290 = arith.index_cast %sub3A_289 : i32 to index
          %get3A_291 = arith.constant 0 : index
          %get3A_292 = tpu.vector_load %arg10[%get3A_290, %get3A_291] {strides = array<i32>} : memref<400x128xf32, #tpu.memory_space<vmem>>, vector<16xf32>,
          %get3A_293 = arith.index_cast %sub3A_289 : i32 to index
          %get3A_294 = arith.constant 16 : index
          %get3A_295 = tpu.vector_load %arg10[%get3A_293, %get3A_294] {strides = array<i32>} : memref<400x128xf32, #tpu.memory_space<vmem>>, vector<16xf32>,
          %get3A_296 = arith.index_cast %sub3A_289 : i32 to index
          %get3A_297 = arith.constant 32 : index
          %get3A_298 = tpu.vector_load %arg10[%get3A_296, %get3A_297] {strides = array<i32>} : memref<400x128xf32, #tpu.memory_space<vmem>>, vector<16xf32>,
          %get3A_299 = arith.index_cast %sub3A_289 : i32 to index
          %get3A_300 = arith.constant 48 : index
          %get3A_301 = tpu.vector_load %arg10[%get3A_299, %get3A_300] {strides = array<i32>} : memref<400x128xf32, #tpu.memory_space<vmem>>, vector<16xf32>,
          %get3A_302 = arith.index_cast %sub3A_289 : i32 to index
          %get3A_303 = arith.constant 64 : index
          %get3A_304 = tpu.vector_load %arg10[%get3A_302, %get3A_303] {strides = array<i32>} : memref<400x128xf32, #tpu.memory_space<vmem>>, vector<16xf32>,
          %get3A_305 = arith.index_cast %sub3A_289 : i32 to index
          %get3A_306 = arith.constant 80 : index
          %get3A_307 = tpu.vector_load %arg10[%get3A_305, %get3A_306] {strides = array<i32>} : memref<400x128xf32, #tpu.memory_space<vmem>>, vector<16xf32>,
          %get3A_308 = arith.index_cast %sub3A_289 : i32 to index
          %get3A_309 = arith.constant 96 : index
          %get3A_310 = tpu.vector_load %arg10[%get3A_308, %get3A_309] {strides = array<i32>} : memref<400x128xf32, #tpu.memory_space<vmem>>, vector<16xf32>,
          %get3A_311 = arith.index_cast %sub3A_289 : i32 to index
          %get3A_312 = arith.constant 112 : index
          %get3A_313 = tpu.vector_load %arg10[%get3A_311, %get3A_312] {strides = array<i32>} : memref<400x128xf32, #tpu.memory_space<vmem>>, vector<16xf32>,
          %add3A_314 = arith.addf %while3A_272, %get3A_292 : vector<16xf32>
          %add3A_315 = arith.addf %while3A_273, %get3A_295 : vector<16xf32>
          %add3A_316 = arith.addf %while3A_274, %get3A_298 : vector<16xf32>
          %add3A_317 = arith.addf %while3A_275, %get3A_301 : vector<16xf32>
          %add3A_318 = arith.addf %while3A_276, %get3A_304 : vector<16xf32>
          %add3A_319 = arith.addf %while3A_277, %get3A_307 : vector<16xf32>
          %add3A_320 = arith.addf %while3A_278, %get3A_310 : vector<16xf32>
          %add3A_321 = arith.addf %while3A_279, %get3A_313 : vector<16xf32>
          %mul3A_322 = arith.mulf %get3A_292, %get3A_292 : vector<16xf32>
          %add3A_323 = arith.addf %while3A_280, %mul3A_322 : vector<16xf32>
          %mul3A_324 = arith.mulf %get3A_295, %get3A_295 : vector<16xf32>
          %add3A_325 = arith.addf %while3A_281, %mul3A_324 : vector<16xf32>
          %mul3A_326 = arith.mulf %get3A_298, %get3A_298 : vector<16xf32>
          %add3A_327 = arith.addf %while3A_282, %mul3A_326 : vector<16xf32>
          %mul3A_328 = arith.mulf %get3A_301, %get3A_301 : vector<16xf32>
          %add3A_329 = arith.addf %while3A_283, %mul3A_328 : vector<16xf32>
          %mul3A_330 = arith.mulf %get3A_304, %get3A_304 : vector<16xf32>
          %add3A_331 = arith.addf %while3A_284, %mul3A_330 : vector<16xf32>
          %mul3A_332 = arith.mulf %get3A_307, %get3A_307 : vector<16xf32>
          %add3A_333 = arith.addf %while3A_285, %mul3A_332 : vector<16xf32>
          %mul3A_334 = arith.mulf %get3A_310, %get3A_310 : vector<16xf32>
          %add3A_335 = arith.addf %while3A_286, %mul3A_334 : vector<16xf32>
          %mul3A_336 = arith.mulf %get3A_313, %get3A_313 : vector<16xf32>
          %add3A_337 = arith.addf %while3A_287, %mul3A_336 : vector<16xf32>
          scf.yield %add3A_314, %add3A_315, %add3A_316, %add3A_317, %add3A_318, %add3A_319, %add3A_320, %add3A_321, %add3A_323, %add3A_325, %add3A_327, %add3A_329, %add3A_331, %add3A_333, %add3A_335, %add3A_337 : vector<16xf32>, vector<16xf32>, vector<16xf32>, vector<16xf32>, vector<16xf32>, vector<16xf32>, vector<16xf32>, vector<16xf32>, vector<16xf32>, vector<16xf32>, vector<16xf32>, vector<16xf32>, vector<16xf32>, vector<16xf32>, vector<16xf32>, vector<16xf32>
        }
        %mul3A_127 = arith.constant 2 : i32
        %mul3A_128 = arith.muli %while3A_76, %mul3A_127 : i32
        %mul3A_129 = arith.constant 128 : i32
        %mul3A_130 = arith.muli %mul3A_128, %mul3A_129 : i32
        %add3A_131 = arith.constant 0 : i32
        %add3A_132 = arith.addi %mul3A_130, %add3A_131 : i32
        %swap3A_133 = arith.index_cast %add3A_132 : i32 to index
        %swap3A_134 = tpu.vector_load %arg7[%swap3A_133] {strides = array<i32>} : memref<4096xf32, #tpu.memory_space<vmem>>, vector<16xf32>,
        tpu.vector_store %arg7[%swap3A_133], %while3A_126#0 {add = true, strides = array<i32>} : memref<4096xf32, #tpu.memory_space<vmem>>, vector<16xf32>,
        %mul3A_135 = arith.constant 2 : i32
        %mul3A_136 = arith.muli %while3A_76, %mul3A_135 : i32
        %mul3A_137 = arith.constant 128 : i32
        %mul3A_138 = arith.muli %mul3A_136, %mul3A_137 : i32
        %add3A_139 = arith.constant 128 : i32
        %add3A_140 = arith.addi %mul3A_138, %add3A_139 : i32
        %add3A_141 = arith.constant 0 : i32
        %add3A_142 = arith.addi %add3A_140, %add3A_141 : i32
        %swap3A_143 = arith.index_cast %add3A_142 : i32 to index
        %swap3A_144 = tpu.vector_load %arg7[%swap3A_143] {strides = array<i32>} : memref<4096xf32, #tpu.memory_space<vmem>>, vector<16xf32>,
        tpu.vector_store %arg7[%swap3A_143], %while3A_126#8 {add = true, strides = array<i32>} : memref<4096xf32, #tpu.memory_space<vmem>>, vector<16xf32>,
        %mul3A_145 = arith.constant 2 : i32
        %mul3A_146 = arith.muli %while3A_76, %mul3A_145 : i32
        %mul3A_147 = arith.constant 128 : i32
        %mul3A_148 = arith.muli %mul3A_146, %mul3A_147 : i32
        %add3A_149 = arith.constant 16 : i32
        %add3A_150 = arith.addi %mul3A_148, %add3A_149 : i32
        %swap3A_151 = arith.index_cast %add3A_150 : i32 to index
        %swap3A_152 = tpu.vector_load %arg7[%swap3A_151] {strides = array<i32>} : memref<4096xf32, #tpu.memory_space<vmem>>, vector<16xf32>,
        tpu.vector_store %arg7[%swap3A_151], %while3A_126#1 {add = true, strides = array<i32>} : memref<4096xf32, #tpu.memory_space<vmem>>, vector<16xf32>,
        %mul3A_153 = arith.constant 2 : i32
        %mul3A_154 = arith.muli %while3A_76, %mul3A_153 : i32
        %mul3A_155 = arith.constant 128 : i32
        %mul3A_156 = arith.muli %mul3A_154, %mul3A_155 : i32
        %add3A_157 = arith.constant 128 : i32
        %add3A_158 = arith.addi %mul3A_156, %add3A_157 : i32
        %add3A_159 = arith.constant 16 : i32
        %add3A_160 = arith.addi %add3A_158, %add3A_159 : i32
        %swap3A_161 = arith.index_cast %add3A_160 : i32 to index
        %swap3A_162 = tpu.vector_load %arg7[%swap3A_161] {strides = array<i32>} : memref<4096xf32, #tpu.memory_space<vmem>>, vector<16xf32>,
        tpu.vector_store %arg7[%swap3A_161], %while3A_126#9 {add = true, strides = array<i32>} : memref<4096xf32, #tpu.memory_space<vmem>>, vector<16xf32>,
        %mul3A_163 = arith.constant 2 : i32
        %mul3A_164 = arith.muli %while3A_76, %mul3A_163 : i32
        %mul3A_165 = arith.constant 128 : i32
        %mul3A_166 = arith.muli %mul3A_164, %mul3A_165 : i32
        %add3A_167 = arith.constant 32 : i32
        %add3A_168 = arith.addi %mul3A_166, %add3A_167 : i32
        %swap3A_169 = arith.index_cast %add3A_168 : i32 to index
        %swap3A_170 = tpu.vector_load %arg7[%swap3A_169] {strides = array<i32>} : memref<4096xf32, #tpu.memory_space<vmem>>, vector<16xf32>,
        tpu.vector_store %arg7[%swap3A_169], %while3A_126#2 {add = true, strides = array<i32>} : memref<4096xf32, #tpu.memory_space<vmem>>, vector<16xf32>,
        %mul3A_171 = arith.constant 2 : i32
        %mul3A_172 = arith.muli %while3A_76, %mul3A_171 : i32
        %mul3A_173 = arith.constant 128 : i32
        %mul3A_174 = arith.muli %mul3A_172, %mul3A_173 : i32
        %add3A_175 = arith.constant 128 : i32
        %add3A_176 = arith.addi %mul3A_174, %add3A_175 : i32
        %add3A_177 = arith.constant 32 : i32
        %add3A_178 = arith.addi %add3A_176, %add3A_177 : i32
        %swap3A_179 = arith.index_cast %add3A_178 : i32 to index
        %swap3A_180 = tpu.vector_load %arg7[%swap3A_179] {strides = array<i32>} : memref<4096xf32, #tpu.memory_space<vmem>>, vector<16xf32>,
        tpu.vector_store %arg7[%swap3A_179], %while3A_126#10 {add = true, strides = array<i32>} : memref<4096xf32, #tpu.memory_space<vmem>>, vector<16xf32>,
        %mul3A_181 = arith.constant 2 : i32
        %mul3A_182 = arith.muli %while3A_76, %mul3A_181 : i32
        %mul3A_183 = arith.constant 128 : i32
        %mul3A_184 = arith.muli %mul3A_182, %mul3A_183 : i32
        %add3A_185 = arith.constant 48 : i32
        %add3A_186 = arith.addi %mul3A_184, %add3A_185 : i32
        %swap3A_187 = arith.index_cast %add3A_186 : i32 to index
        %swap3A_188 = tpu.vector_load %arg7[%swap3A_187] {strides = array<i32>} : memref<4096xf32, #tpu.memory_space<vmem>>, vector<16xf32>,
        tpu.vector_store %arg7[%swap3A_187], %while3A_126#3 {add = true, strides = array<i32>} : memref<4096xf32, #tpu.memory_space<vmem>>, vector<16xf32>,
        %mul3A_189 = arith.constant 2 : i32
        %mul3A_190 = arith.muli %while3A_76, %mul3A_189 : i32
        %mul3A_191 = arith.constant 128 : i32
        %mul3A_192 = arith.muli %mul3A_190, %mul3A_191 : i32
        %add3A_193 = arith.constant 128 : i32
        %add3A_194 = arith.addi %mul3A_192, %add3A_193 : i32
        %add3A_195 = arith.constant 48 : i32
        %add3A_196 = arith.addi %add3A_194, %add3A_195 : i32
        %swap3A_197 = arith.index_cast %add3A_196 : i32 to index
        %swap3A_198 = tpu.vector_load %arg7[%swap3A_197] {strides = array<i32>} : memref<4096xf32, #tpu.memory_space<vmem>>, vector<16xf32>,
        tpu.vector_store %arg7[%swap3A_197], %while3A_126#11 {add = true, strides = array<i32>} : memref<4096xf32, #tpu.memory_space<vmem>>, vector<16xf32>,
        %mul3A_199 = arith.constant 2 : i32
        %mul3A_200 = arith.muli %while3A_76, %mul3A_199 : i32
        %mul3A_201 = arith.constant 128 : i32
        %mul3A_202 = arith.muli %mul3A_200, %mul3A_201 : i32
        %add3A_203 = arith.constant 64 : i32
        %add3A_204 = arith.addi %mul3A_202, %add3A_203 : i32
        %swap3A_205 = arith.index_cast %add3A_204 : i32 to index
        %swap3A_206 = tpu.vector_load %arg7[%swap3A_205] {strides = array<i32>} : memref<4096xf32, #tpu.memory_space<vmem>>, vector<16xf32>,
        tpu.vector_store %arg7[%swap3A_205], %while3A_126#4 {add = true, strides = array<i32>} : memref<4096xf32, #tpu.memory_space<vmem>>, vector<16xf32>,
        %mul3A_207 = arith.constant 2 : i32
        %mul3A_208 = arith.muli %while3A_76, %mul3A_207 : i32
        %mul3A_209 = arith.constant 128 : i32
        %mul3A_210 = arith.muli %mul3A_208, %mul3A_209 : i32
        %add3A_211 = arith.constant 128 : i32
        %add3A_212 = arith.addi %mul3A_210, %add3A_211 : i32
        %add3A_213 = arith.constant 64 : i32
        %add3A_214 = arith.addi %add3A_212, %add3A_213 : i32
        %swap3A_215 = arith.index_cast %add3A_214 : i32 to index
        %swap3A_216 = tpu.vector_load %arg7[%swap3A_215] {strides = array<i32>} : memref<4096xf32, #tpu.memory_space<vmem>>, vector<16xf32>,
        tpu.vector_store %arg7[%swap3A_215], %while3A_126#12 {add = true, strides = array<i32>} : memref<4096xf32, #tpu.memory_space<vmem>>, vector<16xf32>,
        %mul3A_217 = arith.constant 2 : i32
        %mul3A_218 = arith.muli %while3A_76, %mul3A_217 : i32
        %mul3A_219 = arith.constant 128 : i32
        %mul3A_220 = arith.muli %mul3A_218, %mul3A_219 : i32
        %add3A_221 = arith.constant 80 : i32
        %add3A_222 = arith.addi %mul3A_220, %add3A_221 : i32
        %swap3A_223 = arith.index_cast %add3A_222 : i32 to index
        %swap3A_224 = tpu.vector_load %arg7[%swap3A_223] {strides = array<i32>} : memref<4096xf32, #tpu.memory_space<vmem>>, vector<16xf32>,
        tpu.vector_store %arg7[%swap3A_223], %while3A_126#5 {add = true, strides = array<i32>} : memref<4096xf32, #tpu.memory_space<vmem>>, vector<16xf32>,
        %mul3A_225 = arith.constant 2 : i32
        %mul3A_226 = arith.muli %while3A_76, %mul3A_225 : i32
        %mul3A_227 = arith.constant 128 : i32
        %mul3A_228 = arith.muli %mul3A_226, %mul3A_227 : i32
        %add3A_229 = arith.constant 128 : i32
        %add3A_230 = arith.addi %mul3A_228, %add3A_229 : i32
        %add3A_231 = arith.constant 80 : i32
        %add3A_232 = arith.addi %add3A_230, %add3A_231 : i32
        %swap3A_233 = arith.index_cast %add3A_232 : i32 to index
        %swap3A_234 = tpu.vector_load %arg7[%swap3A_233] {strides = array<i32>} : memref<4096xf32, #tpu.memory_space<vmem>>, vector<16xf32>,
        tpu.vector_store %arg7[%swap3A_233], %while3A_126#13 {add = true, strides = array<i32>} : memref<4096xf32, #tpu.memory_space<vmem>>, vector<16xf32>,
        %mul3A_235 = arith.constant 2 : i32
        %mul3A_236 = arith.muli %while3A_76, %mul3A_235 : i32
        %mul3A_237 = arith.constant 128 : i32
        %mul3A_238 = arith.muli %mul3A_236, %mul3A_237 : i32
        %add3A_239 = arith.constant 96 : i32
        %add3A_240 = arith.addi %mul3A_238, %add3A_239 : i32
        %swap3A_241 = arith.index_cast %add3A_240 : i32 to index
        %swap3A_242 = tpu.vector_load %arg7[%swap3A_241] {strides = array<i32>} : memref<4096xf32, #tpu.memory_space<vmem>>, vector<16xf32>,
        tpu.vector_store %arg7[%swap3A_241], %while3A_126#6 {add = true, strides = array<i32>} : memref<4096xf32, #tpu.memory_space<vmem>>, vector<16xf32>,
        %mul3A_243 = arith.constant 2 : i32
        %mul3A_244 = arith.muli %while3A_76, %mul3A_243 : i32
        %mul3A_245 = arith.constant 128 : i32
        %mul3A_246 = arith.muli %mul3A_244, %mul3A_245 : i32
        %add3A_247 = arith.constant 128 : i32
        %add3A_248 = arith.addi %mul3A_246, %add3A_247 : i32
        %add3A_249 = arith.constant 96 : i32
        %add3A_250 = arith.addi %add3A_248, %add3A_249 : i32
        %swap3A_251 = arith.index_cast %add3A_250 : i32 to index
        %swap3A_252 = tpu.vector_load %arg7[%swap3A_251] {strides = array<i32>} : memref<4096xf32, #tpu.memory_space<vmem>>, vector<16xf32>,
        tpu.vector_store %arg7[%swap3A_251], %while3A_126#14 {add = true, strides = array<i32>} : memref<4096xf32, #tpu.memory_space<vmem>>, vector<16xf32>,
        %mul3A_253 = arith.constant 2 : i32
        %mul3A_254 = arith.muli %while3A_76, %mul3A_253 : i32
        %mul3A_255 = arith.constant 128 : i32
        %mul3A_256 = arith.muli %mul3A_254, %mul3A_255 : i32
        %add3A_257 = arith.constant 112 : i32
        %add3A_258 = arith.addi %mul3A_256, %add3A_257 : i32
        %swap3A_259 = arith.index_cast %add3A_258 : i32 to index
        %swap3A_260 = tpu.vector_load %arg7[%swap3A_259] {strides = array<i32>} : memref<4096xf32, #tpu.memory_space<vmem>>, vector<16xf32>,
        tpu.vector_store %arg7[%swap3A_259], %while3A_126#7 {add = true, strides = array<i32>} : memref<4096xf32, #tpu.memory_space<vmem>>, vector<16xf32>,
        %mul3A_261 = arith.constant 2 : i32
        %mul3A_262 = arith.muli %while3A_76, %mul3A_261 : i32
        %mul3A_263 = arith.constant 128 : i32
        %mul3A_264 = arith.muli %mul3A_262, %mul3A_263 : i32
        %add3A_265 = arith.constant 128 : i32
        %add3A_266 = arith.addi %mul3A_264, %add3A_265 : i32
        %add3A_267 = arith.constant 112 : i32
        %add3A_268 = arith.addi %add3A_266, %add3A_267 : i32
        %swap3A_269 = arith.index_cast %add3A_268 : i32 to index
        %swap3A_270 = tpu.vector_load %arg7[%swap3A_269] {strides = array<i32>} : memref<4096xf32, #tpu.memory_space<vmem>>, vector<16xf32>,
        tpu.vector_store %arg7[%swap3A_269], %while3A_126#15 {add = true, strides = array<i32>} : memref<4096xf32, #tpu.memory_space<vmem>>, vector<16xf32>,
      } else {
      }
    }
    %while3A_75 = arith.constant 1 : i32
    scf.for %while3A_76 = %while3A_73 to %while3A_69 step %while3A_75  : i32 {
      %get3A_77 = arith.index_cast %while3A_76 : i32 to index
      %get3A_78 = tpu.vector_load %arg8[%get3A_77] {strides = array<i32>} : memref<32xi32, #tpu.memory_space<vmem>>, vector<16xi32>,
      %slice3A = vector.extract_strided_slice %get3A_78 {offsets = [0], sizes = [1], strides = [1]} : vector<16xi32> to vector<1xi32>
      %squeeze3A = vector.extract %slice3A[0] : i32 from vector<1xi32>
      %max3A = arith.constant 9600 : i32
      %max3A_79 = arith.maxsi %squeeze3A, %max3A : i32
      %slice3A_80 = vector.extract_strided_slice %get3A_78 {offsets = [1], sizes = [1], strides = [1]} : vector<16xi32> to vector<1xi32>
      %squeeze3A_81 = vector.extract %slice3A_80[0] : i32 from vector<1xi32>
      %min3A = arith.constant 10000 : i32
      %min3A_82 = arith.minsi %squeeze3A_81, %min3A : i32
      %gt3A = arith.cmpi sgt, %min3A_82, %max3A_79 : i32
      %convert_element_type3A_83 = arith.extui %gt3A : i1 to i32
      %cond3A = arith.constant 0 : i32
      %cond3A_84 = arith.cmpi ne, %convert_element_type3A_83, %cond3A : i32
      scf.if %cond3A_84 {
        %broadcast_in_dim3A_85 = arith.constant 0.000000e+00 : f32
        %broadcast_in_dim3A_86 = vector.broadcast %broadcast_in_dim3A_85 : f32 to vector<16xf32>
        %broadcast_in_dim3A_87 = arith.constant 0.000000e+00 : f32
        %broadcast_in_dim3A_88 = vector.broadcast %broadcast_in_dim3A_87 : f32 to vector<16xf32>
        %broadcast_in_dim3A_89 = arith.constant 0.000000e+00 : f32
        %broadcast_in_dim3A_90 = vector.broadcast %broadcast_in_dim3A_89 : f32 to vector<16xf32>
        %broadcast_in_dim3A_91 = arith.constant 0.000000e+00 : f32
        %broadcast_in_dim3A_92 = vector.broadcast %broadcast_in_dim3A_91 : f32 to vector<16xf32>
        %broadcast_in_dim3A_93 = arith.constant 0.000000e+00 : f32
        %broadcast_in_dim3A_94 = vector.broadcast %broadcast_in_dim3A_93 : f32 to vector<16xf32>
        %broadcast_in_dim3A_95 = arith.constant 0.000000e+00 : f32
        %broadcast_in_dim3A_96 = vector.broadcast %broadcast_in_dim3A_95 : f32 to vector<16xf32>
        %broadcast_in_dim3A_97 = arith.constant 0.000000e+00 : f32
        %broadcast_in_dim3A_98 = vector.broadcast %broadcast_in_dim3A_97 : f32 to vector<16xf32>
        %broadcast_in_dim3A_99 = arith.constant 0.000000e+00 : f32
        %broadcast_in_dim3A_100 = vector.broadcast %broadcast_in_dim3A_99 : f32 to vector<16xf32>
        %broadcast_in_dim3A_101 = arith.constant 0.000000e+00 : f32
        %broadcast_in_dim3A_102 = vector.broadcast %broadcast_in_dim3A_101 : f32 to vector<16xf32>
        %broadcast_in_dim3A_103 = arith.constant 0.000000e+00 : f32
        %broadcast_in_dim3A_104 = vector.broadcast %broadcast_in_dim3A_103 : f32 to vector<16xf32>
        %broadcast_in_dim3A_105 = arith.constant 0.000000e+00 : f32
        %broadcast_in_dim3A_106 = vector.broadcast %broadcast_in_dim3A_105 : f32 to vector<16xf32>
        %broadcast_in_dim3A_107 = arith.constant 0.000000e+00 : f32
        %broadcast_in_dim3A_108 = vector.broadcast %broadcast_in_dim3A_107 : f32 to vector<16xf32>
        %broadcast_in_dim3A_109 = arith.constant 0.000000e+00 : f32
        %broadcast_in_dim3A_110 = vector.broadcast %broadcast_in_dim3A_109 : f32 to vector<16xf32>
        %broadcast_in_dim3A_111 = arith.constant 0.000000e+00 : f32
        %broadcast_in_dim3A_112 = vector.broadcast %broadcast_in_dim3A_111 : f32 to vector<16xf32>
        %broadcast_in_dim3A_113 = arith.constant 0.000000e+00 : f32
        %broadcast_in_dim3A_114 = vector.broadcast %broadcast_in_dim3A_113 : f32 to vector<16xf32>
        %broadcast_in_dim3A_115 = arith.constant 0.000000e+00 : f32
        %broadcast_in_dim3A_116 = vector.broadcast %broadcast_in_dim3A_115 : f32 to vector<16xf32>
        %while3A_117 = arith.subi %min3A_82, %max3A_79 : i32
        %while3A_118 = arith.addi %max3A_79, %while3A_117 : i32
        %while3A_119 = arith.constant 1 : i32
        %while3A_120 = arith.divsi %while3A_117, %while3A_119 : i32
        %while3A_121 = arith.muli %while3A_120, %while3A_119 : i32
        %while3A_122 = arith.addi %max3A_79, %while3A_121 : i32
        %while3A_123 = arith.constant 1 : i32
        %while3A_124:16 = scf.for %while3A_271 = %max3A_79 to %while3A_122 step %while3A_123 iter_args(%while3A_272 = %broadcast_in_dim3A_86, %while3A_273 = %broadcast_in_dim3A_88, %while3A_274 = %broadcast_in_dim3A_90, %while3A_275 = %broadcast_in_dim3A_92, %while3A_276 = %broadcast_in_dim3A_94, %while3A_277 = %broadcast_in_dim3A_96, %while3A_278 = %broadcast_in_dim3A_98, %while3A_279 = %broadcast_in_dim3A_100, %while3A_280 = %broadcast_in_dim3A_102, %while3A_281 = %broadcast_in_dim3A_104, %while3A_282 = %broadcast_in_dim3A_106, %while3A_283 = %broadcast_in_dim3A_108, %while3A_284 = %broadcast_in_dim3A_110, %while3A_285 = %broadcast_in_dim3A_112, %while3A_286 = %broadcast_in_dim3A_114, %while3A_287 = %broadcast_in_dim3A_116) -> (vector<16xf32>, vector<16xf32>, vector<16xf32>, vector<16xf32>, vector<16xf32>, vector<16xf32>, vector<16xf32>, vector<16xf32>, vector<16xf32>, vector<16xf32>, vector<16xf32>, vector<16xf32>, vector<16xf32>, vector<16xf32>, vector<16xf32>, vector<16xf32>)  : i32 {
          %sub3A_288 = arith.constant 9600 : i32
          %sub3A_289 = arith.subi %while3A_271, %sub3A_288 : i32
          %get3A_290 = arith.index_cast %sub3A_289 : i32 to index
          %get3A_291 = arith.constant 0 : index
          %get3A_292 = tpu.vector_load %arg10[%get3A_290, %get3A_291] {strides = array<i32>} : memref<400x128xf32, #tpu.memory_space<vmem>>, vector<16xf32>,
          %get3A_293 = arith.index_cast %sub3A_289 : i32 to index
          %get3A_294 = arith.constant 16 : index
          %get3A_295 = tpu.vector_load %arg10[%get3A_293, %get3A_294] {strides = array<i32>} : memref<400x128xf32, #tpu.memory_space<vmem>>, vector<16xf32>,
          %get3A_296 = arith.index_cast %sub3A_289 : i32 to index
          %get3A_297 = arith.constant 32 : index
          %get3A_298 = tpu.vector_load %arg10[%get3A_296, %get3A_297] {strides = array<i32>} : memref<400x128xf32, #tpu.memory_space<vmem>>, vector<16xf32>,
          %get3A_299 = arith.index_cast %sub3A_289 : i32 to index
          %get3A_300 = arith.constant 48 : index
          %get3A_301 = tpu.vector_load %arg10[%get3A_299, %get3A_300] {strides = array<i32>} : memref<400x128xf32, #tpu.memory_space<vmem>>, vector<16xf32>,
          %get3A_302 = arith.index_cast %sub3A_289 : i32 to index
          %get3A_303 = arith.constant 64 : index
          %get3A_304 = tpu.vector_load %arg10[%get3A_302, %get3A_303] {strides = array<i32>} : memref<400x128xf32, #tpu.memory_space<vmem>>, vector<16xf32>,
          %get3A_305 = arith.index_cast %sub3A_289 : i32 to index
          %get3A_306 = arith.constant 80 : index
          %get3A_307 = tpu.vector_load %arg10[%get3A_305, %get3A_306] {strides = array<i32>} : memref<400x128xf32, #tpu.memory_space<vmem>>, vector<16xf32>,
          %get3A_308 = arith.index_cast %sub3A_289 : i32 to index
          %get3A_309 = arith.constant 96 : index
          %get3A_310 = tpu.vector_load %arg10[%get3A_308, %get3A_309] {strides = array<i32>} : memref<400x128xf32, #tpu.memory_space<vmem>>, vector<16xf32>,
          %get3A_311 = arith.index_cast %sub3A_289 : i32 to index
          %get3A_312 = arith.constant 112 : index
          %get3A_313 = tpu.vector_load %arg10[%get3A_311, %get3A_312] {strides = array<i32>} : memref<400x128xf32, #tpu.memory_space<vmem>>, vector<16xf32>,
          %add3A_314 = arith.addf %while3A_272, %get3A_292 : vector<16xf32>
          %add3A_315 = arith.addf %while3A_273, %get3A_295 : vector<16xf32>
          %add3A_316 = arith.addf %while3A_274, %get3A_298 : vector<16xf32>
          %add3A_317 = arith.addf %while3A_275, %get3A_301 : vector<16xf32>
          %add3A_318 = arith.addf %while3A_276, %get3A_304 : vector<16xf32>
          %add3A_319 = arith.addf %while3A_277, %get3A_307 : vector<16xf32>
          %add3A_320 = arith.addf %while3A_278, %get3A_310 : vector<16xf32>
          %add3A_321 = arith.addf %while3A_279, %get3A_313 : vector<16xf32>
          %mul3A_322 = arith.mulf %get3A_292, %get3A_292 : vector<16xf32>
          %add3A_323 = arith.addf %while3A_280, %mul3A_322 : vector<16xf32>
          %mul3A_324 = arith.mulf %get3A_295, %get3A_295 : vector<16xf32>
          %add3A_325 = arith.addf %while3A_281, %mul3A_324 : vector<16xf32>
          %mul3A_326 = arith.mulf %get3A_298, %get3A_298 : vector<16xf32>
          %add3A_327 = arith.addf %while3A_282, %mul3A_326 : vector<16xf32>
          %mul3A_328 = arith.mulf %get3A_301, %get3A_301 : vector<16xf32>
          %add3A_329 = arith.addf %while3A_283, %mul3A_328 : vector<16xf32>
          %mul3A_330 = arith.mulf %get3A_304, %get3A_304 : vector<16xf32>
          %add3A_331 = arith.addf %while3A_284, %mul3A_330 : vector<16xf32>
          %mul3A_332 = arith.mulf %get3A_307, %get3A_307 : vector<16xf32>
          %add3A_333 = arith.addf %while3A_285, %mul3A_332 : vector<16xf32>
          %mul3A_334 = arith.mulf %get3A_310, %get3A_310 : vector<16xf32>
          %add3A_335 = arith.addf %while3A_286, %mul3A_334 : vector<16xf32>
          %mul3A_336 = arith.mulf %get3A_313, %get3A_313 : vector<16xf32>
          %add3A_337 = arith.addf %while3A_287, %mul3A_336 : vector<16xf32>
          scf.yield %add3A_314, %add3A_315, %add3A_316, %add3A_317, %add3A_318, %add3A_319, %add3A_320, %add3A_321, %add3A_323, %add3A_325, %add3A_327, %add3A_329, %add3A_331, %add3A_333, %add3A_335, %add3A_337 : vector<16xf32>, vector<16xf32>, vector<16xf32>, vector<16xf32>, vector<16xf32>, vector<16xf32>, vector<16xf32>, vector<16xf32>, vector<16xf32>, vector<16xf32>, vector<16xf32>, vector<16xf32>, vector<16xf32>, vector<16xf32>, vector<16xf32>, vector<16xf32>
        }
        %while3A_125 = arith.constant 1 : i32
        %while3A_126:16 = scf.for %while3A_271 = %while3A_122 to %while3A_118 step %while3A_125 iter_args(%while3A_272 = %while3A_124#0, %while3A_273 = %while3A_124#1, %while3A_274 = %while3A_124#2, %while3A_275 = %while3A_124#3, %while3A_276 = %while3A_124#4, %while3A_277 = %while3A_124#5, %while3A_278 = %while3A_124#6, %while3A_279 = %while3A_124#7, %while3A_280 = %while3A_124#8, %while3A_281 = %while3A_124#9, %while3A_282 = %while3A_124#10, %while3A_283 = %while3A_124#11, %while3A_284 = %while3A_124#12, %while3A_285 = %while3A_124#13, %while3A_286 = %while3A_124#14, %while3A_287 = %while3A_124#15) -> (vector<16xf32>, vector<16xf32>, vector<16xf32>, vector<16xf32>, vector<16xf32>, vector<16xf32>, vector<16xf32>, vector<16xf32>, vector<16xf32>, vector<16xf32>, vector<16xf32>, vector<16xf32>, vector<16xf32>, vector<16xf32>, vector<16xf32>, vector<16xf32>)  : i32 {
          %sub3A_288 = arith.constant 9600 : i32
          %sub3A_289 = arith.subi %while3A_271, %sub3A_288 : i32
          %get3A_290 = arith.index_cast %sub3A_289 : i32 to index
          %get3A_291 = arith.constant 0 : index
          %get3A_292 = tpu.vector_load %arg10[%get3A_290, %get3A_291] {strides = array<i32>} : memref<400x128xf32, #tpu.memory_space<vmem>>, vector<16xf32>,
          %get3A_293 = arith.index_cast %sub3A_289 : i32 to index
          %get3A_294 = arith.constant 16 : index
          %get3A_295 = tpu.vector_load %arg10[%get3A_293, %get3A_294] {strides = array<i32>} : memref<400x128xf32, #tpu.memory_space<vmem>>, vector<16xf32>,
          %get3A_296 = arith.index_cast %sub3A_289 : i32 to index
          %get3A_297 = arith.constant 32 : index
          %get3A_298 = tpu.vector_load %arg10[%get3A_296, %get3A_297] {strides = array<i32>} : memref<400x128xf32, #tpu.memory_space<vmem>>, vector<16xf32>,
          %get3A_299 = arith.index_cast %sub3A_289 : i32 to index
          %get3A_300 = arith.constant 48 : index
          %get3A_301 = tpu.vector_load %arg10[%get3A_299, %get3A_300] {strides = array<i32>} : memref<400x128xf32, #tpu.memory_space<vmem>>, vector<16xf32>,
          %get3A_302 = arith.index_cast %sub3A_289 : i32 to index
          %get3A_303 = arith.constant 64 : index
          %get3A_304 = tpu.vector_load %arg10[%get3A_302, %get3A_303] {strides = array<i32>} : memref<400x128xf32, #tpu.memory_space<vmem>>, vector<16xf32>,
          %get3A_305 = arith.index_cast %sub3A_289 : i32 to index
          %get3A_306 = arith.constant 80 : index
          %get3A_307 = tpu.vector_load %arg10[%get3A_305, %get3A_306] {strides = array<i32>} : memref<400x128xf32, #tpu.memory_space<vmem>>, vector<16xf32>,
          %get3A_308 = arith.index_cast %sub3A_289 : i32 to index
          %get3A_309 = arith.constant 96 : index
          %get3A_310 = tpu.vector_load %arg10[%get3A_308, %get3A_309] {strides = array<i32>} : memref<400x128xf32, #tpu.memory_space<vmem>>, vector<16xf32>,
          %get3A_311 = arith.index_cast %sub3A_289 : i32 to index
          %get3A_312 = arith.constant 112 : index
          %get3A_313 = tpu.vector_load %arg10[%get3A_311, %get3A_312] {strides = array<i32>} : memref<400x128xf32, #tpu.memory_space<vmem>>, vector<16xf32>,
          %add3A_314 = arith.addf %while3A_272, %get3A_292 : vector<16xf32>
          %add3A_315 = arith.addf %while3A_273, %get3A_295 : vector<16xf32>
          %add3A_316 = arith.addf %while3A_274, %get3A_298 : vector<16xf32>
          %add3A_317 = arith.addf %while3A_275, %get3A_301 : vector<16xf32>
          %add3A_318 = arith.addf %while3A_276, %get3A_304 : vector<16xf32>
          %add3A_319 = arith.addf %while3A_277, %get3A_307 : vector<16xf32>
          %add3A_320 = arith.addf %while3A_278, %get3A_310 : vector<16xf32>
          %add3A_321 = arith.addf %while3A_279, %get3A_313 : vector<16xf32>
          %mul3A_322 = arith.mulf %get3A_292, %get3A_292 : vector<16xf32>
          %add3A_323 = arith.addf %while3A_280, %mul3A_322 : vector<16xf32>
          %mul3A_324 = arith.mulf %get3A_295, %get3A_295 : vector<16xf32>
          %add3A_325 = arith.addf %while3A_281, %mul3A_324 : vector<16xf32>
          %mul3A_326 = arith.mulf %get3A_298, %get3A_298 : vector<16xf32>
          %add3A_327 = arith.addf %while3A_282, %mul3A_326 : vector<16xf32>
          %mul3A_328 = arith.mulf %get3A_301, %get3A_301 : vector<16xf32>
          %add3A_329 = arith.addf %while3A_283, %mul3A_328 : vector<16xf32>
          %mul3A_330 = arith.mulf %get3A_304, %get3A_304 : vector<16xf32>
          %add3A_331 = arith.addf %while3A_284, %mul3A_330 : vector<16xf32>
          %mul3A_332 = arith.mulf %get3A_307, %get3A_307 : vector<16xf32>
          %add3A_333 = arith.addf %while3A_285, %mul3A_332 : vector<16xf32>
          %mul3A_334 = arith.mulf %get3A_310, %get3A_310 : vector<16xf32>
          %add3A_335 = arith.addf %while3A_286, %mul3A_334 : vector<16xf32>
          %mul3A_336 = arith.mulf %get3A_313, %get3A_313 : vector<16xf32>
          %add3A_337 = arith.addf %while3A_287, %mul3A_336 : vector<16xf32>
          scf.yield %add3A_314, %add3A_315, %add3A_316, %add3A_317, %add3A_318, %add3A_319, %add3A_320, %add3A_321, %add3A_323, %add3A_325, %add3A_327, %add3A_329, %add3A_331, %add3A_333, %add3A_335, %add3A_337 : vector<16xf32>, vector<16xf32>, vector<16xf32>, vector<16xf32>, vector<16xf32>, vector<16xf32>, vector<16xf32>, vector<16xf32>, vector<16xf32>, vector<16xf32>, vector<16xf32>, vector<16xf32>, vector<16xf32>, vector<16xf32>, vector<16xf32>, vector<16xf32>
        }
        %mul3A_127 = arith.constant 2 : i32
        %mul3A_128 = arith.muli %while3A_76, %mul3A_127 : i32
        %mul3A_129 = arith.constant 128 : i32
        %mul3A_130 = arith.muli %mul3A_128, %mul3A_129 : i32
        %add3A_131 = arith.constant 0 : i32
        %add3A_132 = arith.addi %mul3A_130, %add3A_131 : i32
        %swap3A_133 = arith.index_cast %add3A_132 : i32 to index
        %swap3A_134 = tpu.vector_load %arg7[%swap3A_133] {strides = array<i32>} : memref<4096xf32, #tpu.memory_space<vmem>>, vector<16xf32>,
        tpu.vector_store %arg7[%swap3A_133], %while3A_126#0 {add = true, strides = array<i32>} : memref<4096xf32, #tpu.memory_space<vmem>>, vector<16xf32>,
        %mul3A_135 = arith.constant 2 : i32
        %mul3A_136 = arith.muli %while3A_76, %mul3A_135 : i32
        %mul3A_137 = arith.constant 128 : i32
        %mul3A_138 = arith.muli %mul3A_136, %mul3A_137 : i32
        %add3A_139 = arith.constant 128 : i32
        %add3A_140 = arith.addi %mul3A_138, %add3A_139 : i32
        %add3A_141 = arith.constant 0 : i32
        %add3A_142 = arith.addi %add3A_140, %add3A_141 : i32
        %swap3A_143 = arith.index_cast %add3A_142 : i32 to index
        %swap3A_144 = tpu.vector_load %arg7[%swap3A_143] {strides = array<i32>} : memref<4096xf32, #tpu.memory_space<vmem>>, vector<16xf32>,
        tpu.vector_store %arg7[%swap3A_143], %while3A_126#8 {add = true, strides = array<i32>} : memref<4096xf32, #tpu.memory_space<vmem>>, vector<16xf32>,
        %mul3A_145 = arith.constant 2 : i32
        %mul3A_146 = arith.muli %while3A_76, %mul3A_145 : i32
        %mul3A_147 = arith.constant 128 : i32
        %mul3A_148 = arith.muli %mul3A_146, %mul3A_147 : i32
        %add3A_149 = arith.constant 16 : i32
        %add3A_150 = arith.addi %mul3A_148, %add3A_149 : i32
        %swap3A_151 = arith.index_cast %add3A_150 : i32 to index
        %swap3A_152 = tpu.vector_load %arg7[%swap3A_151] {strides = array<i32>} : memref<4096xf32, #tpu.memory_space<vmem>>, vector<16xf32>,
        tpu.vector_store %arg7[%swap3A_151], %while3A_126#1 {add = true, strides = array<i32>} : memref<4096xf32, #tpu.memory_space<vmem>>, vector<16xf32>,
        %mul3A_153 = arith.constant 2 : i32
        %mul3A_154 = arith.muli %while3A_76, %mul3A_153 : i32
        %mul3A_155 = arith.constant 128 : i32
        %mul3A_156 = arith.muli %mul3A_154, %mul3A_155 : i32
        %add3A_157 = arith.constant 128 : i32
        %add3A_158 = arith.addi %mul3A_156, %add3A_157 : i32
        %add3A_159 = arith.constant 16 : i32
        %add3A_160 = arith.addi %add3A_158, %add3A_159 : i32
        %swap3A_161 = arith.index_cast %add3A_160 : i32 to index
        %swap3A_162 = tpu.vector_load %arg7[%swap3A_161] {strides = array<i32>} : memref<4096xf32, #tpu.memory_space<vmem>>, vector<16xf32>,
        tpu.vector_store %arg7[%swap3A_161], %while3A_126#9 {add = true, strides = array<i32>} : memref<4096xf32, #tpu.memory_space<vmem>>, vector<16xf32>,
        %mul3A_163 = arith.constant 2 : i32
        %mul3A_164 = arith.muli %while3A_76, %mul3A_163 : i32
        %mul3A_165 = arith.constant 128 : i32
        %mul3A_166 = arith.muli %mul3A_164, %mul3A_165 : i32
        %add3A_167 = arith.constant 32 : i32
        %add3A_168 = arith.addi %mul3A_166, %add3A_167 : i32
        %swap3A_169 = arith.index_cast %add3A_168 : i32 to index
        %swap3A_170 = tpu.vector_load %arg7[%swap3A_169] {strides = array<i32>} : memref<4096xf32, #tpu.memory_space<vmem>>, vector<16xf32>,
        tpu.vector_store %arg7[%swap3A_169], %while3A_126#2 {add = true, strides = array<i32>} : memref<4096xf32, #tpu.memory_space<vmem>>, vector<16xf32>,
        %mul3A_171 = arith.constant 2 : i32
        %mul3A_172 = arith.muli %while3A_76, %mul3A_171 : i32
        %mul3A_173 = arith.constant 128 : i32
        %mul3A_174 = arith.muli %mul3A_172, %mul3A_173 : i32
        %add3A_175 = arith.constant 128 : i32
        %add3A_176 = arith.addi %mul3A_174, %add3A_175 : i32
        %add3A_177 = arith.constant 32 : i32
        %add3A_178 = arith.addi %add3A_176, %add3A_177 : i32
        %swap3A_179 = arith.index_cast %add3A_178 : i32 to index
        %swap3A_180 = tpu.vector_load %arg7[%swap3A_179] {strides = array<i32>} : memref<4096xf32, #tpu.memory_space<vmem>>, vector<16xf32>,
        tpu.vector_store %arg7[%swap3A_179], %while3A_126#10 {add = true, strides = array<i32>} : memref<4096xf32, #tpu.memory_space<vmem>>, vector<16xf32>,
        %mul3A_181 = arith.constant 2 : i32
        %mul3A_182 = arith.muli %while3A_76, %mul3A_181 : i32
        %mul3A_183 = arith.constant 128 : i32
        %mul3A_184 = arith.muli %mul3A_182, %mul3A_183 : i32
        %add3A_185 = arith.constant 48 : i32
        %add3A_186 = arith.addi %mul3A_184, %add3A_185 : i32
        %swap3A_187 = arith.index_cast %add3A_186 : i32 to index
        %swap3A_188 = tpu.vector_load %arg7[%swap3A_187] {strides = array<i32>} : memref<4096xf32, #tpu.memory_space<vmem>>, vector<16xf32>,
        tpu.vector_store %arg7[%swap3A_187], %while3A_126#3 {add = true, strides = array<i32>} : memref<4096xf32, #tpu.memory_space<vmem>>, vector<16xf32>,
        %mul3A_189 = arith.constant 2 : i32
        %mul3A_190 = arith.muli %while3A_76, %mul3A_189 : i32
        %mul3A_191 = arith.constant 128 : i32
        %mul3A_192 = arith.muli %mul3A_190, %mul3A_191 : i32
        %add3A_193 = arith.constant 128 : i32
        %add3A_194 = arith.addi %mul3A_192, %add3A_193 : i32
        %add3A_195 = arith.constant 48 : i32
        %add3A_196 = arith.addi %add3A_194, %add3A_195 : i32
        %swap3A_197 = arith.index_cast %add3A_196 : i32 to index
        %swap3A_198 = tpu.vector_load %arg7[%swap3A_197] {strides = array<i32>} : memref<4096xf32, #tpu.memory_space<vmem>>, vector<16xf32>,
        tpu.vector_store %arg7[%swap3A_197], %while3A_126#11 {add = true, strides = array<i32>} : memref<4096xf32, #tpu.memory_space<vmem>>, vector<16xf32>,
        %mul3A_199 = arith.constant 2 : i32
        %mul3A_200 = arith.muli %while3A_76, %mul3A_199 : i32
        %mul3A_201 = arith.constant 128 : i32
        %mul3A_202 = arith.muli %mul3A_200, %mul3A_201 : i32
        %add3A_203 = arith.constant 64 : i32
        %add3A_204 = arith.addi %mul3A_202, %add3A_203 : i32
        %swap3A_205 = arith.index_cast %add3A_204 : i32 to index
        %swap3A_206 = tpu.vector_load %arg7[%swap3A_205] {strides = array<i32>} : memref<4096xf32, #tpu.memory_space<vmem>>, vector<16xf32>,
        tpu.vector_store %arg7[%swap3A_205], %while3A_126#4 {add = true, strides = array<i32>} : memref<4096xf32, #tpu.memory_space<vmem>>, vector<16xf32>,
        %mul3A_207 = arith.constant 2 : i32
        %mul3A_208 = arith.muli %while3A_76, %mul3A_207 : i32
        %mul3A_209 = arith.constant 128 : i32
        %mul3A_210 = arith.muli %mul3A_208, %mul3A_209 : i32
        %add3A_211 = arith.constant 128 : i32
        %add3A_212 = arith.addi %mul3A_210, %add3A_211 : i32
        %add3A_213 = arith.constant 64 : i32
        %add3A_214 = arith.addi %add3A_212, %add3A_213 : i32
        %swap3A_215 = arith.index_cast %add3A_214 : i32 to index
        %swap3A_216 = tpu.vector_load %arg7[%swap3A_215] {strides = array<i32>} : memref<4096xf32, #tpu.memory_space<vmem>>, vector<16xf32>,
        tpu.vector_store %arg7[%swap3A_215], %while3A_126#12 {add = true, strides = array<i32>} : memref<4096xf32, #tpu.memory_space<vmem>>, vector<16xf32>,
        %mul3A_217 = arith.constant 2 : i32
        %mul3A_218 = arith.muli %while3A_76, %mul3A_217 : i32
        %mul3A_219 = arith.constant 128 : i32
        %mul3A_220 = arith.muli %mul3A_218, %mul3A_219 : i32
        %add3A_221 = arith.constant 80 : i32
        %add3A_222 = arith.addi %mul3A_220, %add3A_221 : i32
        %swap3A_223 = arith.index_cast %add3A_222 : i32 to index
        %swap3A_224 = tpu.vector_load %arg7[%swap3A_223] {strides = array<i32>} : memref<4096xf32, #tpu.memory_space<vmem>>, vector<16xf32>,
        tpu.vector_store %arg7[%swap3A_223], %while3A_126#5 {add = true, strides = array<i32>} : memref<4096xf32, #tpu.memory_space<vmem>>, vector<16xf32>,
        %mul3A_225 = arith.constant 2 : i32
        %mul3A_226 = arith.muli %while3A_76, %mul3A_225 : i32
        %mul3A_227 = arith.constant 128 : i32
        %mul3A_228 = arith.muli %mul3A_226, %mul3A_227 : i32
        %add3A_229 = arith.constant 128 : i32
        %add3A_230 = arith.addi %mul3A_228, %add3A_229 : i32
        %add3A_231 = arith.constant 80 : i32
        %add3A_232 = arith.addi %add3A_230, %add3A_231 : i32
        %swap3A_233 = arith.index_cast %add3A_232 : i32 to index
        %swap3A_234 = tpu.vector_load %arg7[%swap3A_233] {strides = array<i32>} : memref<4096xf32, #tpu.memory_space<vmem>>, vector<16xf32>,
        tpu.vector_store %arg7[%swap3A_233], %while3A_126#13 {add = true, strides = array<i32>} : memref<4096xf32, #tpu.memory_space<vmem>>, vector<16xf32>,
        %mul3A_235 = arith.constant 2 : i32
        %mul3A_236 = arith.muli %while3A_76, %mul3A_235 : i32
        %mul3A_237 = arith.constant 128 : i32
        %mul3A_238 = arith.muli %mul3A_236, %mul3A_237 : i32
        %add3A_239 = arith.constant 96 : i32
        %add3A_240 = arith.addi %mul3A_238, %add3A_239 : i32
        %swap3A_241 = arith.index_cast %add3A_240 : i32 to index
        %swap3A_242 = tpu.vector_load %arg7[%swap3A_241] {strides = array<i32>} : memref<4096xf32, #tpu.memory_space<vmem>>, vector<16xf32>,
        tpu.vector_store %arg7[%swap3A_241], %while3A_126#6 {add = true, strides = array<i32>} : memref<4096xf32, #tpu.memory_space<vmem>>, vector<16xf32>,
        %mul3A_243 = arith.constant 2 : i32
        %mul3A_244 = arith.muli %while3A_76, %mul3A_243 : i32
        %mul3A_245 = arith.constant 128 : i32
        %mul3A_246 = arith.muli %mul3A_244, %mul3A_245 : i32
        %add3A_247 = arith.constant 128 : i32
        %add3A_248 = arith.addi %mul3A_246, %add3A_247 : i32
        %add3A_249 = arith.constant 96 : i32
        %add3A_250 = arith.addi %add3A_248, %add3A_249 : i32
        %swap3A_251 = arith.index_cast %add3A_250 : i32 to index
        %swap3A_252 = tpu.vector_load %arg7[%swap3A_251] {strides = array<i32>} : memref<4096xf32, #tpu.memory_space<vmem>>, vector<16xf32>,
        tpu.vector_store %arg7[%swap3A_251], %while3A_126#14 {add = true, strides = array<i32>} : memref<4096xf32, #tpu.memory_space<vmem>>, vector<16xf32>,
        %mul3A_253 = arith.constant 2 : i32
        %mul3A_254 = arith.muli %while3A_76, %mul3A_253 : i32
        %mul3A_255 = arith.constant 128 : i32
        %mul3A_256 = arith.muli %mul3A_254, %mul3A_255 : i32
        %add3A_257 = arith.constant 112 : i32
        %add3A_258 = arith.addi %mul3A_256, %add3A_257 : i32
        %swap3A_259 = arith.index_cast %add3A_258 : i32 to index
        %swap3A_260 = tpu.vector_load %arg7[%swap3A_259] {strides = array<i32>} : memref<4096xf32, #tpu.memory_space<vmem>>, vector<16xf32>,
        tpu.vector_store %arg7[%swap3A_259], %while3A_126#7 {add = true, strides = array<i32>} : memref<4096xf32, #tpu.memory_space<vmem>>, vector<16xf32>,
        %mul3A_261 = arith.constant 2 : i32
        %mul3A_262 = arith.muli %while3A_76, %mul3A_261 : i32
        %mul3A_263 = arith.constant 128 : i32
        %mul3A_264 = arith.muli %mul3A_262, %mul3A_263 : i32
        %add3A_265 = arith.constant 128 : i32
        %add3A_266 = arith.addi %mul3A_264, %add3A_265 : i32
        %add3A_267 = arith.constant 112 : i32
        %add3A_268 = arith.addi %add3A_266, %add3A_267 : i32
        %swap3A_269 = arith.index_cast %add3A_268 : i32 to index
        %swap3A_270 = tpu.vector_load %arg7[%swap3A_269] {strides = array<i32>} : memref<4096xf32, #tpu.memory_space<vmem>>, vector<16xf32>,
        tpu.vector_store %arg7[%swap3A_269], %while3A_126#15 {add = true, strides = array<i32>} : memref<4096xf32, #tpu.memory_space<vmem>>, vector<16xf32>,
      } else {
      }
    }
    "tpu.region"() ({
      %run_scoped3A = tpu.sem_alloc : memref<!tpu.dma_semaphore, #tpu.memory_space<semaphore_mem>>
      %dma_start3A_76 = arith.constant 0 : i32
      %dma_start3A_77 = tpu.memref_slice %arg4[%add3A, %dma_start3A_76] : memref<32x4096xf32, #tpu.memory_space<hbm>> -> memref<1x4096xf32, #tpu.memory_space<hbm>>
      %dma_start3A_78 = tpu.memref_squeeze %dma_start3A_77 : memref<1x4096xf32, #tpu.memory_space<hbm>> -> memref<4096xf32, #tpu.memory_space<hbm>>
      %dma_start3A_79 = arith.constant 0 : i32
      %dma_start3A_80 = tpu.memref_slice %arg4[%add3A, %dma_start3A_79] : memref<32x4096xf32, #tpu.memory_space<hbm>> -> memref<1x4096xf32, #tpu.memory_space<hbm>>
      %dma_start3A_81 = tpu.memref_squeeze %dma_start3A_80 : memref<1x4096xf32, #tpu.memory_space<hbm>> -> memref<4096xf32, #tpu.memory_space<hbm>>
      tpu.enqueue_dma source(%arg7 : memref<4096xf32, #tpu.memory_space<vmem>>) target(%dma_start3A_81 : memref<4096xf32, #tpu.memory_space<hbm>>) target_semaphore(%run_scoped3A : memref<!tpu.dma_semaphore, #tpu.memory_space<semaphore_mem>>)
      %dma_wait3A_82 = arith.constant 0 : i32
      %dma_wait3A_83 = tpu.memref_slice %arg4[%add3A, %dma_wait3A_82] : memref<32x4096xf32, #tpu.memory_space<hbm>> -> memref<1x4096xf32, #tpu.memory_space<hbm>>
      %dma_wait3A_84 = tpu.memref_squeeze %dma_wait3A_83 : memref<1x4096xf32, #tpu.memory_space<hbm>> -> memref<4096xf32, #tpu.memory_space<hbm>>
      %dma_wait3A_85 = arith.constant 0 : i32
      %dma_wait3A_86 = tpu.memref_slice %arg4[%add3A, %dma_wait3A_85] : memref<32x4096xf32, #tpu.memory_space<hbm>> -> memref<1x4096xf32, #tpu.memory_space<hbm>>
      %dma_wait3A_87 = tpu.memref_squeeze %dma_wait3A_86 : memref<1x4096xf32, #tpu.memory_space<hbm>> -> memref<4096xf32, #tpu.memory_space<hbm>>
      tpu.wait_dma2 semaphore(%run_scoped3A : memref<!tpu.dma_semaphore, #tpu.memory_space<semaphore_mem>>) src(%arg7 : memref<4096xf32, #tpu.memory_space<vmem>>) dst(%dma_wait3A_87 : memref<4096xf32, #tpu.memory_space<hbm>>)
      tpu.yield
    }) : () -> ()
    "tpu.region"() ({
      %run_scoped3A = tpu.sem_alloc : memref<!tpu.dma_semaphore, #tpu.memory_space<semaphore_mem>>
      %dma_start3A_76 = arith.constant 0 : i32
      %dma_start3A_77 = tpu.memref_slice %arg5[%add3A, %dma_start3A_76] : memref<32x16xi32, #tpu.memory_space<hbm>> -> memref<1x16xi32, #tpu.memory_space<hbm>>
      %dma_start3A_78 = tpu.memref_squeeze %dma_start3A_77 : memref<1x16xi32, #tpu.memory_space<hbm>> -> memref<16xi32, #tpu.memory_space<hbm>>
      %dma_start3A_79 = arith.constant 0 : i32
      %dma_start3A_80 = tpu.memref_slice %arg5[%add3A, %dma_start3A_79] : memref<32x16xi32, #tpu.memory_space<hbm>> -> memref<1x16xi32, #tpu.memory_space<hbm>>
      %dma_start3A_81 = tpu.memref_squeeze %dma_start3A_80 : memref<1x16xi32, #tpu.memory_space<hbm>> -> memref<16xi32, #tpu.memory_space<hbm>>
      tpu.enqueue_dma source(%arg9 : memref<16xi32, #tpu.memory_space<vmem>>) target(%dma_start3A_81 : memref<16xi32, #tpu.memory_space<hbm>>) target_semaphore(%run_scoped3A : memref<!tpu.dma_semaphore, #tpu.memory_space<semaphore_mem>>)
      %dma_wait3A_82 = arith.constant 0 : i32
      %dma_wait3A_83 = tpu.memref_slice %arg5[%add3A, %dma_wait3A_82] : memref<32x16xi32, #tpu.memory_space<hbm>> -> memref<1x16xi32, #tpu.memory_space<hbm>>
      %dma_wait3A_84 = tpu.memref_squeeze %dma_wait3A_83 : memref<1x16xi32, #tpu.memory_space<hbm>> -> memref<16xi32, #tpu.memory_space<hbm>>
      %dma_wait3A_85 = arith.constant 0 : i32
      %dma_wait3A_86 = tpu.memref_slice %arg5[%add3A, %dma_wait3A_85] : memref<32x16xi32, #tpu.memory_space<hbm>> -> memref<1x16xi32, #tpu.memory_space<hbm>>
      %dma_wait3A_87 = tpu.memref_squeeze %dma_wait3A_86 : memref<1x16xi32, #tpu.memory_space<hbm>> -> memref<16xi32, #tpu.memory_space<hbm>>
      tpu.wait_dma2 semaphore(%run_scoped3A : memref<!tpu.dma_semaphore, #tpu.memory_space<semaphore_mem>>) src(%arg9 : memref<16xi32, #tpu.memory_space<vmem>>) dst(%dma_wait3A_87 : memref<16xi32, #tpu.memory_space<hbm>>)
      tpu.yield
    }) : () -> ()
    return
  }
}

#map = affine_map<(d0, d1) -> (0, 0)>
module attributes {stable_mosaic.version = 14 : i64} {
  func.func @octree_in_apply(%arg0: i32, %arg1: i32, %arg2: memref<320000x128xf32, #tpu.memory_space<hbm>>, %arg3: memref<32x4096xf32, #tpu.memory_space<hbm>>, %arg4: memref<32x16xi32, #tpu.memory_space<hbm>>, %arg5: memref<2x128xf32, #tpu.memory_space<hbm>>, %arg6: memref<320000x128xf32, #tpu.memory_space<hbm>>, %arg7: memref<32xi32, #tpu.memory_space<vmem>>, %arg8: memref<32xf32, #tpu.memory_space<vmem>>, %arg9: memref<32x256xf32, #tpu.memory_space<vmem>>, %arg10: memref<32x16xi32, #tpu.memory_space<vmem>>, %arg11: memref<2x128xf32, #tpu.memory_space<vmem>>, %arg12: memref<2048xf32, #tpu.memory_space<vmem>>, %arg13: memref<2048xf32, #tpu.memory_space<vmem>>, %arg14: memref<200x128xf32, #tpu.memory_space<vmem>>, %arg15: memref<200x128xf32, #tpu.memory_space<vmem>>, %arg16: memref<200x128xf32, #tpu.memory_space<vmem>>, %arg17: memref<200x128xf32, #tpu.memory_space<vmem>>, %arg18: memref<!tpu.dma_semaphore, #tpu.memory_space<semaphore_mem>>, %arg19: memref<!tpu.dma_semaphore, #tpu.memory_space<semaphore_mem>>, %arg20: memref<!tpu.dma_semaphore, #tpu.memory_space<semaphore_mem>>, %arg21: memref<!tpu.dma_semaphore, #tpu.memory_space<semaphore_mem>>, %arg22: memref<!tpu.dma_semaphore, #tpu.memory_space<semaphore_mem>>) attributes {dimension_semantics = [#tpu.dimension_semantics<core_parallel>, #tpu.dimension_semantics<subcore_parallel>], iteration_bounds = array<i64: 2, 16>, scalar_prefetch = 0 : i64, scratch_operands = 16 : i64, tpu.core_type = #tpu.core_type<sc_vector_subcore>, window_params = [{transform_indices = #map}, {transform_indices = #map}, {transform_indices = #map}, {transform_indices = #map}, {transform_indices = #map}]} {
    %mul3A = arith.constant 2 : i32
    %mul3A_0 = arith.muli %arg1, %mul3A : i32
    %add3A = arith.addi %mul3A_0, %arg0 : i32
    %mul3A_1 = arith.constant 10000 : i32
    %mul3A_2 = arith.muli %add3A, %mul3A_1 : i32
    %dma_start3A = arith.constant 0 : i32
    %dma_start3A_3 = tpu.memref_slice %arg2[%mul3A_2, %dma_start3A] : memref<320000x128xf32, #tpu.memory_space<hbm>> -> memref<200x128xf32, #tpu.memory_space<hbm>>
    %dma_start3A_4 = arith.constant 0 : i32
    %dma_start3A_5 = tpu.memref_slice %arg2[%mul3A_2, %dma_start3A_4] : memref<320000x128xf32, #tpu.memory_space<hbm>> -> memref<200x128xf32, #tpu.memory_space<hbm>>
    tpu.enqueue_dma source(%dma_start3A_5 : memref<200x128xf32, #tpu.memory_space<hbm>>) target(%arg14 : memref<200x128xf32, #tpu.memory_space<vmem>>) target_semaphore(%arg18 : memref<!tpu.dma_semaphore, #tpu.memory_space<semaphore_mem>>)
    %add3A_6 = arith.constant 200 : i32
    %add3A_7 = arith.addi %mul3A_2, %add3A_6 : i32
    %dma_start3A_8 = arith.constant 0 : i32
    %dma_start3A_9 = tpu.memref_slice %arg2[%add3A_7, %dma_start3A_8] : memref<320000x128xf32, #tpu.memory_space<hbm>> -> memref<200x128xf32, #tpu.memory_space<hbm>>
    %dma_start3A_10 = arith.constant 0 : i32
    %dma_start3A_11 = tpu.memref_slice %arg2[%add3A_7, %dma_start3A_10] : memref<320000x128xf32, #tpu.memory_space<hbm>> -> memref<200x128xf32, #tpu.memory_space<hbm>>
    tpu.enqueue_dma source(%dma_start3A_11 : memref<200x128xf32, #tpu.memory_space<hbm>>) target(%arg15 : memref<200x128xf32, #tpu.memory_space<vmem>>) target_semaphore(%arg19 : memref<!tpu.dma_semaphore, #tpu.memory_space<semaphore_mem>>)
    tpu.enqueue_dma source(%arg4 : memref<32x16xi32, #tpu.memory_space<hbm>>) target(%arg10 : memref<32x16xi32, #tpu.memory_space<vmem>>) target_semaphore(%arg22 : memref<!tpu.dma_semaphore, #tpu.memory_space<semaphore_mem>>)
    tpu.enqueue_dma source(%arg5 : memref<2x128xf32, #tpu.memory_space<hbm>>) target(%arg11 : memref<2x128xf32, #tpu.memory_space<vmem>>) target_semaphore(%arg22 : memref<!tpu.dma_semaphore, #tpu.memory_space<semaphore_mem>>)
    tpu.wait_dma2 semaphore(%arg22 : memref<!tpu.dma_semaphore, #tpu.memory_space<semaphore_mem>>) src(%arg4 : memref<32x16xi32, #tpu.memory_space<hbm>>) dst(%arg10 : memref<32x16xi32, #tpu.memory_space<vmem>>)
    tpu.wait_dma2 semaphore(%arg22 : memref<!tpu.dma_semaphore, #tpu.memory_space<semaphore_mem>>) src(%arg5 : memref<2x128xf32, #tpu.memory_space<hbm>>) dst(%arg11 : memref<2x128xf32, #tpu.memory_space<vmem>>)
    %broadcast_in_dim3A = arith.constant 0 : i32
    %broadcast_in_dim3A_12 = vector.broadcast %broadcast_in_dim3A : i32 to vector<16xi32>
    %get3A = arith.constant 0 : i32
    %get3A_13 = arith.index_cast %get3A : i32 to index
    %get3A_14 = arith.constant 0 : index
    %get3A_15 = tpu.vector_load %arg10[%get3A_13, %get3A_14] {strides = array<i32>} : memref<32x16xi32, #tpu.memory_space<vmem>>, vector<16xi32>,
    %add3A_16 = arith.addi %broadcast_in_dim3A_12, %get3A_15 : vector<16xi32>
    %get3A_17 = arith.constant 1 : i32
    %get3A_18 = arith.index_cast %get3A_17 : i32 to index
    %get3A_19 = arith.constant 0 : index
    %get3A_20 = tpu.vector_load %arg10[%get3A_18, %get3A_19] {strides = array<i32>} : memref<32x16xi32, #tpu.memory_space<vmem>>, vector<16xi32>,
    %add3A_21 = arith.addi %add3A_16, %get3A_20 : vector<16xi32>
    %get3A_22 = arith.constant 2 : i32
    %get3A_23 = arith.index_cast %get3A_22 : i32 to index
    %get3A_24 = arith.constant 0 : index
    %get3A_25 = tpu.vector_load %arg10[%get3A_23, %get3A_24] {strides = array<i32>} : memref<32x16xi32, #tpu.memory_space<vmem>>, vector<16xi32>,
    %add3A_26 = arith.addi %add3A_21, %get3A_25 : vector<16xi32>
    %get3A_27 = arith.constant 3 : i32
    %get3A_28 = arith.index_cast %get3A_27 : i32 to index
    %get3A_29 = arith.constant 0 : index
    %get3A_30 = tpu.vector_load %arg10[%get3A_28, %get3A_29] {strides = array<i32>} : memref<32x16xi32, #tpu.memory_space<vmem>>, vector<16xi32>,
    %add3A_31 = arith.addi %add3A_26, %get3A_30 : vector<16xi32>
    %get3A_32 = arith.constant 4 : i32
    %get3A_33 = arith.index_cast %get3A_32 : i32 to index
    %get3A_34 = arith.constant 0 : index
    %get3A_35 = tpu.vector_load %arg10[%get3A_33, %get3A_34] {strides = array<i32>} : memref<32x16xi32, #tpu.memory_space<vmem>>, vector<16xi32>,
    %add3A_36 = arith.addi %add3A_31, %get3A_35 : vector<16xi32>
    %get3A_37 = arith.constant 5 : i32
    %get3A_38 = arith.index_cast %get3A_37 : i32 to index
    %get3A_39 = arith.constant 0 : index
    %get3A_40 = tpu.vector_load %arg10[%get3A_38, %get3A_39] {strides = array<i32>} : memref<32x16xi32, #tpu.memory_space<vmem>>, vector<16xi32>,
    %add3A_41 = arith.addi %add3A_36, %get3A_40 : vector<16xi32>
    %get3A_42 = arith.constant 6 : i32
    %get3A_43 = arith.index_cast %get3A_42 : i32 to index
    %get3A_44 = arith.constant 0 : index
    %get3A_45 = tpu.vector_load %arg10[%get3A_43, %get3A_44] {strides = array<i32>} : memref<32x16xi32, #tpu.memory_space<vmem>>, vector<16xi32>,
    %add3A_46 = arith.addi %add3A_41, %get3A_45 : vector<16xi32>
    %get3A_47 = arith.constant 7 : i32
    %get3A_48 = arith.index_cast %get3A_47 : i32 to index
    %get3A_49 = arith.constant 0 : index
    %get3A_50 = tpu.vector_load %arg10[%get3A_48, %get3A_49] {strides = array<i32>} : memref<32x16xi32, #tpu.memory_space<vmem>>, vector<16xi32>,
    %add3A_51 = arith.addi %add3A_46, %get3A_50 : vector<16xi32>
    %get3A_52 = arith.constant 8 : i32
    %get3A_53 = arith.index_cast %get3A_52 : i32 to index
    %get3A_54 = arith.constant 0 : index
    %get3A_55 = tpu.vector_load %arg10[%get3A_53, %get3A_54] {strides = array<i32>} : memref<32x16xi32, #tpu.memory_space<vmem>>, vector<16xi32>,
    %add3A_56 = arith.addi %add3A_51, %get3A_55 : vector<16xi32>
    %get3A_57 = arith.constant 9 : i32
    %get3A_58 = arith.index_cast %get3A_57 : i32 to index
    %get3A_59 = arith.constant 0 : index
    %get3A_60 = tpu.vector_load %arg10[%get3A_58, %get3A_59] {strides = array<i32>} : memref<32x16xi32, #tpu.memory_space<vmem>>, vector<16xi32>,
    %add3A_61 = arith.addi %add3A_56, %get3A_60 : vector<16xi32>
    %get3A_62 = arith.constant 10 : i32
    %get3A_63 = arith.index_cast %get3A_62 : i32 to index
    %get3A_64 = arith.constant 0 : index
    %get3A_65 = tpu.vector_load %arg10[%get3A_63, %get3A_64] {strides = array<i32>} : memref<32x16xi32, #tpu.memory_space<vmem>>, vector<16xi32>,
    %add3A_66 = arith.addi %add3A_61, %get3A_65 : vector<16xi32>
    %get3A_67 = arith.constant 11 : i32
    %get3A_68 = arith.index_cast %get3A_67 : i32 to index
    %get3A_69 = arith.constant 0 : index
    %get3A_70 = tpu.vector_load %arg10[%get3A_68, %get3A_69] {strides = array<i32>} : memref<32x16xi32, #tpu.memory_space<vmem>>, vector<16xi32>,
    %add3A_71 = arith.addi %add3A_66, %get3A_70 : vector<16xi32>
    %get3A_72 = arith.constant 12 : i32
    %get3A_73 = arith.index_cast %get3A_72 : i32 to index
    %get3A_74 = arith.constant 0 : index
    %get3A_75 = tpu.vector_load %arg10[%get3A_73, %get3A_74] {strides = array<i32>} : memref<32x16xi32, #tpu.memory_space<vmem>>, vector<16xi32>,
    %add3A_76 = arith.addi %add3A_71, %get3A_75 : vector<16xi32>
    %get3A_77 = arith.constant 13 : i32
    %get3A_78 = arith.index_cast %get3A_77 : i32 to index
    %get3A_79 = arith.constant 0 : index
    %get3A_80 = tpu.vector_load %arg10[%get3A_78, %get3A_79] {strides = array<i32>} : memref<32x16xi32, #tpu.memory_space<vmem>>, vector<16xi32>,
    %add3A_81 = arith.addi %add3A_76, %get3A_80 : vector<16xi32>
    %get3A_82 = arith.constant 14 : i32
    %get3A_83 = arith.index_cast %get3A_82 : i32 to index
    %get3A_84 = arith.constant 0 : index
    %get3A_85 = tpu.vector_load %arg10[%get3A_83, %get3A_84] {strides = array<i32>} : memref<32x16xi32, #tpu.memory_space<vmem>>, vector<16xi32>,
    %add3A_86 = arith.addi %add3A_81, %get3A_85 : vector<16xi32>
    %get3A_87 = arith.constant 15 : i32
    %get3A_88 = arith.index_cast %get3A_87 : i32 to index
    %get3A_89 = arith.constant 0 : index
    %get3A_90 = tpu.vector_load %arg10[%get3A_88, %get3A_89] {strides = array<i32>} : memref<32x16xi32, #tpu.memory_space<vmem>>, vector<16xi32>,
    %add3A_91 = arith.addi %add3A_86, %get3A_90 : vector<16xi32>
    %get3A_92 = arith.constant 16 : i32
    %get3A_93 = arith.index_cast %get3A_92 : i32 to index
    %get3A_94 = arith.constant 0 : index
    %get3A_95 = tpu.vector_load %arg10[%get3A_93, %get3A_94] {strides = array<i32>} : memref<32x16xi32, #tpu.memory_space<vmem>>, vector<16xi32>,
    %add3A_96 = arith.addi %add3A_91, %get3A_95 : vector<16xi32>
    %get3A_97 = arith.constant 17 : i32
    %get3A_98 = arith.index_cast %get3A_97 : i32 to index
    %get3A_99 = arith.constant 0 : index
    %get3A_100 = tpu.vector_load %arg10[%get3A_98, %get3A_99] {strides = array<i32>} : memref<32x16xi32, #tpu.memory_space<vmem>>, vector<16xi32>,
    %add3A_101 = arith.addi %add3A_96, %get3A_100 : vector<16xi32>
    %get3A_102 = arith.constant 18 : i32
    %get3A_103 = arith.index_cast %get3A_102 : i32 to index
    %get3A_104 = arith.constant 0 : index
    %get3A_105 = tpu.vector_load %arg10[%get3A_103, %get3A_104] {strides = array<i32>} : memref<32x16xi32, #tpu.memory_space<vmem>>, vector<16xi32>,
    %add3A_106 = arith.addi %add3A_101, %get3A_105 : vector<16xi32>
    %get3A_107 = arith.constant 19 : i32
    %get3A_108 = arith.index_cast %get3A_107 : i32 to index
    %get3A_109 = arith.constant 0 : index
    %get3A_110 = tpu.vector_load %arg10[%get3A_108, %get3A_109] {strides = array<i32>} : memref<32x16xi32, #tpu.memory_space<vmem>>, vector<16xi32>,
    %add3A_111 = arith.addi %add3A_106, %get3A_110 : vector<16xi32>
    %get3A_112 = arith.constant 20 : i32
    %get3A_113 = arith.index_cast %get3A_112 : i32 to index
    %get3A_114 = arith.constant 0 : index
    %get3A_115 = tpu.vector_load %arg10[%get3A_113, %get3A_114] {strides = array<i32>} : memref<32x16xi32, #tpu.memory_space<vmem>>, vector<16xi32>,
    %add3A_116 = arith.addi %add3A_111, %get3A_115 : vector<16xi32>
    %get3A_117 = arith.constant 21 : i32
    %get3A_118 = arith.index_cast %get3A_117 : i32 to index
    %get3A_119 = arith.constant 0 : index
    %get3A_120 = tpu.vector_load %arg10[%get3A_118, %get3A_119] {strides = array<i32>} : memref<32x16xi32, #tpu.memory_space<vmem>>, vector<16xi32>,
    %add3A_121 = arith.addi %add3A_116, %get3A_120 : vector<16xi32>
    %get3A_122 = arith.constant 22 : i32
    %get3A_123 = arith.index_cast %get3A_122 : i32 to index
    %get3A_124 = arith.constant 0 : index
    %get3A_125 = tpu.vector_load %arg10[%get3A_123, %get3A_124] {strides = array<i32>} : memref<32x16xi32, #tpu.memory_space<vmem>>, vector<16xi32>,
    %add3A_126 = arith.addi %add3A_121, %get3A_125 : vector<16xi32>
    %get3A_127 = arith.constant 23 : i32
    %get3A_128 = arith.index_cast %get3A_127 : i32 to index
    %get3A_129 = arith.constant 0 : index
    %get3A_130 = tpu.vector_load %arg10[%get3A_128, %get3A_129] {strides = array<i32>} : memref<32x16xi32, #tpu.memory_space<vmem>>, vector<16xi32>,
    %add3A_131 = arith.addi %add3A_126, %get3A_130 : vector<16xi32>
    %get3A_132 = arith.constant 24 : i32
    %get3A_133 = arith.index_cast %get3A_132 : i32 to index
    %get3A_134 = arith.constant 0 : index
    %get3A_135 = tpu.vector_load %arg10[%get3A_133, %get3A_134] {strides = array<i32>} : memref<32x16xi32, #tpu.memory_space<vmem>>, vector<16xi32>,
    %add3A_136 = arith.addi %add3A_131, %get3A_135 : vector<16xi32>
    %get3A_137 = arith.constant 25 : i32
    %get3A_138 = arith.index_cast %get3A_137 : i32 to index
    %get3A_139 = arith.constant 0 : index
    %get3A_140 = tpu.vector_load %arg10[%get3A_138, %get3A_139] {strides = array<i32>} : memref<32x16xi32, #tpu.memory_space<vmem>>, vector<16xi32>,
    %add3A_141 = arith.addi %add3A_136, %get3A_140 : vector<16xi32>
    %get3A_142 = arith.constant 26 : i32
    %get3A_143 = arith.index_cast %get3A_142 : i32 to index
    %get3A_144 = arith.constant 0 : index
    %get3A_145 = tpu.vector_load %arg10[%get3A_143, %get3A_144] {strides = array<i32>} : memref<32x16xi32, #tpu.memory_space<vmem>>, vector<16xi32>,
    %add3A_146 = arith.addi %add3A_141, %get3A_145 : vector<16xi32>
    %get3A_147 = arith.constant 27 : i32
    %get3A_148 = arith.index_cast %get3A_147 : i32 to index
    %get3A_149 = arith.constant 0 : index
    %get3A_150 = tpu.vector_load %arg10[%get3A_148, %get3A_149] {strides = array<i32>} : memref<32x16xi32, #tpu.memory_space<vmem>>, vector<16xi32>,
    %add3A_151 = arith.addi %add3A_146, %get3A_150 : vector<16xi32>
    %get3A_152 = arith.constant 28 : i32
    %get3A_153 = arith.index_cast %get3A_152 : i32 to index
    %get3A_154 = arith.constant 0 : index
    %get3A_155 = tpu.vector_load %arg10[%get3A_153, %get3A_154] {strides = array<i32>} : memref<32x16xi32, #tpu.memory_space<vmem>>, vector<16xi32>,
    %add3A_156 = arith.addi %add3A_151, %get3A_155 : vector<16xi32>
    %get3A_157 = arith.constant 29 : i32
    %get3A_158 = arith.index_cast %get3A_157 : i32 to index
    %get3A_159 = arith.constant 0 : index
    %get3A_160 = tpu.vector_load %arg10[%get3A_158, %get3A_159] {strides = array<i32>} : memref<32x16xi32, #tpu.memory_space<vmem>>, vector<16xi32>,
    %add3A_161 = arith.addi %add3A_156, %get3A_160 : vector<16xi32>
    %get3A_162 = arith.constant 30 : i32
    %get3A_163 = arith.index_cast %get3A_162 : i32 to index
    %get3A_164 = arith.constant 0 : index
    %get3A_165 = tpu.vector_load %arg10[%get3A_163, %get3A_164] {strides = array<i32>} : memref<32x16xi32, #tpu.memory_space<vmem>>, vector<16xi32>,
    %add3A_166 = arith.addi %add3A_161, %get3A_165 : vector<16xi32>
    %get3A_167 = arith.constant 31 : i32
    %get3A_168 = arith.index_cast %get3A_167 : i32 to index
    %get3A_169 = arith.constant 0 : index
    %get3A_170 = tpu.vector_load %arg10[%get3A_168, %get3A_169] {strides = array<i32>} : memref<32x16xi32, #tpu.memory_space<vmem>>, vector<16xi32>,
    %add3A_171 = arith.addi %add3A_166, %get3A_170 : vector<16xi32>
    %get3A_172 = arith.index_cast %add3A : i32 to index
    %get3A_173 = arith.constant 0 : index
    %get3A_174 = tpu.vector_load %arg10[%get3A_172, %get3A_173] {strides = array<i32>} : memref<32x16xi32, #tpu.memory_space<vmem>>, vector<16xi32>,
    %broadcast_in_dim3A_175 = arith.constant true
    %broadcast_in_dim3A_176 = vector.broadcast %broadcast_in_dim3A_175 : i1 to vector<16xi1>
    %masked_cumsum3A = tpu.scan <sum>, %get3A_174 masked %broadcast_in_dim3A_176 : vector<16xi32>, vector<16xi1> -> vector<16xi32>
    %sub3A = arith.subi %masked_cumsum3A, %get3A_174 : vector<16xi32>
    %swap3A = arith.constant 0 : index
    %swap3A_177 = tpu.vector_load %arg7[%swap3A] {strides = array<i32>} : memref<32xi32, #tpu.memory_space<vmem>>, vector<16xi32>,
    tpu.vector_store %arg7[%swap3A], %sub3A {strides = array<i32>} : memref<32xi32, #tpu.memory_space<vmem>>, vector<16xi32>,
    %broadcast_in_dim3A_178 = arith.constant 10000 : i32
    %broadcast_in_dim3A_179 = vector.broadcast %broadcast_in_dim3A_178 : i32 to vector<16xi32>
    %swap3A_180 = arith.constant 16 : index
    %swap3A_181 = tpu.vector_load %arg7[%swap3A_180] {strides = array<i32>} : memref<32xi32, #tpu.memory_space<vmem>>, vector<16xi32>,
    tpu.vector_store %arg7[%swap3A_180], %broadcast_in_dim3A_179 {strides = array<i32>} : memref<32xi32, #tpu.memory_space<vmem>>, vector<16xi32>,
    %convert_element_type3A = arith.sitofp %add3A_171 : vector<16xi32> to vector<16xf32>
    %swap3A_182 = arith.constant 0 : index
    %swap3A_183 = tpu.vector_load %arg8[%swap3A_182] {strides = array<i32>} : memref<32xf32, #tpu.memory_space<vmem>>, vector<16xf32>,
    tpu.vector_store %arg8[%swap3A_182], %convert_element_type3A {strides = array<i32>} : memref<32xf32, #tpu.memory_space<vmem>>, vector<16xf32>,
    %broadcast_in_dim3A_184 = arith.constant 1.000000e+00 : f32
    %broadcast_in_dim3A_185 = vector.broadcast %broadcast_in_dim3A_184 : f32 to vector<16xf32>
    %swap3A_186 = arith.constant 16 : index
    %swap3A_187 = tpu.vector_load %arg8[%swap3A_186] {strides = array<i32>} : memref<32xf32, #tpu.memory_space<vmem>>, vector<16xf32>,
    tpu.vector_store %arg8[%swap3A_186], %broadcast_in_dim3A_185 {strides = array<i32>} : memref<32xf32, #tpu.memory_space<vmem>>, vector<16xf32>,
    %le3A = arith.constant 0 : i32
    %le3A_188 = vector.broadcast %le3A : i32 to vector<16xi32>
    %le3A_189 = arith.cmpi sle, %sub3A, %le3A_188 : vector<16xi32>
    %convert_element_type3A_190 = arith.extui %le3A_189 : vector<16xi1> to vector<16xi32>
    %reduce_sum3A = arith.constant true
    %reduce_sum3A_191 = vector.broadcast %reduce_sum3A : i1 to vector<16xi1>
    %reduce_sum3A_192 = tpu.scan <sum>, %convert_element_type3A_190 masked %reduce_sum3A_191 : vector<16xi32>, vector<16xi1> -> vector<16xi32>
    %reduce_sum3A_193 = vector.extract %reduce_sum3A_192[15] : i32 from vector<16xi32>
    %sub3A_194 = arith.constant 1 : i32
    %sub3A_195 = arith.subi %reduce_sum3A_193, %sub3A_194 : i32
    %le3A_196 = arith.constant 9999 : i32
    %le3A_197 = vector.broadcast %le3A_196 : i32 to vector<16xi32>
    %le3A_198 = arith.cmpi sle, %sub3A, %le3A_197 : vector<16xi32>
    %convert_element_type3A_199 = arith.extui %le3A_198 : vector<16xi1> to vector<16xi32>
    %reduce_sum3A_200 = arith.constant true
    %reduce_sum3A_201 = vector.broadcast %reduce_sum3A_200 : i1 to vector<16xi1>
    %reduce_sum3A_202 = tpu.scan <sum>, %convert_element_type3A_199 masked %reduce_sum3A_201 : vector<16xi32>, vector<16xi1> -> vector<16xi32>
    %reduce_sum3A_203 = vector.extract %reduce_sum3A_202[15] : i32 from vector<16xi32>
    %sub3A_204 = arith.constant 1 : i32
    %sub3A_205 = arith.subi %reduce_sum3A_203, %sub3A_204 : i32
    %add3A_206 = arith.constant 1 : i32
    %add3A_207 = arith.addi %sub3A_205, %add3A_206 : i32
    %while3A = arith.constant 0 : i32
    %while3A_208 = arith.subi %add3A_207, %sub3A_195 : i32
    %while3A_209 = arith.addi %sub3A_195, %while3A_208 : i32
    %while3A_210 = arith.constant 1 : i32
    %while3A_211 = arith.divsi %while3A_208, %while3A_210 : i32
    %while3A_212 = arith.muli %while3A_211, %while3A_210 : i32
    %while3A_213 = arith.addi %sub3A_195, %while3A_212 : i32
    %while3A_214 = arith.constant 1 : i32
    scf.for %while3A_232 = %sub3A_195 to %while3A_213 step %while3A_214  : i32 {
      %mul3A_233 = arith.constant 2 : i32
      %mul3A_234 = arith.muli %while3A_232, %mul3A_233 : i32
      %mul3A_235 = arith.constant 128 : i32
      %mul3A_236 = arith.muli %mul3A_234, %mul3A_235 : i32
      "tpu.region"() ({
        %run_scoped3A = tpu.sem_alloc : memref<!tpu.dma_semaphore, #tpu.memory_space<semaphore_mem>>
        %dma_start3A_857 = arith.constant 0 : i32
        %dma_start3A_858 = tpu.memref_slice %arg3[%dma_start3A_857, %mul3A_236] : memref<32x4096xf32, #tpu.memory_space<hbm>> -> memref<32x256xf32, #tpu.memory_space<hbm>>
        %dma_start3A_859 = arith.constant 0 : i32
        %dma_start3A_860 = tpu.memref_slice %arg3[%dma_start3A_859, %mul3A_236] : memref<32x4096xf32, #tpu.memory_space<hbm>> -> memref<32x256xf32, #tpu.memory_space<hbm>>
        tpu.enqueue_dma source(%dma_start3A_860 : memref<32x256xf32, #tpu.memory_space<hbm>>) target(%arg9 : memref<32x256xf32, #tpu.memory_space<vmem>>) target_semaphore(%run_scoped3A : memref<!tpu.dma_semaphore, #tpu.memory_space<semaphore_mem>>)
        %dma_wait3A_861 = arith.constant 0 : i32
        %dma_wait3A_862 = tpu.memref_slice %arg3[%dma_wait3A_861, %mul3A_236] : memref<32x4096xf32, #tpu.memory_space<hbm>> -> memref<32x256xf32, #tpu.memory_space<hbm>>
        %dma_wait3A_863 = arith.constant 0 : i32
        %dma_wait3A_864 = tpu.memref_slice %arg3[%dma_wait3A_863, %mul3A_236] : memref<32x4096xf32, #tpu.memory_space<hbm>> -> memref<32x256xf32, #tpu.memory_space<hbm>>
        tpu.wait_dma2 semaphore(%run_scoped3A : memref<!tpu.dma_semaphore, #tpu.memory_space<semaphore_mem>>) src(%dma_wait3A_864 : memref<32x256xf32, #tpu.memory_space<hbm>>) dst(%arg9 : memref<32x256xf32, #tpu.memory_space<vmem>>)
        tpu.yield
      }) : () -> ()
      %broadcast_in_dim3A_237 = arith.constant 0.000000e+00 : f32
      %broadcast_in_dim3A_238 = vector.broadcast %broadcast_in_dim3A_237 : f32 to vector<16xf32>
      %broadcast_in_dim3A_239 = arith.constant 0.000000e+00 : f32
      %broadcast_in_dim3A_240 = vector.broadcast %broadcast_in_dim3A_239 : f32 to vector<16xf32>
      %broadcast_in_dim3A_241 = arith.constant 0.000000e+00 : f32
      %broadcast_in_dim3A_242 = vector.broadcast %broadcast_in_dim3A_241 : f32 to vector<16xf32>
      %broadcast_in_dim3A_243 = arith.constant 0.000000e+00 : f32
      %broadcast_in_dim3A_244 = vector.broadcast %broadcast_in_dim3A_243 : f32 to vector<16xf32>
      %broadcast_in_dim3A_245 = arith.constant 0.000000e+00 : f32
      %broadcast_in_dim3A_246 = vector.broadcast %broadcast_in_dim3A_245 : f32 to vector<16xf32>
      %broadcast_in_dim3A_247 = arith.constant 0.000000e+00 : f32
      %broadcast_in_dim3A_248 = vector.broadcast %broadcast_in_dim3A_247 : f32 to vector<16xf32>
      %broadcast_in_dim3A_249 = arith.constant 0.000000e+00 : f32
      %broadcast_in_dim3A_250 = vector.broadcast %broadcast_in_dim3A_249 : f32 to vector<16xf32>
      %broadcast_in_dim3A_251 = arith.constant 0.000000e+00 : f32
      %broadcast_in_dim3A_252 = vector.broadcast %broadcast_in_dim3A_251 : f32 to vector<16xf32>
      %broadcast_in_dim3A_253 = arith.constant 0.000000e+00 : f32
      %broadcast_in_dim3A_254 = vector.broadcast %broadcast_in_dim3A_253 : f32 to vector<16xf32>
      %broadcast_in_dim3A_255 = arith.constant 0.000000e+00 : f32
      %broadcast_in_dim3A_256 = vector.broadcast %broadcast_in_dim3A_255 : f32 to vector<16xf32>
      %broadcast_in_dim3A_257 = arith.constant 0.000000e+00 : f32
      %broadcast_in_dim3A_258 = vector.broadcast %broadcast_in_dim3A_257 : f32 to vector<16xf32>
      %broadcast_in_dim3A_259 = arith.constant 0.000000e+00 : f32
      %broadcast_in_dim3A_260 = vector.broadcast %broadcast_in_dim3A_259 : f32 to vector<16xf32>
      %broadcast_in_dim3A_261 = arith.constant 0.000000e+00 : f32
      %broadcast_in_dim3A_262 = vector.broadcast %broadcast_in_dim3A_261 : f32 to vector<16xf32>
      %broadcast_in_dim3A_263 = arith.constant 0.000000e+00 : f32
      %broadcast_in_dim3A_264 = vector.broadcast %broadcast_in_dim3A_263 : f32 to vector<16xf32>
      %broadcast_in_dim3A_265 = arith.constant 0.000000e+00 : f32
      %broadcast_in_dim3A_266 = vector.broadcast %broadcast_in_dim3A_265 : f32 to vector<16xf32>
      %broadcast_in_dim3A_267 = arith.constant 0.000000e+00 : f32
      %broadcast_in_dim3A_268 = vector.broadcast %broadcast_in_dim3A_267 : f32 to vector<16xf32>
      %scan3A_269 = arith.constant 0 : i32
      %scan3A_270 = arith.constant 32 : i32
      %scan3A_271 = arith.addi %scan3A_269, %scan3A_270 : i32
      %scan3A_272 = arith.constant 1 : i32
      %scan3A_273:16 = scf.for %scan3A_857 = %scan3A_269 to %scan3A_271 step %scan3A_272 iter_args(%scan3A_858 = %broadcast_in_dim3A_238, %scan3A_859 = %broadcast_in_dim3A_240, %scan3A_860 = %broadcast_in_dim3A_242, %scan3A_861 = %broadcast_in_dim3A_244, %scan3A_862 = %broadcast_in_dim3A_246, %scan3A_863 = %broadcast_in_dim3A_248, %scan3A_864 = %broadcast_in_dim3A_250, %scan3A_865 = %broadcast_in_dim3A_252, %scan3A_866 = %broadcast_in_dim3A_254, %scan3A_867 = %broadcast_in_dim3A_256, %scan3A_868 = %broadcast_in_dim3A_258, %scan3A_869 = %broadcast_in_dim3A_260, %scan3A_870 = %broadcast_in_dim3A_262, %scan3A_871 = %broadcast_in_dim3A_264, %scan3A_872 = %broadcast_in_dim3A_266, %scan3A_873 = %broadcast_in_dim3A_268) -> (vector<16xf32>, vector<16xf32>, vector<16xf32>, vector<16xf32>, vector<16xf32>, vector<16xf32>, vector<16xf32>, vector<16xf32>, vector<16xf32>, vector<16xf32>, vector<16xf32>, vector<16xf32>, vector<16xf32>, vector<16xf32>, vector<16xf32>, vector<16xf32>)  : i32 {
        %get3A_874 = arith.index_cast %scan3A_857 : i32 to index
        %get3A_875 = arith.constant 0 : index
        %get3A_876 = tpu.vector_load %arg9[%get3A_874, %get3A_875] {strides = array<i32>} : memref<32x256xf32, #tpu.memory_space<vmem>>, vector<16xf32>,
        %add3A_877 = arith.addf %scan3A_858, %get3A_876 : vector<16xf32>
        %get3A_878 = arith.index_cast %scan3A_857 : i32 to index
        %get3A_879 = arith.constant 16 : index
        %get3A_880 = tpu.vector_load %arg9[%get3A_878, %get3A_879] {strides = array<i32>} : memref<32x256xf32, #tpu.memory_space<vmem>>, vector<16xf32>,
        %add3A_881 = arith.addf %scan3A_859, %get3A_880 : vector<16xf32>
        %get3A_882 = arith.index_cast %scan3A_857 : i32 to index
        %get3A_883 = arith.constant 32 : index
        %get3A_884 = tpu.vector_load %arg9[%get3A_882, %get3A_883] {strides = array<i32>} : memref<32x256xf32, #tpu.memory_space<vmem>>, vector<16xf32>,
        %add3A_885 = arith.addf %scan3A_860, %get3A_884 : vector<16xf32>
        %get3A_886 = arith.index_cast %scan3A_857 : i32 to index
        %get3A_887 = arith.constant 48 : index
        %get3A_888 = tpu.vector_load %arg9[%get3A_886, %get3A_887] {strides = array<i32>} : memref<32x256xf32, #tpu.memory_space<vmem>>, vector<16xf32>,
        %add3A_889 = arith.addf %scan3A_861, %get3A_888 : vector<16xf32>
        %get3A_890 = arith.index_cast %scan3A_857 : i32 to index
        %get3A_891 = arith.constant 64 : index
        %get3A_892 = tpu.vector_load %arg9[%get3A_890, %get3A_891] {strides = array<i32>} : memref<32x256xf32, #tpu.memory_space<vmem>>, vector<16xf32>,
        %add3A_893 = arith.addf %scan3A_862, %get3A_892 : vector<16xf32>
        %get3A_894 = arith.index_cast %scan3A_857 : i32 to index
        %get3A_895 = arith.constant 80 : index
        %get3A_896 = tpu.vector_load %arg9[%get3A_894, %get3A_895] {strides = array<i32>} : memref<32x256xf32, #tpu.memory_space<vmem>>, vector<16xf32>,
        %add3A_897 = arith.addf %scan3A_863, %get3A_896 : vector<16xf32>
        %get3A_898 = arith.index_cast %scan3A_857 : i32 to index
        %get3A_899 = arith.constant 96 : index
        %get3A_900 = tpu.vector_load %arg9[%get3A_898, %get3A_899] {strides = array<i32>} : memref<32x256xf32, #tpu.memory_space<vmem>>, vector<16xf32>,
        %add3A_901 = arith.addf %scan3A_864, %get3A_900 : vector<16xf32>
        %get3A_902 = arith.index_cast %scan3A_857 : i32 to index
        %get3A_903 = arith.constant 112 : index
        %get3A_904 = tpu.vector_load %arg9[%get3A_902, %get3A_903] {strides = array<i32>} : memref<32x256xf32, #tpu.memory_space<vmem>>, vector<16xf32>,
        %add3A_905 = arith.addf %scan3A_865, %get3A_904 : vector<16xf32>
        %get3A_906 = arith.index_cast %scan3A_857 : i32 to index
        %get3A_907 = arith.constant 128 : index
        %get3A_908 = tpu.vector_load %arg9[%get3A_906, %get3A_907] {strides = array<i32>} : memref<32x256xf32, #tpu.memory_space<vmem>>, vector<16xf32>,
        %add3A_909 = arith.addf %scan3A_866, %get3A_908 : vector<16xf32>
        %get3A_910 = arith.index_cast %scan3A_857 : i32 to index
        %get3A_911 = arith.constant 144 : index
        %get3A_912 = tpu.vector_load %arg9[%get3A_910, %get3A_911] {strides = array<i32>} : memref<32x256xf32, #tpu.memory_space<vmem>>, vector<16xf32>,
        %add3A_913 = arith.addf %scan3A_867, %get3A_912 : vector<16xf32>
        %get3A_914 = arith.index_cast %scan3A_857 : i32 to index
        %get3A_915 = arith.constant 160 : index
        %get3A_916 = tpu.vector_load %arg9[%get3A_914, %get3A_915] {strides = array<i32>} : memref<32x256xf32, #tpu.memory_space<vmem>>, vector<16xf32>,
        %add3A_917 = arith.addf %scan3A_868, %get3A_916 : vector<16xf32>
        %get3A_918 = arith.index_cast %scan3A_857 : i32 to index
        %get3A_919 = arith.constant 176 : index
        %get3A_920 = tpu.vector_load %arg9[%get3A_918, %get3A_919] {strides = array<i32>} : memref<32x256xf32, #tpu.memory_space<vmem>>, vector<16xf32>,
        %add3A_921 = arith.addf %scan3A_869, %get3A_920 : vector<16xf32>
        %get3A_922 = arith.index_cast %scan3A_857 : i32 to index
        %get3A_923 = arith.constant 192 : index
        %get3A_924 = tpu.vector_load %arg9[%get3A_922, %get3A_923] {strides = array<i32>} : memref<32x256xf32, #tpu.memory_space<vmem>>, vector<16xf32>,
        %add3A_925 = arith.addf %scan3A_870, %get3A_924 : vector<16xf32>
        %get3A_926 = arith.index_cast %scan3A_857 : i32 to index
        %get3A_927 = arith.constant 208 : index
        %get3A_928 = tpu.vector_load %arg9[%get3A_926, %get3A_927] {strides = array<i32>} : memref<32x256xf32, #tpu.memory_space<vmem>>, vector<16xf32>,
        %add3A_929 = arith.addf %scan3A_871, %get3A_928 : vector<16xf32>
        %get3A_930 = arith.index_cast %scan3A_857 : i32 to index
        %get3A_931 = arith.constant 224 : index
        %get3A_932 = tpu.vector_load %arg9[%get3A_930, %get3A_931] {strides = array<i32>} : memref<32x256xf32, #tpu.memory_space<vmem>>, vector<16xf32>,
        %add3A_933 = arith.addf %scan3A_872, %get3A_932 : vector<16xf32>
        %get3A_934 = arith.index_cast %scan3A_857 : i32 to index
        %get3A_935 = arith.constant 240 : index
        %get3A_936 = tpu.vector_load %arg9[%get3A_934, %get3A_935] {strides = array<i32>} : memref<32x256xf32, #tpu.memory_space<vmem>>, vector<16xf32>,
        %add3A_937 = arith.addf %scan3A_873, %get3A_936 : vector<16xf32>
        scf.yield %add3A_877, %add3A_881, %add3A_885, %add3A_889, %add3A_893, %add3A_897, %add3A_901, %add3A_905, %add3A_909, %add3A_913, %add3A_917, %add3A_921, %add3A_925, %add3A_929, %add3A_933, %add3A_937 : vector<16xf32>, vector<16xf32>, vector<16xf32>, vector<16xf32>, vector<16xf32>, vector<16xf32>, vector<16xf32>, vector<16xf32>, vector<16xf32>, vector<16xf32>, vector<16xf32>, vector<16xf32>, vector<16xf32>, vector<16xf32>, vector<16xf32>, vector<16xf32>
      }
      %scan3A_274 = arith.constant 32 : i32
      %get3A_275 = arith.index_cast %while3A_232 : i32 to index
      %get3A_276 = tpu.vector_load %arg8[%get3A_275] {strides = array<i32>} : memref<32xf32, #tpu.memory_space<vmem>>, vector<16xf32>,
      %slice3A = vector.extract_strided_slice %get3A_276 {offsets = [0], sizes = [1], strides = [1]} : vector<16xf32> to vector<1xf32>
      %squeeze3A = vector.extract %slice3A[0] : f32 from vector<1xf32>
      %broadcast_in_dim3A_277 = vector.broadcast %squeeze3A : f32 to vector<16xf32>
      %add3A_278 = arith.constant 9.99999974E-6 : f32
      %add3A_279 = vector.broadcast %add3A_278 : f32 to vector<16xf32>
      %add3A_280 = arith.addf %broadcast_in_dim3A_277, %add3A_279 : vector<16xf32>
      %div3A = arith.constant 1.000000e+00 : f32
      %div3A_281 = vector.broadcast %div3A : f32 to vector<16xf32>
      %div3A_282 = arith.divf %div3A_281, %add3A_280 : vector<16xf32>
      %mul3A_283 = arith.mulf %scan3A_273#0, %div3A_282 : vector<16xf32>
      %mul3A_284 = arith.mulf %div3A_282, %scan3A_273#8 : vector<16xf32>
      %mul3A_285 = arith.mulf %div3A_282, %div3A_282 : vector<16xf32>
      %mul3A_286 = arith.mulf %scan3A_273#0, %scan3A_273#0 : vector<16xf32>
      %mul3A_287 = arith.mulf %mul3A_285, %mul3A_286 : vector<16xf32>
      %mul3A_288 = arith.mulf %broadcast_in_dim3A_277, %div3A_282 : vector<16xf32>
      %sub3A_289 = arith.constant 2.000000e+00 : f32
      %sub3A_290 = vector.broadcast %sub3A_289 : f32 to vector<16xf32>
      %sub3A_291 = arith.subf %sub3A_290, %mul3A_288 : vector<16xf32>
      %mul3A_292 = arith.mulf %mul3A_287, %sub3A_291 : vector<16xf32>
      %sub3A_293 = arith.subf %mul3A_284, %mul3A_292 : vector<16xf32>
      %add3A_294 = arith.constant 9.99999974E-6 : f32
      %add3A_295 = vector.broadcast %add3A_294 : f32 to vector<16xf32>
      %add3A_296 = arith.addf %sub3A_293, %add3A_295 : vector<16xf32>
      %bitcast3A = vector.bitcast %add3A_296 : vector<16xf32> to vector<16xi32>
      %shift_right_arithmetic3A = arith.constant 1 : i32
      %shift_right_arithmetic3A_297 = vector.broadcast %shift_right_arithmetic3A : i32 to vector<16xi32>
      %shift_right_arithmetic3A_298 = arith.shrsi %bitcast3A, %shift_right_arithmetic3A_297 : vector<16xi32>
      %sub3A_299 = arith.constant 1597463007 : i32
      %sub3A_300 = vector.broadcast %sub3A_299 : i32 to vector<16xi32>
      %sub3A_301 = arith.subi %sub3A_300, %shift_right_arithmetic3A_298 : vector<16xi32>
      %bitcast3A_302 = vector.bitcast %sub3A_301 : vector<16xi32> to vector<16xf32>
      %mul3A_303 = arith.constant 5.000000e-01 : f32
      %mul3A_304 = vector.broadcast %mul3A_303 : f32 to vector<16xf32>
      %mul3A_305 = arith.mulf %mul3A_304, %add3A_296 : vector<16xf32>
      %mul3A_306 = arith.mulf %mul3A_305, %bitcast3A_302 : vector<16xf32>
      %mul3A_307 = arith.mulf %mul3A_306, %bitcast3A_302 : vector<16xf32>
      %sub3A_308 = arith.constant 1.500000e+00 : f32
      %sub3A_309 = vector.broadcast %sub3A_308 : f32 to vector<16xf32>
      %sub3A_310 = arith.subf %sub3A_309, %mul3A_307 : vector<16xf32>
      %mul3A_311 = arith.mulf %bitcast3A_302, %sub3A_310 : vector<16xf32>
      %mul3A_312 = arith.constant 5.000000e-01 : f32
      %mul3A_313 = vector.broadcast %mul3A_312 : f32 to vector<16xf32>
      %mul3A_314 = arith.mulf %mul3A_313, %add3A_296 : vector<16xf32>
      %mul3A_315 = arith.mulf %mul3A_314, %mul3A_311 : vector<16xf32>
      %mul3A_316 = arith.mulf %mul3A_315, %mul3A_311 : vector<16xf32>
      %sub3A_317 = arith.constant 1.500000e+00 : f32
      %sub3A_318 = vector.broadcast %sub3A_317 : f32 to vector<16xf32>
      %sub3A_319 = arith.subf %sub3A_318, %mul3A_316 : vector<16xf32>
      %mul3A_320 = arith.mulf %mul3A_311, %sub3A_319 : vector<16xf32>
      %mul3A_321 = arith.constant 5.000000e-01 : f32
      %mul3A_322 = vector.broadcast %mul3A_321 : f32 to vector<16xf32>
      %mul3A_323 = arith.mulf %mul3A_322, %add3A_296 : vector<16xf32>
      %mul3A_324 = arith.mulf %mul3A_323, %mul3A_320 : vector<16xf32>
      %mul3A_325 = arith.mulf %mul3A_324, %mul3A_320 : vector<16xf32>
      %sub3A_326 = arith.constant 1.500000e+00 : f32
      %sub3A_327 = vector.broadcast %sub3A_326 : f32 to vector<16xf32>
      %sub3A_328 = arith.subf %sub3A_327, %mul3A_325 : vector<16xf32>
      %mul3A_329 = arith.mulf %mul3A_320, %sub3A_328 : vector<16xf32>
      %get3A_330 = arith.constant 0 : i32
      %get3A_331 = arith.index_cast %get3A_330 : i32 to index
      %get3A_332 = arith.constant 0 : index
      %get3A_333 = tpu.vector_load %arg11[%get3A_331, %get3A_332] {strides = array<i32>} : memref<2x128xf32, #tpu.memory_space<vmem>>, vector<16xf32>,
      %get3A_334 = arith.constant 1 : i32
      %get3A_335 = arith.index_cast %get3A_334 : i32 to index
      %get3A_336 = arith.constant 0 : index
      %get3A_337 = tpu.vector_load %arg11[%get3A_335, %get3A_336] {strides = array<i32>} : memref<2x128xf32, #tpu.memory_space<vmem>>, vector<16xf32>,
      %mul3A_338 = arith.mulf %mul3A_329, %get3A_333 : vector<16xf32>
      %mul3A_339 = arith.constant 128 : i32
      %mul3A_340 = arith.muli %while3A_232, %mul3A_339 : i32
      %add3A_341 = arith.constant 0 : i32
      %add3A_342 = arith.addi %mul3A_340, %add3A_341 : i32
      %swap3A_343 = arith.index_cast %add3A_342 : i32 to index
      %swap3A_344 = tpu.vector_load %arg12[%swap3A_343] {strides = array<i32>} : memref<2048xf32, #tpu.memory_space<vmem>>, vector<16xf32>,
      tpu.vector_store %arg12[%swap3A_343], %mul3A_338 {strides = array<i32>} : memref<2048xf32, #tpu.memory_space<vmem>>, vector<16xf32>,
      %mul3A_345 = arith.mulf %mul3A_283, %mul3A_338 : vector<16xf32>
      %sub3A_346 = arith.subf %get3A_337, %mul3A_345 : vector<16xf32>
      %mul3A_347 = arith.constant 128 : i32
      %mul3A_348 = arith.muli %while3A_232, %mul3A_347 : i32
      %add3A_349 = arith.constant 0 : i32
      %add3A_350 = arith.addi %mul3A_348, %add3A_349 : i32
      %swap3A_351 = arith.index_cast %add3A_350 : i32 to index
      %swap3A_352 = tpu.vector_load %arg13[%swap3A_351] {strides = array<i32>} : memref<2048xf32, #tpu.memory_space<vmem>>, vector<16xf32>,
      tpu.vector_store %arg13[%swap3A_351], %sub3A_346 {strides = array<i32>} : memref<2048xf32, #tpu.memory_space<vmem>>, vector<16xf32>,
      %mul3A_353 = arith.mulf %scan3A_273#1, %div3A_282 : vector<16xf32>
      %mul3A_354 = arith.mulf %div3A_282, %scan3A_273#9 : vector<16xf32>
      %mul3A_355 = arith.mulf %div3A_282, %div3A_282 : vector<16xf32>
      %mul3A_356 = arith.mulf %scan3A_273#1, %scan3A_273#1 : vector<16xf32>
      %mul3A_357 = arith.mulf %mul3A_355, %mul3A_356 : vector<16xf32>
      %mul3A_358 = arith.mulf %broadcast_in_dim3A_277, %div3A_282 : vector<16xf32>
      %sub3A_359 = arith.constant 2.000000e+00 : f32
      %sub3A_360 = vector.broadcast %sub3A_359 : f32 to vector<16xf32>
      %sub3A_361 = arith.subf %sub3A_360, %mul3A_358 : vector<16xf32>
      %mul3A_362 = arith.mulf %mul3A_357, %sub3A_361 : vector<16xf32>
      %sub3A_363 = arith.subf %mul3A_354, %mul3A_362 : vector<16xf32>
      %add3A_364 = arith.constant 9.99999974E-6 : f32
      %add3A_365 = vector.broadcast %add3A_364 : f32 to vector<16xf32>
      %add3A_366 = arith.addf %sub3A_363, %add3A_365 : vector<16xf32>
      %bitcast3A_367 = vector.bitcast %add3A_366 : vector<16xf32> to vector<16xi32>
      %shift_right_arithmetic3A_368 = arith.constant 1 : i32
      %shift_right_arithmetic3A_369 = vector.broadcast %shift_right_arithmetic3A_368 : i32 to vector<16xi32>
      %shift_right_arithmetic3A_370 = arith.shrsi %bitcast3A_367, %shift_right_arithmetic3A_369 : vector<16xi32>
      %sub3A_371 = arith.constant 1597463007 : i32
      %sub3A_372 = vector.broadcast %sub3A_371 : i32 to vector<16xi32>
      %sub3A_373 = arith.subi %sub3A_372, %shift_right_arithmetic3A_370 : vector<16xi32>
      %bitcast3A_374 = vector.bitcast %sub3A_373 : vector<16xi32> to vector<16xf32>
      %mul3A_375 = arith.constant 5.000000e-01 : f32
      %mul3A_376 = vector.broadcast %mul3A_375 : f32 to vector<16xf32>
      %mul3A_377 = arith.mulf %mul3A_376, %add3A_366 : vector<16xf32>
      %mul3A_378 = arith.mulf %mul3A_377, %bitcast3A_374 : vector<16xf32>
      %mul3A_379 = arith.mulf %mul3A_378, %bitcast3A_374 : vector<16xf32>
      %sub3A_380 = arith.constant 1.500000e+00 : f32
      %sub3A_381 = vector.broadcast %sub3A_380 : f32 to vector<16xf32>
      %sub3A_382 = arith.subf %sub3A_381, %mul3A_379 : vector<16xf32>
      %mul3A_383 = arith.mulf %bitcast3A_374, %sub3A_382 : vector<16xf32>
      %mul3A_384 = arith.constant 5.000000e-01 : f32
      %mul3A_385 = vector.broadcast %mul3A_384 : f32 to vector<16xf32>
      %mul3A_386 = arith.mulf %mul3A_385, %add3A_366 : vector<16xf32>
      %mul3A_387 = arith.mulf %mul3A_386, %mul3A_383 : vector<16xf32>
      %mul3A_388 = arith.mulf %mul3A_387, %mul3A_383 : vector<16xf32>
      %sub3A_389 = arith.constant 1.500000e+00 : f32
      %sub3A_390 = vector.broadcast %sub3A_389 : f32 to vector<16xf32>
      %sub3A_391 = arith.subf %sub3A_390, %mul3A_388 : vector<16xf32>
      %mul3A_392 = arith.mulf %mul3A_383, %sub3A_391 : vector<16xf32>
      %mul3A_393 = arith.constant 5.000000e-01 : f32
      %mul3A_394 = vector.broadcast %mul3A_393 : f32 to vector<16xf32>
      %mul3A_395 = arith.mulf %mul3A_394, %add3A_366 : vector<16xf32>
      %mul3A_396 = arith.mulf %mul3A_395, %mul3A_392 : vector<16xf32>
      %mul3A_397 = arith.mulf %mul3A_396, %mul3A_392 : vector<16xf32>
      %sub3A_398 = arith.constant 1.500000e+00 : f32
      %sub3A_399 = vector.broadcast %sub3A_398 : f32 to vector<16xf32>
      %sub3A_400 = arith.subf %sub3A_399, %mul3A_397 : vector<16xf32>
      %mul3A_401 = arith.mulf %mul3A_392, %sub3A_400 : vector<16xf32>
      %get3A_402 = arith.constant 0 : i32
      %get3A_403 = arith.index_cast %get3A_402 : i32 to index
      %get3A_404 = arith.constant 16 : index
      %get3A_405 = tpu.vector_load %arg11[%get3A_403, %get3A_404] {strides = array<i32>} : memref<2x128xf32, #tpu.memory_space<vmem>>, vector<16xf32>,
      %get3A_406 = arith.constant 1 : i32
      %get3A_407 = arith.index_cast %get3A_406 : i32 to index
      %get3A_408 = arith.constant 16 : index
      %get3A_409 = tpu.vector_load %arg11[%get3A_407, %get3A_408] {strides = array<i32>} : memref<2x128xf32, #tpu.memory_space<vmem>>, vector<16xf32>,
      %mul3A_410 = arith.mulf %mul3A_401, %get3A_405 : vector<16xf32>
      %mul3A_411 = arith.constant 128 : i32
      %mul3A_412 = arith.muli %while3A_232, %mul3A_411 : i32
      %add3A_413 = arith.constant 16 : i32
      %add3A_414 = arith.addi %mul3A_412, %add3A_413 : i32
      %swap3A_415 = arith.index_cast %add3A_414 : i32 to index
      %swap3A_416 = tpu.vector_load %arg12[%swap3A_415] {strides = array<i32>} : memref<2048xf32, #tpu.memory_space<vmem>>, vector<16xf32>,
      tpu.vector_store %arg12[%swap3A_415], %mul3A_410 {strides = array<i32>} : memref<2048xf32, #tpu.memory_space<vmem>>, vector<16xf32>,
      %mul3A_417 = arith.mulf %mul3A_353, %mul3A_410 : vector<16xf32>
      %sub3A_418 = arith.subf %get3A_409, %mul3A_417 : vector<16xf32>
      %mul3A_419 = arith.constant 128 : i32
      %mul3A_420 = arith.muli %while3A_232, %mul3A_419 : i32
      %add3A_421 = arith.constant 16 : i32
      %add3A_422 = arith.addi %mul3A_420, %add3A_421 : i32
      %swap3A_423 = arith.index_cast %add3A_422 : i32 to index
      %swap3A_424 = tpu.vector_load %arg13[%swap3A_423] {strides = array<i32>} : memref<2048xf32, #tpu.memory_space<vmem>>, vector<16xf32>,
      tpu.vector_store %arg13[%swap3A_423], %sub3A_418 {strides = array<i32>} : memref<2048xf32, #tpu.memory_space<vmem>>, vector<16xf32>,
      %mul3A_425 = arith.mulf %scan3A_273#2, %div3A_282 : vector<16xf32>
      %mul3A_426 = arith.mulf %div3A_282, %scan3A_273#10 : vector<16xf32>
      %mul3A_427 = arith.mulf %div3A_282, %div3A_282 : vector<16xf32>
      %mul3A_428 = arith.mulf %scan3A_273#2, %scan3A_273#2 : vector<16xf32>
      %mul3A_429 = arith.mulf %mul3A_427, %mul3A_428 : vector<16xf32>
      %mul3A_430 = arith.mulf %broadcast_in_dim3A_277, %div3A_282 : vector<16xf32>
      %sub3A_431 = arith.constant 2.000000e+00 : f32
      %sub3A_432 = vector.broadcast %sub3A_431 : f32 to vector<16xf32>
      %sub3A_433 = arith.subf %sub3A_432, %mul3A_430 : vector<16xf32>
      %mul3A_434 = arith.mulf %mul3A_429, %sub3A_433 : vector<16xf32>
      %sub3A_435 = arith.subf %mul3A_426, %mul3A_434 : vector<16xf32>
      %add3A_436 = arith.constant 9.99999974E-6 : f32
      %add3A_437 = vector.broadcast %add3A_436 : f32 to vector<16xf32>
      %add3A_438 = arith.addf %sub3A_435, %add3A_437 : vector<16xf32>
      %bitcast3A_439 = vector.bitcast %add3A_438 : vector<16xf32> to vector<16xi32>
      %shift_right_arithmetic3A_440 = arith.constant 1 : i32
      %shift_right_arithmetic3A_441 = vector.broadcast %shift_right_arithmetic3A_440 : i32 to vector<16xi32>
      %shift_right_arithmetic3A_442 = arith.shrsi %bitcast3A_439, %shift_right_arithmetic3A_441 : vector<16xi32>
      %sub3A_443 = arith.constant 1597463007 : i32
      %sub3A_444 = vector.broadcast %sub3A_443 : i32 to vector<16xi32>
      %sub3A_445 = arith.subi %sub3A_444, %shift_right_arithmetic3A_442 : vector<16xi32>
      %bitcast3A_446 = vector.bitcast %sub3A_445 : vector<16xi32> to vector<16xf32>
      %mul3A_447 = arith.constant 5.000000e-01 : f32
      %mul3A_448 = vector.broadcast %mul3A_447 : f32 to vector<16xf32>
      %mul3A_449 = arith.mulf %mul3A_448, %add3A_438 : vector<16xf32>
      %mul3A_450 = arith.mulf %mul3A_449, %bitcast3A_446 : vector<16xf32>
      %mul3A_451 = arith.mulf %mul3A_450, %bitcast3A_446 : vector<16xf32>
      %sub3A_452 = arith.constant 1.500000e+00 : f32
      %sub3A_453 = vector.broadcast %sub3A_452 : f32 to vector<16xf32>
      %sub3A_454 = arith.subf %sub3A_453, %mul3A_451 : vector<16xf32>
      %mul3A_455 = arith.mulf %bitcast3A_446, %sub3A_454 : vector<16xf32>
      %mul3A_456 = arith.constant 5.000000e-01 : f32
      %mul3A_457 = vector.broadcast %mul3A_456 : f32 to vector<16xf32>
      %mul3A_458 = arith.mulf %mul3A_457, %add3A_438 : vector<16xf32>
      %mul3A_459 = arith.mulf %mul3A_458, %mul3A_455 : vector<16xf32>
      %mul3A_460 = arith.mulf %mul3A_459, %mul3A_455 : vector<16xf32>
      %sub3A_461 = arith.constant 1.500000e+00 : f32
      %sub3A_462 = vector.broadcast %sub3A_461 : f32 to vector<16xf32>
      %sub3A_463 = arith.subf %sub3A_462, %mul3A_460 : vector<16xf32>
      %mul3A_464 = arith.mulf %mul3A_455, %sub3A_463 : vector<16xf32>
      %mul3A_465 = arith.constant 5.000000e-01 : f32
      %mul3A_466 = vector.broadcast %mul3A_465 : f32 to vector<16xf32>
      %mul3A_467 = arith.mulf %mul3A_466, %add3A_438 : vector<16xf32>
      %mul3A_468 = arith.mulf %mul3A_467, %mul3A_464 : vector<16xf32>
      %mul3A_469 = arith.mulf %mul3A_468, %mul3A_464 : vector<16xf32>
      %sub3A_470 = arith.constant 1.500000e+00 : f32
      %sub3A_471 = vector.broadcast %sub3A_470 : f32 to vector<16xf32>
      %sub3A_472 = arith.subf %sub3A_471, %mul3A_469 : vector<16xf32>
      %mul3A_473 = arith.mulf %mul3A_464, %sub3A_472 : vector<16xf32>
      %get3A_474 = arith.constant 0 : i32
      %get3A_475 = arith.index_cast %get3A_474 : i32 to index
      %get3A_476 = arith.constant 32 : index
      %get3A_477 = tpu.vector_load %arg11[%get3A_475, %get3A_476] {strides = array<i32>} : memref<2x128xf32, #tpu.memory_space<vmem>>, vector<16xf32>,
      %get3A_478 = arith.constant 1 : i32
      %get3A_479 = arith.index_cast %get3A_478 : i32 to index
      %get3A_480 = arith.constant 32 : index
      %get3A_481 = tpu.vector_load %arg11[%get3A_479, %get3A_480] {strides = array<i32>} : memref<2x128xf32, #tpu.memory_space<vmem>>, vector<16xf32>,
      %mul3A_482 = arith.mulf %mul3A_473, %get3A_477 : vector<16xf32>
      %mul3A_483 = arith.constant 128 : i32
      %mul3A_484 = arith.muli %while3A_232, %mul3A_483 : i32
      %add3A_485 = arith.constant 32 : i32
      %add3A_486 = arith.addi %mul3A_484, %add3A_485 : i32
      %swap3A_487 = arith.index_cast %add3A_486 : i32 to index
      %swap3A_488 = tpu.vector_load %arg12[%swap3A_487] {strides = array<i32>} : memref<2048xf32, #tpu.memory_space<vmem>>, vector<16xf32>,
      tpu.vector_store %arg12[%swap3A_487], %mul3A_482 {strides = array<i32>} : memref<2048xf32, #tpu.memory_space<vmem>>, vector<16xf32>,
      %mul3A_489 = arith.mulf %mul3A_425, %mul3A_482 : vector<16xf32>
      %sub3A_490 = arith.subf %get3A_481, %mul3A_489 : vector<16xf32>
      %mul3A_491 = arith.constant 128 : i32
      %mul3A_492 = arith.muli %while3A_232, %mul3A_491 : i32
      %add3A_493 = arith.constant 32 : i32
      %add3A_494 = arith.addi %mul3A_492, %add3A_493 : i32
      %swap3A_495 = arith.index_cast %add3A_494 : i32 to index
      %swap3A_496 = tpu.vector_load %arg13[%swap3A_495] {strides = array<i32>} : memref<2048xf32, #tpu.memory_space<vmem>>, vector<16xf32>,
      tpu.vector_store %arg13[%swap3A_495], %sub3A_490 {strides = array<i32>} : memref<2048xf32, #tpu.memory_space<vmem>>, vector<16xf32>,
      %mul3A_497 = arith.mulf %scan3A_273#3, %div3A_282 : vector<16xf32>
      %mul3A_498 = arith.mulf %div3A_282, %scan3A_273#11 : vector<16xf32>
      %mul3A_499 = arith.mulf %div3A_282, %div3A_282 : vector<16xf32>
      %mul3A_500 = arith.mulf %scan3A_273#3, %scan3A_273#3 : vector<16xf32>
      %mul3A_501 = arith.mulf %mul3A_499, %mul3A_500 : vector<16xf32>
      %mul3A_502 = arith.mulf %broadcast_in_dim3A_277, %div3A_282 : vector<16xf32>
      %sub3A_503 = arith.constant 2.000000e+00 : f32
      %sub3A_504 = vector.broadcast %sub3A_503 : f32 to vector<16xf32>
      %sub3A_505 = arith.subf %sub3A_504, %mul3A_502 : vector<16xf32>
      %mul3A_506 = arith.mulf %mul3A_501, %sub3A_505 : vector<16xf32>
      %sub3A_507 = arith.subf %mul3A_498, %mul3A_506 : vector<16xf32>
      %add3A_508 = arith.constant 9.99999974E-6 : f32
      %add3A_509 = vector.broadcast %add3A_508 : f32 to vector<16xf32>
      %add3A_510 = arith.addf %sub3A_507, %add3A_509 : vector<16xf32>
      %bitcast3A_511 = vector.bitcast %add3A_510 : vector<16xf32> to vector<16xi32>
      %shift_right_arithmetic3A_512 = arith.constant 1 : i32
      %shift_right_arithmetic3A_513 = vector.broadcast %shift_right_arithmetic3A_512 : i32 to vector<16xi32>
      %shift_right_arithmetic3A_514 = arith.shrsi %bitcast3A_511, %shift_right_arithmetic3A_513 : vector<16xi32>
      %sub3A_515 = arith.constant 1597463007 : i32
      %sub3A_516 = vector.broadcast %sub3A_515 : i32 to vector<16xi32>
      %sub3A_517 = arith.subi %sub3A_516, %shift_right_arithmetic3A_514 : vector<16xi32>
      %bitcast3A_518 = vector.bitcast %sub3A_517 : vector<16xi32> to vector<16xf32>
      %mul3A_519 = arith.constant 5.000000e-01 : f32
      %mul3A_520 = vector.broadcast %mul3A_519 : f32 to vector<16xf32>
      %mul3A_521 = arith.mulf %mul3A_520, %add3A_510 : vector<16xf32>
      %mul3A_522 = arith.mulf %mul3A_521, %bitcast3A_518 : vector<16xf32>
      %mul3A_523 = arith.mulf %mul3A_522, %bitcast3A_518 : vector<16xf32>
      %sub3A_524 = arith.constant 1.500000e+00 : f32
      %sub3A_525 = vector.broadcast %sub3A_524 : f32 to vector<16xf32>
      %sub3A_526 = arith.subf %sub3A_525, %mul3A_523 : vector<16xf32>
      %mul3A_527 = arith.mulf %bitcast3A_518, %sub3A_526 : vector<16xf32>
      %mul3A_528 = arith.constant 5.000000e-01 : f32
      %mul3A_529 = vector.broadcast %mul3A_528 : f32 to vector<16xf32>
      %mul3A_530 = arith.mulf %mul3A_529, %add3A_510 : vector<16xf32>
      %mul3A_531 = arith.mulf %mul3A_530, %mul3A_527 : vector<16xf32>
      %mul3A_532 = arith.mulf %mul3A_531, %mul3A_527 : vector<16xf32>
      %sub3A_533 = arith.constant 1.500000e+00 : f32
      %sub3A_534 = vector.broadcast %sub3A_533 : f32 to vector<16xf32>
      %sub3A_535 = arith.subf %sub3A_534, %mul3A_532 : vector<16xf32>
      %mul3A_536 = arith.mulf %mul3A_527, %sub3A_535 : vector<16xf32>
      %mul3A_537 = arith.constant 5.000000e-01 : f32
      %mul3A_538 = vector.broadcast %mul3A_537 : f32 to vector<16xf32>
      %mul3A_539 = arith.mulf %mul3A_538, %add3A_510 : vector<16xf32>
      %mul3A_540 = arith.mulf %mul3A_539, %mul3A_536 : vector<16xf32>
      %mul3A_541 = arith.mulf %mul3A_540, %mul3A_536 : vector<16xf32>
      %sub3A_542 = arith.constant 1.500000e+00 : f32
      %sub3A_543 = vector.broadcast %sub3A_542 : f32 to vector<16xf32>
      %sub3A_544 = arith.subf %sub3A_543, %mul3A_541 : vector<16xf32>
      %mul3A_545 = arith.mulf %mul3A_536, %sub3A_544 : vector<16xf32>
      %get3A_546 = arith.constant 0 : i32
      %get3A_547 = arith.index_cast %get3A_546 : i32 to index
      %get3A_548 = arith.constant 48 : index
      %get3A_549 = tpu.vector_load %arg11[%get3A_547, %get3A_548] {strides = array<i32>} : memref<2x128xf32, #tpu.memory_space<vmem>>, vector<16xf32>,
      %get3A_550 = arith.constant 1 : i32
      %get3A_551 = arith.index_cast %get3A_550 : i32 to index
      %get3A_552 = arith.constant 48 : index
      %get3A_553 = tpu.vector_load %arg11[%get3A_551, %get3A_552] {strides = array<i32>} : memref<2x128xf32, #tpu.memory_space<vmem>>, vector<16xf32>,
      %mul3A_554 = arith.mulf %mul3A_545, %get3A_549 : vector<16xf32>
      %mul3A_555 = arith.constant 128 : i32
      %mul3A_556 = arith.muli %while3A_232, %mul3A_555 : i32
      %add3A_557 = arith.constant 48 : i32
      %add3A_558 = arith.addi %mul3A_556, %add3A_557 : i32
      %swap3A_559 = arith.index_cast %add3A_558 : i32 to index
      %swap3A_560 = tpu.vector_load %arg12[%swap3A_559] {strides = array<i32>} : memref<2048xf32, #tpu.memory_space<vmem>>, vector<16xf32>,
      tpu.vector_store %arg12[%swap3A_559], %mul3A_554 {strides = array<i32>} : memref<2048xf32, #tpu.memory_space<vmem>>, vector<16xf32>,
      %mul3A_561 = arith.mulf %mul3A_497, %mul3A_554 : vector<16xf32>
      %sub3A_562 = arith.subf %get3A_553, %mul3A_561 : vector<16xf32>
      %mul3A_563 = arith.constant 128 : i32
      %mul3A_564 = arith.muli %while3A_232, %mul3A_563 : i32
      %add3A_565 = arith.constant 48 : i32
      %add3A_566 = arith.addi %mul3A_564, %add3A_565 : i32
      %swap3A_567 = arith.index_cast %add3A_566 : i32 to index
      %swap3A_568 = tpu.vector_load %arg13[%swap3A_567] {strides = array<i32>} : memref<2048xf32, #tpu.memory_space<vmem>>, vector<16xf32>,
      tpu.vector_store %arg13[%swap3A_567], %sub3A_562 {strides = array<i32>} : memref<2048xf32, #tpu.memory_space<vmem>>, vector<16xf32>,
      %mul3A_569 = arith.mulf %scan3A_273#4, %div3A_282 : vector<16xf32>
      %mul3A_570 = arith.mulf %div3A_282, %scan3A_273#12 : vector<16xf32>
      %mul3A_571 = arith.mulf %div3A_282, %div3A_282 : vector<16xf32>
      %mul3A_572 = arith.mulf %scan3A_273#4, %scan3A_273#4 : vector<16xf32>
      %mul3A_573 = arith.mulf %mul3A_571, %mul3A_572 : vector<16xf32>
      %mul3A_574 = arith.mulf %broadcast_in_dim3A_277, %div3A_282 : vector<16xf32>
      %sub3A_575 = arith.constant 2.000000e+00 : f32
      %sub3A_576 = vector.broadcast %sub3A_575 : f32 to vector<16xf32>
      %sub3A_577 = arith.subf %sub3A_576, %mul3A_574 : vector<16xf32>
      %mul3A_578 = arith.mulf %mul3A_573, %sub3A_577 : vector<16xf32>
      %sub3A_579 = arith.subf %mul3A_570, %mul3A_578 : vector<16xf32>
      %add3A_580 = arith.constant 9.99999974E-6 : f32
      %add3A_581 = vector.broadcast %add3A_580 : f32 to vector<16xf32>
      %add3A_582 = arith.addf %sub3A_579, %add3A_581 : vector<16xf32>
      %bitcast3A_583 = vector.bitcast %add3A_582 : vector<16xf32> to vector<16xi32>
      %shift_right_arithmetic3A_584 = arith.constant 1 : i32
      %shift_right_arithmetic3A_585 = vector.broadcast %shift_right_arithmetic3A_584 : i32 to vector<16xi32>
      %shift_right_arithmetic3A_586 = arith.shrsi %bitcast3A_583, %shift_right_arithmetic3A_585 : vector<16xi32>
      %sub3A_587 = arith.constant 1597463007 : i32
      %sub3A_588 = vector.broadcast %sub3A_587 : i32 to vector<16xi32>
      %sub3A_589 = arith.subi %sub3A_588, %shift_right_arithmetic3A_586 : vector<16xi32>
      %bitcast3A_590 = vector.bitcast %sub3A_589 : vector<16xi32> to vector<16xf32>
      %mul3A_591 = arith.constant 5.000000e-01 : f32
      %mul3A_592 = vector.broadcast %mul3A_591 : f32 to vector<16xf32>
      %mul3A_593 = arith.mulf %mul3A_592, %add3A_582 : vector<16xf32>
      %mul3A_594 = arith.mulf %mul3A_593, %bitcast3A_590 : vector<16xf32>
      %mul3A_595 = arith.mulf %mul3A_594, %bitcast3A_590 : vector<16xf32>
      %sub3A_596 = arith.constant 1.500000e+00 : f32
      %sub3A_597 = vector.broadcast %sub3A_596 : f32 to vector<16xf32>
      %sub3A_598 = arith.subf %sub3A_597, %mul3A_595 : vector<16xf32>
      %mul3A_599 = arith.mulf %bitcast3A_590, %sub3A_598 : vector<16xf32>
      %mul3A_600 = arith.constant 5.000000e-01 : f32
      %mul3A_601 = vector.broadcast %mul3A_600 : f32 to vector<16xf32>
      %mul3A_602 = arith.mulf %mul3A_601, %add3A_582 : vector<16xf32>
      %mul3A_603 = arith.mulf %mul3A_602, %mul3A_599 : vector<16xf32>
      %mul3A_604 = arith.mulf %mul3A_603, %mul3A_599 : vector<16xf32>
      %sub3A_605 = arith.constant 1.500000e+00 : f32
      %sub3A_606 = vector.broadcast %sub3A_605 : f32 to vector<16xf32>
      %sub3A_607 = arith.subf %sub3A_606, %mul3A_604 : vector<16xf32>
      %mul3A_608 = arith.mulf %mul3A_599, %sub3A_607 : vector<16xf32>
      %mul3A_609 = arith.constant 5.000000e-01 : f32
      %mul3A_610 = vector.broadcast %mul3A_609 : f32 to vector<16xf32>
      %mul3A_611 = arith.mulf %mul3A_610, %add3A_582 : vector<16xf32>
      %mul3A_612 = arith.mulf %mul3A_611, %mul3A_608 : vector<16xf32>
      %mul3A_613 = arith.mulf %mul3A_612, %mul3A_608 : vector<16xf32>
      %sub3A_614 = arith.constant 1.500000e+00 : f32
      %sub3A_615 = vector.broadcast %sub3A_614 : f32 to vector<16xf32>
      %sub3A_616 = arith.subf %sub3A_615, %mul3A_613 : vector<16xf32>
      %mul3A_617 = arith.mulf %mul3A_608, %sub3A_616 : vector<16xf32>
      %get3A_618 = arith.constant 0 : i32
      %get3A_619 = arith.index_cast %get3A_618 : i32 to index
      %get3A_620 = arith.constant 64 : index
      %get3A_621 = tpu.vector_load %arg11[%get3A_619, %get3A_620] {strides = array<i32>} : memref<2x128xf32, #tpu.memory_space<vmem>>, vector<16xf32>,
      %get3A_622 = arith.constant 1 : i32
      %get3A_623 = arith.index_cast %get3A_622 : i32 to index
      %get3A_624 = arith.constant 64 : index
      %get3A_625 = tpu.vector_load %arg11[%get3A_623, %get3A_624] {strides = array<i32>} : memref<2x128xf32, #tpu.memory_space<vmem>>, vector<16xf32>,
      %mul3A_626 = arith.mulf %mul3A_617, %get3A_621 : vector<16xf32>
      %mul3A_627 = arith.constant 128 : i32
      %mul3A_628 = arith.muli %while3A_232, %mul3A_627 : i32
      %add3A_629 = arith.constant 64 : i32
      %add3A_630 = arith.addi %mul3A_628, %add3A_629 : i32
      %swap3A_631 = arith.index_cast %add3A_630 : i32 to index
      %swap3A_632 = tpu.vector_load %arg12[%swap3A_631] {strides = array<i32>} : memref<2048xf32, #tpu.memory_space<vmem>>, vector<16xf32>,
      tpu.vector_store %arg12[%swap3A_631], %mul3A_626 {strides = array<i32>} : memref<2048xf32, #tpu.memory_space<vmem>>, vector<16xf32>,
      %mul3A_633 = arith.mulf %mul3A_569, %mul3A_626 : vector<16xf32>
      %sub3A_634 = arith.subf %get3A_625, %mul3A_633 : vector<16xf32>
      %mul3A_635 = arith.constant 128 : i32
      %mul3A_636 = arith.muli %while3A_232, %mul3A_635 : i32
      %add3A_637 = arith.constant 64 : i32
      %add3A_638 = arith.addi %mul3A_636, %add3A_637 : i32
      %swap3A_639 = arith.index_cast %add3A_638 : i32 to index
      %swap3A_640 = tpu.vector_load %arg13[%swap3A_639] {strides = array<i32>} : memref<2048xf32, #tpu.memory_space<vmem>>, vector<16xf32>,
      tpu.vector_store %arg13[%swap3A_639], %sub3A_634 {strides = array<i32>} : memref<2048xf32, #tpu.memory_space<vmem>>, vector<16xf32>,
      %mul3A_641 = arith.mulf %scan3A_273#5, %div3A_282 : vector<16xf32>
      %mul3A_642 = arith.mulf %div3A_282, %scan3A_273#13 : vector<16xf32>
      %mul3A_643 = arith.mulf %div3A_282, %div3A_282 : vector<16xf32>
      %mul3A_644 = arith.mulf %scan3A_273#5, %scan3A_273#5 : vector<16xf32>
      %mul3A_645 = arith.mulf %mul3A_643, %mul3A_644 : vector<16xf32>
      %mul3A_646 = arith.mulf %broadcast_in_dim3A_277, %div3A_282 : vector<16xf32>
      %sub3A_647 = arith.constant 2.000000e+00 : f32
      %sub3A_648 = vector.broadcast %sub3A_647 : f32 to vector<16xf32>
      %sub3A_649 = arith.subf %sub3A_648, %mul3A_646 : vector<16xf32>
      %mul3A_650 = arith.mulf %mul3A_645, %sub3A_649 : vector<16xf32>
      %sub3A_651 = arith.subf %mul3A_642, %mul3A_650 : vector<16xf32>
      %add3A_652 = arith.constant 9.99999974E-6 : f32
      %add3A_653 = vector.broadcast %add3A_652 : f32 to vector<16xf32>
      %add3A_654 = arith.addf %sub3A_651, %add3A_653 : vector<16xf32>
      %bitcast3A_655 = vector.bitcast %add3A_654 : vector<16xf32> to vector<16xi32>
      %shift_right_arithmetic3A_656 = arith.constant 1 : i32
      %shift_right_arithmetic3A_657 = vector.broadcast %shift_right_arithmetic3A_656 : i32 to vector<16xi32>
      %shift_right_arithmetic3A_658 = arith.shrsi %bitcast3A_655, %shift_right_arithmetic3A_657 : vector<16xi32>
      %sub3A_659 = arith.constant 1597463007 : i32
      %sub3A_660 = vector.broadcast %sub3A_659 : i32 to vector<16xi32>
      %sub3A_661 = arith.subi %sub3A_660, %shift_right_arithmetic3A_658 : vector<16xi32>
      %bitcast3A_662 = vector.bitcast %sub3A_661 : vector<16xi32> to vector<16xf32>
      %mul3A_663 = arith.constant 5.000000e-01 : f32
      %mul3A_664 = vector.broadcast %mul3A_663 : f32 to vector<16xf32>
      %mul3A_665 = arith.mulf %mul3A_664, %add3A_654 : vector<16xf32>
      %mul3A_666 = arith.mulf %mul3A_665, %bitcast3A_662 : vector<16xf32>
      %mul3A_667 = arith.mulf %mul3A_666, %bitcast3A_662 : vector<16xf32>
      %sub3A_668 = arith.constant 1.500000e+00 : f32
      %sub3A_669 = vector.broadcast %sub3A_668 : f32 to vector<16xf32>
      %sub3A_670 = arith.subf %sub3A_669, %mul3A_667 : vector<16xf32>
      %mul3A_671 = arith.mulf %bitcast3A_662, %sub3A_670 : vector<16xf32>
      %mul3A_672 = arith.constant 5.000000e-01 : f32
      %mul3A_673 = vector.broadcast %mul3A_672 : f32 to vector<16xf32>
      %mul3A_674 = arith.mulf %mul3A_673, %add3A_654 : vector<16xf32>
      %mul3A_675 = arith.mulf %mul3A_674, %mul3A_671 : vector<16xf32>
      %mul3A_676 = arith.mulf %mul3A_675, %mul3A_671 : vector<16xf32>
      %sub3A_677 = arith.constant 1.500000e+00 : f32
      %sub3A_678 = vector.broadcast %sub3A_677 : f32 to vector<16xf32>
      %sub3A_679 = arith.subf %sub3A_678, %mul3A_676 : vector<16xf32>
      %mul3A_680 = arith.mulf %mul3A_671, %sub3A_679 : vector<16xf32>
      %mul3A_681 = arith.constant 5.000000e-01 : f32
      %mul3A_682 = vector.broadcast %mul3A_681 : f32 to vector<16xf32>
      %mul3A_683 = arith.mulf %mul3A_682, %add3A_654 : vector<16xf32>
      %mul3A_684 = arith.mulf %mul3A_683, %mul3A_680 : vector<16xf32>
      %mul3A_685 = arith.mulf %mul3A_684, %mul3A_680 : vector<16xf32>
      %sub3A_686 = arith.constant 1.500000e+00 : f32
      %sub3A_687 = vector.broadcast %sub3A_686 : f32 to vector<16xf32>
      %sub3A_688 = arith.subf %sub3A_687, %mul3A_685 : vector<16xf32>
      %mul3A_689 = arith.mulf %mul3A_680, %sub3A_688 : vector<16xf32>
      %get3A_690 = arith.constant 0 : i32
      %get3A_691 = arith.index_cast %get3A_690 : i32 to index
      %get3A_692 = arith.constant 80 : index
      %get3A_693 = tpu.vector_load %arg11[%get3A_691, %get3A_692] {strides = array<i32>} : memref<2x128xf32, #tpu.memory_space<vmem>>, vector<16xf32>,
      %get3A_694 = arith.constant 1 : i32
      %get3A_695 = arith.index_cast %get3A_694 : i32 to index
      %get3A_696 = arith.constant 80 : index
      %get3A_697 = tpu.vector_load %arg11[%get3A_695, %get3A_696] {strides = array<i32>} : memref<2x128xf32, #tpu.memory_space<vmem>>, vector<16xf32>,
      %mul3A_698 = arith.mulf %mul3A_689, %get3A_693 : vector<16xf32>
      %mul3A_699 = arith.constant 128 : i32
      %mul3A_700 = arith.muli %while3A_232, %mul3A_699 : i32
      %add3A_701 = arith.constant 80 : i32
      %add3A_702 = arith.addi %mul3A_700, %add3A_701 : i32
      %swap3A_703 = arith.index_cast %add3A_702 : i32 to index
      %swap3A_704 = tpu.vector_load %arg12[%swap3A_703] {strides = array<i32>} : memref<2048xf32, #tpu.memory_space<vmem>>, vector<16xf32>,
      tpu.vector_store %arg12[%swap3A_703], %mul3A_698 {strides = array<i32>} : memref<2048xf32, #tpu.memory_space<vmem>>, vector<16xf32>,
      %mul3A_705 = arith.mulf %mul3A_641, %mul3A_698 : vector<16xf32>
      %sub3A_706 = arith.subf %get3A_697, %mul3A_705 : vector<16xf32>
      %mul3A_707 = arith.constant 128 : i32
      %mul3A_708 = arith.muli %while3A_232, %mul3A_707 : i32
      %add3A_709 = arith.constant 80 : i32
      %add3A_710 = arith.addi %mul3A_708, %add3A_709 : i32
      %swap3A_711 = arith.index_cast %add3A_710 : i32 to index
      %swap3A_712 = tpu.vector_load %arg13[%swap3A_711] {strides = array<i32>} : memref<2048xf32, #tpu.memory_space<vmem>>, vector<16xf32>,
      tpu.vector_store %arg13[%swap3A_711], %sub3A_706 {strides = array<i32>} : memref<2048xf32, #tpu.memory_space<vmem>>, vector<16xf32>,
      %mul3A_713 = arith.mulf %scan3A_273#6, %div3A_282 : vector<16xf32>
      %mul3A_714 = arith.mulf %div3A_282, %scan3A_273#14 : vector<16xf32>
      %mul3A_715 = arith.mulf %div3A_282, %div3A_282 : vector<16xf32>
      %mul3A_716 = arith.mulf %scan3A_273#6, %scan3A_273#6 : vector<16xf32>
      %mul3A_717 = arith.mulf %mul3A_715, %mul3A_716 : vector<16xf32>
      %mul3A_718 = arith.mulf %broadcast_in_dim3A_277, %div3A_282 : vector<16xf32>
      %sub3A_719 = arith.constant 2.000000e+00 : f32
      %sub3A_720 = vector.broadcast %sub3A_719 : f32 to vector<16xf32>
      %sub3A_721 = arith.subf %sub3A_720, %mul3A_718 : vector<16xf32>
      %mul3A_722 = arith.mulf %mul3A_717, %sub3A_721 : vector<16xf32>
      %sub3A_723 = arith.subf %mul3A_714, %mul3A_722 : vector<16xf32>
      %add3A_724 = arith.constant 9.99999974E-6 : f32
      %add3A_725 = vector.broadcast %add3A_724 : f32 to vector<16xf32>
      %add3A_726 = arith.addf %sub3A_723, %add3A_725 : vector<16xf32>
      %bitcast3A_727 = vector.bitcast %add3A_726 : vector<16xf32> to vector<16xi32>
      %shift_right_arithmetic3A_728 = arith.constant 1 : i32
      %shift_right_arithmetic3A_729 = vector.broadcast %shift_right_arithmetic3A_728 : i32 to vector<16xi32>
      %shift_right_arithmetic3A_730 = arith.shrsi %bitcast3A_727, %shift_right_arithmetic3A_729 : vector<16xi32>
      %sub3A_731 = arith.constant 1597463007 : i32
      %sub3A_732 = vector.broadcast %sub3A_731 : i32 to vector<16xi32>
      %sub3A_733 = arith.subi %sub3A_732, %shift_right_arithmetic3A_730 : vector<16xi32>
      %bitcast3A_734 = vector.bitcast %sub3A_733 : vector<16xi32> to vector<16xf32>
      %mul3A_735 = arith.constant 5.000000e-01 : f32
      %mul3A_736 = vector.broadcast %mul3A_735 : f32 to vector<16xf32>
      %mul3A_737 = arith.mulf %mul3A_736, %add3A_726 : vector<16xf32>
      %mul3A_738 = arith.mulf %mul3A_737, %bitcast3A_734 : vector<16xf32>
      %mul3A_739 = arith.mulf %mul3A_738, %bitcast3A_734 : vector<16xf32>
      %sub3A_740 = arith.constant 1.500000e+00 : f32
      %sub3A_741 = vector.broadcast %sub3A_740 : f32 to vector<16xf32>
      %sub3A_742 = arith.subf %sub3A_741, %mul3A_739 : vector<16xf32>
      %mul3A_743 = arith.mulf %bitcast3A_734, %sub3A_742 : vector<16xf32>
      %mul3A_744 = arith.constant 5.000000e-01 : f32
      %mul3A_745 = vector.broadcast %mul3A_744 : f32 to vector<16xf32>
      %mul3A_746 = arith.mulf %mul3A_745, %add3A_726 : vector<16xf32>
      %mul3A_747 = arith.mulf %mul3A_746, %mul3A_743 : vector<16xf32>
      %mul3A_748 = arith.mulf %mul3A_747, %mul3A_743 : vector<16xf32>
      %sub3A_749 = arith.constant 1.500000e+00 : f32
      %sub3A_750 = vector.broadcast %sub3A_749 : f32 to vector<16xf32>
      %sub3A_751 = arith.subf %sub3A_750, %mul3A_748 : vector<16xf32>
      %mul3A_752 = arith.mulf %mul3A_743, %sub3A_751 : vector<16xf32>
      %mul3A_753 = arith.constant 5.000000e-01 : f32
      %mul3A_754 = vector.broadcast %mul3A_753 : f32 to vector<16xf32>
      %mul3A_755 = arith.mulf %mul3A_754, %add3A_726 : vector<16xf32>
      %mul3A_756 = arith.mulf %mul3A_755, %mul3A_752 : vector<16xf32>
      %mul3A_757 = arith.mulf %mul3A_756, %mul3A_752 : vector<16xf32>
      %sub3A_758 = arith.constant 1.500000e+00 : f32
      %sub3A_759 = vector.broadcast %sub3A_758 : f32 to vector<16xf32>
      %sub3A_760 = arith.subf %sub3A_759, %mul3A_757 : vector<16xf32>
      %mul3A_761 = arith.mulf %mul3A_752, %sub3A_760 : vector<16xf32>
      %get3A_762 = arith.constant 0 : i32
      %get3A_763 = arith.index_cast %get3A_762 : i32 to index
      %get3A_764 = arith.constant 96 : index
      %get3A_765 = tpu.vector_load %arg11[%get3A_763, %get3A_764] {strides = array<i32>} : memref<2x128xf32, #tpu.memory_space<vmem>>, vector<16xf32>,
      %get3A_766 = arith.constant 1 : i32
      %get3A_767 = arith.index_cast %get3A_766 : i32 to index
      %get3A_768 = arith.constant 96 : index
      %get3A_769 = tpu.vector_load %arg11[%get3A_767, %get3A_768] {strides = array<i32>} : memref<2x128xf32, #tpu.memory_space<vmem>>, vector<16xf32>,
      %mul3A_770 = arith.mulf %mul3A_761, %get3A_765 : vector<16xf32>
      %mul3A_771 = arith.constant 128 : i32
      %mul3A_772 = arith.muli %while3A_232, %mul3A_771 : i32
      %add3A_773 = arith.constant 96 : i32
      %add3A_774 = arith.addi %mul3A_772, %add3A_773 : i32
      %swap3A_775 = arith.index_cast %add3A_774 : i32 to index
      %swap3A_776 = tpu.vector_load %arg12[%swap3A_775] {strides = array<i32>} : memref<2048xf32, #tpu.memory_space<vmem>>, vector<16xf32>,
      tpu.vector_store %arg12[%swap3A_775], %mul3A_770 {strides = array<i32>} : memref<2048xf32, #tpu.memory_space<vmem>>, vector<16xf32>,
      %mul3A_777 = arith.mulf %mul3A_713, %mul3A_770 : vector<16xf32>
      %sub3A_778 = arith.subf %get3A_769, %mul3A_777 : vector<16xf32>
      %mul3A_779 = arith.constant 128 : i32
      %mul3A_780 = arith.muli %while3A_232, %mul3A_779 : i32
      %add3A_781 = arith.constant 96 : i32
      %add3A_782 = arith.addi %mul3A_780, %add3A_781 : i32
      %swap3A_783 = arith.index_cast %add3A_782 : i32 to index
      %swap3A_784 = tpu.vector_load %arg13[%swap3A_783] {strides = array<i32>} : memref<2048xf32, #tpu.memory_space<vmem>>, vector<16xf32>,
      tpu.vector_store %arg13[%swap3A_783], %sub3A_778 {strides = array<i32>} : memref<2048xf32, #tpu.memory_space<vmem>>, vector<16xf32>,
      %mul3A_785 = arith.mulf %scan3A_273#7, %div3A_282 : vector<16xf32>
      %mul3A_786 = arith.mulf %div3A_282, %scan3A_273#15 : vector<16xf32>
      %mul3A_787 = arith.mulf %div3A_282, %div3A_282 : vector<16xf32>
      %mul3A_788 = arith.mulf %scan3A_273#7, %scan3A_273#7 : vector<16xf32>
      %mul3A_789 = arith.mulf %mul3A_787, %mul3A_788 : vector<16xf32>
      %mul3A_790 = arith.mulf %broadcast_in_dim3A_277, %div3A_282 : vector<16xf32>
      %sub3A_791 = arith.constant 2.000000e+00 : f32
      %sub3A_792 = vector.broadcast %sub3A_791 : f32 to vector<16xf32>
      %sub3A_793 = arith.subf %sub3A_792, %mul3A_790 : vector<16xf32>
      %mul3A_794 = arith.mulf %mul3A_789, %sub3A_793 : vector<16xf32>
      %sub3A_795 = arith.subf %mul3A_786, %mul3A_794 : vector<16xf32>
      %add3A_796 = arith.constant 9.99999974E-6 : f32
      %add3A_797 = vector.broadcast %add3A_796 : f32 to vector<16xf32>
      %add3A_798 = arith.addf %sub3A_795, %add3A_797 : vector<16xf32>
      %bitcast3A_799 = vector.bitcast %add3A_798 : vector<16xf32> to vector<16xi32>
      %shift_right_arithmetic3A_800 = arith.constant 1 : i32
      %shift_right_arithmetic3A_801 = vector.broadcast %shift_right_arithmetic3A_800 : i32 to vector<16xi32>
      %shift_right_arithmetic3A_802 = arith.shrsi %bitcast3A_799, %shift_right_arithmetic3A_801 : vector<16xi32>
      %sub3A_803 = arith.constant 1597463007 : i32
      %sub3A_804 = vector.broadcast %sub3A_803 : i32 to vector<16xi32>
      %sub3A_805 = arith.subi %sub3A_804, %shift_right_arithmetic3A_802 : vector<16xi32>
      %bitcast3A_806 = vector.bitcast %sub3A_805 : vector<16xi32> to vector<16xf32>
      %mul3A_807 = arith.constant 5.000000e-01 : f32
      %mul3A_808 = vector.broadcast %mul3A_807 : f32 to vector<16xf32>
      %mul3A_809 = arith.mulf %mul3A_808, %add3A_798 : vector<16xf32>
      %mul3A_810 = arith.mulf %mul3A_809, %bitcast3A_806 : vector<16xf32>
      %mul3A_811 = arith.mulf %mul3A_810, %bitcast3A_806 : vector<16xf32>
      %sub3A_812 = arith.constant 1.500000e+00 : f32
      %sub3A_813 = vector.broadcast %sub3A_812 : f32 to vector<16xf32>
      %sub3A_814 = arith.subf %sub3A_813, %mul3A_811 : vector<16xf32>
      %mul3A_815 = arith.mulf %bitcast3A_806, %sub3A_814 : vector<16xf32>
      %mul3A_816 = arith.constant 5.000000e-01 : f32
      %mul3A_817 = vector.broadcast %mul3A_816 : f32 to vector<16xf32>
      %mul3A_818 = arith.mulf %mul3A_817, %add3A_798 : vector<16xf32>
      %mul3A_819 = arith.mulf %mul3A_818, %mul3A_815 : vector<16xf32>
      %mul3A_820 = arith.mulf %mul3A_819, %mul3A_815 : vector<16xf32>
      %sub3A_821 = arith.constant 1.500000e+00 : f32
      %sub3A_822 = vector.broadcast %sub3A_821 : f32 to vector<16xf32>
      %sub3A_823 = arith.subf %sub3A_822, %mul3A_820 : vector<16xf32>
      %mul3A_824 = arith.mulf %mul3A_815, %sub3A_823 : vector<16xf32>
      %mul3A_825 = arith.constant 5.000000e-01 : f32
      %mul3A_826 = vector.broadcast %mul3A_825 : f32 to vector<16xf32>
      %mul3A_827 = arith.mulf %mul3A_826, %add3A_798 : vector<16xf32>
      %mul3A_828 = arith.mulf %mul3A_827, %mul3A_824 : vector<16xf32>
      %mul3A_829 = arith.mulf %mul3A_828, %mul3A_824 : vector<16xf32>
      %sub3A_830 = arith.constant 1.500000e+00 : f32
      %sub3A_831 = vector.broadcast %sub3A_830 : f32 to vector<16xf32>
      %sub3A_832 = arith.subf %sub3A_831, %mul3A_829 : vector<16xf32>
      %mul3A_833 = arith.mulf %mul3A_824, %sub3A_832 : vector<16xf32>
      %get3A_834 = arith.constant 0 : i32
      %get3A_835 = arith.index_cast %get3A_834 : i32 to index
      %get3A_836 = arith.constant 112 : index
      %get3A_837 = tpu.vector_load %arg11[%get3A_835, %get3A_836] {strides = array<i32>} : memref<2x128xf32, #tpu.memory_space<vmem>>, vector<16xf32>,
      %get3A_838 = arith.constant 1 : i32
      %get3A_839 = arith.index_cast %get3A_838 : i32 to index
      %get3A_840 = arith.constant 112 : index
      %get3A_841 = tpu.vector_load %arg11[%get3A_839, %get3A_840] {strides = array<i32>} : memref<2x128xf32, #tpu.memory_space<vmem>>, vector<16xf32>,
      %mul3A_842 = arith.mulf %mul3A_833, %get3A_837 : vector<16xf32>
      %mul3A_843 = arith.constant 128 : i32
      %mul3A_844 = arith.muli %while3A_232, %mul3A_843 : i32
      %add3A_845 = arith.constant 112 : i32
      %add3A_846 = arith.addi %mul3A_844, %add3A_845 : i32
      %swap3A_847 = arith.index_cast %add3A_846 : i32 to index
      %swap3A_848 = tpu.vector_load %arg12[%swap3A_847] {strides = array<i32>} : memref<2048xf32, #tpu.memory_space<vmem>>, vector<16xf32>,
      tpu.vector_store %arg12[%swap3A_847], %mul3A_842 {strides = array<i32>} : memref<2048xf32, #tpu.memory_space<vmem>>, vector<16xf32>,
      %mul3A_849 = arith.mulf %mul3A_785, %mul3A_842 : vector<16xf32>
      %sub3A_850 = arith.subf %get3A_841, %mul3A_849 : vector<16xf32>
      %mul3A_851 = arith.constant 128 : i32
      %mul3A_852 = arith.muli %while3A_232, %mul3A_851 : i32
      %add3A_853 = arith.constant 112 : i32
      %add3A_854 = arith.addi %mul3A_852, %add3A_853 : i32
      %swap3A_855 = arith.index_cast %add3A_854 : i32 to index
      %swap3A_856 = tpu.vector_load %arg13[%swap3A_855] {strides = array<i32>} : memref<2048xf32, #tpu.memory_space<vmem>>, vector<16xf32>,
      tpu.vector_store %arg13[%swap3A_855], %sub3A_850 {strides = array<i32>} : memref<2048xf32, #tpu.memory_space<vmem>>, vector<16xf32>,
    }
    %while3A_215 = arith.constant 1 : i32
    scf.for %while3A_232 = %while3A_213 to %while3A_209 step %while3A_215  : i32 {
      %mul3A_233 = arith.constant 2 : i32
      %mul3A_234 = arith.muli %while3A_232, %mul3A_233 : i32
      %mul3A_235 = arith.constant 128 : i32
      %mul3A_236 = arith.muli %mul3A_234, %mul3A_235 : i32
      "tpu.region"() ({
        %run_scoped3A = tpu.sem_alloc : memref<!tpu.dma_semaphore, #tpu.memory_space<semaphore_mem>>
        %dma_start3A_857 = arith.constant 0 : i32
        %dma_start3A_858 = tpu.memref_slice %arg3[%dma_start3A_857, %mul3A_236] : memref<32x4096xf32, #tpu.memory_space<hbm>> -> memref<32x256xf32, #tpu.memory_space<hbm>>
        %dma_start3A_859 = arith.constant 0 : i32
        %dma_start3A_860 = tpu.memref_slice %arg3[%dma_start3A_859, %mul3A_236] : memref<32x4096xf32, #tpu.memory_space<hbm>> -> memref<32x256xf32, #tpu.memory_space<hbm>>
        tpu.enqueue_dma source(%dma_start3A_860 : memref<32x256xf32, #tpu.memory_space<hbm>>) target(%arg9 : memref<32x256xf32, #tpu.memory_space<vmem>>) target_semaphore(%run_scoped3A : memref<!tpu.dma_semaphore, #tpu.memory_space<semaphore_mem>>)
        %dma_wait3A_861 = arith.constant 0 : i32
        %dma_wait3A_862 = tpu.memref_slice %arg3[%dma_wait3A_861, %mul3A_236] : memref<32x4096xf32, #tpu.memory_space<hbm>> -> memref<32x256xf32, #tpu.memory_space<hbm>>
        %dma_wait3A_863 = arith.constant 0 : i32
        %dma_wait3A_864 = tpu.memref_slice %arg3[%dma_wait3A_863, %mul3A_236] : memref<32x4096xf32, #tpu.memory_space<hbm>> -> memref<32x256xf32, #tpu.memory_space<hbm>>
        tpu.wait_dma2 semaphore(%run_scoped3A : memref<!tpu.dma_semaphore, #tpu.memory_space<semaphore_mem>>) src(%dma_wait3A_864 : memref<32x256xf32, #tpu.memory_space<hbm>>) dst(%arg9 : memref<32x256xf32, #tpu.memory_space<vmem>>)
        tpu.yield
      }) : () -> ()
      %broadcast_in_dim3A_237 = arith.constant 0.000000e+00 : f32
      %broadcast_in_dim3A_238 = vector.broadcast %broadcast_in_dim3A_237 : f32 to vector<16xf32>
      %broadcast_in_dim3A_239 = arith.constant 0.000000e+00 : f32
      %broadcast_in_dim3A_240 = vector.broadcast %broadcast_in_dim3A_239 : f32 to vector<16xf32>
      %broadcast_in_dim3A_241 = arith.constant 0.000000e+00 : f32
      %broadcast_in_dim3A_242 = vector.broadcast %broadcast_in_dim3A_241 : f32 to vector<16xf32>
      %broadcast_in_dim3A_243 = arith.constant 0.000000e+00 : f32
      %broadcast_in_dim3A_244 = vector.broadcast %broadcast_in_dim3A_243 : f32 to vector<16xf32>
      %broadcast_in_dim3A_245 = arith.constant 0.000000e+00 : f32
      %broadcast_in_dim3A_246 = vector.broadcast %broadcast_in_dim3A_245 : f32 to vector<16xf32>
      %broadcast_in_dim3A_247 = arith.constant 0.000000e+00 : f32
      %broadcast_in_dim3A_248 = vector.broadcast %broadcast_in_dim3A_247 : f32 to vector<16xf32>
      %broadcast_in_dim3A_249 = arith.constant 0.000000e+00 : f32
      %broadcast_in_dim3A_250 = vector.broadcast %broadcast_in_dim3A_249 : f32 to vector<16xf32>
      %broadcast_in_dim3A_251 = arith.constant 0.000000e+00 : f32
      %broadcast_in_dim3A_252 = vector.broadcast %broadcast_in_dim3A_251 : f32 to vector<16xf32>
      %broadcast_in_dim3A_253 = arith.constant 0.000000e+00 : f32
      %broadcast_in_dim3A_254 = vector.broadcast %broadcast_in_dim3A_253 : f32 to vector<16xf32>
      %broadcast_in_dim3A_255 = arith.constant 0.000000e+00 : f32
      %broadcast_in_dim3A_256 = vector.broadcast %broadcast_in_dim3A_255 : f32 to vector<16xf32>
      %broadcast_in_dim3A_257 = arith.constant 0.000000e+00 : f32
      %broadcast_in_dim3A_258 = vector.broadcast %broadcast_in_dim3A_257 : f32 to vector<16xf32>
      %broadcast_in_dim3A_259 = arith.constant 0.000000e+00 : f32
      %broadcast_in_dim3A_260 = vector.broadcast %broadcast_in_dim3A_259 : f32 to vector<16xf32>
      %broadcast_in_dim3A_261 = arith.constant 0.000000e+00 : f32
      %broadcast_in_dim3A_262 = vector.broadcast %broadcast_in_dim3A_261 : f32 to vector<16xf32>
      %broadcast_in_dim3A_263 = arith.constant 0.000000e+00 : f32
      %broadcast_in_dim3A_264 = vector.broadcast %broadcast_in_dim3A_263 : f32 to vector<16xf32>
      %broadcast_in_dim3A_265 = arith.constant 0.000000e+00 : f32
      %broadcast_in_dim3A_266 = vector.broadcast %broadcast_in_dim3A_265 : f32 to vector<16xf32>
      %broadcast_in_dim3A_267 = arith.constant 0.000000e+00 : f32
      %broadcast_in_dim3A_268 = vector.broadcast %broadcast_in_dim3A_267 : f32 to vector<16xf32>
      %scan3A_269 = arith.constant 0 : i32
      %scan3A_270 = arith.constant 32 : i32
      %scan3A_271 = arith.addi %scan3A_269, %scan3A_270 : i32
      %scan3A_272 = arith.constant 1 : i32
      %scan3A_273:16 = scf.for %scan3A_857 = %scan3A_269 to %scan3A_271 step %scan3A_272 iter_args(%scan3A_858 = %broadcast_in_dim3A_238, %scan3A_859 = %broadcast_in_dim3A_240, %scan3A_860 = %broadcast_in_dim3A_242, %scan3A_861 = %broadcast_in_dim3A_244, %scan3A_862 = %broadcast_in_dim3A_246, %scan3A_863 = %broadcast_in_dim3A_248, %scan3A_864 = %broadcast_in_dim3A_250, %scan3A_865 = %broadcast_in_dim3A_252, %scan3A_866 = %broadcast_in_dim3A_254, %scan3A_867 = %broadcast_in_dim3A_256, %scan3A_868 = %broadcast_in_dim3A_258, %scan3A_869 = %broadcast_in_dim3A_260, %scan3A_870 = %broadcast_in_dim3A_262, %scan3A_871 = %broadcast_in_dim3A_264, %scan3A_872 = %broadcast_in_dim3A_266, %scan3A_873 = %broadcast_in_dim3A_268) -> (vector<16xf32>, vector<16xf32>, vector<16xf32>, vector<16xf32>, vector<16xf32>, vector<16xf32>, vector<16xf32>, vector<16xf32>, vector<16xf32>, vector<16xf32>, vector<16xf32>, vector<16xf32>, vector<16xf32>, vector<16xf32>, vector<16xf32>, vector<16xf32>)  : i32 {
        %get3A_874 = arith.index_cast %scan3A_857 : i32 to index
        %get3A_875 = arith.constant 0 : index
        %get3A_876 = tpu.vector_load %arg9[%get3A_874, %get3A_875] {strides = array<i32>} : memref<32x256xf32, #tpu.memory_space<vmem>>, vector<16xf32>,
        %add3A_877 = arith.addf %scan3A_858, %get3A_876 : vector<16xf32>
        %get3A_878 = arith.index_cast %scan3A_857 : i32 to index
        %get3A_879 = arith.constant 16 : index
        %get3A_880 = tpu.vector_load %arg9[%get3A_878, %get3A_879] {strides = array<i32>} : memref<32x256xf32, #tpu.memory_space<vmem>>, vector<16xf32>,
        %add3A_881 = arith.addf %scan3A_859, %get3A_880 : vector<16xf32>
        %get3A_882 = arith.index_cast %scan3A_857 : i32 to index
        %get3A_883 = arith.constant 32 : index
        %get3A_884 = tpu.vector_load %arg9[%get3A_882, %get3A_883] {strides = array<i32>} : memref<32x256xf32, #tpu.memory_space<vmem>>, vector<16xf32>,
        %add3A_885 = arith.addf %scan3A_860, %get3A_884 : vector<16xf32>
        %get3A_886 = arith.index_cast %scan3A_857 : i32 to index
        %get3A_887 = arith.constant 48 : index
        %get3A_888 = tpu.vector_load %arg9[%get3A_886, %get3A_887] {strides = array<i32>} : memref<32x256xf32, #tpu.memory_space<vmem>>, vector<16xf32>,
        %add3A_889 = arith.addf %scan3A_861, %get3A_888 : vector<16xf32>
        %get3A_890 = arith.index_cast %scan3A_857 : i32 to index
        %get3A_891 = arith.constant 64 : index
        %get3A_892 = tpu.vector_load %arg9[%get3A_890, %get3A_891] {strides = array<i32>} : memref<32x256xf32, #tpu.memory_space<vmem>>, vector<16xf32>,
        %add3A_893 = arith.addf %scan3A_862, %get3A_892 : vector<16xf32>
        %get3A_894 = arith.index_cast %scan3A_857 : i32 to index
        %get3A_895 = arith.constant 80 : index
        %get3A_896 = tpu.vector_load %arg9[%get3A_894, %get3A_895] {strides = array<i32>} : memref<32x256xf32, #tpu.memory_space<vmem>>, vector<16xf32>,
        %add3A_897 = arith.addf %scan3A_863, %get3A_896 : vector<16xf32>
        %get3A_898 = arith.index_cast %scan3A_857 : i32 to index
        %get3A_899 = arith.constant 96 : index
        %get3A_900 = tpu.vector_load %arg9[%get3A_898, %get3A_899] {strides = array<i32>} : memref<32x256xf32, #tpu.memory_space<vmem>>, vector<16xf32>,
        %add3A_901 = arith.addf %scan3A_864, %get3A_900 : vector<16xf32>
        %get3A_902 = arith.index_cast %scan3A_857 : i32 to index
        %get3A_903 = arith.constant 112 : index
        %get3A_904 = tpu.vector_load %arg9[%get3A_902, %get3A_903] {strides = array<i32>} : memref<32x256xf32, #tpu.memory_space<vmem>>, vector<16xf32>,
        %add3A_905 = arith.addf %scan3A_865, %get3A_904 : vector<16xf32>
        %get3A_906 = arith.index_cast %scan3A_857 : i32 to index
        %get3A_907 = arith.constant 128 : index
        %get3A_908 = tpu.vector_load %arg9[%get3A_906, %get3A_907] {strides = array<i32>} : memref<32x256xf32, #tpu.memory_space<vmem>>, vector<16xf32>,
        %add3A_909 = arith.addf %scan3A_866, %get3A_908 : vector<16xf32>
        %get3A_910 = arith.index_cast %scan3A_857 : i32 to index
        %get3A_911 = arith.constant 144 : index
        %get3A_912 = tpu.vector_load %arg9[%get3A_910, %get3A_911] {strides = array<i32>} : memref<32x256xf32, #tpu.memory_space<vmem>>, vector<16xf32>,
        %add3A_913 = arith.addf %scan3A_867, %get3A_912 : vector<16xf32>
        %get3A_914 = arith.index_cast %scan3A_857 : i32 to index
        %get3A_915 = arith.constant 160 : index
        %get3A_916 = tpu.vector_load %arg9[%get3A_914, %get3A_915] {strides = array<i32>} : memref<32x256xf32, #tpu.memory_space<vmem>>, vector<16xf32>,
        %add3A_917 = arith.addf %scan3A_868, %get3A_916 : vector<16xf32>
        %get3A_918 = arith.index_cast %scan3A_857 : i32 to index
        %get3A_919 = arith.constant 176 : index
        %get3A_920 = tpu.vector_load %arg9[%get3A_918, %get3A_919] {strides = array<i32>} : memref<32x256xf32, #tpu.memory_space<vmem>>, vector<16xf32>,
        %add3A_921 = arith.addf %scan3A_869, %get3A_920 : vector<16xf32>
        %get3A_922 = arith.index_cast %scan3A_857 : i32 to index
        %get3A_923 = arith.constant 192 : index
        %get3A_924 = tpu.vector_load %arg9[%get3A_922, %get3A_923] {strides = array<i32>} : memref<32x256xf32, #tpu.memory_space<vmem>>, vector<16xf32>,
        %add3A_925 = arith.addf %scan3A_870, %get3A_924 : vector<16xf32>
        %get3A_926 = arith.index_cast %scan3A_857 : i32 to index
        %get3A_927 = arith.constant 208 : index
        %get3A_928 = tpu.vector_load %arg9[%get3A_926, %get3A_927] {strides = array<i32>} : memref<32x256xf32, #tpu.memory_space<vmem>>, vector<16xf32>,
        %add3A_929 = arith.addf %scan3A_871, %get3A_928 : vector<16xf32>
        %get3A_930 = arith.index_cast %scan3A_857 : i32 to index
        %get3A_931 = arith.constant 224 : index
        %get3A_932 = tpu.vector_load %arg9[%get3A_930, %get3A_931] {strides = array<i32>} : memref<32x256xf32, #tpu.memory_space<vmem>>, vector<16xf32>,
        %add3A_933 = arith.addf %scan3A_872, %get3A_932 : vector<16xf32>
        %get3A_934 = arith.index_cast %scan3A_857 : i32 to index
        %get3A_935 = arith.constant 240 : index
        %get3A_936 = tpu.vector_load %arg9[%get3A_934, %get3A_935] {strides = array<i32>} : memref<32x256xf32, #tpu.memory_space<vmem>>, vector<16xf32>,
        %add3A_937 = arith.addf %scan3A_873, %get3A_936 : vector<16xf32>
        scf.yield %add3A_877, %add3A_881, %add3A_885, %add3A_889, %add3A_893, %add3A_897, %add3A_901, %add3A_905, %add3A_909, %add3A_913, %add3A_917, %add3A_921, %add3A_925, %add3A_929, %add3A_933, %add3A_937 : vector<16xf32>, vector<16xf32>, vector<16xf32>, vector<16xf32>, vector<16xf32>, vector<16xf32>, vector<16xf32>, vector<16xf32>, vector<16xf32>, vector<16xf32>, vector<16xf32>, vector<16xf32>, vector<16xf32>, vector<16xf32>, vector<16xf32>, vector<16xf32>
      }
      %scan3A_274 = arith.constant 32 : i32
      %get3A_275 = arith.index_cast %while3A_232 : i32 to index
      %get3A_276 = tpu.vector_load %arg8[%get3A_275] {strides = array<i32>} : memref<32xf32, #tpu.memory_space<vmem>>, vector<16xf32>,
      %slice3A = vector.extract_strided_slice %get3A_276 {offsets = [0], sizes = [1], strides = [1]} : vector<16xf32> to vector<1xf32>
      %squeeze3A = vector.extract %slice3A[0] : f32 from vector<1xf32>
      %broadcast_in_dim3A_277 = vector.broadcast %squeeze3A : f32 to vector<16xf32>
      %add3A_278 = arith.constant 9.99999974E-6 : f32
      %add3A_279 = vector.broadcast %add3A_278 : f32 to vector<16xf32>
      %add3A_280 = arith.addf %broadcast_in_dim3A_277, %add3A_279 : vector<16xf32>
      %div3A = arith.constant 1.000000e+00 : f32
      %div3A_281 = vector.broadcast %div3A : f32 to vector<16xf32>
      %div3A_282 = arith.divf %div3A_281, %add3A_280 : vector<16xf32>
      %mul3A_283 = arith.mulf %scan3A_273#0, %div3A_282 : vector<16xf32>
      %mul3A_284 = arith.mulf %div3A_282, %scan3A_273#8 : vector<16xf32>
      %mul3A_285 = arith.mulf %div3A_282, %div3A_282 : vector<16xf32>
      %mul3A_286 = arith.mulf %scan3A_273#0, %scan3A_273#0 : vector<16xf32>
      %mul3A_287 = arith.mulf %mul3A_285, %mul3A_286 : vector<16xf32>
      %mul3A_288 = arith.mulf %broadcast_in_dim3A_277, %div3A_282 : vector<16xf32>
      %sub3A_289 = arith.constant 2.000000e+00 : f32
      %sub3A_290 = vector.broadcast %sub3A_289 : f32 to vector<16xf32>
      %sub3A_291 = arith.subf %sub3A_290, %mul3A_288 : vector<16xf32>
      %mul3A_292 = arith.mulf %mul3A_287, %sub3A_291 : vector<16xf32>
      %sub3A_293 = arith.subf %mul3A_284, %mul3A_292 : vector<16xf32>
      %add3A_294 = arith.constant 9.99999974E-6 : f32
      %add3A_295 = vector.broadcast %add3A_294 : f32 to vector<16xf32>
      %add3A_296 = arith.addf %sub3A_293, %add3A_295 : vector<16xf32>
      %bitcast3A = vector.bitcast %add3A_296 : vector<16xf32> to vector<16xi32>
      %shift_right_arithmetic3A = arith.constant 1 : i32
      %shift_right_arithmetic3A_297 = vector.broadcast %shift_right_arithmetic3A : i32 to vector<16xi32>
      %shift_right_arithmetic3A_298 = arith.shrsi %bitcast3A, %shift_right_arithmetic3A_297 : vector<16xi32>
      %sub3A_299 = arith.constant 1597463007 : i32
      %sub3A_300 = vector.broadcast %sub3A_299 : i32 to vector<16xi32>
      %sub3A_301 = arith.subi %sub3A_300, %shift_right_arithmetic3A_298 : vector<16xi32>
      %bitcast3A_302 = vector.bitcast %sub3A_301 : vector<16xi32> to vector<16xf32>
      %mul3A_303 = arith.constant 5.000000e-01 : f32
      %mul3A_304 = vector.broadcast %mul3A_303 : f32 to vector<16xf32>
      %mul3A_305 = arith.mulf %mul3A_304, %add3A_296 : vector<16xf32>
      %mul3A_306 = arith.mulf %mul3A_305, %bitcast3A_302 : vector<16xf32>
      %mul3A_307 = arith.mulf %mul3A_306, %bitcast3A_302 : vector<16xf32>
      %sub3A_308 = arith.constant 1.500000e+00 : f32
      %sub3A_309 = vector.broadcast %sub3A_308 : f32 to vector<16xf32>
      %sub3A_310 = arith.subf %sub3A_309, %mul3A_307 : vector<16xf32>
      %mul3A_311 = arith.mulf %bitcast3A_302, %sub3A_310 : vector<16xf32>
      %mul3A_312 = arith.constant 5.000000e-01 : f32
      %mul3A_313 = vector.broadcast %mul3A_312 : f32 to vector<16xf32>
      %mul3A_314 = arith.mulf %mul3A_313, %add3A_296 : vector<16xf32>
      %mul3A_315 = arith.mulf %mul3A_314, %mul3A_311 : vector<16xf32>
      %mul3A_316 = arith.mulf %mul3A_315, %mul3A_311 : vector<16xf32>
      %sub3A_317 = arith.constant 1.500000e+00 : f32
      %sub3A_318 = vector.broadcast %sub3A_317 : f32 to vector<16xf32>
      %sub3A_319 = arith.subf %sub3A_318, %mul3A_316 : vector<16xf32>
      %mul3A_320 = arith.mulf %mul3A_311, %sub3A_319 : vector<16xf32>
      %mul3A_321 = arith.constant 5.000000e-01 : f32
      %mul3A_322 = vector.broadcast %mul3A_321 : f32 to vector<16xf32>
      %mul3A_323 = arith.mulf %mul3A_322, %add3A_296 : vector<16xf32>
      %mul3A_324 = arith.mulf %mul3A_323, %mul3A_320 : vector<16xf32>
      %mul3A_325 = arith.mulf %mul3A_324, %mul3A_320 : vector<16xf32>
      %sub3A_326 = arith.constant 1.500000e+00 : f32
      %sub3A_327 = vector.broadcast %sub3A_326 : f32 to vector<16xf32>
      %sub3A_328 = arith.subf %sub3A_327, %mul3A_325 : vector<16xf32>
      %mul3A_329 = arith.mulf %mul3A_320, %sub3A_328 : vector<16xf32>
      %get3A_330 = arith.constant 0 : i32
      %get3A_331 = arith.index_cast %get3A_330 : i32 to index
      %get3A_332 = arith.constant 0 : index
      %get3A_333 = tpu.vector_load %arg11[%get3A_331, %get3A_332] {strides = array<i32>} : memref<2x128xf32, #tpu.memory_space<vmem>>, vector<16xf32>,
      %get3A_334 = arith.constant 1 : i32
      %get3A_335 = arith.index_cast %get3A_334 : i32 to index
      %get3A_336 = arith.constant 0 : index
      %get3A_337 = tpu.vector_load %arg11[%get3A_335, %get3A_336] {strides = array<i32>} : memref<2x128xf32, #tpu.memory_space<vmem>>, vector<16xf32>,
      %mul3A_338 = arith.mulf %mul3A_329, %get3A_333 : vector<16xf32>
      %mul3A_339 = arith.constant 128 : i32
      %mul3A_340 = arith.muli %while3A_232, %mul3A_339 : i32
      %add3A_341 = arith.constant 0 : i32
      %add3A_342 = arith.addi %mul3A_340, %add3A_341 : i32
      %swap3A_343 = arith.index_cast %add3A_342 : i32 to index
      %swap3A_344 = tpu.vector_load %arg12[%swap3A_343] {strides = array<i32>} : memref<2048xf32, #tpu.memory_space<vmem>>, vector<16xf32>,
      tpu.vector_store %arg12[%swap3A_343], %mul3A_338 {strides = array<i32>} : memref<2048xf32, #tpu.memory_space<vmem>>, vector<16xf32>,
      %mul3A_345 = arith.mulf %mul3A_283, %mul3A_338 : vector<16xf32>
      %sub3A_346 = arith.subf %get3A_337, %mul3A_345 : vector<16xf32>
      %mul3A_347 = arith.constant 128 : i32
      %mul3A_348 = arith.muli %while3A_232, %mul3A_347 : i32
      %add3A_349 = arith.constant 0 : i32
      %add3A_350 = arith.addi %mul3A_348, %add3A_349 : i32
      %swap3A_351 = arith.index_cast %add3A_350 : i32 to index
      %swap3A_352 = tpu.vector_load %arg13[%swap3A_351] {strides = array<i32>} : memref<2048xf32, #tpu.memory_space<vmem>>, vector<16xf32>,
      tpu.vector_store %arg13[%swap3A_351], %sub3A_346 {strides = array<i32>} : memref<2048xf32, #tpu.memory_space<vmem>>, vector<16xf32>,
      %mul3A_353 = arith.mulf %scan3A_273#1, %div3A_282 : vector<16xf32>
      %mul3A_354 = arith.mulf %div3A_282, %scan3A_273#9 : vector<16xf32>
      %mul3A_355 = arith.mulf %div3A_282, %div3A_282 : vector<16xf32>
      %mul3A_356 = arith.mulf %scan3A_273#1, %scan3A_273#1 : vector<16xf32>
      %mul3A_357 = arith.mulf %mul3A_355, %mul3A_356 : vector<16xf32>
      %mul3A_358 = arith.mulf %broadcast_in_dim3A_277, %div3A_282 : vector<16xf32>
      %sub3A_359 = arith.constant 2.000000e+00 : f32
      %sub3A_360 = vector.broadcast %sub3A_359 : f32 to vector<16xf32>
      %sub3A_361 = arith.subf %sub3A_360, %mul3A_358 : vector<16xf32>
      %mul3A_362 = arith.mulf %mul3A_357, %sub3A_361 : vector<16xf32>
      %sub3A_363 = arith.subf %mul3A_354, %mul3A_362 : vector<16xf32>
      %add3A_364 = arith.constant 9.99999974E-6 : f32
      %add3A_365 = vector.broadcast %add3A_364 : f32 to vector<16xf32>
      %add3A_366 = arith.addf %sub3A_363, %add3A_365 : vector<16xf32>
      %bitcast3A_367 = vector.bitcast %add3A_366 : vector<16xf32> to vector<16xi32>
      %shift_right_arithmetic3A_368 = arith.constant 1 : i32
      %shift_right_arithmetic3A_369 = vector.broadcast %shift_right_arithmetic3A_368 : i32 to vector<16xi32>
      %shift_right_arithmetic3A_370 = arith.shrsi %bitcast3A_367, %shift_right_arithmetic3A_369 : vector<16xi32>
      %sub3A_371 = arith.constant 1597463007 : i32
      %sub3A_372 = vector.broadcast %sub3A_371 : i32 to vector<16xi32>
      %sub3A_373 = arith.subi %sub3A_372, %shift_right_arithmetic3A_370 : vector<16xi32>
      %bitcast3A_374 = vector.bitcast %sub3A_373 : vector<16xi32> to vector<16xf32>
      %mul3A_375 = arith.constant 5.000000e-01 : f32
      %mul3A_376 = vector.broadcast %mul3A_375 : f32 to vector<16xf32>
      %mul3A_377 = arith.mulf %mul3A_376, %add3A_366 : vector<16xf32>
      %mul3A_378 = arith.mulf %mul3A_377, %bitcast3A_374 : vector<16xf32>
      %mul3A_379 = arith.mulf %mul3A_378, %bitcast3A_374 : vector<16xf32>
      %sub3A_380 = arith.constant 1.500000e+00 : f32
      %sub3A_381 = vector.broadcast %sub3A_380 : f32 to vector<16xf32>
      %sub3A_382 = arith.subf %sub3A_381, %mul3A_379 : vector<16xf32>
      %mul3A_383 = arith.mulf %bitcast3A_374, %sub3A_382 : vector<16xf32>
      %mul3A_384 = arith.constant 5.000000e-01 : f32
      %mul3A_385 = vector.broadcast %mul3A_384 : f32 to vector<16xf32>
      %mul3A_386 = arith.mulf %mul3A_385, %add3A_366 : vector<16xf32>
      %mul3A_387 = arith.mulf %mul3A_386, %mul3A_383 : vector<16xf32>
      %mul3A_388 = arith.mulf %mul3A_387, %mul3A_383 : vector<16xf32>
      %sub3A_389 = arith.constant 1.500000e+00 : f32
      %sub3A_390 = vector.broadcast %sub3A_389 : f32 to vector<16xf32>
      %sub3A_391 = arith.subf %sub3A_390, %mul3A_388 : vector<16xf32>
      %mul3A_392 = arith.mulf %mul3A_383, %sub3A_391 : vector<16xf32>
      %mul3A_393 = arith.constant 5.000000e-01 : f32
      %mul3A_394 = vector.broadcast %mul3A_393 : f32 to vector<16xf32>
      %mul3A_395 = arith.mulf %mul3A_394, %add3A_366 : vector<16xf32>
      %mul3A_396 = arith.mulf %mul3A_395, %mul3A_392 : vector<16xf32>
      %mul3A_397 = arith.mulf %mul3A_396, %mul3A_392 : vector<16xf32>
      %sub3A_398 = arith.constant 1.500000e+00 : f32
      %sub3A_399 = vector.broadcast %sub3A_398 : f32 to vector<16xf32>
      %sub3A_400 = arith.subf %sub3A_399, %mul3A_397 : vector<16xf32>
      %mul3A_401 = arith.mulf %mul3A_392, %sub3A_400 : vector<16xf32>
      %get3A_402 = arith.constant 0 : i32
      %get3A_403 = arith.index_cast %get3A_402 : i32 to index
      %get3A_404 = arith.constant 16 : index
      %get3A_405 = tpu.vector_load %arg11[%get3A_403, %get3A_404] {strides = array<i32>} : memref<2x128xf32, #tpu.memory_space<vmem>>, vector<16xf32>,
      %get3A_406 = arith.constant 1 : i32
      %get3A_407 = arith.index_cast %get3A_406 : i32 to index
      %get3A_408 = arith.constant 16 : index
      %get3A_409 = tpu.vector_load %arg11[%get3A_407, %get3A_408] {strides = array<i32>} : memref<2x128xf32, #tpu.memory_space<vmem>>, vector<16xf32>,
      %mul3A_410 = arith.mulf %mul3A_401, %get3A_405 : vector<16xf32>
      %mul3A_411 = arith.constant 128 : i32
      %mul3A_412 = arith.muli %while3A_232, %mul3A_411 : i32
      %add3A_413 = arith.constant 16 : i32
      %add3A_414 = arith.addi %mul3A_412, %add3A_413 : i32
      %swap3A_415 = arith.index_cast %add3A_414 : i32 to index
      %swap3A_416 = tpu.vector_load %arg12[%swap3A_415] {strides = array<i32>} : memref<2048xf32, #tpu.memory_space<vmem>>, vector<16xf32>,
      tpu.vector_store %arg12[%swap3A_415], %mul3A_410 {strides = array<i32>} : memref<2048xf32, #tpu.memory_space<vmem>>, vector<16xf32>,
      %mul3A_417 = arith.mulf %mul3A_353, %mul3A_410 : vector<16xf32>
      %sub3A_418 = arith.subf %get3A_409, %mul3A_417 : vector<16xf32>
      %mul3A_419 = arith.constant 128 : i32
      %mul3A_420 = arith.muli %while3A_232, %mul3A_419 : i32
      %add3A_421 = arith.constant 16 : i32
      %add3A_422 = arith.addi %mul3A_420, %add3A_421 : i32
      %swap3A_423 = arith.index_cast %add3A_422 : i32 to index
      %swap3A_424 = tpu.vector_load %arg13[%swap3A_423] {strides = array<i32>} : memref<2048xf32, #tpu.memory_space<vmem>>, vector<16xf32>,
      tpu.vector_store %arg13[%swap3A_423], %sub3A_418 {strides = array<i32>} : memref<2048xf32, #tpu.memory_space<vmem>>, vector<16xf32>,
      %mul3A_425 = arith.mulf %scan3A_273#2, %div3A_282 : vector<16xf32>
      %mul3A_426 = arith.mulf %div3A_282, %scan3A_273#10 : vector<16xf32>
      %mul3A_427 = arith.mulf %div3A_282, %div3A_282 : vector<16xf32>
      %mul3A_428 = arith.mulf %scan3A_273#2, %scan3A_273#2 : vector<16xf32>
      %mul3A_429 = arith.mulf %mul3A_427, %mul3A_428 : vector<16xf32>
      %mul3A_430 = arith.mulf %broadcast_in_dim3A_277, %div3A_282 : vector<16xf32>
      %sub3A_431 = arith.constant 2.000000e+00 : f32
      %sub3A_432 = vector.broadcast %sub3A_431 : f32 to vector<16xf32>
      %sub3A_433 = arith.subf %sub3A_432, %mul3A_430 : vector<16xf32>
      %mul3A_434 = arith.mulf %mul3A_429, %sub3A_433 : vector<16xf32>
      %sub3A_435 = arith.subf %mul3A_426, %mul3A_434 : vector<16xf32>
      %add3A_436 = arith.constant 9.99999974E-6 : f32
      %add3A_437 = vector.broadcast %add3A_436 : f32 to vector<16xf32>
      %add3A_438 = arith.addf %sub3A_435, %add3A_437 : vector<16xf32>
      %bitcast3A_439 = vector.bitcast %add3A_438 : vector<16xf32> to vector<16xi32>
      %shift_right_arithmetic3A_440 = arith.constant 1 : i32
      %shift_right_arithmetic3A_441 = vector.broadcast %shift_right_arithmetic3A_440 : i32 to vector<16xi32>
      %shift_right_arithmetic3A_442 = arith.shrsi %bitcast3A_439, %shift_right_arithmetic3A_441 : vector<16xi32>
      %sub3A_443 = arith.constant 1597463007 : i32
      %sub3A_444 = vector.broadcast %sub3A_443 : i32 to vector<16xi32>
      %sub3A_445 = arith.subi %sub3A_444, %shift_right_arithmetic3A_442 : vector<16xi32>
      %bitcast3A_446 = vector.bitcast %sub3A_445 : vector<16xi32> to vector<16xf32>
      %mul3A_447 = arith.constant 5.000000e-01 : f32
      %mul3A_448 = vector.broadcast %mul3A_447 : f32 to vector<16xf32>
      %mul3A_449 = arith.mulf %mul3A_448, %add3A_438 : vector<16xf32>
      %mul3A_450 = arith.mulf %mul3A_449, %bitcast3A_446 : vector<16xf32>
      %mul3A_451 = arith.mulf %mul3A_450, %bitcast3A_446 : vector<16xf32>
      %sub3A_452 = arith.constant 1.500000e+00 : f32
      %sub3A_453 = vector.broadcast %sub3A_452 : f32 to vector<16xf32>
      %sub3A_454 = arith.subf %sub3A_453, %mul3A_451 : vector<16xf32>
      %mul3A_455 = arith.mulf %bitcast3A_446, %sub3A_454 : vector<16xf32>
      %mul3A_456 = arith.constant 5.000000e-01 : f32
      %mul3A_457 = vector.broadcast %mul3A_456 : f32 to vector<16xf32>
      %mul3A_458 = arith.mulf %mul3A_457, %add3A_438 : vector<16xf32>
      %mul3A_459 = arith.mulf %mul3A_458, %mul3A_455 : vector<16xf32>
      %mul3A_460 = arith.mulf %mul3A_459, %mul3A_455 : vector<16xf32>
      %sub3A_461 = arith.constant 1.500000e+00 : f32
      %sub3A_462 = vector.broadcast %sub3A_461 : f32 to vector<16xf32>
      %sub3A_463 = arith.subf %sub3A_462, %mul3A_460 : vector<16xf32>
      %mul3A_464 = arith.mulf %mul3A_455, %sub3A_463 : vector<16xf32>
      %mul3A_465 = arith.constant 5.000000e-01 : f32
      %mul3A_466 = vector.broadcast %mul3A_465 : f32 to vector<16xf32>
      %mul3A_467 = arith.mulf %mul3A_466, %add3A_438 : vector<16xf32>
      %mul3A_468 = arith.mulf %mul3A_467, %mul3A_464 : vector<16xf32>
      %mul3A_469 = arith.mulf %mul3A_468, %mul3A_464 : vector<16xf32>
      %sub3A_470 = arith.constant 1.500000e+00 : f32
      %sub3A_471 = vector.broadcast %sub3A_470 : f32 to vector<16xf32>
      %sub3A_472 = arith.subf %sub3A_471, %mul3A_469 : vector<16xf32>
      %mul3A_473 = arith.mulf %mul3A_464, %sub3A_472 : vector<16xf32>
      %get3A_474 = arith.constant 0 : i32
      %get3A_475 = arith.index_cast %get3A_474 : i32 to index
      %get3A_476 = arith.constant 32 : index
      %get3A_477 = tpu.vector_load %arg11[%get3A_475, %get3A_476] {strides = array<i32>} : memref<2x128xf32, #tpu.memory_space<vmem>>, vector<16xf32>,
      %get3A_478 = arith.constant 1 : i32
      %get3A_479 = arith.index_cast %get3A_478 : i32 to index
      %get3A_480 = arith.constant 32 : index
      %get3A_481 = tpu.vector_load %arg11[%get3A_479, %get3A_480] {strides = array<i32>} : memref<2x128xf32, #tpu.memory_space<vmem>>, vector<16xf32>,
      %mul3A_482 = arith.mulf %mul3A_473, %get3A_477 : vector<16xf32>
      %mul3A_483 = arith.constant 128 : i32
      %mul3A_484 = arith.muli %while3A_232, %mul3A_483 : i32
      %add3A_485 = arith.constant 32 : i32
      %add3A_486 = arith.addi %mul3A_484, %add3A_485 : i32
      %swap3A_487 = arith.index_cast %add3A_486 : i32 to index
      %swap3A_488 = tpu.vector_load %arg12[%swap3A_487] {strides = array<i32>} : memref<2048xf32, #tpu.memory_space<vmem>>, vector<16xf32>,
      tpu.vector_store %arg12[%swap3A_487], %mul3A_482 {strides = array<i32>} : memref<2048xf32, #tpu.memory_space<vmem>>, vector<16xf32>,
      %mul3A_489 = arith.mulf %mul3A_425, %mul3A_482 : vector<16xf32>
      %sub3A_490 = arith.subf %get3A_481, %mul3A_489 : vector<16xf32>
      %mul3A_491 = arith.constant 128 : i32
      %mul3A_492 = arith.muli %while3A_232, %mul3A_491 : i32
      %add3A_493 = arith.constant 32 : i32
      %add3A_494 = arith.addi %mul3A_492, %add3A_493 : i32
      %swap3A_495 = arith.index_cast %add3A_494 : i32 to index
      %swap3A_496 = tpu.vector_load %arg13[%swap3A_495] {strides = array<i32>} : memref<2048xf32, #tpu.memory_space<vmem>>, vector<16xf32>,
      tpu.vector_store %arg13[%swap3A_495], %sub3A_490 {strides = array<i32>} : memref<2048xf32, #tpu.memory_space<vmem>>, vector<16xf32>,
      %mul3A_497 = arith.mulf %scan3A_273#3, %div3A_282 : vector<16xf32>
      %mul3A_498 = arith.mulf %div3A_282, %scan3A_273#11 : vector<16xf32>
      %mul3A_499 = arith.mulf %div3A_282, %div3A_282 : vector<16xf32>
      %mul3A_500 = arith.mulf %scan3A_273#3, %scan3A_273#3 : vector<16xf32>
      %mul3A_501 = arith.mulf %mul3A_499, %mul3A_500 : vector<16xf32>
      %mul3A_502 = arith.mulf %broadcast_in_dim3A_277, %div3A_282 : vector<16xf32>
      %sub3A_503 = arith.constant 2.000000e+00 : f32
      %sub3A_504 = vector.broadcast %sub3A_503 : f32 to vector<16xf32>
      %sub3A_505 = arith.subf %sub3A_504, %mul3A_502 : vector<16xf32>
      %mul3A_506 = arith.mulf %mul3A_501, %sub3A_505 : vector<16xf32>
      %sub3A_507 = arith.subf %mul3A_498, %mul3A_506 : vector<16xf32>
      %add3A_508 = arith.constant 9.99999974E-6 : f32
      %add3A_509 = vector.broadcast %add3A_508 : f32 to vector<16xf32>
      %add3A_510 = arith.addf %sub3A_507, %add3A_509 : vector<16xf32>
      %bitcast3A_511 = vector.bitcast %add3A_510 : vector<16xf32> to vector<16xi32>
      %shift_right_arithmetic3A_512 = arith.constant 1 : i32
      %shift_right_arithmetic3A_513 = vector.broadcast %shift_right_arithmetic3A_512 : i32 to vector<16xi32>
      %shift_right_arithmetic3A_514 = arith.shrsi %bitcast3A_511, %shift_right_arithmetic3A_513 : vector<16xi32>
      %sub3A_515 = arith.constant 1597463007 : i32
      %sub3A_516 = vector.broadcast %sub3A_515 : i32 to vector<16xi32>
      %sub3A_517 = arith.subi %sub3A_516, %shift_right_arithmetic3A_514 : vector<16xi32>
      %bitcast3A_518 = vector.bitcast %sub3A_517 : vector<16xi32> to vector<16xf32>
      %mul3A_519 = arith.constant 5.000000e-01 : f32
      %mul3A_520 = vector.broadcast %mul3A_519 : f32 to vector<16xf32>
      %mul3A_521 = arith.mulf %mul3A_520, %add3A_510 : vector<16xf32>
      %mul3A_522 = arith.mulf %mul3A_521, %bitcast3A_518 : vector<16xf32>
      %mul3A_523 = arith.mulf %mul3A_522, %bitcast3A_518 : vector<16xf32>
      %sub3A_524 = arith.constant 1.500000e+00 : f32
      %sub3A_525 = vector.broadcast %sub3A_524 : f32 to vector<16xf32>
      %sub3A_526 = arith.subf %sub3A_525, %mul3A_523 : vector<16xf32>
      %mul3A_527 = arith.mulf %bitcast3A_518, %sub3A_526 : vector<16xf32>
      %mul3A_528 = arith.constant 5.000000e-01 : f32
      %mul3A_529 = vector.broadcast %mul3A_528 : f32 to vector<16xf32>
      %mul3A_530 = arith.mulf %mul3A_529, %add3A_510 : vector<16xf32>
      %mul3A_531 = arith.mulf %mul3A_530, %mul3A_527 : vector<16xf32>
      %mul3A_532 = arith.mulf %mul3A_531, %mul3A_527 : vector<16xf32>
      %sub3A_533 = arith.constant 1.500000e+00 : f32
      %sub3A_534 = vector.broadcast %sub3A_533 : f32 to vector<16xf32>
      %sub3A_535 = arith.subf %sub3A_534, %mul3A_532 : vector<16xf32>
      %mul3A_536 = arith.mulf %mul3A_527, %sub3A_535 : vector<16xf32>
      %mul3A_537 = arith.constant 5.000000e-01 : f32
      %mul3A_538 = vector.broadcast %mul3A_537 : f32 to vector<16xf32>
      %mul3A_539 = arith.mulf %mul3A_538, %add3A_510 : vector<16xf32>
      %mul3A_540 = arith.mulf %mul3A_539, %mul3A_536 : vector<16xf32>
      %mul3A_541 = arith.mulf %mul3A_540, %mul3A_536 : vector<16xf32>
      %sub3A_542 = arith.constant 1.500000e+00 : f32
      %sub3A_543 = vector.broadcast %sub3A_542 : f32 to vector<16xf32>
      %sub3A_544 = arith.subf %sub3A_543, %mul3A_541 : vector<16xf32>
      %mul3A_545 = arith.mulf %mul3A_536, %sub3A_544 : vector<16xf32>
      %get3A_546 = arith.constant 0 : i32
      %get3A_547 = arith.index_cast %get3A_546 : i32 to index
      %get3A_548 = arith.constant 48 : index
      %get3A_549 = tpu.vector_load %arg11[%get3A_547, %get3A_548] {strides = array<i32>} : memref<2x128xf32, #tpu.memory_space<vmem>>, vector<16xf32>,
      %get3A_550 = arith.constant 1 : i32
      %get3A_551 = arith.index_cast %get3A_550 : i32 to index
      %get3A_552 = arith.constant 48 : index
      %get3A_553 = tpu.vector_load %arg11[%get3A_551, %get3A_552] {strides = array<i32>} : memref<2x128xf32, #tpu.memory_space<vmem>>, vector<16xf32>,
      %mul3A_554 = arith.mulf %mul3A_545, %get3A_549 : vector<16xf32>
      %mul3A_555 = arith.constant 128 : i32
      %mul3A_556 = arith.muli %while3A_232, %mul3A_555 : i32
      %add3A_557 = arith.constant 48 : i32
      %add3A_558 = arith.addi %mul3A_556, %add3A_557 : i32
      %swap3A_559 = arith.index_cast %add3A_558 : i32 to index
      %swap3A_560 = tpu.vector_load %arg12[%swap3A_559] {strides = array<i32>} : memref<2048xf32, #tpu.memory_space<vmem>>, vector<16xf32>,
      tpu.vector_store %arg12[%swap3A_559], %mul3A_554 {strides = array<i32>} : memref<2048xf32, #tpu.memory_space<vmem>>, vector<16xf32>,
      %mul3A_561 = arith.mulf %mul3A_497, %mul3A_554 : vector<16xf32>
      %sub3A_562 = arith.subf %get3A_553, %mul3A_561 : vector<16xf32>
      %mul3A_563 = arith.constant 128 : i32
      %mul3A_564 = arith.muli %while3A_232, %mul3A_563 : i32
      %add3A_565 = arith.constant 48 : i32
      %add3A_566 = arith.addi %mul3A_564, %add3A_565 : i32
      %swap3A_567 = arith.index_cast %add3A_566 : i32 to index
      %swap3A_568 = tpu.vector_load %arg13[%swap3A_567] {strides = array<i32>} : memref<2048xf32, #tpu.memory_space<vmem>>, vector<16xf32>,
      tpu.vector_store %arg13[%swap3A_567], %sub3A_562 {strides = array<i32>} : memref<2048xf32, #tpu.memory_space<vmem>>, vector<16xf32>,
      %mul3A_569 = arith.mulf %scan3A_273#4, %div3A_282 : vector<16xf32>
      %mul3A_570 = arith.mulf %div3A_282, %scan3A_273#12 : vector<16xf32>
      %mul3A_571 = arith.mulf %div3A_282, %div3A_282 : vector<16xf32>
      %mul3A_572 = arith.mulf %scan3A_273#4, %scan3A_273#4 : vector<16xf32>
      %mul3A_573 = arith.mulf %mul3A_571, %mul3A_572 : vector<16xf32>
      %mul3A_574 = arith.mulf %broadcast_in_dim3A_277, %div3A_282 : vector<16xf32>
      %sub3A_575 = arith.constant 2.000000e+00 : f32
      %sub3A_576 = vector.broadcast %sub3A_575 : f32 to vector<16xf32>
      %sub3A_577 = arith.subf %sub3A_576, %mul3A_574 : vector<16xf32>
      %mul3A_578 = arith.mulf %mul3A_573, %sub3A_577 : vector<16xf32>
      %sub3A_579 = arith.subf %mul3A_570, %mul3A_578 : vector<16xf32>
      %add3A_580 = arith.constant 9.99999974E-6 : f32
      %add3A_581 = vector.broadcast %add3A_580 : f32 to vector<16xf32>
      %add3A_582 = arith.addf %sub3A_579, %add3A_581 : vector<16xf32>
      %bitcast3A_583 = vector.bitcast %add3A_582 : vector<16xf32> to vector<16xi32>
      %shift_right_arithmetic3A_584 = arith.constant 1 : i32
      %shift_right_arithmetic3A_585 = vector.broadcast %shift_right_arithmetic3A_584 : i32 to vector<16xi32>
      %shift_right_arithmetic3A_586 = arith.shrsi %bitcast3A_583, %shift_right_arithmetic3A_585 : vector<16xi32>
      %sub3A_587 = arith.constant 1597463007 : i32
      %sub3A_588 = vector.broadcast %sub3A_587 : i32 to vector<16xi32>
      %sub3A_589 = arith.subi %sub3A_588, %shift_right_arithmetic3A_586 : vector<16xi32>
      %bitcast3A_590 = vector.bitcast %sub3A_589 : vector<16xi32> to vector<16xf32>
      %mul3A_591 = arith.constant 5.000000e-01 : f32
      %mul3A_592 = vector.broadcast %mul3A_591 : f32 to vector<16xf32>
      %mul3A_593 = arith.mulf %mul3A_592, %add3A_582 : vector<16xf32>
      %mul3A_594 = arith.mulf %mul3A_593, %bitcast3A_590 : vector<16xf32>
      %mul3A_595 = arith.mulf %mul3A_594, %bitcast3A_590 : vector<16xf32>
      %sub3A_596 = arith.constant 1.500000e+00 : f32
      %sub3A_597 = vector.broadcast %sub3A_596 : f32 to vector<16xf32>
      %sub3A_598 = arith.subf %sub3A_597, %mul3A_595 : vector<16xf32>
      %mul3A_599 = arith.mulf %bitcast3A_590, %sub3A_598 : vector<16xf32>
      %mul3A_600 = arith.constant 5.000000e-01 : f32
      %mul3A_601 = vector.broadcast %mul3A_600 : f32 to vector<16xf32>
      %mul3A_602 = arith.mulf %mul3A_601, %add3A_582 : vector<16xf32>
      %mul3A_603 = arith.mulf %mul3A_602, %mul3A_599 : vector<16xf32>
      %mul3A_604 = arith.mulf %mul3A_603, %mul3A_599 : vector<16xf32>
      %sub3A_605 = arith.constant 1.500000e+00 : f32
      %sub3A_606 = vector.broadcast %sub3A_605 : f32 to vector<16xf32>
      %sub3A_607 = arith.subf %sub3A_606, %mul3A_604 : vector<16xf32>
      %mul3A_608 = arith.mulf %mul3A_599, %sub3A_607 : vector<16xf32>
      %mul3A_609 = arith.constant 5.000000e-01 : f32
      %mul3A_610 = vector.broadcast %mul3A_609 : f32 to vector<16xf32>
      %mul3A_611 = arith.mulf %mul3A_610, %add3A_582 : vector<16xf32>
      %mul3A_612 = arith.mulf %mul3A_611, %mul3A_608 : vector<16xf32>
      %mul3A_613 = arith.mulf %mul3A_612, %mul3A_608 : vector<16xf32>
      %sub3A_614 = arith.constant 1.500000e+00 : f32
      %sub3A_615 = vector.broadcast %sub3A_614 : f32 to vector<16xf32>
      %sub3A_616 = arith.subf %sub3A_615, %mul3A_613 : vector<16xf32>
      %mul3A_617 = arith.mulf %mul3A_608, %sub3A_616 : vector<16xf32>
      %get3A_618 = arith.constant 0 : i32
      %get3A_619 = arith.index_cast %get3A_618 : i32 to index
      %get3A_620 = arith.constant 64 : index
      %get3A_621 = tpu.vector_load %arg11[%get3A_619, %get3A_620] {strides = array<i32>} : memref<2x128xf32, #tpu.memory_space<vmem>>, vector<16xf32>,
      %get3A_622 = arith.constant 1 : i32
      %get3A_623 = arith.index_cast %get3A_622 : i32 to index
      %get3A_624 = arith.constant 64 : index
      %get3A_625 = tpu.vector_load %arg11[%get3A_623, %get3A_624] {strides = array<i32>} : memref<2x128xf32, #tpu.memory_space<vmem>>, vector<16xf32>,
      %mul3A_626 = arith.mulf %mul3A_617, %get3A_621 : vector<16xf32>
      %mul3A_627 = arith.constant 128 : i32
      %mul3A_628 = arith.muli %while3A_232, %mul3A_627 : i32
      %add3A_629 = arith.constant 64 : i32
      %add3A_630 = arith.addi %mul3A_628, %add3A_629 : i32
      %swap3A_631 = arith.index_cast %add3A_630 : i32 to index
      %swap3A_632 = tpu.vector_load %arg12[%swap3A_631] {strides = array<i32>} : memref<2048xf32, #tpu.memory_space<vmem>>, vector<16xf32>,
      tpu.vector_store %arg12[%swap3A_631], %mul3A_626 {strides = array<i32>} : memref<2048xf32, #tpu.memory_space<vmem>>, vector<16xf32>,
      %mul3A_633 = arith.mulf %mul3A_569, %mul3A_626 : vector<16xf32>
      %sub3A_634 = arith.subf %get3A_625, %mul3A_633 : vector<16xf32>
      %mul3A_635 = arith.constant 128 : i32
      %mul3A_636 = arith.muli %while3A_232, %mul3A_635 : i32
      %add3A_637 = arith.constant 64 : i32
      %add3A_638 = arith.addi %mul3A_636, %add3A_637 : i32
      %swap3A_639 = arith.index_cast %add3A_638 : i32 to index
      %swap3A_640 = tpu.vector_load %arg13[%swap3A_639] {strides = array<i32>} : memref<2048xf32, #tpu.memory_space<vmem>>, vector<16xf32>,
      tpu.vector_store %arg13[%swap3A_639], %sub3A_634 {strides = array<i32>} : memref<2048xf32, #tpu.memory_space<vmem>>, vector<16xf32>,
      %mul3A_641 = arith.mulf %scan3A_273#5, %div3A_282 : vector<16xf32>
      %mul3A_642 = arith.mulf %div3A_282, %scan3A_273#13 : vector<16xf32>
      %mul3A_643 = arith.mulf %div3A_282, %div3A_282 : vector<16xf32>
      %mul3A_644 = arith.mulf %scan3A_273#5, %scan3A_273#5 : vector<16xf32>
      %mul3A_645 = arith.mulf %mul3A_643, %mul3A_644 : vector<16xf32>
      %mul3A_646 = arith.mulf %broadcast_in_dim3A_277, %div3A_282 : vector<16xf32>
      %sub3A_647 = arith.constant 2.000000e+00 : f32
      %sub3A_648 = vector.broadcast %sub3A_647 : f32 to vector<16xf32>
      %sub3A_649 = arith.subf %sub3A_648, %mul3A_646 : vector<16xf32>
      %mul3A_650 = arith.mulf %mul3A_645, %sub3A_649 : vector<16xf32>
      %sub3A_651 = arith.subf %mul3A_642, %mul3A_650 : vector<16xf32>
      %add3A_652 = arith.constant 9.99999974E-6 : f32
      %add3A_653 = vector.broadcast %add3A_652 : f32 to vector<16xf32>
      %add3A_654 = arith.addf %sub3A_651, %add3A_653 : vector<16xf32>
      %bitcast3A_655 = vector.bitcast %add3A_654 : vector<16xf32> to vector<16xi32>
      %shift_right_arithmetic3A_656 = arith.constant 1 : i32
      %shift_right_arithmetic3A_657 = vector.broadcast %shift_right_arithmetic3A_656 : i32 to vector<16xi32>
      %shift_right_arithmetic3A_658 = arith.shrsi %bitcast3A_655, %shift_right_arithmetic3A_657 : vector<16xi32>
      %sub3A_659 = arith.constant 1597463007 : i32
      %sub3A_660 = vector.broadcast %sub3A_659 : i32 to vector<16xi32>
      %sub3A_661 = arith.subi %sub3A_660, %shift_right_arithmetic3A_658 : vector<16xi32>
      %bitcast3A_662 = vector.bitcast %sub3A_661 : vector<16xi32> to vector<16xf32>
      %mul3A_663 = arith.constant 5.000000e-01 : f32
      %mul3A_664 = vector.broadcast %mul3A_663 : f32 to vector<16xf32>
      %mul3A_665 = arith.mulf %mul3A_664, %add3A_654 : vector<16xf32>
      %mul3A_666 = arith.mulf %mul3A_665, %bitcast3A_662 : vector<16xf32>
      %mul3A_667 = arith.mulf %mul3A_666, %bitcast3A_662 : vector<16xf32>
      %sub3A_668 = arith.constant 1.500000e+00 : f32
      %sub3A_669 = vector.broadcast %sub3A_668 : f32 to vector<16xf32>
      %sub3A_670 = arith.subf %sub3A_669, %mul3A_667 : vector<16xf32>
      %mul3A_671 = arith.mulf %bitcast3A_662, %sub3A_670 : vector<16xf32>
      %mul3A_672 = arith.constant 5.000000e-01 : f32
      %mul3A_673 = vector.broadcast %mul3A_672 : f32 to vector<16xf32>
      %mul3A_674 = arith.mulf %mul3A_673, %add3A_654 : vector<16xf32>
      %mul3A_675 = arith.mulf %mul3A_674, %mul3A_671 : vector<16xf32>
      %mul3A_676 = arith.mulf %mul3A_675, %mul3A_671 : vector<16xf32>
      %sub3A_677 = arith.constant 1.500000e+00 : f32
      %sub3A_678 = vector.broadcast %sub3A_677 : f32 to vector<16xf32>
      %sub3A_679 = arith.subf %sub3A_678, %mul3A_676 : vector<16xf32>
      %mul3A_680 = arith.mulf %mul3A_671, %sub3A_679 : vector<16xf32>
      %mul3A_681 = arith.constant 5.000000e-01 : f32
      %mul3A_682 = vector.broadcast %mul3A_681 : f32 to vector<16xf32>
      %mul3A_683 = arith.mulf %mul3A_682, %add3A_654 : vector<16xf32>
      %mul3A_684 = arith.mulf %mul3A_683, %mul3A_680 : vector<16xf32>
      %mul3A_685 = arith.mulf %mul3A_684, %mul3A_680 : vector<16xf32>
      %sub3A_686 = arith.constant 1.500000e+00 : f32
      %sub3A_687 = vector.broadcast %sub3A_686 : f32 to vector<16xf32>
      %sub3A_688 = arith.subf %sub3A_687, %mul3A_685 : vector<16xf32>
      %mul3A_689 = arith.mulf %mul3A_680, %sub3A_688 : vector<16xf32>
      %get3A_690 = arith.constant 0 : i32
      %get3A_691 = arith.index_cast %get3A_690 : i32 to index
      %get3A_692 = arith.constant 80 : index
      %get3A_693 = tpu.vector_load %arg11[%get3A_691, %get3A_692] {strides = array<i32>} : memref<2x128xf32, #tpu.memory_space<vmem>>, vector<16xf32>,
      %get3A_694 = arith.constant 1 : i32
      %get3A_695 = arith.index_cast %get3A_694 : i32 to index
      %get3A_696 = arith.constant 80 : index
      %get3A_697 = tpu.vector_load %arg11[%get3A_695, %get3A_696] {strides = array<i32>} : memref<2x128xf32, #tpu.memory_space<vmem>>, vector<16xf32>,
      %mul3A_698 = arith.mulf %mul3A_689, %get3A_693 : vector<16xf32>
      %mul3A_699 = arith.constant 128 : i32
      %mul3A_700 = arith.muli %while3A_232, %mul3A_699 : i32
      %add3A_701 = arith.constant 80 : i32
      %add3A_702 = arith.addi %mul3A_700, %add3A_701 : i32
      %swap3A_703 = arith.index_cast %add3A_702 : i32 to index
      %swap3A_704 = tpu.vector_load %arg12[%swap3A_703] {strides = array<i32>} : memref<2048xf32, #tpu.memory_space<vmem>>, vector<16xf32>,
      tpu.vector_store %arg12[%swap3A_703], %mul3A_698 {strides = array<i32>} : memref<2048xf32, #tpu.memory_space<vmem>>, vector<16xf32>,
      %mul3A_705 = arith.mulf %mul3A_641, %mul3A_698 : vector<16xf32>
      %sub3A_706 = arith.subf %get3A_697, %mul3A_705 : vector<16xf32>
      %mul3A_707 = arith.constant 128 : i32
      %mul3A_708 = arith.muli %while3A_232, %mul3A_707 : i32
      %add3A_709 = arith.constant 80 : i32
      %add3A_710 = arith.addi %mul3A_708, %add3A_709 : i32
      %swap3A_711 = arith.index_cast %add3A_710 : i32 to index
      %swap3A_712 = tpu.vector_load %arg13[%swap3A_711] {strides = array<i32>} : memref<2048xf32, #tpu.memory_space<vmem>>, vector<16xf32>,
      tpu.vector_store %arg13[%swap3A_711], %sub3A_706 {strides = array<i32>} : memref<2048xf32, #tpu.memory_space<vmem>>, vector<16xf32>,
      %mul3A_713 = arith.mulf %scan3A_273#6, %div3A_282 : vector<16xf32>
      %mul3A_714 = arith.mulf %div3A_282, %scan3A_273#14 : vector<16xf32>
      %mul3A_715 = arith.mulf %div3A_282, %div3A_282 : vector<16xf32>
      %mul3A_716 = arith.mulf %scan3A_273#6, %scan3A_273#6 : vector<16xf32>
      %mul3A_717 = arith.mulf %mul3A_715, %mul3A_716 : vector<16xf32>
      %mul3A_718 = arith.mulf %broadcast_in_dim3A_277, %div3A_282 : vector<16xf32>
      %sub3A_719 = arith.constant 2.000000e+00 : f32
      %sub3A_720 = vector.broadcast %sub3A_719 : f32 to vector<16xf32>
      %sub3A_721 = arith.subf %sub3A_720, %mul3A_718 : vector<16xf32>
      %mul3A_722 = arith.mulf %mul3A_717, %sub3A_721 : vector<16xf32>
      %sub3A_723 = arith.subf %mul3A_714, %mul3A_722 : vector<16xf32>
      %add3A_724 = arith.constant 9.99999974E-6 : f32
      %add3A_725 = vector.broadcast %add3A_724 : f32 to vector<16xf32>
      %add3A_726 = arith.addf %sub3A_723, %add3A_725 : vector<16xf32>
      %bitcast3A_727 = vector.bitcast %add3A_726 : vector<16xf32> to vector<16xi32>
      %shift_right_arithmetic3A_728 = arith.constant 1 : i32
      %shift_right_arithmetic3A_729 = vector.broadcast %shift_right_arithmetic3A_728 : i32 to vector<16xi32>
      %shift_right_arithmetic3A_730 = arith.shrsi %bitcast3A_727, %shift_right_arithmetic3A_729 : vector<16xi32>
      %sub3A_731 = arith.constant 1597463007 : i32
      %sub3A_732 = vector.broadcast %sub3A_731 : i32 to vector<16xi32>
      %sub3A_733 = arith.subi %sub3A_732, %shift_right_arithmetic3A_730 : vector<16xi32>
      %bitcast3A_734 = vector.bitcast %sub3A_733 : vector<16xi32> to vector<16xf32>
      %mul3A_735 = arith.constant 5.000000e-01 : f32
      %mul3A_736 = vector.broadcast %mul3A_735 : f32 to vector<16xf32>
      %mul3A_737 = arith.mulf %mul3A_736, %add3A_726 : vector<16xf32>
      %mul3A_738 = arith.mulf %mul3A_737, %bitcast3A_734 : vector<16xf32>
      %mul3A_739 = arith.mulf %mul3A_738, %bitcast3A_734 : vector<16xf32>
      %sub3A_740 = arith.constant 1.500000e+00 : f32
      %sub3A_741 = vector.broadcast %sub3A_740 : f32 to vector<16xf32>
      %sub3A_742 = arith.subf %sub3A_741, %mul3A_739 : vector<16xf32>
      %mul3A_743 = arith.mulf %bitcast3A_734, %sub3A_742 : vector<16xf32>
      %mul3A_744 = arith.constant 5.000000e-01 : f32
      %mul3A_745 = vector.broadcast %mul3A_744 : f32 to vector<16xf32>
      %mul3A_746 = arith.mulf %mul3A_745, %add3A_726 : vector<16xf32>
      %mul3A_747 = arith.mulf %mul3A_746, %mul3A_743 : vector<16xf32>
      %mul3A_748 = arith.mulf %mul3A_747, %mul3A_743 : vector<16xf32>
      %sub3A_749 = arith.constant 1.500000e+00 : f32
      %sub3A_750 = vector.broadcast %sub3A_749 : f32 to vector<16xf32>
      %sub3A_751 = arith.subf %sub3A_750, %mul3A_748 : vector<16xf32>
      %mul3A_752 = arith.mulf %mul3A_743, %sub3A_751 : vector<16xf32>
      %mul3A_753 = arith.constant 5.000000e-01 : f32
      %mul3A_754 = vector.broadcast %mul3A_753 : f32 to vector<16xf32>
      %mul3A_755 = arith.mulf %mul3A_754, %add3A_726 : vector<16xf32>
      %mul3A_756 = arith.mulf %mul3A_755, %mul3A_752 : vector<16xf32>
      %mul3A_757 = arith.mulf %mul3A_756, %mul3A_752 : vector<16xf32>
      %sub3A_758 = arith.constant 1.500000e+00 : f32
      %sub3A_759 = vector.broadcast %sub3A_758 : f32 to vector<16xf32>
      %sub3A_760 = arith.subf %sub3A_759, %mul3A_757 : vector<16xf32>
      %mul3A_761 = arith.mulf %mul3A_752, %sub3A_760 : vector<16xf32>
      %get3A_762 = arith.constant 0 : i32
      %get3A_763 = arith.index_cast %get3A_762 : i32 to index
      %get3A_764 = arith.constant 96 : index
      %get3A_765 = tpu.vector_load %arg11[%get3A_763, %get3A_764] {strides = array<i32>} : memref<2x128xf32, #tpu.memory_space<vmem>>, vector<16xf32>,
      %get3A_766 = arith.constant 1 : i32
      %get3A_767 = arith.index_cast %get3A_766 : i32 to index
      %get3A_768 = arith.constant 96 : index
      %get3A_769 = tpu.vector_load %arg11[%get3A_767, %get3A_768] {strides = array<i32>} : memref<2x128xf32, #tpu.memory_space<vmem>>, vector<16xf32>,
      %mul3A_770 = arith.mulf %mul3A_761, %get3A_765 : vector<16xf32>
      %mul3A_771 = arith.constant 128 : i32
      %mul3A_772 = arith.muli %while3A_232, %mul3A_771 : i32
      %add3A_773 = arith.constant 96 : i32
      %add3A_774 = arith.addi %mul3A_772, %add3A_773 : i32
      %swap3A_775 = arith.index_cast %add3A_774 : i32 to index
      %swap3A_776 = tpu.vector_load %arg12[%swap3A_775] {strides = array<i32>} : memref<2048xf32, #tpu.memory_space<vmem>>, vector<16xf32>,
      tpu.vector_store %arg12[%swap3A_775], %mul3A_770 {strides = array<i32>} : memref<2048xf32, #tpu.memory_space<vmem>>, vector<16xf32>,
      %mul3A_777 = arith.mulf %mul3A_713, %mul3A_770 : vector<16xf32>
      %sub3A_778 = arith.subf %get3A_769, %mul3A_777 : vector<16xf32>
      %mul3A_779 = arith.constant 128 : i32
      %mul3A_780 = arith.muli %while3A_232, %mul3A_779 : i32
      %add3A_781 = arith.constant 96 : i32
      %add3A_782 = arith.addi %mul3A_780, %add3A_781 : i32
      %swap3A_783 = arith.index_cast %add3A_782 : i32 to index
      %swap3A_784 = tpu.vector_load %arg13[%swap3A_783] {strides = array<i32>} : memref<2048xf32, #tpu.memory_space<vmem>>, vector<16xf32>,
      tpu.vector_store %arg13[%swap3A_783], %sub3A_778 {strides = array<i32>} : memref<2048xf32, #tpu.memory_space<vmem>>, vector<16xf32>,
      %mul3A_785 = arith.mulf %scan3A_273#7, %div3A_282 : vector<16xf32>
      %mul3A_786 = arith.mulf %div3A_282, %scan3A_273#15 : vector<16xf32>
      %mul3A_787 = arith.mulf %div3A_282, %div3A_282 : vector<16xf32>
      %mul3A_788 = arith.mulf %scan3A_273#7, %scan3A_273#7 : vector<16xf32>
      %mul3A_789 = arith.mulf %mul3A_787, %mul3A_788 : vector<16xf32>
      %mul3A_790 = arith.mulf %broadcast_in_dim3A_277, %div3A_282 : vector<16xf32>
      %sub3A_791 = arith.constant 2.000000e+00 : f32
      %sub3A_792 = vector.broadcast %sub3A_791 : f32 to vector<16xf32>
      %sub3A_793 = arith.subf %sub3A_792, %mul3A_790 : vector<16xf32>
      %mul3A_794 = arith.mulf %mul3A_789, %sub3A_793 : vector<16xf32>
      %sub3A_795 = arith.subf %mul3A_786, %mul3A_794 : vector<16xf32>
      %add3A_796 = arith.constant 9.99999974E-6 : f32
      %add3A_797 = vector.broadcast %add3A_796 : f32 to vector<16xf32>
      %add3A_798 = arith.addf %sub3A_795, %add3A_797 : vector<16xf32>
      %bitcast3A_799 = vector.bitcast %add3A_798 : vector<16xf32> to vector<16xi32>
      %shift_right_arithmetic3A_800 = arith.constant 1 : i32
      %shift_right_arithmetic3A_801 = vector.broadcast %shift_right_arithmetic3A_800 : i32 to vector<16xi32>
      %shift_right_arithmetic3A_802 = arith.shrsi %bitcast3A_799, %shift_right_arithmetic3A_801 : vector<16xi32>
      %sub3A_803 = arith.constant 1597463007 : i32
      %sub3A_804 = vector.broadcast %sub3A_803 : i32 to vector<16xi32>
      %sub3A_805 = arith.subi %sub3A_804, %shift_right_arithmetic3A_802 : vector<16xi32>
      %bitcast3A_806 = vector.bitcast %sub3A_805 : vector<16xi32> to vector<16xf32>
      %mul3A_807 = arith.constant 5.000000e-01 : f32
      %mul3A_808 = vector.broadcast %mul3A_807 : f32 to vector<16xf32>
      %mul3A_809 = arith.mulf %mul3A_808, %add3A_798 : vector<16xf32>
      %mul3A_810 = arith.mulf %mul3A_809, %bitcast3A_806 : vector<16xf32>
      %mul3A_811 = arith.mulf %mul3A_810, %bitcast3A_806 : vector<16xf32>
      %sub3A_812 = arith.constant 1.500000e+00 : f32
      %sub3A_813 = vector.broadcast %sub3A_812 : f32 to vector<16xf32>
      %sub3A_814 = arith.subf %sub3A_813, %mul3A_811 : vector<16xf32>
      %mul3A_815 = arith.mulf %bitcast3A_806, %sub3A_814 : vector<16xf32>
      %mul3A_816 = arith.constant 5.000000e-01 : f32
      %mul3A_817 = vector.broadcast %mul3A_816 : f32 to vector<16xf32>
      %mul3A_818 = arith.mulf %mul3A_817, %add3A_798 : vector<16xf32>
      %mul3A_819 = arith.mulf %mul3A_818, %mul3A_815 : vector<16xf32>
      %mul3A_820 = arith.mulf %mul3A_819, %mul3A_815 : vector<16xf32>
      %sub3A_821 = arith.constant 1.500000e+00 : f32
      %sub3A_822 = vector.broadcast %sub3A_821 : f32 to vector<16xf32>
      %sub3A_823 = arith.subf %sub3A_822, %mul3A_820 : vector<16xf32>
      %mul3A_824 = arith.mulf %mul3A_815, %sub3A_823 : vector<16xf32>
      %mul3A_825 = arith.constant 5.000000e-01 : f32
      %mul3A_826 = vector.broadcast %mul3A_825 : f32 to vector<16xf32>
      %mul3A_827 = arith.mulf %mul3A_826, %add3A_798 : vector<16xf32>
      %mul3A_828 = arith.mulf %mul3A_827, %mul3A_824 : vector<16xf32>
      %mul3A_829 = arith.mulf %mul3A_828, %mul3A_824 : vector<16xf32>
      %sub3A_830 = arith.constant 1.500000e+00 : f32
      %sub3A_831 = vector.broadcast %sub3A_830 : f32 to vector<16xf32>
      %sub3A_832 = arith.subf %sub3A_831, %mul3A_829 : vector<16xf32>
      %mul3A_833 = arith.mulf %mul3A_824, %sub3A_832 : vector<16xf32>
      %get3A_834 = arith.constant 0 : i32
      %get3A_835 = arith.index_cast %get3A_834 : i32 to index
      %get3A_836 = arith.constant 112 : index
      %get3A_837 = tpu.vector_load %arg11[%get3A_835, %get3A_836] {strides = array<i32>} : memref<2x128xf32, #tpu.memory_space<vmem>>, vector<16xf32>,
      %get3A_838 = arith.constant 1 : i32
      %get3A_839 = arith.index_cast %get3A_838 : i32 to index
      %get3A_840 = arith.constant 112 : index
      %get3A_841 = tpu.vector_load %arg11[%get3A_839, %get3A_840] {strides = array<i32>} : memref<2x128xf32, #tpu.memory_space<vmem>>, vector<16xf32>,
      %mul3A_842 = arith.mulf %mul3A_833, %get3A_837 : vector<16xf32>
      %mul3A_843 = arith.constant 128 : i32
      %mul3A_844 = arith.muli %while3A_232, %mul3A_843 : i32
      %add3A_845 = arith.constant 112 : i32
      %add3A_846 = arith.addi %mul3A_844, %add3A_845 : i32
      %swap3A_847 = arith.index_cast %add3A_846 : i32 to index
      %swap3A_848 = tpu.vector_load %arg12[%swap3A_847] {strides = array<i32>} : memref<2048xf32, #tpu.memory_space<vmem>>, vector<16xf32>,
      tpu.vector_store %arg12[%swap3A_847], %mul3A_842 {strides = array<i32>} : memref<2048xf32, #tpu.memory_space<vmem>>, vector<16xf32>,
      %mul3A_849 = arith.mulf %mul3A_785, %mul3A_842 : vector<16xf32>
      %sub3A_850 = arith.subf %get3A_841, %mul3A_849 : vector<16xf32>
      %mul3A_851 = arith.constant 128 : i32
      %mul3A_852 = arith.muli %while3A_232, %mul3A_851 : i32
      %add3A_853 = arith.constant 112 : i32
      %add3A_854 = arith.addi %mul3A_852, %add3A_853 : i32
      %swap3A_855 = arith.index_cast %add3A_854 : i32 to index
      %swap3A_856 = tpu.vector_load %arg13[%swap3A_855] {strides = array<i32>} : memref<2048xf32, #tpu.memory_space<vmem>>, vector<16xf32>,
      tpu.vector_store %arg13[%swap3A_855], %sub3A_850 {strides = array<i32>} : memref<2048xf32, #tpu.memory_space<vmem>>, vector<16xf32>,
    }
    %scan3A = arith.constant 0 : i32
    %scan3A_216 = arith.constant 0 : i32
    %scan3A_217 = arith.constant 25 : i32
    %scan3A_218 = arith.addi %scan3A_216, %scan3A_217 : i32
    %scan3A_219 = arith.constant 1 : i32
    scf.for %scan3A_232 = %scan3A_216 to %scan3A_218 step %scan3A_219  : i32 {
      %mul3A_233 = arith.constant 2 : i32
      %mul3A_234 = arith.muli %mul3A_233, %scan3A_232 : i32
      %ge3A = arith.constant 2 : i32
      %ge3A_235 = arith.cmpi sge, %mul3A_234, %ge3A : i32
      %convert_element_type3A_236 = arith.extui %ge3A_235 : i1 to i32
      %cond3A = arith.constant 0 : i32
      %cond3A_237 = arith.cmpi ne, %convert_element_type3A_236, %cond3A : i32
      scf.if %cond3A_237 {
        %sub3A_360 = arith.constant 2 : i32
        %sub3A_361 = arith.subi %mul3A_234, %sub3A_360 : i32
        %mul3A_362 = arith.constant 200 : i32
        %mul3A_363 = arith.muli %sub3A_361, %mul3A_362 : i32
        %add3A_364 = arith.addi %mul3A_2, %mul3A_363 : i32
        %dma_wait3A_365 = arith.constant 0 : i32
        %dma_wait3A_366 = tpu.memref_slice %arg6[%add3A_364, %dma_wait3A_365] : memref<320000x128xf32, #tpu.memory_space<hbm>> -> memref<200x128xf32, #tpu.memory_space<hbm>>
        %dma_wait3A_367 = arith.constant 0 : i32
        %dma_wait3A_368 = tpu.memref_slice %arg6[%add3A_364, %dma_wait3A_367] : memref<320000x128xf32, #tpu.memory_space<hbm>> -> memref<200x128xf32, #tpu.memory_space<hbm>>
        tpu.wait_dma2 semaphore(%arg20 : memref<!tpu.dma_semaphore, #tpu.memory_space<semaphore_mem>>) src(%arg16 : memref<200x128xf32, #tpu.memory_space<vmem>>) dst(%dma_wait3A_368 : memref<200x128xf32, #tpu.memory_space<hbm>>)
      } else {
      }
      %mul3A_238 = arith.constant 200 : i32
      %mul3A_239 = arith.muli %mul3A_234, %mul3A_238 : i32
      %add3A_240 = arith.addi %mul3A_2, %mul3A_239 : i32
      %dma_wait3A_241 = arith.constant 0 : i32
      %dma_wait3A_242 = tpu.memref_slice %arg2[%add3A_240, %dma_wait3A_241] : memref<320000x128xf32, #tpu.memory_space<hbm>> -> memref<200x128xf32, #tpu.memory_space<hbm>>
      %dma_wait3A_243 = arith.constant 0 : i32
      %dma_wait3A_244 = tpu.memref_slice %arg2[%add3A_240, %dma_wait3A_243] : memref<320000x128xf32, #tpu.memory_space<hbm>> -> memref<200x128xf32, #tpu.memory_space<hbm>>
      tpu.wait_dma2 semaphore(%arg18 : memref<!tpu.dma_semaphore, #tpu.memory_space<semaphore_mem>>) src(%dma_wait3A_244 : memref<200x128xf32, #tpu.memory_space<hbm>>) dst(%arg14 : memref<200x128xf32, #tpu.memory_space<vmem>>)
      %mul3A_245 = arith.constant 200 : i32
      %mul3A_246 = arith.muli %mul3A_234, %mul3A_245 : i32
      %le3A_247 = vector.broadcast %mul3A_246 : i32 to vector<16xi32>
      %le3A_248 = arith.cmpi sle, %sub3A, %le3A_247 : vector<16xi32>
      %convert_element_type3A_249 = arith.extui %le3A_248 : vector<16xi1> to vector<16xi32>
      %reduce_sum3A_250 = arith.constant true
      %reduce_sum3A_251 = vector.broadcast %reduce_sum3A_250 : i1 to vector<16xi1>
      %reduce_sum3A_252 = tpu.scan <sum>, %convert_element_type3A_249 masked %reduce_sum3A_251 : vector<16xi32>, vector<16xi1> -> vector<16xi32>
      %reduce_sum3A_253 = vector.extract %reduce_sum3A_252[15] : i32 from vector<16xi32>
      %sub3A_254 = arith.constant 1 : i32
      %sub3A_255 = arith.subi %reduce_sum3A_253, %sub3A_254 : i32
      %add3A_256 = arith.constant 200 : i32
      %add3A_257 = arith.addi %mul3A_246, %add3A_256 : i32
      %sub3A_258 = arith.constant 1 : i32
      %sub3A_259 = arith.subi %add3A_257, %sub3A_258 : i32
      %le3A_260 = vector.broadcast %sub3A_259 : i32 to vector<16xi32>
      %le3A_261 = arith.cmpi sle, %sub3A, %le3A_260 : vector<16xi32>
      %convert_element_type3A_262 = arith.extui %le3A_261 : vector<16xi1> to vector<16xi32>
      %reduce_sum3A_263 = arith.constant true
      %reduce_sum3A_264 = vector.broadcast %reduce_sum3A_263 : i1 to vector<16xi1>
      %reduce_sum3A_265 = tpu.scan <sum>, %convert_element_type3A_262 masked %reduce_sum3A_264 : vector<16xi32>, vector<16xi1> -> vector<16xi32>
      %reduce_sum3A_266 = vector.extract %reduce_sum3A_265[15] : i32 from vector<16xi32>
      %sub3A_267 = arith.constant 1 : i32
      %sub3A_268 = arith.subi %reduce_sum3A_266, %sub3A_267 : i32
      %add3A_269 = arith.constant 1 : i32
      %add3A_270 = arith.addi %sub3A_268, %add3A_269 : i32
      %while3A_271 = arith.constant 0 : i32
      %while3A_272 = arith.subi %add3A_270, %sub3A_255 : i32
      %while3A_273 = arith.addi %sub3A_255, %while3A_272 : i32
      %while3A_274 = arith.constant 1 : i32
      %while3A_275 = arith.divsi %while3A_272, %while3A_274 : i32
      %while3A_276 = arith.muli %while3A_275, %while3A_274 : i32
      %while3A_277 = arith.addi %sub3A_255, %while3A_276 : i32
      %while3A_278 = arith.constant 1 : i32
      scf.for %while3A_360 = %sub3A_255 to %while3A_277 step %while3A_278  : i32 {
        %add3A_361 = arith.constant 200 : i32
        %add3A_362 = arith.addi %mul3A_246, %add3A_361 : i32
        %get3A_363 = arith.index_cast %while3A_360 : i32 to index
        %get3A_364 = tpu.vector_load %arg7[%get3A_363] {strides = array<i32>} : memref<32xi32, #tpu.memory_space<vmem>>, vector<16xi32>,
        %slice3A = vector.extract_strided_slice %get3A_364 {offsets = [0], sizes = [1], strides = [1]} : vector<16xi32> to vector<1xi32>
        %squeeze3A = vector.extract %slice3A[0] : i32 from vector<1xi32>
        %max3A = arith.maxsi %squeeze3A, %mul3A_246 : i32
        %slice3A_365 = vector.extract_strided_slice %get3A_364 {offsets = [1], sizes = [1], strides = [1]} : vector<16xi32> to vector<1xi32>
        %squeeze3A_366 = vector.extract %slice3A_365[0] : i32 from vector<1xi32>
        %min3A = arith.minsi %squeeze3A_366, %add3A_362 : i32
        %gt3A = arith.cmpi sgt, %min3A, %max3A : i32
        %convert_element_type3A_367 = arith.extui %gt3A : i1 to i32
        %cond3A_368 = arith.constant 0 : i32
        %cond3A_369 = arith.cmpi ne, %convert_element_type3A_367, %cond3A_368 : i32
        scf.if %cond3A_369 {
          %mul3A_370 = arith.constant 128 : i32
          %mul3A_371 = arith.muli %while3A_360, %mul3A_370 : i32
          %add3A_372 = arith.constant 0 : i32
          %add3A_373 = arith.addi %mul3A_371, %add3A_372 : i32
          %get3A_374 = arith.index_cast %add3A_373 : i32 to index
          %get3A_375 = tpu.vector_load %arg12[%get3A_374] {strides = array<i32>} : memref<2048xf32, #tpu.memory_space<vmem>>, vector<16xf32>,
          %mul3A_376 = arith.constant 128 : i32
          %mul3A_377 = arith.muli %while3A_360, %mul3A_376 : i32
          %add3A_378 = arith.constant 16 : i32
          %add3A_379 = arith.addi %mul3A_377, %add3A_378 : i32
          %get3A_380 = arith.index_cast %add3A_379 : i32 to index
          %get3A_381 = tpu.vector_load %arg12[%get3A_380] {strides = array<i32>} : memref<2048xf32, #tpu.memory_space<vmem>>, vector<16xf32>,
          %mul3A_382 = arith.constant 128 : i32
          %mul3A_383 = arith.muli %while3A_360, %mul3A_382 : i32
          %add3A_384 = arith.constant 32 : i32
          %add3A_385 = arith.addi %mul3A_383, %add3A_384 : i32
          %get3A_386 = arith.index_cast %add3A_385 : i32 to index
          %get3A_387 = tpu.vector_load %arg12[%get3A_386] {strides = array<i32>} : memref<2048xf32, #tpu.memory_space<vmem>>, vector<16xf32>,
          %mul3A_388 = arith.constant 128 : i32
          %mul3A_389 = arith.muli %while3A_360, %mul3A_388 : i32
          %add3A_390 = arith.constant 48 : i32
          %add3A_391 = arith.addi %mul3A_389, %add3A_390 : i32
          %get3A_392 = arith.index_cast %add3A_391 : i32 to index
          %get3A_393 = tpu.vector_load %arg12[%get3A_392] {strides = array<i32>} : memref<2048xf32, #tpu.memory_space<vmem>>, vector<16xf32>,
          %mul3A_394 = arith.constant 128 : i32
          %mul3A_395 = arith.muli %while3A_360, %mul3A_394 : i32
          %add3A_396 = arith.constant 64 : i32
          %add3A_397 = arith.addi %mul3A_395, %add3A_396 : i32
          %get3A_398 = arith.index_cast %add3A_397 : i32 to index
          %get3A_399 = tpu.vector_load %arg12[%get3A_398] {strides = array<i32>} : memref<2048xf32, #tpu.memory_space<vmem>>, vector<16xf32>,
          %mul3A_400 = arith.constant 128 : i32
          %mul3A_401 = arith.muli %while3A_360, %mul3A_400 : i32
          %add3A_402 = arith.constant 80 : i32
          %add3A_403 = arith.addi %mul3A_401, %add3A_402 : i32
          %get3A_404 = arith.index_cast %add3A_403 : i32 to index
          %get3A_405 = tpu.vector_load %arg12[%get3A_404] {strides = array<i32>} : memref<2048xf32, #tpu.memory_space<vmem>>, vector<16xf32>,
          %mul3A_406 = arith.constant 128 : i32
          %mul3A_407 = arith.muli %while3A_360, %mul3A_406 : i32
          %add3A_408 = arith.constant 96 : i32
          %add3A_409 = arith.addi %mul3A_407, %add3A_408 : i32
          %get3A_410 = arith.index_cast %add3A_409 : i32 to index
          %get3A_411 = tpu.vector_load %arg12[%get3A_410] {strides = array<i32>} : memref<2048xf32, #tpu.memory_space<vmem>>, vector<16xf32>,
          %mul3A_412 = arith.constant 128 : i32
          %mul3A_413 = arith.muli %while3A_360, %mul3A_412 : i32
          %add3A_414 = arith.constant 112 : i32
          %add3A_415 = arith.addi %mul3A_413, %add3A_414 : i32
          %get3A_416 = arith.index_cast %add3A_415 : i32 to index
          %get3A_417 = tpu.vector_load %arg12[%get3A_416] {strides = array<i32>} : memref<2048xf32, #tpu.memory_space<vmem>>, vector<16xf32>,
          %mul3A_418 = arith.constant 128 : i32
          %mul3A_419 = arith.muli %while3A_360, %mul3A_418 : i32
          %add3A_420 = arith.constant 0 : i32
          %add3A_421 = arith.addi %mul3A_419, %add3A_420 : i32
          %get3A_422 = arith.index_cast %add3A_421 : i32 to index
          %get3A_423 = tpu.vector_load %arg13[%get3A_422] {strides = array<i32>} : memref<2048xf32, #tpu.memory_space<vmem>>, vector<16xf32>,
          %mul3A_424 = arith.constant 128 : i32
          %mul3A_425 = arith.muli %while3A_360, %mul3A_424 : i32
          %add3A_426 = arith.constant 16 : i32
          %add3A_427 = arith.addi %mul3A_425, %add3A_426 : i32
          %get3A_428 = arith.index_cast %add3A_427 : i32 to index
          %get3A_429 = tpu.vector_load %arg13[%get3A_428] {strides = array<i32>} : memref<2048xf32, #tpu.memory_space<vmem>>, vector<16xf32>,
          %mul3A_430 = arith.constant 128 : i32
          %mul3A_431 = arith.muli %while3A_360, %mul3A_430 : i32
          %add3A_432 = arith.constant 32 : i32
          %add3A_433 = arith.addi %mul3A_431, %add3A_432 : i32
          %get3A_434 = arith.index_cast %add3A_433 : i32 to index
          %get3A_435 = tpu.vector_load %arg13[%get3A_434] {strides = array<i32>} : memref<2048xf32, #tpu.memory_space<vmem>>, vector<16xf32>,
          %mul3A_436 = arith.constant 128 : i32
          %mul3A_437 = arith.muli %while3A_360, %mul3A_436 : i32
          %add3A_438 = arith.constant 48 : i32
          %add3A_439 = arith.addi %mul3A_437, %add3A_438 : i32
          %get3A_440 = arith.index_cast %add3A_439 : i32 to index
          %get3A_441 = tpu.vector_load %arg13[%get3A_440] {strides = array<i32>} : memref<2048xf32, #tpu.memory_space<vmem>>, vector<16xf32>,
          %mul3A_442 = arith.constant 128 : i32
          %mul3A_443 = arith.muli %while3A_360, %mul3A_442 : i32
          %add3A_444 = arith.constant 64 : i32
          %add3A_445 = arith.addi %mul3A_443, %add3A_444 : i32
          %get3A_446 = arith.index_cast %add3A_445 : i32 to index
          %get3A_447 = tpu.vector_load %arg13[%get3A_446] {strides = array<i32>} : memref<2048xf32, #tpu.memory_space<vmem>>, vector<16xf32>,
          %mul3A_448 = arith.constant 128 : i32
          %mul3A_449 = arith.muli %while3A_360, %mul3A_448 : i32
          %add3A_450 = arith.constant 80 : i32
          %add3A_451 = arith.addi %mul3A_449, %add3A_450 : i32
          %get3A_452 = arith.index_cast %add3A_451 : i32 to index
          %get3A_453 = tpu.vector_load %arg13[%get3A_452] {strides = array<i32>} : memref<2048xf32, #tpu.memory_space<vmem>>, vector<16xf32>,
          %mul3A_454 = arith.constant 128 : i32
          %mul3A_455 = arith.muli %while3A_360, %mul3A_454 : i32
          %add3A_456 = arith.constant 96 : i32
          %add3A_457 = arith.addi %mul3A_455, %add3A_456 : i32
          %get3A_458 = arith.index_cast %add3A_457 : i32 to index
          %get3A_459 = tpu.vector_load %arg13[%get3A_458] {strides = array<i32>} : memref<2048xf32, #tpu.memory_space<vmem>>, vector<16xf32>,
          %mul3A_460 = arith.constant 128 : i32
          %mul3A_461 = arith.muli %while3A_360, %mul3A_460 : i32
          %add3A_462 = arith.constant 112 : i32
          %add3A_463 = arith.addi %mul3A_461, %add3A_462 : i32
          %get3A_464 = arith.index_cast %add3A_463 : i32 to index
          %get3A_465 = tpu.vector_load %arg13[%get3A_464] {strides = array<i32>} : memref<2048xf32, #tpu.memory_space<vmem>>, vector<16xf32>,
          %sub3A_466 = arith.subi %max3A, %mul3A_246 : i32
          %sub3A_467 = arith.subi %min3A, %mul3A_246 : i32
          %parallel_loop3A = arith.constant 1 : i32
          scf.for %parallel_loop3A_468 = %sub3A_466 to %sub3A_467 step %parallel_loop3A  : i32 {
            %parallel_loop3A_469 = arith.index_cast %parallel_loop3A_468 : i32 to index
            %parallel_loop3A_470 = arith.constant 0 : index
            %parallel_loop3A_471 = tpu.vector_load %arg14[%parallel_loop3A_469, %parallel_loop3A_470] {strides = array<i32>} : memref<200x128xf32, #tpu.memory_space<vmem>>, vector<16xf32>,
            %parallel_loop3A_472 = arith.index_cast %parallel_loop3A_468 : i32 to index
            %parallel_loop3A_473 = arith.constant 16 : index
            %parallel_loop3A_474 = tpu.vector_load %arg14[%parallel_loop3A_472, %parallel_loop3A_473] {strides = array<i32>} : memref<200x128xf32, #tpu.memory_space<vmem>>, vector<16xf32>,
            %parallel_loop3A_475 = arith.index_cast %parallel_loop3A_468 : i32 to index
            %parallel_loop3A_476 = arith.constant 32 : index
            %parallel_loop3A_477 = tpu.vector_load %arg14[%parallel_loop3A_475, %parallel_loop3A_476] {strides = array<i32>} : memref<200x128xf32, #tpu.memory_space<vmem>>, vector<16xf32>,
            %parallel_loop3A_478 = arith.index_cast %parallel_loop3A_468 : i32 to index
            %parallel_loop3A_479 = arith.constant 48 : index
            %parallel_loop3A_480 = tpu.vector_load %arg14[%parallel_loop3A_478, %parallel_loop3A_479] {strides = array<i32>} : memref<200x128xf32, #tpu.memory_space<vmem>>, vector<16xf32>,
            %parallel_loop3A_481 = arith.index_cast %parallel_loop3A_468 : i32 to index
            %parallel_loop3A_482 = arith.constant 64 : index
            %parallel_loop3A_483 = tpu.vector_load %arg14[%parallel_loop3A_481, %parallel_loop3A_482] {strides = array<i32>} : memref<200x128xf32, #tpu.memory_space<vmem>>, vector<16xf32>,
            %parallel_loop3A_484 = arith.index_cast %parallel_loop3A_468 : i32 to index
            %parallel_loop3A_485 = arith.constant 80 : index
            %parallel_loop3A_486 = tpu.vector_load %arg14[%parallel_loop3A_484, %parallel_loop3A_485] {strides = array<i32>} : memref<200x128xf32, #tpu.memory_space<vmem>>, vector<16xf32>,
            %parallel_loop3A_487 = arith.index_cast %parallel_loop3A_468 : i32 to index
            %parallel_loop3A_488 = arith.constant 96 : index
            %parallel_loop3A_489 = tpu.vector_load %arg14[%parallel_loop3A_487, %parallel_loop3A_488] {strides = array<i32>} : memref<200x128xf32, #tpu.memory_space<vmem>>, vector<16xf32>,
            %parallel_loop3A_490 = arith.index_cast %parallel_loop3A_468 : i32 to index
            %parallel_loop3A_491 = arith.constant 112 : index
            %parallel_loop3A_492 = tpu.vector_load %arg14[%parallel_loop3A_490, %parallel_loop3A_491] {strides = array<i32>} : memref<200x128xf32, #tpu.memory_space<vmem>>, vector<16xf32>,
            %parallel_loop3A_493 = arith.mulf %parallel_loop3A_471, %get3A_375 : vector<16xf32>
            %parallel_loop3A_494 = arith.addf %parallel_loop3A_493, %get3A_423 : vector<16xf32>
            %parallel_loop3A_495 = arith.index_cast %parallel_loop3A_468 : i32 to index
            %parallel_loop3A_496 = arith.constant 0 : index
            %parallel_loop3A_497 = tpu.vector_load %arg16[%parallel_loop3A_495, %parallel_loop3A_496] {strides = array<i32>} : memref<200x128xf32, #tpu.memory_space<vmem>>, vector<16xf32>,
            tpu.vector_store %arg16[%parallel_loop3A_495, %parallel_loop3A_496], %parallel_loop3A_494 {strides = array<i32>} : memref<200x128xf32, #tpu.memory_space<vmem>>, vector<16xf32>,
            %parallel_loop3A_498 = arith.mulf %parallel_loop3A_474, %get3A_381 : vector<16xf32>
            %parallel_loop3A_499 = arith.addf %parallel_loop3A_498, %get3A_429 : vector<16xf32>
            %parallel_loop3A_500 = arith.index_cast %parallel_loop3A_468 : i32 to index
            %parallel_loop3A_501 = arith.constant 16 : index
            %parallel_loop3A_502 = tpu.vector_load %arg16[%parallel_loop3A_500, %parallel_loop3A_501] {strides = array<i32>} : memref<200x128xf32, #tpu.memory_space<vmem>>, vector<16xf32>,
            tpu.vector_store %arg16[%parallel_loop3A_500, %parallel_loop3A_501], %parallel_loop3A_499 {strides = array<i32>} : memref<200x128xf32, #tpu.memory_space<vmem>>, vector<16xf32>,
            %parallel_loop3A_503 = arith.mulf %parallel_loop3A_477, %get3A_387 : vector<16xf32>
            %parallel_loop3A_504 = arith.addf %parallel_loop3A_503, %get3A_435 : vector<16xf32>
            %parallel_loop3A_505 = arith.index_cast %parallel_loop3A_468 : i32 to index
            %parallel_loop3A_506 = arith.constant 32 : index
            %parallel_loop3A_507 = tpu.vector_load %arg16[%parallel_loop3A_505, %parallel_loop3A_506] {strides = array<i32>} : memref<200x128xf32, #tpu.memory_space<vmem>>, vector<16xf32>,
            tpu.vector_store %arg16[%parallel_loop3A_505, %parallel_loop3A_506], %parallel_loop3A_504 {strides = array<i32>} : memref<200x128xf32, #tpu.memory_space<vmem>>, vector<16xf32>,
            %parallel_loop3A_508 = arith.mulf %parallel_loop3A_480, %get3A_393 : vector<16xf32>
            %parallel_loop3A_509 = arith.addf %parallel_loop3A_508, %get3A_441 : vector<16xf32>
            %parallel_loop3A_510 = arith.index_cast %parallel_loop3A_468 : i32 to index
            %parallel_loop3A_511 = arith.constant 48 : index
            %parallel_loop3A_512 = tpu.vector_load %arg16[%parallel_loop3A_510, %parallel_loop3A_511] {strides = array<i32>} : memref<200x128xf32, #tpu.memory_space<vmem>>, vector<16xf32>,
            tpu.vector_store %arg16[%parallel_loop3A_510, %parallel_loop3A_511], %parallel_loop3A_509 {strides = array<i32>} : memref<200x128xf32, #tpu.memory_space<vmem>>, vector<16xf32>,
            %parallel_loop3A_513 = arith.mulf %parallel_loop3A_483, %get3A_399 : vector<16xf32>
            %parallel_loop3A_514 = arith.addf %parallel_loop3A_513, %get3A_447 : vector<16xf32>
            %parallel_loop3A_515 = arith.index_cast %parallel_loop3A_468 : i32 to index
            %parallel_loop3A_516 = arith.constant 64 : index
            %parallel_loop3A_517 = tpu.vector_load %arg16[%parallel_loop3A_515, %parallel_loop3A_516] {strides = array<i32>} : memref<200x128xf32, #tpu.memory_space<vmem>>, vector<16xf32>,
            tpu.vector_store %arg16[%parallel_loop3A_515, %parallel_loop3A_516], %parallel_loop3A_514 {strides = array<i32>} : memref<200x128xf32, #tpu.memory_space<vmem>>, vector<16xf32>,
            %parallel_loop3A_518 = arith.mulf %parallel_loop3A_486, %get3A_405 : vector<16xf32>
            %parallel_loop3A_519 = arith.addf %parallel_loop3A_518, %get3A_453 : vector<16xf32>
            %parallel_loop3A_520 = arith.index_cast %parallel_loop3A_468 : i32 to index
            %parallel_loop3A_521 = arith.constant 80 : index
            %parallel_loop3A_522 = tpu.vector_load %arg16[%parallel_loop3A_520, %parallel_loop3A_521] {strides = array<i32>} : memref<200x128xf32, #tpu.memory_space<vmem>>, vector<16xf32>,
            tpu.vector_store %arg16[%parallel_loop3A_520, %parallel_loop3A_521], %parallel_loop3A_519 {strides = array<i32>} : memref<200x128xf32, #tpu.memory_space<vmem>>, vector<16xf32>,
            %parallel_loop3A_523 = arith.mulf %parallel_loop3A_489, %get3A_411 : vector<16xf32>
            %parallel_loop3A_524 = arith.addf %parallel_loop3A_523, %get3A_459 : vector<16xf32>
            %parallel_loop3A_525 = arith.index_cast %parallel_loop3A_468 : i32 to index
            %parallel_loop3A_526 = arith.constant 96 : index
            %parallel_loop3A_527 = tpu.vector_load %arg16[%parallel_loop3A_525, %parallel_loop3A_526] {strides = array<i32>} : memref<200x128xf32, #tpu.memory_space<vmem>>, vector<16xf32>,
            tpu.vector_store %arg16[%parallel_loop3A_525, %parallel_loop3A_526], %parallel_loop3A_524 {strides = array<i32>} : memref<200x128xf32, #tpu.memory_space<vmem>>, vector<16xf32>,
            %parallel_loop3A_528 = arith.mulf %parallel_loop3A_492, %get3A_417 : vector<16xf32>
            %parallel_loop3A_529 = arith.addf %parallel_loop3A_528, %get3A_465 : vector<16xf32>
            %parallel_loop3A_530 = arith.index_cast %parallel_loop3A_468 : i32 to index
            %parallel_loop3A_531 = arith.constant 112 : index
            %parallel_loop3A_532 = tpu.vector_load %arg16[%parallel_loop3A_530, %parallel_loop3A_531] {strides = array<i32>} : memref<200x128xf32, #tpu.memory_space<vmem>>, vector<16xf32>,
            tpu.vector_store %arg16[%parallel_loop3A_530, %parallel_loop3A_531], %parallel_loop3A_529 {strides = array<i32>} : memref<200x128xf32, #tpu.memory_space<vmem>>, vector<16xf32>,
          } {sc.loop_unroll_factor = 1 : i64, sc.parallel_access}
        } else {
        }
      }
      %while3A_279 = arith.constant 1 : i32
      scf.for %while3A_360 = %while3A_277 to %while3A_273 step %while3A_279  : i32 {
        %add3A_361 = arith.constant 200 : i32
        %add3A_362 = arith.addi %mul3A_246, %add3A_361 : i32
        %get3A_363 = arith.index_cast %while3A_360 : i32 to index
        %get3A_364 = tpu.vector_load %arg7[%get3A_363] {strides = array<i32>} : memref<32xi32, #tpu.memory_space<vmem>>, vector<16xi32>,
        %slice3A = vector.extract_strided_slice %get3A_364 {offsets = [0], sizes = [1], strides = [1]} : vector<16xi32> to vector<1xi32>
        %squeeze3A = vector.extract %slice3A[0] : i32 from vector<1xi32>
        %max3A = arith.maxsi %squeeze3A, %mul3A_246 : i32
        %slice3A_365 = vector.extract_strided_slice %get3A_364 {offsets = [1], sizes = [1], strides = [1]} : vector<16xi32> to vector<1xi32>
        %squeeze3A_366 = vector.extract %slice3A_365[0] : i32 from vector<1xi32>
        %min3A = arith.minsi %squeeze3A_366, %add3A_362 : i32
        %gt3A = arith.cmpi sgt, %min3A, %max3A : i32
        %convert_element_type3A_367 = arith.extui %gt3A : i1 to i32
        %cond3A_368 = arith.constant 0 : i32
        %cond3A_369 = arith.cmpi ne, %convert_element_type3A_367, %cond3A_368 : i32
        scf.if %cond3A_369 {
          %mul3A_370 = arith.constant 128 : i32
          %mul3A_371 = arith.muli %while3A_360, %mul3A_370 : i32
          %add3A_372 = arith.constant 0 : i32
          %add3A_373 = arith.addi %mul3A_371, %add3A_372 : i32
          %get3A_374 = arith.index_cast %add3A_373 : i32 to index
          %get3A_375 = tpu.vector_load %arg12[%get3A_374] {strides = array<i32>} : memref<2048xf32, #tpu.memory_space<vmem>>, vector<16xf32>,
          %mul3A_376 = arith.constant 128 : i32
          %mul3A_377 = arith.muli %while3A_360, %mul3A_376 : i32
          %add3A_378 = arith.constant 16 : i32
          %add3A_379 = arith.addi %mul3A_377, %add3A_378 : i32
          %get3A_380 = arith.index_cast %add3A_379 : i32 to index
          %get3A_381 = tpu.vector_load %arg12[%get3A_380] {strides = array<i32>} : memref<2048xf32, #tpu.memory_space<vmem>>, vector<16xf32>,
          %mul3A_382 = arith.constant 128 : i32
          %mul3A_383 = arith.muli %while3A_360, %mul3A_382 : i32
          %add3A_384 = arith.constant 32 : i32
          %add3A_385 = arith.addi %mul3A_383, %add3A_384 : i32
          %get3A_386 = arith.index_cast %add3A_385 : i32 to index
          %get3A_387 = tpu.vector_load %arg12[%get3A_386] {strides = array<i32>} : memref<2048xf32, #tpu.memory_space<vmem>>, vector<16xf32>,
          %mul3A_388 = arith.constant 128 : i32
          %mul3A_389 = arith.muli %while3A_360, %mul3A_388 : i32
          %add3A_390 = arith.constant 48 : i32
          %add3A_391 = arith.addi %mul3A_389, %add3A_390 : i32
          %get3A_392 = arith.index_cast %add3A_391 : i32 to index
          %get3A_393 = tpu.vector_load %arg12[%get3A_392] {strides = array<i32>} : memref<2048xf32, #tpu.memory_space<vmem>>, vector<16xf32>,
          %mul3A_394 = arith.constant 128 : i32
          %mul3A_395 = arith.muli %while3A_360, %mul3A_394 : i32
          %add3A_396 = arith.constant 64 : i32
          %add3A_397 = arith.addi %mul3A_395, %add3A_396 : i32
          %get3A_398 = arith.index_cast %add3A_397 : i32 to index
          %get3A_399 = tpu.vector_load %arg12[%get3A_398] {strides = array<i32>} : memref<2048xf32, #tpu.memory_space<vmem>>, vector<16xf32>,
          %mul3A_400 = arith.constant 128 : i32
          %mul3A_401 = arith.muli %while3A_360, %mul3A_400 : i32
          %add3A_402 = arith.constant 80 : i32
          %add3A_403 = arith.addi %mul3A_401, %add3A_402 : i32
          %get3A_404 = arith.index_cast %add3A_403 : i32 to index
          %get3A_405 = tpu.vector_load %arg12[%get3A_404] {strides = array<i32>} : memref<2048xf32, #tpu.memory_space<vmem>>, vector<16xf32>,
          %mul3A_406 = arith.constant 128 : i32
          %mul3A_407 = arith.muli %while3A_360, %mul3A_406 : i32
          %add3A_408 = arith.constant 96 : i32
          %add3A_409 = arith.addi %mul3A_407, %add3A_408 : i32
          %get3A_410 = arith.index_cast %add3A_409 : i32 to index
          %get3A_411 = tpu.vector_load %arg12[%get3A_410] {strides = array<i32>} : memref<2048xf32, #tpu.memory_space<vmem>>, vector<16xf32>,
          %mul3A_412 = arith.constant 128 : i32
          %mul3A_413 = arith.muli %while3A_360, %mul3A_412 : i32
          %add3A_414 = arith.constant 112 : i32
          %add3A_415 = arith.addi %mul3A_413, %add3A_414 : i32
          %get3A_416 = arith.index_cast %add3A_415 : i32 to index
          %get3A_417 = tpu.vector_load %arg12[%get3A_416] {strides = array<i32>} : memref<2048xf32, #tpu.memory_space<vmem>>, vector<16xf32>,
          %mul3A_418 = arith.constant 128 : i32
          %mul3A_419 = arith.muli %while3A_360, %mul3A_418 : i32
          %add3A_420 = arith.constant 0 : i32
          %add3A_421 = arith.addi %mul3A_419, %add3A_420 : i32
          %get3A_422 = arith.index_cast %add3A_421 : i32 to index
          %get3A_423 = tpu.vector_load %arg13[%get3A_422] {strides = array<i32>} : memref<2048xf32, #tpu.memory_space<vmem>>, vector<16xf32>,
          %mul3A_424 = arith.constant 128 : i32
          %mul3A_425 = arith.muli %while3A_360, %mul3A_424 : i32
          %add3A_426 = arith.constant 16 : i32
          %add3A_427 = arith.addi %mul3A_425, %add3A_426 : i32
          %get3A_428 = arith.index_cast %add3A_427 : i32 to index
          %get3A_429 = tpu.vector_load %arg13[%get3A_428] {strides = array<i32>} : memref<2048xf32, #tpu.memory_space<vmem>>, vector<16xf32>,
          %mul3A_430 = arith.constant 128 : i32
          %mul3A_431 = arith.muli %while3A_360, %mul3A_430 : i32
          %add3A_432 = arith.constant 32 : i32
          %add3A_433 = arith.addi %mul3A_431, %add3A_432 : i32
          %get3A_434 = arith.index_cast %add3A_433 : i32 to index
          %get3A_435 = tpu.vector_load %arg13[%get3A_434] {strides = array<i32>} : memref<2048xf32, #tpu.memory_space<vmem>>, vector<16xf32>,
          %mul3A_436 = arith.constant 128 : i32
          %mul3A_437 = arith.muli %while3A_360, %mul3A_436 : i32
          %add3A_438 = arith.constant 48 : i32
          %add3A_439 = arith.addi %mul3A_437, %add3A_438 : i32
          %get3A_440 = arith.index_cast %add3A_439 : i32 to index
          %get3A_441 = tpu.vector_load %arg13[%get3A_440] {strides = array<i32>} : memref<2048xf32, #tpu.memory_space<vmem>>, vector<16xf32>,
          %mul3A_442 = arith.constant 128 : i32
          %mul3A_443 = arith.muli %while3A_360, %mul3A_442 : i32
          %add3A_444 = arith.constant 64 : i32
          %add3A_445 = arith.addi %mul3A_443, %add3A_444 : i32
          %get3A_446 = arith.index_cast %add3A_445 : i32 to index
          %get3A_447 = tpu.vector_load %arg13[%get3A_446] {strides = array<i32>} : memref<2048xf32, #tpu.memory_space<vmem>>, vector<16xf32>,
          %mul3A_448 = arith.constant 128 : i32
          %mul3A_449 = arith.muli %while3A_360, %mul3A_448 : i32
          %add3A_450 = arith.constant 80 : i32
          %add3A_451 = arith.addi %mul3A_449, %add3A_450 : i32
          %get3A_452 = arith.index_cast %add3A_451 : i32 to index
          %get3A_453 = tpu.vector_load %arg13[%get3A_452] {strides = array<i32>} : memref<2048xf32, #tpu.memory_space<vmem>>, vector<16xf32>,
          %mul3A_454 = arith.constant 128 : i32
          %mul3A_455 = arith.muli %while3A_360, %mul3A_454 : i32
          %add3A_456 = arith.constant 96 : i32
          %add3A_457 = arith.addi %mul3A_455, %add3A_456 : i32
          %get3A_458 = arith.index_cast %add3A_457 : i32 to index
          %get3A_459 = tpu.vector_load %arg13[%get3A_458] {strides = array<i32>} : memref<2048xf32, #tpu.memory_space<vmem>>, vector<16xf32>,
          %mul3A_460 = arith.constant 128 : i32
          %mul3A_461 = arith.muli %while3A_360, %mul3A_460 : i32
          %add3A_462 = arith.constant 112 : i32
          %add3A_463 = arith.addi %mul3A_461, %add3A_462 : i32
          %get3A_464 = arith.index_cast %add3A_463 : i32 to index
          %get3A_465 = tpu.vector_load %arg13[%get3A_464] {strides = array<i32>} : memref<2048xf32, #tpu.memory_space<vmem>>, vector<16xf32>,
          %sub3A_466 = arith.subi %max3A, %mul3A_246 : i32
          %sub3A_467 = arith.subi %min3A, %mul3A_246 : i32
          %parallel_loop3A = arith.constant 1 : i32
          scf.for %parallel_loop3A_468 = %sub3A_466 to %sub3A_467 step %parallel_loop3A  : i32 {
            %parallel_loop3A_469 = arith.index_cast %parallel_loop3A_468 : i32 to index
            %parallel_loop3A_470 = arith.constant 0 : index
            %parallel_loop3A_471 = tpu.vector_load %arg14[%parallel_loop3A_469, %parallel_loop3A_470] {strides = array<i32>} : memref<200x128xf32, #tpu.memory_space<vmem>>, vector<16xf32>,
            %parallel_loop3A_472 = arith.index_cast %parallel_loop3A_468 : i32 to index
            %parallel_loop3A_473 = arith.constant 16 : index
            %parallel_loop3A_474 = tpu.vector_load %arg14[%parallel_loop3A_472, %parallel_loop3A_473] {strides = array<i32>} : memref<200x128xf32, #tpu.memory_space<vmem>>, vector<16xf32>,
            %parallel_loop3A_475 = arith.index_cast %parallel_loop3A_468 : i32 to index
            %parallel_loop3A_476 = arith.constant 32 : index
            %parallel_loop3A_477 = tpu.vector_load %arg14[%parallel_loop3A_475, %parallel_loop3A_476] {strides = array<i32>} : memref<200x128xf32, #tpu.memory_space<vmem>>, vector<16xf32>,
            %parallel_loop3A_478 = arith.index_cast %parallel_loop3A_468 : i32 to index
            %parallel_loop3A_479 = arith.constant 48 : index
            %parallel_loop3A_480 = tpu.vector_load %arg14[%parallel_loop3A_478, %parallel_loop3A_479] {strides = array<i32>} : memref<200x128xf32, #tpu.memory_space<vmem>>, vector<16xf32>,
            %parallel_loop3A_481 = arith.index_cast %parallel_loop3A_468 : i32 to index
            %parallel_loop3A_482 = arith.constant 64 : index
            %parallel_loop3A_483 = tpu.vector_load %arg14[%parallel_loop3A_481, %parallel_loop3A_482] {strides = array<i32>} : memref<200x128xf32, #tpu.memory_space<vmem>>, vector<16xf32>,
            %parallel_loop3A_484 = arith.index_cast %parallel_loop3A_468 : i32 to index
            %parallel_loop3A_485 = arith.constant 80 : index
            %parallel_loop3A_486 = tpu.vector_load %arg14[%parallel_loop3A_484, %parallel_loop3A_485] {strides = array<i32>} : memref<200x128xf32, #tpu.memory_space<vmem>>, vector<16xf32>,
            %parallel_loop3A_487 = arith.index_cast %parallel_loop3A_468 : i32 to index
            %parallel_loop3A_488 = arith.constant 96 : index
            %parallel_loop3A_489 = tpu.vector_load %arg14[%parallel_loop3A_487, %parallel_loop3A_488] {strides = array<i32>} : memref<200x128xf32, #tpu.memory_space<vmem>>, vector<16xf32>,
            %parallel_loop3A_490 = arith.index_cast %parallel_loop3A_468 : i32 to index
            %parallel_loop3A_491 = arith.constant 112 : index
            %parallel_loop3A_492 = tpu.vector_load %arg14[%parallel_loop3A_490, %parallel_loop3A_491] {strides = array<i32>} : memref<200x128xf32, #tpu.memory_space<vmem>>, vector<16xf32>,
            %parallel_loop3A_493 = arith.mulf %parallel_loop3A_471, %get3A_375 : vector<16xf32>
            %parallel_loop3A_494 = arith.addf %parallel_loop3A_493, %get3A_423 : vector<16xf32>
            %parallel_loop3A_495 = arith.index_cast %parallel_loop3A_468 : i32 to index
            %parallel_loop3A_496 = arith.constant 0 : index
            %parallel_loop3A_497 = tpu.vector_load %arg16[%parallel_loop3A_495, %parallel_loop3A_496] {strides = array<i32>} : memref<200x128xf32, #tpu.memory_space<vmem>>, vector<16xf32>,
            tpu.vector_store %arg16[%parallel_loop3A_495, %parallel_loop3A_496], %parallel_loop3A_494 {strides = array<i32>} : memref<200x128xf32, #tpu.memory_space<vmem>>, vector<16xf32>,
            %parallel_loop3A_498 = arith.mulf %parallel_loop3A_474, %get3A_381 : vector<16xf32>
            %parallel_loop3A_499 = arith.addf %parallel_loop3A_498, %get3A_429 : vector<16xf32>
            %parallel_loop3A_500 = arith.index_cast %parallel_loop3A_468 : i32 to index
            %parallel_loop3A_501 = arith.constant 16 : index
            %parallel_loop3A_502 = tpu.vector_load %arg16[%parallel_loop3A_500, %parallel_loop3A_501] {strides = array<i32>} : memref<200x128xf32, #tpu.memory_space<vmem>>, vector<16xf32>,
            tpu.vector_store %arg16[%parallel_loop3A_500, %parallel_loop3A_501], %parallel_loop3A_499 {strides = array<i32>} : memref<200x128xf32, #tpu.memory_space<vmem>>, vector<16xf32>,
            %parallel_loop3A_503 = arith.mulf %parallel_loop3A_477, %get3A_387 : vector<16xf32>
            %parallel_loop3A_504 = arith.addf %parallel_loop3A_503, %get3A_435 : vector<16xf32>
            %parallel_loop3A_505 = arith.index_cast %parallel_loop3A_468 : i32 to index
            %parallel_loop3A_506 = arith.constant 32 : index
            %parallel_loop3A_507 = tpu.vector_load %arg16[%parallel_loop3A_505, %parallel_loop3A_506] {strides = array<i32>} : memref<200x128xf32, #tpu.memory_space<vmem>>, vector<16xf32>,
            tpu.vector_store %arg16[%parallel_loop3A_505, %parallel_loop3A_506], %parallel_loop3A_504 {strides = array<i32>} : memref<200x128xf32, #tpu.memory_space<vmem>>, vector<16xf32>,
            %parallel_loop3A_508 = arith.mulf %parallel_loop3A_480, %get3A_393 : vector<16xf32>
            %parallel_loop3A_509 = arith.addf %parallel_loop3A_508, %get3A_441 : vector<16xf32>
            %parallel_loop3A_510 = arith.index_cast %parallel_loop3A_468 : i32 to index
            %parallel_loop3A_511 = arith.constant 48 : index
            %parallel_loop3A_512 = tpu.vector_load %arg16[%parallel_loop3A_510, %parallel_loop3A_511] {strides = array<i32>} : memref<200x128xf32, #tpu.memory_space<vmem>>, vector<16xf32>,
            tpu.vector_store %arg16[%parallel_loop3A_510, %parallel_loop3A_511], %parallel_loop3A_509 {strides = array<i32>} : memref<200x128xf32, #tpu.memory_space<vmem>>, vector<16xf32>,
            %parallel_loop3A_513 = arith.mulf %parallel_loop3A_483, %get3A_399 : vector<16xf32>
            %parallel_loop3A_514 = arith.addf %parallel_loop3A_513, %get3A_447 : vector<16xf32>
            %parallel_loop3A_515 = arith.index_cast %parallel_loop3A_468 : i32 to index
            %parallel_loop3A_516 = arith.constant 64 : index
            %parallel_loop3A_517 = tpu.vector_load %arg16[%parallel_loop3A_515, %parallel_loop3A_516] {strides = array<i32>} : memref<200x128xf32, #tpu.memory_space<vmem>>, vector<16xf32>,
            tpu.vector_store %arg16[%parallel_loop3A_515, %parallel_loop3A_516], %parallel_loop3A_514 {strides = array<i32>} : memref<200x128xf32, #tpu.memory_space<vmem>>, vector<16xf32>,
            %parallel_loop3A_518 = arith.mulf %parallel_loop3A_486, %get3A_405 : vector<16xf32>
            %parallel_loop3A_519 = arith.addf %parallel_loop3A_518, %get3A_453 : vector<16xf32>
            %parallel_loop3A_520 = arith.index_cast %parallel_loop3A_468 : i32 to index
            %parallel_loop3A_521 = arith.constant 80 : index
            %parallel_loop3A_522 = tpu.vector_load %arg16[%parallel_loop3A_520, %parallel_loop3A_521] {strides = array<i32>} : memref<200x128xf32, #tpu.memory_space<vmem>>, vector<16xf32>,
            tpu.vector_store %arg16[%parallel_loop3A_520, %parallel_loop3A_521], %parallel_loop3A_519 {strides = array<i32>} : memref<200x128xf32, #tpu.memory_space<vmem>>, vector<16xf32>,
            %parallel_loop3A_523 = arith.mulf %parallel_loop3A_489, %get3A_411 : vector<16xf32>
            %parallel_loop3A_524 = arith.addf %parallel_loop3A_523, %get3A_459 : vector<16xf32>
            %parallel_loop3A_525 = arith.index_cast %parallel_loop3A_468 : i32 to index
            %parallel_loop3A_526 = arith.constant 96 : index
            %parallel_loop3A_527 = tpu.vector_load %arg16[%parallel_loop3A_525, %parallel_loop3A_526] {strides = array<i32>} : memref<200x128xf32, #tpu.memory_space<vmem>>, vector<16xf32>,
            tpu.vector_store %arg16[%parallel_loop3A_525, %parallel_loop3A_526], %parallel_loop3A_524 {strides = array<i32>} : memref<200x128xf32, #tpu.memory_space<vmem>>, vector<16xf32>,
            %parallel_loop3A_528 = arith.mulf %parallel_loop3A_492, %get3A_417 : vector<16xf32>
            %parallel_loop3A_529 = arith.addf %parallel_loop3A_528, %get3A_465 : vector<16xf32>
            %parallel_loop3A_530 = arith.index_cast %parallel_loop3A_468 : i32 to index
            %parallel_loop3A_531 = arith.constant 112 : index
            %parallel_loop3A_532 = tpu.vector_load %arg16[%parallel_loop3A_530, %parallel_loop3A_531] {strides = array<i32>} : memref<200x128xf32, #tpu.memory_space<vmem>>, vector<16xf32>,
            tpu.vector_store %arg16[%parallel_loop3A_530, %parallel_loop3A_531], %parallel_loop3A_529 {strides = array<i32>} : memref<200x128xf32, #tpu.memory_space<vmem>>, vector<16xf32>,
          } {sc.loop_unroll_factor = 1 : i64, sc.parallel_access}
        } else {
        }
      }
      %mul3A_280 = arith.constant 200 : i32
      %mul3A_281 = arith.muli %mul3A_234, %mul3A_280 : i32
      %add3A_282 = arith.addi %mul3A_2, %mul3A_281 : i32
      %dma_start3A_283 = arith.constant 0 : i32
      %dma_start3A_284 = tpu.memref_slice %arg6[%add3A_282, %dma_start3A_283] : memref<320000x128xf32, #tpu.memory_space<hbm>> -> memref<200x128xf32, #tpu.memory_space<hbm>>
      %dma_start3A_285 = arith.constant 0 : i32
      %dma_start3A_286 = tpu.memref_slice %arg6[%add3A_282, %dma_start3A_285] : memref<320000x128xf32, #tpu.memory_space<hbm>> -> memref<200x128xf32, #tpu.memory_space<hbm>>
      tpu.enqueue_dma source(%arg16 : memref<200x128xf32, #tpu.memory_space<vmem>>) target(%dma_start3A_286 : memref<200x128xf32, #tpu.memory_space<hbm>>) target_semaphore(%arg20 : memref<!tpu.dma_semaphore, #tpu.memory_space<semaphore_mem>>)
      %add3A_287 = arith.constant 2 : i32
      %add3A_288 = arith.addi %mul3A_234, %add3A_287 : i32
      %lt3A = arith.constant 50 : i32
      %lt3A_289 = arith.cmpi slt, %add3A_288, %lt3A : i32
      %convert_element_type3A_290 = arith.extui %lt3A_289 : i1 to i32
      %cond3A_291 = arith.constant 0 : i32
      %cond3A_292 = arith.cmpi ne, %convert_element_type3A_290, %cond3A_291 : i32
      scf.if %cond3A_292 {
        %add3A_360 = arith.constant 2 : i32
        %add3A_361 = arith.addi %mul3A_234, %add3A_360 : i32
        %mul3A_362 = arith.constant 200 : i32
        %mul3A_363 = arith.muli %add3A_361, %mul3A_362 : i32
        %add3A_364 = arith.addi %mul3A_2, %mul3A_363 : i32
        %dma_start3A_365 = arith.constant 0 : i32
        %dma_start3A_366 = tpu.memref_slice %arg2[%add3A_364, %dma_start3A_365] : memref<320000x128xf32, #tpu.memory_space<hbm>> -> memref<200x128xf32, #tpu.memory_space<hbm>>
        %dma_start3A_367 = arith.constant 0 : i32
        %dma_start3A_368 = tpu.memref_slice %arg2[%add3A_364, %dma_start3A_367] : memref<320000x128xf32, #tpu.memory_space<hbm>> -> memref<200x128xf32, #tpu.memory_space<hbm>>
        tpu.enqueue_dma source(%dma_start3A_368 : memref<200x128xf32, #tpu.memory_space<hbm>>) target(%arg14 : memref<200x128xf32, #tpu.memory_space<vmem>>) target_semaphore(%arg18 : memref<!tpu.dma_semaphore, #tpu.memory_space<semaphore_mem>>)
      } else {
      }
      %ge3A_293 = arith.constant 2 : i32
      %ge3A_294 = arith.cmpi sge, %mul3A_234, %ge3A_293 : i32
      %convert_element_type3A_295 = arith.extui %ge3A_294 : i1 to i32
      %cond3A_296 = arith.constant 0 : i32
      %cond3A_297 = arith.cmpi ne, %convert_element_type3A_295, %cond3A_296 : i32
      scf.if %cond3A_297 {
        %sub3A_360 = arith.constant 1 : i32
        %sub3A_361 = arith.subi %mul3A_234, %sub3A_360 : i32
        %mul3A_362 = arith.constant 200 : i32
        %mul3A_363 = arith.muli %sub3A_361, %mul3A_362 : i32
        %add3A_364 = arith.addi %mul3A_2, %mul3A_363 : i32
        %dma_wait3A_365 = arith.constant 0 : i32
        %dma_wait3A_366 = tpu.memref_slice %arg6[%add3A_364, %dma_wait3A_365] : memref<320000x128xf32, #tpu.memory_space<hbm>> -> memref<200x128xf32, #tpu.memory_space<hbm>>
        %dma_wait3A_367 = arith.constant 0 : i32
        %dma_wait3A_368 = tpu.memref_slice %arg6[%add3A_364, %dma_wait3A_367] : memref<320000x128xf32, #tpu.memory_space<hbm>> -> memref<200x128xf32, #tpu.memory_space<hbm>>
        tpu.wait_dma2 semaphore(%arg21 : memref<!tpu.dma_semaphore, #tpu.memory_space<semaphore_mem>>) src(%arg17 : memref<200x128xf32, #tpu.memory_space<vmem>>) dst(%dma_wait3A_368 : memref<200x128xf32, #tpu.memory_space<hbm>>)
      } else {
      }
      %add3A_298 = arith.constant 1 : i32
      %add3A_299 = arith.addi %mul3A_234, %add3A_298 : i32
      %mul3A_300 = arith.constant 200 : i32
      %mul3A_301 = arith.muli %add3A_299, %mul3A_300 : i32
      %add3A_302 = arith.addi %mul3A_2, %mul3A_301 : i32
      %dma_wait3A_303 = arith.constant 0 : i32
      %dma_wait3A_304 = tpu.memref_slice %arg2[%add3A_302, %dma_wait3A_303] : memref<320000x128xf32, #tpu.memory_space<hbm>> -> memref<200x128xf32, #tpu.memory_space<hbm>>
      %dma_wait3A_305 = arith.constant 0 : i32
      %dma_wait3A_306 = tpu.memref_slice %arg2[%add3A_302, %dma_wait3A_305] : memref<320000x128xf32, #tpu.memory_space<hbm>> -> memref<200x128xf32, #tpu.memory_space<hbm>>
      tpu.wait_dma2 semaphore(%arg19 : memref<!tpu.dma_semaphore, #tpu.memory_space<semaphore_mem>>) src(%dma_wait3A_306 : memref<200x128xf32, #tpu.memory_space<hbm>>) dst(%arg15 : memref<200x128xf32, #tpu.memory_space<vmem>>)
      %add3A_307 = arith.constant 1 : i32
      %add3A_308 = arith.addi %mul3A_234, %add3A_307 : i32
      %mul3A_309 = arith.constant 200 : i32
      %mul3A_310 = arith.muli %add3A_308, %mul3A_309 : i32
      %le3A_311 = vector.broadcast %mul3A_310 : i32 to vector<16xi32>
      %le3A_312 = arith.cmpi sle, %sub3A, %le3A_311 : vector<16xi32>
      %convert_element_type3A_313 = arith.extui %le3A_312 : vector<16xi1> to vector<16xi32>
      %reduce_sum3A_314 = arith.constant true
      %reduce_sum3A_315 = vector.broadcast %reduce_sum3A_314 : i1 to vector<16xi1>
      %reduce_sum3A_316 = tpu.scan <sum>, %convert_element_type3A_313 masked %reduce_sum3A_315 : vector<16xi32>, vector<16xi1> -> vector<16xi32>
      %reduce_sum3A_317 = vector.extract %reduce_sum3A_316[15] : i32 from vector<16xi32>
      %sub3A_318 = arith.constant 1 : i32
      %sub3A_319 = arith.subi %reduce_sum3A_317, %sub3A_318 : i32
      %add3A_320 = arith.constant 200 : i32
      %add3A_321 = arith.addi %mul3A_310, %add3A_320 : i32
      %sub3A_322 = arith.constant 1 : i32
      %sub3A_323 = arith.subi %add3A_321, %sub3A_322 : i32
      %le3A_324 = vector.broadcast %sub3A_323 : i32 to vector<16xi32>
      %le3A_325 = arith.cmpi sle, %sub3A, %le3A_324 : vector<16xi32>
      %convert_element_type3A_326 = arith.extui %le3A_325 : vector<16xi1> to vector<16xi32>
      %reduce_sum3A_327 = arith.constant true
      %reduce_sum3A_328 = vector.broadcast %reduce_sum3A_327 : i1 to vector<16xi1>
      %reduce_sum3A_329 = tpu.scan <sum>, %convert_element_type3A_326 masked %reduce_sum3A_328 : vector<16xi32>, vector<16xi1> -> vector<16xi32>
      %reduce_sum3A_330 = vector.extract %reduce_sum3A_329[15] : i32 from vector<16xi32>
      %sub3A_331 = arith.constant 1 : i32
      %sub3A_332 = arith.subi %reduce_sum3A_330, %sub3A_331 : i32
      %add3A_333 = arith.constant 1 : i32
      %add3A_334 = arith.addi %sub3A_332, %add3A_333 : i32
      %while3A_335 = arith.constant 0 : i32
      %while3A_336 = arith.subi %add3A_334, %sub3A_319 : i32
      %while3A_337 = arith.addi %sub3A_319, %while3A_336 : i32
      %while3A_338 = arith.constant 1 : i32
      %while3A_339 = arith.divsi %while3A_336, %while3A_338 : i32
      %while3A_340 = arith.muli %while3A_339, %while3A_338 : i32
      %while3A_341 = arith.addi %sub3A_319, %while3A_340 : i32
      %while3A_342 = arith.constant 1 : i32
      scf.for %while3A_360 = %sub3A_319 to %while3A_341 step %while3A_342  : i32 {
        %add3A_361 = arith.constant 200 : i32
        %add3A_362 = arith.addi %mul3A_310, %add3A_361 : i32
        %get3A_363 = arith.index_cast %while3A_360 : i32 to index
        %get3A_364 = tpu.vector_load %arg7[%get3A_363] {strides = array<i32>} : memref<32xi32, #tpu.memory_space<vmem>>, vector<16xi32>,
        %slice3A = vector.extract_strided_slice %get3A_364 {offsets = [0], sizes = [1], strides = [1]} : vector<16xi32> to vector<1xi32>
        %squeeze3A = vector.extract %slice3A[0] : i32 from vector<1xi32>
        %max3A = arith.maxsi %squeeze3A, %mul3A_310 : i32
        %slice3A_365 = vector.extract_strided_slice %get3A_364 {offsets = [1], sizes = [1], strides = [1]} : vector<16xi32> to vector<1xi32>
        %squeeze3A_366 = vector.extract %slice3A_365[0] : i32 from vector<1xi32>
        %min3A = arith.minsi %squeeze3A_366, %add3A_362 : i32
        %gt3A = arith.cmpi sgt, %min3A, %max3A : i32
        %convert_element_type3A_367 = arith.extui %gt3A : i1 to i32
        %cond3A_368 = arith.constant 0 : i32
        %cond3A_369 = arith.cmpi ne, %convert_element_type3A_367, %cond3A_368 : i32
        scf.if %cond3A_369 {
          %mul3A_370 = arith.constant 128 : i32
          %mul3A_371 = arith.muli %while3A_360, %mul3A_370 : i32
          %add3A_372 = arith.constant 0 : i32
          %add3A_373 = arith.addi %mul3A_371, %add3A_372 : i32
          %get3A_374 = arith.index_cast %add3A_373 : i32 to index
          %get3A_375 = tpu.vector_load %arg12[%get3A_374] {strides = array<i32>} : memref<2048xf32, #tpu.memory_space<vmem>>, vector<16xf32>,
          %mul3A_376 = arith.constant 128 : i32
          %mul3A_377 = arith.muli %while3A_360, %mul3A_376 : i32
          %add3A_378 = arith.constant 16 : i32
          %add3A_379 = arith.addi %mul3A_377, %add3A_378 : i32
          %get3A_380 = arith.index_cast %add3A_379 : i32 to index
          %get3A_381 = tpu.vector_load %arg12[%get3A_380] {strides = array<i32>} : memref<2048xf32, #tpu.memory_space<vmem>>, vector<16xf32>,
          %mul3A_382 = arith.constant 128 : i32
          %mul3A_383 = arith.muli %while3A_360, %mul3A_382 : i32
          %add3A_384 = arith.constant 32 : i32
          %add3A_385 = arith.addi %mul3A_383, %add3A_384 : i32
          %get3A_386 = arith.index_cast %add3A_385 : i32 to index
          %get3A_387 = tpu.vector_load %arg12[%get3A_386] {strides = array<i32>} : memref<2048xf32, #tpu.memory_space<vmem>>, vector<16xf32>,
          %mul3A_388 = arith.constant 128 : i32
          %mul3A_389 = arith.muli %while3A_360, %mul3A_388 : i32
          %add3A_390 = arith.constant 48 : i32
          %add3A_391 = arith.addi %mul3A_389, %add3A_390 : i32
          %get3A_392 = arith.index_cast %add3A_391 : i32 to index
          %get3A_393 = tpu.vector_load %arg12[%get3A_392] {strides = array<i32>} : memref<2048xf32, #tpu.memory_space<vmem>>, vector<16xf32>,
          %mul3A_394 = arith.constant 128 : i32
          %mul3A_395 = arith.muli %while3A_360, %mul3A_394 : i32
          %add3A_396 = arith.constant 64 : i32
          %add3A_397 = arith.addi %mul3A_395, %add3A_396 : i32
          %get3A_398 = arith.index_cast %add3A_397 : i32 to index
          %get3A_399 = tpu.vector_load %arg12[%get3A_398] {strides = array<i32>} : memref<2048xf32, #tpu.memory_space<vmem>>, vector<16xf32>,
          %mul3A_400 = arith.constant 128 : i32
          %mul3A_401 = arith.muli %while3A_360, %mul3A_400 : i32
          %add3A_402 = arith.constant 80 : i32
          %add3A_403 = arith.addi %mul3A_401, %add3A_402 : i32
          %get3A_404 = arith.index_cast %add3A_403 : i32 to index
          %get3A_405 = tpu.vector_load %arg12[%get3A_404] {strides = array<i32>} : memref<2048xf32, #tpu.memory_space<vmem>>, vector<16xf32>,
          %mul3A_406 = arith.constant 128 : i32
          %mul3A_407 = arith.muli %while3A_360, %mul3A_406 : i32
          %add3A_408 = arith.constant 96 : i32
          %add3A_409 = arith.addi %mul3A_407, %add3A_408 : i32
          %get3A_410 = arith.index_cast %add3A_409 : i32 to index
          %get3A_411 = tpu.vector_load %arg12[%get3A_410] {strides = array<i32>} : memref<2048xf32, #tpu.memory_space<vmem>>, vector<16xf32>,
          %mul3A_412 = arith.constant 128 : i32
          %mul3A_413 = arith.muli %while3A_360, %mul3A_412 : i32
          %add3A_414 = arith.constant 112 : i32
          %add3A_415 = arith.addi %mul3A_413, %add3A_414 : i32
          %get3A_416 = arith.index_cast %add3A_415 : i32 to index
          %get3A_417 = tpu.vector_load %arg12[%get3A_416] {strides = array<i32>} : memref<2048xf32, #tpu.memory_space<vmem>>, vector<16xf32>,
          %mul3A_418 = arith.constant 128 : i32
          %mul3A_419 = arith.muli %while3A_360, %mul3A_418 : i32
          %add3A_420 = arith.constant 0 : i32
          %add3A_421 = arith.addi %mul3A_419, %add3A_420 : i32
          %get3A_422 = arith.index_cast %add3A_421 : i32 to index
          %get3A_423 = tpu.vector_load %arg13[%get3A_422] {strides = array<i32>} : memref<2048xf32, #tpu.memory_space<vmem>>, vector<16xf32>,
          %mul3A_424 = arith.constant 128 : i32
          %mul3A_425 = arith.muli %while3A_360, %mul3A_424 : i32
          %add3A_426 = arith.constant 16 : i32
          %add3A_427 = arith.addi %mul3A_425, %add3A_426 : i32
          %get3A_428 = arith.index_cast %add3A_427 : i32 to index
          %get3A_429 = tpu.vector_load %arg13[%get3A_428] {strides = array<i32>} : memref<2048xf32, #tpu.memory_space<vmem>>, vector<16xf32>,
          %mul3A_430 = arith.constant 128 : i32
          %mul3A_431 = arith.muli %while3A_360, %mul3A_430 : i32
          %add3A_432 = arith.constant 32 : i32
          %add3A_433 = arith.addi %mul3A_431, %add3A_432 : i32
          %get3A_434 = arith.index_cast %add3A_433 : i32 to index
          %get3A_435 = tpu.vector_load %arg13[%get3A_434] {strides = array<i32>} : memref<2048xf32, #tpu.memory_space<vmem>>, vector<16xf32>,
          %mul3A_436 = arith.constant 128 : i32
          %mul3A_437 = arith.muli %while3A_360, %mul3A_436 : i32
          %add3A_438 = arith.constant 48 : i32
          %add3A_439 = arith.addi %mul3A_437, %add3A_438 : i32
          %get3A_440 = arith.index_cast %add3A_439 : i32 to index
          %get3A_441 = tpu.vector_load %arg13[%get3A_440] {strides = array<i32>} : memref<2048xf32, #tpu.memory_space<vmem>>, vector<16xf32>,
          %mul3A_442 = arith.constant 128 : i32
          %mul3A_443 = arith.muli %while3A_360, %mul3A_442 : i32
          %add3A_444 = arith.constant 64 : i32
          %add3A_445 = arith.addi %mul3A_443, %add3A_444 : i32
          %get3A_446 = arith.index_cast %add3A_445 : i32 to index
          %get3A_447 = tpu.vector_load %arg13[%get3A_446] {strides = array<i32>} : memref<2048xf32, #tpu.memory_space<vmem>>, vector<16xf32>,
          %mul3A_448 = arith.constant 128 : i32
          %mul3A_449 = arith.muli %while3A_360, %mul3A_448 : i32
          %add3A_450 = arith.constant 80 : i32
          %add3A_451 = arith.addi %mul3A_449, %add3A_450 : i32
          %get3A_452 = arith.index_cast %add3A_451 : i32 to index
          %get3A_453 = tpu.vector_load %arg13[%get3A_452] {strides = array<i32>} : memref<2048xf32, #tpu.memory_space<vmem>>, vector<16xf32>,
          %mul3A_454 = arith.constant 128 : i32
          %mul3A_455 = arith.muli %while3A_360, %mul3A_454 : i32
          %add3A_456 = arith.constant 96 : i32
          %add3A_457 = arith.addi %mul3A_455, %add3A_456 : i32
          %get3A_458 = arith.index_cast %add3A_457 : i32 to index
          %get3A_459 = tpu.vector_load %arg13[%get3A_458] {strides = array<i32>} : memref<2048xf32, #tpu.memory_space<vmem>>, vector<16xf32>,
          %mul3A_460 = arith.constant 128 : i32
          %mul3A_461 = arith.muli %while3A_360, %mul3A_460 : i32
          %add3A_462 = arith.constant 112 : i32
          %add3A_463 = arith.addi %mul3A_461, %add3A_462 : i32
          %get3A_464 = arith.index_cast %add3A_463 : i32 to index
          %get3A_465 = tpu.vector_load %arg13[%get3A_464] {strides = array<i32>} : memref<2048xf32, #tpu.memory_space<vmem>>, vector<16xf32>,
          %sub3A_466 = arith.subi %max3A, %mul3A_310 : i32
          %sub3A_467 = arith.subi %min3A, %mul3A_310 : i32
          %parallel_loop3A = arith.constant 1 : i32
          scf.for %parallel_loop3A_468 = %sub3A_466 to %sub3A_467 step %parallel_loop3A  : i32 {
            %parallel_loop3A_469 = arith.index_cast %parallel_loop3A_468 : i32 to index
            %parallel_loop3A_470 = arith.constant 0 : index
            %parallel_loop3A_471 = tpu.vector_load %arg15[%parallel_loop3A_469, %parallel_loop3A_470] {strides = array<i32>} : memref<200x128xf32, #tpu.memory_space<vmem>>, vector<16xf32>,
            %parallel_loop3A_472 = arith.index_cast %parallel_loop3A_468 : i32 to index
            %parallel_loop3A_473 = arith.constant 16 : index
            %parallel_loop3A_474 = tpu.vector_load %arg15[%parallel_loop3A_472, %parallel_loop3A_473] {strides = array<i32>} : memref<200x128xf32, #tpu.memory_space<vmem>>, vector<16xf32>,
            %parallel_loop3A_475 = arith.index_cast %parallel_loop3A_468 : i32 to index
            %parallel_loop3A_476 = arith.constant 32 : index
            %parallel_loop3A_477 = tpu.vector_load %arg15[%parallel_loop3A_475, %parallel_loop3A_476] {strides = array<i32>} : memref<200x128xf32, #tpu.memory_space<vmem>>, vector<16xf32>,
            %parallel_loop3A_478 = arith.index_cast %parallel_loop3A_468 : i32 to index
            %parallel_loop3A_479 = arith.constant 48 : index
            %parallel_loop3A_480 = tpu.vector_load %arg15[%parallel_loop3A_478, %parallel_loop3A_479] {strides = array<i32>} : memref<200x128xf32, #tpu.memory_space<vmem>>, vector<16xf32>,
            %parallel_loop3A_481 = arith.index_cast %parallel_loop3A_468 : i32 to index
            %parallel_loop3A_482 = arith.constant 64 : index
            %parallel_loop3A_483 = tpu.vector_load %arg15[%parallel_loop3A_481, %parallel_loop3A_482] {strides = array<i32>} : memref<200x128xf32, #tpu.memory_space<vmem>>, vector<16xf32>,
            %parallel_loop3A_484 = arith.index_cast %parallel_loop3A_468 : i32 to index
            %parallel_loop3A_485 = arith.constant 80 : index
            %parallel_loop3A_486 = tpu.vector_load %arg15[%parallel_loop3A_484, %parallel_loop3A_485] {strides = array<i32>} : memref<200x128xf32, #tpu.memory_space<vmem>>, vector<16xf32>,
            %parallel_loop3A_487 = arith.index_cast %parallel_loop3A_468 : i32 to index
            %parallel_loop3A_488 = arith.constant 96 : index
            %parallel_loop3A_489 = tpu.vector_load %arg15[%parallel_loop3A_487, %parallel_loop3A_488] {strides = array<i32>} : memref<200x128xf32, #tpu.memory_space<vmem>>, vector<16xf32>,
            %parallel_loop3A_490 = arith.index_cast %parallel_loop3A_468 : i32 to index
            %parallel_loop3A_491 = arith.constant 112 : index
            %parallel_loop3A_492 = tpu.vector_load %arg15[%parallel_loop3A_490, %parallel_loop3A_491] {strides = array<i32>} : memref<200x128xf32, #tpu.memory_space<vmem>>, vector<16xf32>,
            %parallel_loop3A_493 = arith.mulf %parallel_loop3A_471, %get3A_375 : vector<16xf32>
            %parallel_loop3A_494 = arith.addf %parallel_loop3A_493, %get3A_423 : vector<16xf32>
            %parallel_loop3A_495 = arith.index_cast %parallel_loop3A_468 : i32 to index
            %parallel_loop3A_496 = arith.constant 0 : index
            %parallel_loop3A_497 = tpu.vector_load %arg17[%parallel_loop3A_495, %parallel_loop3A_496] {strides = array<i32>} : memref<200x128xf32, #tpu.memory_space<vmem>>, vector<16xf32>,
            tpu.vector_store %arg17[%parallel_loop3A_495, %parallel_loop3A_496], %parallel_loop3A_494 {strides = array<i32>} : memref<200x128xf32, #tpu.memory_space<vmem>>, vector<16xf32>,
            %parallel_loop3A_498 = arith.mulf %parallel_loop3A_474, %get3A_381 : vector<16xf32>
            %parallel_loop3A_499 = arith.addf %parallel_loop3A_498, %get3A_429 : vector<16xf32>
            %parallel_loop3A_500 = arith.index_cast %parallel_loop3A_468 : i32 to index
            %parallel_loop3A_501 = arith.constant 16 : index
            %parallel_loop3A_502 = tpu.vector_load %arg17[%parallel_loop3A_500, %parallel_loop3A_501] {strides = array<i32>} : memref<200x128xf32, #tpu.memory_space<vmem>>, vector<16xf32>,
            tpu.vector_store %arg17[%parallel_loop3A_500, %parallel_loop3A_501], %parallel_loop3A_499 {strides = array<i32>} : memref<200x128xf32, #tpu.memory_space<vmem>>, vector<16xf32>,
            %parallel_loop3A_503 = arith.mulf %parallel_loop3A_477, %get3A_387 : vector<16xf32>
            %parallel_loop3A_504 = arith.addf %parallel_loop3A_503, %get3A_435 : vector<16xf32>
            %parallel_loop3A_505 = arith.index_cast %parallel_loop3A_468 : i32 to index
            %parallel_loop3A_506 = arith.constant 32 : index
            %parallel_loop3A_507 = tpu.vector_load %arg17[%parallel_loop3A_505, %parallel_loop3A_506] {strides = array<i32>} : memref<200x128xf32, #tpu.memory_space<vmem>>, vector<16xf32>,
            tpu.vector_store %arg17[%parallel_loop3A_505, %parallel_loop3A_506], %parallel_loop3A_504 {strides = array<i32>} : memref<200x128xf32, #tpu.memory_space<vmem>>, vector<16xf32>,
            %parallel_loop3A_508 = arith.mulf %parallel_loop3A_480, %get3A_393 : vector<16xf32>
            %parallel_loop3A_509 = arith.addf %parallel_loop3A_508, %get3A_441 : vector<16xf32>
            %parallel_loop3A_510 = arith.index_cast %parallel_loop3A_468 : i32 to index
            %parallel_loop3A_511 = arith.constant 48 : index
            %parallel_loop3A_512 = tpu.vector_load %arg17[%parallel_loop3A_510, %parallel_loop3A_511] {strides = array<i32>} : memref<200x128xf32, #tpu.memory_space<vmem>>, vector<16xf32>,
            tpu.vector_store %arg17[%parallel_loop3A_510, %parallel_loop3A_511], %parallel_loop3A_509 {strides = array<i32>} : memref<200x128xf32, #tpu.memory_space<vmem>>, vector<16xf32>,
            %parallel_loop3A_513 = arith.mulf %parallel_loop3A_483, %get3A_399 : vector<16xf32>
            %parallel_loop3A_514 = arith.addf %parallel_loop3A_513, %get3A_447 : vector<16xf32>
            %parallel_loop3A_515 = arith.index_cast %parallel_loop3A_468 : i32 to index
            %parallel_loop3A_516 = arith.constant 64 : index
            %parallel_loop3A_517 = tpu.vector_load %arg17[%parallel_loop3A_515, %parallel_loop3A_516] {strides = array<i32>} : memref<200x128xf32, #tpu.memory_space<vmem>>, vector<16xf32>,
            tpu.vector_store %arg17[%parallel_loop3A_515, %parallel_loop3A_516], %parallel_loop3A_514 {strides = array<i32>} : memref<200x128xf32, #tpu.memory_space<vmem>>, vector<16xf32>,
            %parallel_loop3A_518 = arith.mulf %parallel_loop3A_486, %get3A_405 : vector<16xf32>
            %parallel_loop3A_519 = arith.addf %parallel_loop3A_518, %get3A_453 : vector<16xf32>
            %parallel_loop3A_520 = arith.index_cast %parallel_loop3A_468 : i32 to index
            %parallel_loop3A_521 = arith.constant 80 : index
            %parallel_loop3A_522 = tpu.vector_load %arg17[%parallel_loop3A_520, %parallel_loop3A_521] {strides = array<i32>} : memref<200x128xf32, #tpu.memory_space<vmem>>, vector<16xf32>,
            tpu.vector_store %arg17[%parallel_loop3A_520, %parallel_loop3A_521], %parallel_loop3A_519 {strides = array<i32>} : memref<200x128xf32, #tpu.memory_space<vmem>>, vector<16xf32>,
            %parallel_loop3A_523 = arith.mulf %parallel_loop3A_489, %get3A_411 : vector<16xf32>
            %parallel_loop3A_524 = arith.addf %parallel_loop3A_523, %get3A_459 : vector<16xf32>
            %parallel_loop3A_525 = arith.index_cast %parallel_loop3A_468 : i32 to index
            %parallel_loop3A_526 = arith.constant 96 : index
            %parallel_loop3A_527 = tpu.vector_load %arg17[%parallel_loop3A_525, %parallel_loop3A_526] {strides = array<i32>} : memref<200x128xf32, #tpu.memory_space<vmem>>, vector<16xf32>,
            tpu.vector_store %arg17[%parallel_loop3A_525, %parallel_loop3A_526], %parallel_loop3A_524 {strides = array<i32>} : memref<200x128xf32, #tpu.memory_space<vmem>>, vector<16xf32>,
            %parallel_loop3A_528 = arith.mulf %parallel_loop3A_492, %get3A_417 : vector<16xf32>
            %parallel_loop3A_529 = arith.addf %parallel_loop3A_528, %get3A_465 : vector<16xf32>
            %parallel_loop3A_530 = arith.index_cast %parallel_loop3A_468 : i32 to index
            %parallel_loop3A_531 = arith.constant 112 : index
            %parallel_loop3A_532 = tpu.vector_load %arg17[%parallel_loop3A_530, %parallel_loop3A_531] {strides = array<i32>} : memref<200x128xf32, #tpu.memory_space<vmem>>, vector<16xf32>,
            tpu.vector_store %arg17[%parallel_loop3A_530, %parallel_loop3A_531], %parallel_loop3A_529 {strides = array<i32>} : memref<200x128xf32, #tpu.memory_space<vmem>>, vector<16xf32>,
          } {sc.loop_unroll_factor = 1 : i64, sc.parallel_access}
        } else {
        }
      }
      %while3A_343 = arith.constant 1 : i32
      scf.for %while3A_360 = %while3A_341 to %while3A_337 step %while3A_343  : i32 {
        %add3A_361 = arith.constant 200 : i32
        %add3A_362 = arith.addi %mul3A_310, %add3A_361 : i32
        %get3A_363 = arith.index_cast %while3A_360 : i32 to index
        %get3A_364 = tpu.vector_load %arg7[%get3A_363] {strides = array<i32>} : memref<32xi32, #tpu.memory_space<vmem>>, vector<16xi32>,
        %slice3A = vector.extract_strided_slice %get3A_364 {offsets = [0], sizes = [1], strides = [1]} : vector<16xi32> to vector<1xi32>
        %squeeze3A = vector.extract %slice3A[0] : i32 from vector<1xi32>
        %max3A = arith.maxsi %squeeze3A, %mul3A_310 : i32
        %slice3A_365 = vector.extract_strided_slice %get3A_364 {offsets = [1], sizes = [1], strides = [1]} : vector<16xi32> to vector<1xi32>
        %squeeze3A_366 = vector.extract %slice3A_365[0] : i32 from vector<1xi32>
        %min3A = arith.minsi %squeeze3A_366, %add3A_362 : i32
        %gt3A = arith.cmpi sgt, %min3A, %max3A : i32
        %convert_element_type3A_367 = arith.extui %gt3A : i1 to i32
        %cond3A_368 = arith.constant 0 : i32
        %cond3A_369 = arith.cmpi ne, %convert_element_type3A_367, %cond3A_368 : i32
        scf.if %cond3A_369 {
          %mul3A_370 = arith.constant 128 : i32
          %mul3A_371 = arith.muli %while3A_360, %mul3A_370 : i32
          %add3A_372 = arith.constant 0 : i32
          %add3A_373 = arith.addi %mul3A_371, %add3A_372 : i32
          %get3A_374 = arith.index_cast %add3A_373 : i32 to index
          %get3A_375 = tpu.vector_load %arg12[%get3A_374] {strides = array<i32>} : memref<2048xf32, #tpu.memory_space<vmem>>, vector<16xf32>,
          %mul3A_376 = arith.constant 128 : i32
          %mul3A_377 = arith.muli %while3A_360, %mul3A_376 : i32
          %add3A_378 = arith.constant 16 : i32
          %add3A_379 = arith.addi %mul3A_377, %add3A_378 : i32
          %get3A_380 = arith.index_cast %add3A_379 : i32 to index
          %get3A_381 = tpu.vector_load %arg12[%get3A_380] {strides = array<i32>} : memref<2048xf32, #tpu.memory_space<vmem>>, vector<16xf32>,
          %mul3A_382 = arith.constant 128 : i32
          %mul3A_383 = arith.muli %while3A_360, %mul3A_382 : i32
          %add3A_384 = arith.constant 32 : i32
          %add3A_385 = arith.addi %mul3A_383, %add3A_384 : i32
          %get3A_386 = arith.index_cast %add3A_385 : i32 to index
          %get3A_387 = tpu.vector_load %arg12[%get3A_386] {strides = array<i32>} : memref<2048xf32, #tpu.memory_space<vmem>>, vector<16xf32>,
          %mul3A_388 = arith.constant 128 : i32
          %mul3A_389 = arith.muli %while3A_360, %mul3A_388 : i32
          %add3A_390 = arith.constant 48 : i32
          %add3A_391 = arith.addi %mul3A_389, %add3A_390 : i32
          %get3A_392 = arith.index_cast %add3A_391 : i32 to index
          %get3A_393 = tpu.vector_load %arg12[%get3A_392] {strides = array<i32>} : memref<2048xf32, #tpu.memory_space<vmem>>, vector<16xf32>,
          %mul3A_394 = arith.constant 128 : i32
          %mul3A_395 = arith.muli %while3A_360, %mul3A_394 : i32
          %add3A_396 = arith.constant 64 : i32
          %add3A_397 = arith.addi %mul3A_395, %add3A_396 : i32
          %get3A_398 = arith.index_cast %add3A_397 : i32 to index
          %get3A_399 = tpu.vector_load %arg12[%get3A_398] {strides = array<i32>} : memref<2048xf32, #tpu.memory_space<vmem>>, vector<16xf32>,
          %mul3A_400 = arith.constant 128 : i32
          %mul3A_401 = arith.muli %while3A_360, %mul3A_400 : i32
          %add3A_402 = arith.constant 80 : i32
          %add3A_403 = arith.addi %mul3A_401, %add3A_402 : i32
          %get3A_404 = arith.index_cast %add3A_403 : i32 to index
          %get3A_405 = tpu.vector_load %arg12[%get3A_404] {strides = array<i32>} : memref<2048xf32, #tpu.memory_space<vmem>>, vector<16xf32>,
          %mul3A_406 = arith.constant 128 : i32
          %mul3A_407 = arith.muli %while3A_360, %mul3A_406 : i32
          %add3A_408 = arith.constant 96 : i32
          %add3A_409 = arith.addi %mul3A_407, %add3A_408 : i32
          %get3A_410 = arith.index_cast %add3A_409 : i32 to index
          %get3A_411 = tpu.vector_load %arg12[%get3A_410] {strides = array<i32>} : memref<2048xf32, #tpu.memory_space<vmem>>, vector<16xf32>,
          %mul3A_412 = arith.constant 128 : i32
          %mul3A_413 = arith.muli %while3A_360, %mul3A_412 : i32
          %add3A_414 = arith.constant 112 : i32
          %add3A_415 = arith.addi %mul3A_413, %add3A_414 : i32
          %get3A_416 = arith.index_cast %add3A_415 : i32 to index
          %get3A_417 = tpu.vector_load %arg12[%get3A_416] {strides = array<i32>} : memref<2048xf32, #tpu.memory_space<vmem>>, vector<16xf32>,
          %mul3A_418 = arith.constant 128 : i32
          %mul3A_419 = arith.muli %while3A_360, %mul3A_418 : i32
          %add3A_420 = arith.constant 0 : i32
          %add3A_421 = arith.addi %mul3A_419, %add3A_420 : i32
          %get3A_422 = arith.index_cast %add3A_421 : i32 to index
          %get3A_423 = tpu.vector_load %arg13[%get3A_422] {strides = array<i32>} : memref<2048xf32, #tpu.memory_space<vmem>>, vector<16xf32>,
          %mul3A_424 = arith.constant 128 : i32
          %mul3A_425 = arith.muli %while3A_360, %mul3A_424 : i32
          %add3A_426 = arith.constant 16 : i32
          %add3A_427 = arith.addi %mul3A_425, %add3A_426 : i32
          %get3A_428 = arith.index_cast %add3A_427 : i32 to index
          %get3A_429 = tpu.vector_load %arg13[%get3A_428] {strides = array<i32>} : memref<2048xf32, #tpu.memory_space<vmem>>, vector<16xf32>,
          %mul3A_430 = arith.constant 128 : i32
          %mul3A_431 = arith.muli %while3A_360, %mul3A_430 : i32
          %add3A_432 = arith.constant 32 : i32
          %add3A_433 = arith.addi %mul3A_431, %add3A_432 : i32
          %get3A_434 = arith.index_cast %add3A_433 : i32 to index
          %get3A_435 = tpu.vector_load %arg13[%get3A_434] {strides = array<i32>} : memref<2048xf32, #tpu.memory_space<vmem>>, vector<16xf32>,
          %mul3A_436 = arith.constant 128 : i32
          %mul3A_437 = arith.muli %while3A_360, %mul3A_436 : i32
          %add3A_438 = arith.constant 48 : i32
          %add3A_439 = arith.addi %mul3A_437, %add3A_438 : i32
          %get3A_440 = arith.index_cast %add3A_439 : i32 to index
          %get3A_441 = tpu.vector_load %arg13[%get3A_440] {strides = array<i32>} : memref<2048xf32, #tpu.memory_space<vmem>>, vector<16xf32>,
          %mul3A_442 = arith.constant 128 : i32
          %mul3A_443 = arith.muli %while3A_360, %mul3A_442 : i32
          %add3A_444 = arith.constant 64 : i32
          %add3A_445 = arith.addi %mul3A_443, %add3A_444 : i32
          %get3A_446 = arith.index_cast %add3A_445 : i32 to index
          %get3A_447 = tpu.vector_load %arg13[%get3A_446] {strides = array<i32>} : memref<2048xf32, #tpu.memory_space<vmem>>, vector<16xf32>,
          %mul3A_448 = arith.constant 128 : i32
          %mul3A_449 = arith.muli %while3A_360, %mul3A_448 : i32
          %add3A_450 = arith.constant 80 : i32
          %add3A_451 = arith.addi %mul3A_449, %add3A_450 : i32
          %get3A_452 = arith.index_cast %add3A_451 : i32 to index
          %get3A_453 = tpu.vector_load %arg13[%get3A_452] {strides = array<i32>} : memref<2048xf32, #tpu.memory_space<vmem>>, vector<16xf32>,
          %mul3A_454 = arith.constant 128 : i32
          %mul3A_455 = arith.muli %while3A_360, %mul3A_454 : i32
          %add3A_456 = arith.constant 96 : i32
          %add3A_457 = arith.addi %mul3A_455, %add3A_456 : i32
          %get3A_458 = arith.index_cast %add3A_457 : i32 to index
          %get3A_459 = tpu.vector_load %arg13[%get3A_458] {strides = array<i32>} : memref<2048xf32, #tpu.memory_space<vmem>>, vector<16xf32>,
          %mul3A_460 = arith.constant 128 : i32
          %mul3A_461 = arith.muli %while3A_360, %mul3A_460 : i32
          %add3A_462 = arith.constant 112 : i32
          %add3A_463 = arith.addi %mul3A_461, %add3A_462 : i32
          %get3A_464 = arith.index_cast %add3A_463 : i32 to index
          %get3A_465 = tpu.vector_load %arg13[%get3A_464] {strides = array<i32>} : memref<2048xf32, #tpu.memory_space<vmem>>, vector<16xf32>,
          %sub3A_466 = arith.subi %max3A, %mul3A_310 : i32
          %sub3A_467 = arith.subi %min3A, %mul3A_310 : i32
          %parallel_loop3A = arith.constant 1 : i32
          scf.for %parallel_loop3A_468 = %sub3A_466 to %sub3A_467 step %parallel_loop3A  : i32 {
            %parallel_loop3A_469 = arith.index_cast %parallel_loop3A_468 : i32 to index
            %parallel_loop3A_470 = arith.constant 0 : index
            %parallel_loop3A_471 = tpu.vector_load %arg15[%parallel_loop3A_469, %parallel_loop3A_470] {strides = array<i32>} : memref<200x128xf32, #tpu.memory_space<vmem>>, vector<16xf32>,
            %parallel_loop3A_472 = arith.index_cast %parallel_loop3A_468 : i32 to index
            %parallel_loop3A_473 = arith.constant 16 : index
            %parallel_loop3A_474 = tpu.vector_load %arg15[%parallel_loop3A_472, %parallel_loop3A_473] {strides = array<i32>} : memref<200x128xf32, #tpu.memory_space<vmem>>, vector<16xf32>,
            %parallel_loop3A_475 = arith.index_cast %parallel_loop3A_468 : i32 to index
            %parallel_loop3A_476 = arith.constant 32 : index
            %parallel_loop3A_477 = tpu.vector_load %arg15[%parallel_loop3A_475, %parallel_loop3A_476] {strides = array<i32>} : memref<200x128xf32, #tpu.memory_space<vmem>>, vector<16xf32>,
            %parallel_loop3A_478 = arith.index_cast %parallel_loop3A_468 : i32 to index
            %parallel_loop3A_479 = arith.constant 48 : index
            %parallel_loop3A_480 = tpu.vector_load %arg15[%parallel_loop3A_478, %parallel_loop3A_479] {strides = array<i32>} : memref<200x128xf32, #tpu.memory_space<vmem>>, vector<16xf32>,
            %parallel_loop3A_481 = arith.index_cast %parallel_loop3A_468 : i32 to index
            %parallel_loop3A_482 = arith.constant 64 : index
            %parallel_loop3A_483 = tpu.vector_load %arg15[%parallel_loop3A_481, %parallel_loop3A_482] {strides = array<i32>} : memref<200x128xf32, #tpu.memory_space<vmem>>, vector<16xf32>,
            %parallel_loop3A_484 = arith.index_cast %parallel_loop3A_468 : i32 to index
            %parallel_loop3A_485 = arith.constant 80 : index
            %parallel_loop3A_486 = tpu.vector_load %arg15[%parallel_loop3A_484, %parallel_loop3A_485] {strides = array<i32>} : memref<200x128xf32, #tpu.memory_space<vmem>>, vector<16xf32>,
            %parallel_loop3A_487 = arith.index_cast %parallel_loop3A_468 : i32 to index
            %parallel_loop3A_488 = arith.constant 96 : index
            %parallel_loop3A_489 = tpu.vector_load %arg15[%parallel_loop3A_487, %parallel_loop3A_488] {strides = array<i32>} : memref<200x128xf32, #tpu.memory_space<vmem>>, vector<16xf32>,
            %parallel_loop3A_490 = arith.index_cast %parallel_loop3A_468 : i32 to index
            %parallel_loop3A_491 = arith.constant 112 : index
            %parallel_loop3A_492 = tpu.vector_load %arg15[%parallel_loop3A_490, %parallel_loop3A_491] {strides = array<i32>} : memref<200x128xf32, #tpu.memory_space<vmem>>, vector<16xf32>,
            %parallel_loop3A_493 = arith.mulf %parallel_loop3A_471, %get3A_375 : vector<16xf32>
            %parallel_loop3A_494 = arith.addf %parallel_loop3A_493, %get3A_423 : vector<16xf32>
            %parallel_loop3A_495 = arith.index_cast %parallel_loop3A_468 : i32 to index
            %parallel_loop3A_496 = arith.constant 0 : index
            %parallel_loop3A_497 = tpu.vector_load %arg17[%parallel_loop3A_495, %parallel_loop3A_496] {strides = array<i32>} : memref<200x128xf32, #tpu.memory_space<vmem>>, vector<16xf32>,
            tpu.vector_store %arg17[%parallel_loop3A_495, %parallel_loop3A_496], %parallel_loop3A_494 {strides = array<i32>} : memref<200x128xf32, #tpu.memory_space<vmem>>, vector<16xf32>,
            %parallel_loop3A_498 = arith.mulf %parallel_loop3A_474, %get3A_381 : vector<16xf32>
            %parallel_loop3A_499 = arith.addf %parallel_loop3A_498, %get3A_429 : vector<16xf32>
            %parallel_loop3A_500 = arith.index_cast %parallel_loop3A_468 : i32 to index
            %parallel_loop3A_501 = arith.constant 16 : index
            %parallel_loop3A_502 = tpu.vector_load %arg17[%parallel_loop3A_500, %parallel_loop3A_501] {strides = array<i32>} : memref<200x128xf32, #tpu.memory_space<vmem>>, vector<16xf32>,
            tpu.vector_store %arg17[%parallel_loop3A_500, %parallel_loop3A_501], %parallel_loop3A_499 {strides = array<i32>} : memref<200x128xf32, #tpu.memory_space<vmem>>, vector<16xf32>,
            %parallel_loop3A_503 = arith.mulf %parallel_loop3A_477, %get3A_387 : vector<16xf32>
            %parallel_loop3A_504 = arith.addf %parallel_loop3A_503, %get3A_435 : vector<16xf32>
            %parallel_loop3A_505 = arith.index_cast %parallel_loop3A_468 : i32 to index
            %parallel_loop3A_506 = arith.constant 32 : index
            %parallel_loop3A_507 = tpu.vector_load %arg17[%parallel_loop3A_505, %parallel_loop3A_506] {strides = array<i32>} : memref<200x128xf32, #tpu.memory_space<vmem>>, vector<16xf32>,
            tpu.vector_store %arg17[%parallel_loop3A_505, %parallel_loop3A_506], %parallel_loop3A_504 {strides = array<i32>} : memref<200x128xf32, #tpu.memory_space<vmem>>, vector<16xf32>,
            %parallel_loop3A_508 = arith.mulf %parallel_loop3A_480, %get3A_393 : vector<16xf32>
            %parallel_loop3A_509 = arith.addf %parallel_loop3A_508, %get3A_441 : vector<16xf32>
            %parallel_loop3A_510 = arith.index_cast %parallel_loop3A_468 : i32 to index
            %parallel_loop3A_511 = arith.constant 48 : index
            %parallel_loop3A_512 = tpu.vector_load %arg17[%parallel_loop3A_510, %parallel_loop3A_511] {strides = array<i32>} : memref<200x128xf32, #tpu.memory_space<vmem>>, vector<16xf32>,
            tpu.vector_store %arg17[%parallel_loop3A_510, %parallel_loop3A_511], %parallel_loop3A_509 {strides = array<i32>} : memref<200x128xf32, #tpu.memory_space<vmem>>, vector<16xf32>,
            %parallel_loop3A_513 = arith.mulf %parallel_loop3A_483, %get3A_399 : vector<16xf32>
            %parallel_loop3A_514 = arith.addf %parallel_loop3A_513, %get3A_447 : vector<16xf32>
            %parallel_loop3A_515 = arith.index_cast %parallel_loop3A_468 : i32 to index
            %parallel_loop3A_516 = arith.constant 64 : index
            %parallel_loop3A_517 = tpu.vector_load %arg17[%parallel_loop3A_515, %parallel_loop3A_516] {strides = array<i32>} : memref<200x128xf32, #tpu.memory_space<vmem>>, vector<16xf32>,
            tpu.vector_store %arg17[%parallel_loop3A_515, %parallel_loop3A_516], %parallel_loop3A_514 {strides = array<i32>} : memref<200x128xf32, #tpu.memory_space<vmem>>, vector<16xf32>,
            %parallel_loop3A_518 = arith.mulf %parallel_loop3A_486, %get3A_405 : vector<16xf32>
            %parallel_loop3A_519 = arith.addf %parallel_loop3A_518, %get3A_453 : vector<16xf32>
            %parallel_loop3A_520 = arith.index_cast %parallel_loop3A_468 : i32 to index
            %parallel_loop3A_521 = arith.constant 80 : index
            %parallel_loop3A_522 = tpu.vector_load %arg17[%parallel_loop3A_520, %parallel_loop3A_521] {strides = array<i32>} : memref<200x128xf32, #tpu.memory_space<vmem>>, vector<16xf32>,
            tpu.vector_store %arg17[%parallel_loop3A_520, %parallel_loop3A_521], %parallel_loop3A_519 {strides = array<i32>} : memref<200x128xf32, #tpu.memory_space<vmem>>, vector<16xf32>,
            %parallel_loop3A_523 = arith.mulf %parallel_loop3A_489, %get3A_411 : vector<16xf32>
            %parallel_loop3A_524 = arith.addf %parallel_loop3A_523, %get3A_459 : vector<16xf32>
            %parallel_loop3A_525 = arith.index_cast %parallel_loop3A_468 : i32 to index
            %parallel_loop3A_526 = arith.constant 96 : index
            %parallel_loop3A_527 = tpu.vector_load %arg17[%parallel_loop3A_525, %parallel_loop3A_526] {strides = array<i32>} : memref<200x128xf32, #tpu.memory_space<vmem>>, vector<16xf32>,
            tpu.vector_store %arg17[%parallel_loop3A_525, %parallel_loop3A_526], %parallel_loop3A_524 {strides = array<i32>} : memref<200x128xf32, #tpu.memory_space<vmem>>, vector<16xf32>,
            %parallel_loop3A_528 = arith.mulf %parallel_loop3A_492, %get3A_417 : vector<16xf32>
            %parallel_loop3A_529 = arith.addf %parallel_loop3A_528, %get3A_465 : vector<16xf32>
            %parallel_loop3A_530 = arith.index_cast %parallel_loop3A_468 : i32 to index
            %parallel_loop3A_531 = arith.constant 112 : index
            %parallel_loop3A_532 = tpu.vector_load %arg17[%parallel_loop3A_530, %parallel_loop3A_531] {strides = array<i32>} : memref<200x128xf32, #tpu.memory_space<vmem>>, vector<16xf32>,
            tpu.vector_store %arg17[%parallel_loop3A_530, %parallel_loop3A_531], %parallel_loop3A_529 {strides = array<i32>} : memref<200x128xf32, #tpu.memory_space<vmem>>, vector<16xf32>,
          } {sc.loop_unroll_factor = 1 : i64, sc.parallel_access}
        } else {
        }
      }
      %add3A_344 = arith.constant 1 : i32
      %add3A_345 = arith.addi %mul3A_234, %add3A_344 : i32
      %mul3A_346 = arith.constant 200 : i32
      %mul3A_347 = arith.muli %add3A_345, %mul3A_346 : i32
      %add3A_348 = arith.addi %mul3A_2, %mul3A_347 : i32
      %dma_start3A_349 = arith.constant 0 : i32
      %dma_start3A_350 = tpu.memref_slice %arg6[%add3A_348, %dma_start3A_349] : memref<320000x128xf32, #tpu.memory_space<hbm>> -> memref<200x128xf32, #tpu.memory_space<hbm>>
      %dma_start3A_351 = arith.constant 0 : i32
      %dma_start3A_352 = tpu.memref_slice %arg6[%add3A_348, %dma_start3A_351] : memref<320000x128xf32, #tpu.memory_space<hbm>> -> memref<200x128xf32, #tpu.memory_space<hbm>>
      tpu.enqueue_dma source(%arg17 : memref<200x128xf32, #tpu.memory_space<vmem>>) target(%dma_start3A_352 : memref<200x128xf32, #tpu.memory_space<hbm>>) target_semaphore(%arg21 : memref<!tpu.dma_semaphore, #tpu.memory_space<semaphore_mem>>)
      %add3A_353 = arith.constant 3 : i32
      %add3A_354 = arith.addi %mul3A_234, %add3A_353 : i32
      %lt3A_355 = arith.constant 50 : i32
      %lt3A_356 = arith.cmpi slt, %add3A_354, %lt3A_355 : i32
      %convert_element_type3A_357 = arith.extui %lt3A_356 : i1 to i32
      %cond3A_358 = arith.constant 0 : i32
      %cond3A_359 = arith.cmpi ne, %convert_element_type3A_357, %cond3A_358 : i32
      scf.if %cond3A_359 {
        %add3A_360 = arith.constant 3 : i32
        %add3A_361 = arith.addi %mul3A_234, %add3A_360 : i32
        %mul3A_362 = arith.constant 200 : i32
        %mul3A_363 = arith.muli %add3A_361, %mul3A_362 : i32
        %add3A_364 = arith.addi %mul3A_2, %mul3A_363 : i32
        %dma_start3A_365 = arith.constant 0 : i32
        %dma_start3A_366 = tpu.memref_slice %arg2[%add3A_364, %dma_start3A_365] : memref<320000x128xf32, #tpu.memory_space<hbm>> -> memref<200x128xf32, #tpu.memory_space<hbm>>
        %dma_start3A_367 = arith.constant 0 : i32
        %dma_start3A_368 = tpu.memref_slice %arg2[%add3A_364, %dma_start3A_367] : memref<320000x128xf32, #tpu.memory_space<hbm>> -> memref<200x128xf32, #tpu.memory_space<hbm>>
        tpu.enqueue_dma source(%dma_start3A_368 : memref<200x128xf32, #tpu.memory_space<hbm>>) target(%arg15 : memref<200x128xf32, #tpu.memory_space<vmem>>) target_semaphore(%arg19 : memref<!tpu.dma_semaphore, #tpu.memory_space<semaphore_mem>>)
      } else {
      }
    }
    %scan3A_220 = arith.constant 25 : i32
    %add3A_221 = arith.constant 9600 : i32
    %add3A_222 = arith.addi %mul3A_2, %add3A_221 : i32
    %dma_wait3A = arith.constant 0 : i32
    %dma_wait3A_223 = tpu.memref_slice %arg6[%add3A_222, %dma_wait3A] : memref<320000x128xf32, #tpu.memory_space<hbm>> -> memref<200x128xf32, #tpu.memory_space<hbm>>
    %dma_wait3A_224 = arith.constant 0 : i32
    %dma_wait3A_225 = tpu.memref_slice %arg6[%add3A_222, %dma_wait3A_224] : memref<320000x128xf32, #tpu.memory_space<hbm>> -> memref<200x128xf32, #tpu.memory_space<hbm>>
    tpu.wait_dma2 semaphore(%arg20 : memref<!tpu.dma_semaphore, #tpu.memory_space<semaphore_mem>>) src(%arg16 : memref<200x128xf32, #tpu.memory_space<vmem>>) dst(%dma_wait3A_225 : memref<200x128xf32, #tpu.memory_space<hbm>>)
    %add3A_226 = arith.constant 9800 : i32
    %add3A_227 = arith.addi %mul3A_2, %add3A_226 : i32
    %dma_wait3A_228 = arith.constant 0 : i32
    %dma_wait3A_229 = tpu.memref_slice %arg6[%add3A_227, %dma_wait3A_228] : memref<320000x128xf32, #tpu.memory_space<hbm>> -> memref<200x128xf32, #tpu.memory_space<hbm>>
    %dma_wait3A_230 = arith.constant 0 : i32
    %dma_wait3A_231 = tpu.memref_slice %arg6[%add3A_227, %dma_wait3A_230] : memref<320000x128xf32, #tpu.memory_space<hbm>> -> memref<200x128xf32, #tpu.memory_space<hbm>>
    tpu.wait_dma2 semaphore(%arg21 : memref<!tpu.dma_semaphore, #tpu.memory_space<semaphore_mem>>) src(%arg17 : memref<200x128xf32, #tpu.memory_space<vmem>>) dst(%dma_wait3A_231 : memref<200x128xf32, #tpu.memory_space<hbm>>)
    return
  }
}

</mosaic_0001>

<sc_bundles>
// kernel: octree_in_apply.3.cloned.1.call-start
scs
__scs_entry_jumppad:
0x0: {  	(pc) =	sbr.rel $0x88, $3  }
0x1: {  	(tag) =	ssettag $0x0;
	lr =	simm.s32 $0x1  }
0x2: {  	[smem:$0x3F9D] =	sst lr;
	_ =	strace $0xD0000000  }
0x3: {  	_ = 	snop  }
0x4: {  	_ = 	snop  }
0x5: {  	_ = 	snop  }
0x6: {  	_ = 	snop  }
0x7: {  	_ = 	snop  }
__scs_overlays_trampoline_lowered:
0x8: {  	[smem:$0x3FAC] =	sst s0  }
0x9: {  	[smem:$0x3FAD] =	sst s1  }
0xa: {  	[smem:$0x3FAE] =	sst s2  }
0xb: {  	[smem:$0x3FAF] =	sst s3  }
0xc: {  	[smem:$0x3FB0] =	sst s4  }
0xd: {  	[smem:$0x3FB1] =	sst s5  }
0xe: {  	[smem:$0x3FB2] =	sst s6  }
0xf: {  	[smem:$0x3FB3] =	sst s7  }
0x10: {  	[smem:$0x3FB4] =	sst s8  }
0x11: {  	[smem:$0x3FB5] =	sst s9;
	s0 =	simm.s32 @!p0 $0x0  }
0x12: {  	s1 =	sld [smem:$0x3F9B];
	s0 =	simm.s32 @p0 $0x1  }
0x13: {  	[smem:$0x3FB6] =	sst s0;
	s0 =	simm.s32 @!p1 $0x0  }
0x14: {  	s2 =	sld [smem:$0x3F9A];
	s0 =	simm.s32 @p1 $0x1  }
0x15: {  	[smem:$0x3FB7] =	sst s0;
	s0 =	simm.s32 @!p2 $0x0  }
0x16: {  	s3 =	sld [smem:$0x3FDB];
	s0 =	simm.s32 @p2 $0x1  }
0x17: {  	s4 =	simm.s32 $0x1BF5;
	[smem:$0x3FB9] =	sst s0  }
0x18: {  	s0 =	sld [smem:$0x3F9C];
	_ =	swait.ge [sflag:s4], $0x0  }
0x19: {  	s7 =	sld [smem:$0x3F9D]  }
0x1a: {  	s8 =	sadd.s32 $0xFFFFE003, lr  }
0x1b: {  	s9 =	sadd.s32 $0xFFFFFEF7, lr;
	s5 =	simm.s32 $0xFFFFFFFF;
	p2 =	slt.u32 s8, $0xFFFFF086  }
0x1c: {  	p1 =	slt.u32 s9, $0xF7A;
	s5 =	simm.s32 @!p2 $0x0  }
0x1d: {  	s5 =	simm.s32 @p1 $0x1;
	p0 =	seq.s32 s7, s2  }
0x1e: {  	s7 =	smul.u32 @!p0 $0xF7A, s2;
	p2 =	seq.s32 @!p0 s5, $0x0  }
0x1f: {  	s9 =	smul.u32 $0xF7A, s1;
	s8 =	simm.s32 @!p0 $0x1BF5;
	p2 =	por !p2, p0  }
0x20: {  	[sflag:s8] =	ssyncset.s32 @!p0 $0xFFFFF086;
	s6 =	sadd.s32 @!p0 s3, s7;
	s7 =	simm.s32 @!p0 $0x108  }
0x21: {  	s3 =	sadd.s32 s3, s9;
	s6 =	sadd.s32 @!p0 $0x88, s6;
	s7 =	simm.s32 @p2 $0x1082  }
0x22: {  	[simem:s7], [sflag:s8] =	dma.local @!p0 [hbm:s6], $0xF7A  }
0x23: {  	s9 =	sor.u32 $0xD0000000, s2;
	s6 =	simm.s32 $0x108;
	_ =	swait.ge @!p0 [sflag:s8], $0x0  }
0x24: {  	s3 =	sadd.s32 $0x88, s3;
	s6 =	simm.s32 @!p1 $0x1082;
	[sflag:s4] =	ssyncset.s32 $0xFFFFF086  }
0x25: {  	[simem:s6], [sflag:s4] =	dma.local [hbm:s3], $0xF7A  }
0x26: {  	[smem:$0x3F9D] =	sst s1;
	(tag) =	ssettag s2;
	_ =	strace s9  }
0x27: {  	s1 =	sld [smem:$0x3FAD]  }
0x28: {  	s2 =	sld [smem:$0x3FAE]  }
0x29: {  	s4 =	sld [smem:$0x3FB0]  }
0x2a: {  	p0 =	seq.s32 s5, $0x0;
	s5 =	sld [smem:$0x3FB1]  }
0x2b: {  	s6 =	sld [smem:$0x3FB2]  }
0x2c: {  	s7 =	sld [smem:$0x3FB3]  }
0x2d: {  	s3 =	simm.s32 $0x108;
	s8 =	sld [smem:$0x3FB4]  }
0x2e: {  	s3 =	simm.s32 @!p0 $0x1082;
	s9 =	sld [smem:$0x3FB5]  }
0x2f: {  	lr =	sadd.s32 s0, s3;
	s0 =	sld [smem:$0x3FAC]  }
0x30: {  	s3 =	sld [smem:$0x3FAF]  }
0x31: {  	[smem:$0x3FB8] =	sst s10  }
0x32: {  	s10 =	sld [smem:$0x3FB6];
	_ =	sdelay $0x3  }
0x33: {  	p0 =	seq.s32 s10, $0x1;
	s10 =	sld [smem:$0x3FB8];
	_ =	sdelay $0x3  }
0x34: {  	[smem:$0x3FB8] =	sst s10  }
0x35: {  	s10 =	sld [smem:$0x3FB7];
	_ =	sdelay $0x3  }
0x36: {  	p1 =	seq.s32 s10, $0x1;
	s10 =	sld [smem:$0x3FB8];
	_ =	sdelay $0x3  }
0x37: {  	[smem:$0x3FB8] =	sst s10  }
0x38: {  	s10 =	sld [smem:$0x3FB9]  }
0x39: {  	_ = 	snop;
	(pc) =	sbr.ind lr, $3  }
0x3a: {  	_ = 	snop  }
0x3b: {  	_ = 	snop  }
0x3c: {  	p2 =	seq.s32 s10, $0x1;
	s10 =	sld [smem:$0x3FB8]  }
0x3d: {  	_ =	shalt  }
0x3e: {  	_ =	shalt  }
0x3f: {  	_ =	shalt  }
0x40: {  	_ =	shalt  }
0x41: {  	_ =	shalt  }
0x42: {  	_ =	shalt  }
0x43: {  	_ =	shalt  }
0x44: {  	_ =	shalt  }
0x45: {  	_ =	shalt  }
0x46: {  	_ =	shalt  }
0x47: {  	_ =	shalt  }
0x48: {  	_ =	shalt  }
0x49: {  	_ =	shalt  }
0x4a: {  	_ =	shalt  }
0x4b: {  	_ =	shalt  }
0x4c: {  	_ =	shalt  }
0x4d: {  	_ =	shalt  }
0x4e: {  	_ =	shalt  }
0x4f: {  	_ =	shalt  }
0x50: {  	_ =	shalt  }
0x51: {  	_ =	shalt  }
0x52: {  	_ =	shalt  }
0x53: {  	_ =	shalt  }
0x54: {  	_ =	shalt  }
0x55: {  	_ =	shalt  }
0x56: {  	_ =	shalt  }
0x57: {  	_ =	shalt  }
0x58: {  	_ =	shalt  }
0x59: {  	_ =	shalt  }
0x5a: {  	_ =	shalt  }
0x5b: {  	_ =	shalt  }
0x5c: {  	_ =	shalt  }
0x5d: {  	_ =	shalt  }
0x5e: {  	_ =	shalt  }
0x5f: {  	_ =	shalt  }
0x60: {  	_ =	shalt  }
0x61: {  	_ =	shalt  }
0x62: {  	_ =	shalt  }
0x63: {  	_ =	shalt  }
0x64: {  	_ =	shalt  }
0x65: {  	_ =	shalt  }
0x66: {  	_ =	shalt  }
0x67: {  	_ =	shalt  }
0x68: {  	_ =	shalt  }
0x69: {  	_ =	shalt  }
0x6a: {  	_ =	shalt  }
0x6b: {  	_ =	shalt  }
0x6c: {  	_ =	shalt  }
0x6d: {  	_ =	shalt  }
0x6e: {  	_ =	shalt  }
0x6f: {  	_ =	shalt  }
0x70: {  	_ =	shalt  }
0x71: {  	_ =	shalt  }
0x72: {  	_ =	shalt  }
0x73: {  	_ =	shalt  }
0x74: {  	_ =	shalt  }
0x75: {  	_ =	shalt  }
0x76: {  	_ =	shalt  }
0x77: {  	_ =	shalt  }
0x78: {  	_ =	shalt  }
0x79: {  	_ =	shalt  }
0x7a: {  	_ =	shalt  }
0x7b: {  	_ =	shalt  }
0x7c: {  	_ =	shalt  }
0x7d: {  	_ =	shalt  }
0x7e: {  	_ =	shalt  }
0x7f: {  	_ =	shalt  }
0x80: {  	_ =	shalt  }
0x81: {  	_ =	shalt  }
0x82: {  	_ =	shalt  }
0x83: {  	_ =	shalt  }
0x84: {  	_ =	shalt  }
0x85: {  	_ =	shalt  }
0x86: {  	_ =	shalt  }
0x87: {  	_ =	shalt  }
.Lfunc_end0:
.L_simem_size_0:
called_computation.1_lowered:
.L_overlay_start_0:
0x88: {  	s2 =	sld [smem:$0x3FD9]  }
0x89: {  	s3 =	sld [smem:$0x3FFE];
	_ =	sdelay $0x1  }
0x8a: {  	s1 =	srdreg.scid  }
0x8b: {  	s0 =	sand.u32 $0x1, s1  }
0x8c: {  	s17 =	sshll.u32 s0, $0xA;
	s2 =	sadd.s32 s3, s2  }
0x8d: {  	s2 =	sadd.s32 s2, s17  }
0x8e: {  	[smem:$0x3FC4] =	sst s2  }
0x8f: {  	_ = 	snop  }
0x90: {  	s2 =	sld [smem:$0x3FC9]  }
0x91: {  	s18 =	sld [smem:$0x3FD0];
	(tm) =	ssettm $0x1  }
0x92: {  	s4 =	sld [smem:$0x3FFB];
	_ =	sdelay $0x3  }
0x93: {  	_ =	strace s4  }
0x94: {  	s4 =	sld [smem:$0x3FFC];
	_ =	sdelay $0x3  }
0x95: {  	_ =	strace s4  }
0x96: {  	s4 =	sld [smem:$0x3FFD];
	_ =	sdelay $0x3  }
0x97: {  	_ =	strace s4  }
0x98: {  	_ =	strace $0x8FFFFFFF  }
0x99: {  	s19 =	sld [smem:$0x3FDB];
	_ =	sdelay $0x1  }
0x9a: {  	s5 =	simm.s32 $_scs_section_size  }
0x9b: {  	s6 =	simm.s32 $_size__tile_overlayer_lowered;
	s7 =	simm.s32 $_tile_overlayer_lowered  }
0x9c: {  	s22 =	simm.s32 $0x1BFF;
	s21 =	sshll.u32 s7, $0x1;
	s4 =	sadd.s32 s5, s19  }
0x9d: {  	s8 =	simm.s32 $0x0;
	s20 =	sshll.u32 s6, $0x1;
	s6 =	sadd.s32 s21, s4  }
0x9e: {  	[timem:s8], [sflag:s22] =	dma.local [hbm:s6], s20  }
0x9f: {  	_ =	swait.ge [sflag:s22], s20  }
0xa0: {  	s5 =	ssub.s32 $0x0, s20;
	[sflag:s22] =	ssyncset.done $0x0  }
0xa1: {  	[sflag:s22] =	ssyncadd.s32 s5;
	_ =	sdelay $0x1  }
0xa2: {  	s23 =	simm.s32 $0x1B8B  }
0xa3: {  	_ =	swait.ge [sflag:s23], $0x1  }
0xa4: {  	[sflag:s23] =	ssyncset.done $0x0  }
0xa5: {  	s25 =	simm.s32 $0x1B8E;
	s24 =	sld [smem:$0x3FFE];
	[sflag:s23] =	ssyncadd.s32 $0xFFFFFFFF  }
0xa6: {  	s26 =	simm.s32 $execute0_lowered;
	[smem:$0x3FD2] =	sst s25  }
0xa7: {  	s6 =	sshll.u32 s26, $0x1;
	_ =	strace $0x80000049;
	[dreg:$0x1] =	wrdreg $0xFFFFFFFF  }
0xa8: {  	s28 =	simm.s32 $_size_execute0_lowered;
	s4 =	sadd.s32 s4, s6;
	[dreg:$0x0] =	wrdreg $0x0  }
0xa9: {  	s6 =	sshll.u32 s28, $0x1;
	[dreg:$0x2] =	wrdreg s4  }
0xaa: {  	[dreg:$0x3] =	wrdreg s6  }
0xab: {  	[dreg:$0x4] =	wrdreg $0xC0  }
0xac: {  	_ =	task [dreg:s8], $0x5FFFF  }
0xad: {  	[dreg:$0x1] =	wrdreg $0xFFFFFFFF  }
0xae: {  	[dreg:$0x0] =	wrdreg $0x60  }
0xaf: {  	[dreg:$0x2] =	wrdreg s2  }
0xb0: {  	[dreg:$0x3] =	wrdreg s24  }
0xb1: {  	[dreg:$0x4] =	wrdreg s18  }
0xb2: {  	[dreg:$0x5] =	wrdreg $0x9  }
0xb3: {  	_ =	task.clear_ibuf [dreg:s8], $0x6FFFF;
	_ =	strace $0x90000049  }
0xb4: {  	s29 =	simm.s32 $0x9;
	_ =	strace $0x8000004B  }
0xb5: {  	_ =	swait.ge [sflag:s29], $0x1  }
0xb6: {  	[sflag:s29] =	ssyncadd.s32 $0xFFFFFFFF  }
0xb7: {  	_ =	strace $0x9000004B  }
0xb8: {  	_ =	sfence  }
0xb9: {  	s30 =	sld [smem:$0x0];
	_ =	sdelay $0x2  }
0xba: {  	s31 =	sshll.u32 s1, $0xD;
	s1 =	sshrl.u32 s1, $0x2  }
0xbb: {  	s3 =	sand.u32 $0x4000, s31;
	s1 =	sadd.s32 s1, s30  }
0xbc: {  	s0 =	sor.u32 s3, s0;
	s1 =	sshll.u32 s1, $0x11  }
0xbd: {  	s0 =	sor.u32 s1, s0  }
0xbe: {  	s0 =	sadd.s32 $0x8F2B, s0  }
0xbf: {  	[sflag:s0] =	ssyncadd.remote.s32 $0x1  }
0xc0: {  	_ =	sfence.sel $0xFFFF  }
0xc1: {  	[dreg:$0x0] =	wrdreg $0xFFFFFFFF;
	(pc) =	sbr.abs _section_cstart, $3  }
0xc2: {  	[dreg:$0x1] =	wrdreg $0xFFFFFFFF  }
0xc3: {  	_ =	task.clear_ibuf [dreg:s8], $0x2FFFF;
	_ =	strace $0x9FFFFFFF  }
0xc4: {  	(tm) =	ssettm $0x7FFFFFFF  }
0xc5: {  	_ =	shalt  }
tec
execute0_lowered:
.L_overlay_start_1:
0x0: {  	(tag) =	ssettag $0x1  }
0x1: {  	s1 =	rddreg [dreg:$0x0]  }
0x2: {  	s0 =	rddreg [dreg:$0x1]  }
0x3: {  	s3 =	rddreg [dreg:$0x2]  }
0x4: {  	s2 =	srdreg.scid;
	s5 =	stileid.u32  }
0x5: {  	s4 =	simm.s32 $0x0;
	s15 =	simm.s32 $0xA600;
	s14 =	simm.s32 $0x800  }
0x6: {  	s16 =	simm.s32 $0x8000;
	s17 =	simm.s32 $0x100;
	s23 =	simm.s32 $0x6  }
0x7: {  	s28 =	simm.s32 $0x16E00;
	s30 =	simm.s32 $0x4;
	s2 =	sand.u32 $0x1, s2  }
0x8: {  	s5 =	sshll.u32 s5, $0x1;
	[smem:$0x7FF] =	sst s4;
	s8 =	sadd.s32 $0x5000, s0  }
0x9: {  	s6 =	sor.u32 s2, s5;
	_ =	strace $0x8000004A;
	s5 =	sadd.s32 $0x1000, s0  }
0xa: {  	[dreg:$0x4] =	wrdreg s8;
	s0 =	sadd.s32 $0x5200, s0;
	s7 =	smul.u32 $0x138800, s6  }
0xb: {  	s24 =	ssub.s32 $0x2, s2;
	[dreg:$0x5] =	wrdreg s0;
	s25 =	smul.u32 $0x27100, s6  }
0xc: {  	s9 =	sshrl.u32 s24, $0x1;
	s8 =	smul.u32 $0x2710, s6;
	s29 =	sshll.u32 s6, $0x9  }
0xd: {  	s0 =	ssub.s32 s24, s9;
	s31 =	sshrl.u32 s29, $0x2;
	s24 =	simm.s32 $0x1  }
.Ltmp0:
0xe: {  	s7 =	sshrl.u32 s7, $0x3;
	s2 =	sadd.s32 s1, s25;
	(pc) =	sbr.rel .LBB2_1-.Ltmp0, $4  }
0xf: {  	s11 =	sadd.s32 $0x190, s8;
	s12 =	sadd.s32 $0x258, s8;
	[dreg:$0x9] =	wrdreg s31  }
0x10: {  	s0 =	smax.u32 s0, $0x1;
	s7 =	sadd.s32 s1, s7;
	[dreg:$0x6] =	wrdreg s2  }
0x11: {  	s25 =	simm.s32 $0x10A00;
	[dreg:$0x8] =	wrdreg s0;
	s26 =	sadd.s32 $0xC80, s7  }
0x12: {  	v0 =	vimm.s32 $0x2710;
	v1 =	vimm.f32 $1.000000000e+00;
	v2 =	vimm.s32 $0x0;
	s2 =	simm.s32 $0x0;
	[dreg:$0x7] =	wrdreg s26;
	s26 =	simm.s32 $0x2  }
.LBB2_29:
0x13: {  	s0 =	simm.s32 $0x3  }
0x14: {  	_ =	swait.ge [sflag:s0], $0x6400  }
0x15: {  	[sflag:s0] =	ssyncset.done $0x0  }
0x16: {  	[sflag:s0] =	ssyncadd.s32 $0xFFFF9C00  }
0x17: {  	_ =	swait.ge [sflag:s30], $0x6400  }
0x18: {  	s2 =	rddreg [dreg:$0xa]  }
0x19: {  	s31 =	rddreg [dreg:$0x8];
	s2 =	sadd.s32 $0x1, s2  }
0x1a: {  	p0 =	sne.s32 s2, s31  }
.Ltmp1:
0x1b: {  	_ = 	snop;
	(pc) =	sbr.rel @!p0 .LBB2_30-.Ltmp1, $3  }
0x1c: {  	_ =	sdelay $0x1  }
0x1d: {  	s14 =	simm.s32 $0x800;
	[sflag:s30] =	ssyncset.done $0x0  }
0x1e: {  	s16 =	simm.s32 $0x8000;
	s17 =	simm.s32 $0x100;
	[sflag:s30] =	ssyncadd.s32 $0xFFFF9C00  }
.LBB2_1:
0x1f: {  	[dreg:$0xa] =	wrdreg s2  }
0x20: {  	s0 =	rddreg [dreg:$0x6];
	s10 =	simm.s32 $0x4200  }
0x21: {  	[tilespmem:s10], [sflag:$0x1] =	stream.linear.gather [hbm4b:s0+s4], $0x6400, $0x38;
	[tilespmem:$0x1D200] =	vst v63  }
0x22: {  	s13 =	rddreg [dreg:$0x7]  }
0x23: {  	[tilespmem:s15], [sflag:$0x2] =	stream.linear.gather [hbm4b:s13+s4], $0x6400, $0x38;
	[tilespmem:$0x1D200] =	vst v63  }
0x24: {  	s18 =	rddreg [dreg:$0x4];
	s19 =	simm.s32 $0x2100  }
0x25: {  	[tilespmem:s19], [sflag:$0x5] =	stream.linear.gather [hbm4b:s18+s4], $0x1000, $0x38;
	[tilespmem:$0x1D200] =	vst v63  }
0x26: {  	s20 =	rddreg [dreg:$0x5];
	s21 =	simm.s32 $0x3100;
	s22 =	simm.s32 $0x5  }
0x27: {  	[tilespmem:s21], [sflag:$0x5] =	stream.linear.gather [hbm4b:s20+s4], $0x100, $0x38;
	[tilespmem:$0x1D200] =	vst v63  }
0x28: {  	_ =	swait.ge [sflag:s22], $0x1000  }
0x29: {  	[sflag:s22] =	ssyncset.done $0x0  }
0x2a: {  	[sflag:s22] =	ssyncadd.s32 $0xFFFFF000  }
0x2b: {  	_ =	swait.ge [sflag:s22], $0x100  }
0x2c: {  	[sflag:s22] =	ssyncset.done $0x0  }
0x2d: {  	[sflag:s22] =	ssyncadd.s32 $0xFFFFFF00  }
0x2e: {  	s29 =	rddreg [dreg:$0x9];
	v3 =	vld [tilespmem:$0x2100]  }
0x2f: {  	v4 =	vld [tilespmem:s29+$0x2100]  }
0x30: {  	v5 =	vld [tilespmem:$0x2180]  }
0x31: {  	v6 =	vld [tilespmem:$0x2200]  }
0x32: {  	v7 =	vld [tilespmem:$0x2280]  }
0x33: {  	v8 =	vld [tilespmem:$0x2300]  }
0x34: {  	v9 =	vld [tilespmem:$0x2380];
	(xrf0) =	vadd.scan.msk.s32 $0xffff, v4  }
0x35: {  	v3 =	vadd.s32 v3, v5;
	v5 =	vld [tilespmem:$0x2400]  }
0x36: {  	v41 =	vld [tilespmem:$0x2480];
	v3 =	vadd.s32 v6, v3  }
0x37: {  	v3 =	vadd.s32 v7, v3  }
0x38: {  	v3 =	vadd.s32 v8, v3  }
0x39: {  	v3 =	vadd.s32 v9, v3  }
0x3a: {  	v3 =	vadd.s32 v5, v3;
	v10, _, _ =	vpop (xrf0)  }
0x3b: {  	v6 =	vadd.s32 v41, v3;
	v3 =	vsub.s32 v10, v4  }
0x3c: {  	v42 =	vld [tilespmem:$0x2500];
	vm0 =	vlt.s32 v3, $0x1  }
0x3d: {  	v43 =	vld [tilespmem:$0x2580];
	vm15 =	vlt.s32 v3, $0x2710;
	v47 =	vsel vm0, $0x1, v2  }
0x3e: {  	v44 =	vld [tilespmem:$0x2600];
	v49 =	vsel vm15, $0x1, v2;
	(xrf0) =	vadd.scan.msk.s32 $0xffff, v47  }
0x3f: {  	v5 =	vld [tilespmem:$0x2680];
	(xrf0) =	vadd.scan.msk.s32 $0xffff, v49  }
0x40: {  	v11 =	vld [tilespmem:$0x2700]  }
0x41: {  	v45 =	vld [tilespmem:$0x2780];
	v4 =	vadd.s32 v42, v6  }
0x42: {  	v46 =	vld [tilespmem:$0x2800];
	v4 =	vadd.s32 v43, v4  }
0x43: {  	v48 =	vld [tilespmem:$0x2880];
	v4 =	vadd.s32 v44, v4  }
0x44: {  	v4 =	vadd.s32 v5, v4;
	v5 =	vld [tilespmem:$0x2900];
	v54, _, _ =	vpop (xrf0)  }
0x45: {  	v50 =	vld [tilespmem:$0x2980];
	v4 =	vadd.s32 v11, v4;
	(v2sf) =	vpush v54, $0xF;
	v56, _, _ =	vpop (xrf0)  }
0x46: {  	v51 =	vld [tilespmem:$0x2A00];
	v4 =	vadd.s32 v45, v4;
	(v2sf) =	vpush v56, $0xF  }
0x47: {  	v52 =	vld [tilespmem:$0x2A80];
	v4 =	vadd.s32 v46, v4  }
0x48: {  	v53 =	vld [tilespmem:$0x2B00];
	v4 =	vadd.s32 v48, v4  }
0x49: {  	v4 =	vadd.s32 v5, v4;
	v5 =	vld [tilespmem:$0x2B80]  }
0x4a: {  	v55 =	vld [tilespmem:$0x2C00];
	v4 =	vadd.s32 v50, v4  }
0x4b: {  	v57 =	vld [tilespmem:$0x2C80];
	v4 =	vadd.s32 v51, v4  }
0x4c: {  	v58 =	vld [tilespmem:$0x2D00];
	v4 =	vadd.s32 v52, v4  }
0x4d: {  	v59 =	vld [tilespmem:$0x2D80];
	v4 =	vadd.s32 v53, v4  }
0x4e: {  	v4 =	vadd.s32 v5, v4;
	v5 =	vld [tilespmem:$0x2E00]  }
0x4f: {  	v60 =	vld [tilespmem:$0x2E80];
	v4 =	vadd.s32 v55, v4  }
0x50: {  	v61 =	vld [tilespmem:$0x2F00];
	v4 =	vadd.s32 v57, v4  }
0x51: {  	v62 =	vld [tilespmem:$0x2F80];
	v4 =	vadd.s32 v58, v4  }
0x52: {  	v63 =	vld [tilespmem:$0x3000];
	v4 =	vadd.s32 v59, v4  }
0x53: {  	v4 =	vadd.s32 v5, v4;
	v5 =	vld [tilespmem:$0x3080]  }
0x54: {  	v4 =	vadd.s32 v60, v4;
	s31 =	spop (v2sf)  }
0x55: {  	v4 =	vadd.s32 v61, v4;
	s0 =	sadd.s32 $0xFFFFFFFF, s31;
	s2 =	spop (v2sf)  }
0x56: {  	v4 =	vadd.s32 v62, v4;
	p0 =	sge.s32 s0, s2  }
.Ltmp2:
0x57: {  	v4 =	vadd.s32 v63, v4;
	(pc) =	sbr.rel @p0 .LBB2_5-.Ltmp2, $4  }
0x58: {  	[tilespmem:$0x10] =	vst v0;
	v4 =	vadd.s32 v5, v4  }
0x59: {  	[tilespmem:$0x90] =	vst v1;
	v4 =	vcvt.s32.f32 v4  }
0x5a: {  	[tilespmem:$0x0] =	vst v3  }
0x5b: {  	[tilespmem:$0x80] =	vst v4  }
.LBB2_2:
0x5c: {  	s6 =	sshll.u32 s0, $0x8  }
0x5d: {  	s6 =	sand.u32 $0x1FFFFF00, s6  }
0x5e: {  	s6 =	sadd.s32 s5, s6  }
0x5f: {  	[tilespmem:s17], [sflag:$0x6] =	stream.strided.gather [hbm4b:s6+s14], $0x2000, s16, s14, $0x38;
	[tilespmem:$0x1D200] =	vst v63  }
0x60: {  	s31 =	simm.s32 $0x0;
	_ =	swait.ge [sflag:s23], $0x2000  }
0x61: {  	s7 =	sand.u32 $0x1800, s31;
	s6 =	sand.u32 $0x380, s31;
	[sflag:s23] =	ssyncset.done $0x0  }
0x62: {  	s6 =	sor.u32 s6, s7;
	[sflag:s23] =	ssyncadd.s32 $0xFFFFE000  }
0x63: {  	v4 =	vld [tilespmem:s6+$0x570]  }
0x64: {  	v5 =	vld [tilespmem:s6+$0x100]  }
0x65: {  	v7 =	vld [tilespmem:s6+$0x110]  }
0x66: {  	v8 =	vld [tilespmem:s6+$0x120]  }
0x67: {  	v9 =	vld [tilespmem:s6+$0x130]  }
0x68: {  	v10 =	vld [tilespmem:s6+$0x140]  }
0x69: {  	v11 =	vld [tilespmem:s6+$0x150]  }
0x6a: {  	v12 =	vld [tilespmem:s6+$0x160]  }
0x6b: {  	v14 =	vld [tilespmem:s6+$0x170]  }
0x6c: {  	v22 =	vimm.f32 $0.0e+00;
	v15 =	vld [tilespmem:s6+$0x500]  }
0x6d: {  	v4 =	vadd.f32 v4, v22;
	v6 =	vadd.f32 v5, v22  }
0x6e: {  	v25 =	vld [tilespmem:s6+$0x510];
	v23 =	vadd.f32 v7, v22;
	v16 =	vadd.f32 v8, v22  }
0x6f: {  	v24 =	vld [tilespmem:s6+$0x520];
	v18 =	vadd.f32 v9, v22;
	v13 =	vadd.f32 v10, v22  }
0x70: {  	v21 =	vimm.f32 $0.0e+00;
	v20 =	vld [tilespmem:s6+$0x530];
	v9 =	vadd.f32 v11, v22;
	v7 =	vadd.f32 v12, v22  }
0x71: {  	s9 =	simm.s32 $0x100;
	v19 =	vimm.f32 $0.0e+00;
	s7 =	simm.s32 $0x80;
	v17 =	vld [tilespmem:s6+$0x540];
	v5 =	vadd.f32 v14, v22;
	v10 =	vadd.f32 v15, v22  }
0x72: {  	s10 =	sand.u32 $0x1800, s9;
	s9 =	simm.s32 $0x200;
	s13 =	sand.u32 $0x380, s7;
	v15 =	vld [tilespmem:s6+$0x550];
	v14 =	vimm.f32 $0.0e+00;
	v12 =	vimm.f32 $0.0e+00;
	v8 =	vimm.f32 $0.0e+00  }
.LBB2_3:
0x73: {  	p0 =	sne.s32 s9, $0x1F00;
	v22 =	vadd.f32 v25, v22;
	v11 =	vld [tilespmem:s6+$0x560];
	s6 =	sor.u32 s13, s10  }
0x74: {  	v25 =	vld [tilespmem:s6+$0x570];
	v21 =	vadd.f32 v24, v21  }
0x75: {  	v24 =	vld [tilespmem:s6+$0x100];
	v19 =	vadd.f32 v20, v19  }
0x76: {  	v20 =	vld [tilespmem:s6+$0x110];
	v14 =	vadd.f32 v17, v14  }
0x77: {  	v17 =	vld [tilespmem:s6+$0x120];
	v12 =	vadd.f32 v15, v12  }
0x78: {  	v15 =	vld [tilespmem:s6+$0x130];
	v8 =	vadd.f32 v11, v8  }
0x79: {  	v11 =	vld [tilespmem:s6+$0x140];
	v4 =	vadd.f32 v25, v4  }
0x7a: {  	v6 =	vadd.f32 v24, v6;
	v24 =	vld [tilespmem:s6+$0x150]  }
0x7b: {  	v23 =	vadd.f32 v20, v23;
	v20 =	vld [tilespmem:s6+$0x160]  }
0x7c: {  	v16 =	vadd.f32 v17, v16;
	v17 =	vld [tilespmem:s6+$0x170]  }
0x7d: {  	v18 =	vadd.f32 v15, v18;
	v15 =	vld [tilespmem:s6+$0x500]  }
.Ltmp3:
0x7e: {  	v13 =	vadd.f32 v11, v13;
	v25 =	vld [tilespmem:s6+$0x510];
	(pc) =	sbr.rel @p0 .LBB2_3-.Ltmp3, $4  }
0x7f: {  	v9 =	vadd.f32 v24, v9;
	v24 =	vld [tilespmem:s6+$0x520]  }
0x80: {  	v7 =	vadd.f32 v20, v7;
	v20 =	vld [tilespmem:s6+$0x530]  }
0x81: {  	s7 =	sadd.s32 $0x80, s7;
	v5 =	vadd.f32 v17, v5;
	v17 =	vld [tilespmem:s6+$0x540]  }
0x82: {  	s10 =	sand.u32 $0x1800, s9;
	s9 =	sadd.s32 $0x100, s9;
	s13 =	sand.u32 $0x380, s7;
	v10 =	vadd.f32 v15, v10;
	v15 =	vld [tilespmem:s6+$0x550]  }
0x83: {  	v26 =	vld.msk [tilespmem:s0+$0x80 ss:$0x0], $0xffff;
	_ =	sdelay $0x4  }
0x84: {  	v11 =	vadd.f32 $9.999999740e-06, v26;
	_ =	sdelay $0x1  }
0x85: {  	(erf) = vrcp.f32 v11  }
0x86: {  	s7 =	sor.u32 s13, s10  }
0x87: {  	v47 =	vld [tilespmem:s7+$0x100];
	_ =	sdelay $0x4  }
0x88: {  	v27 =	vld [tilespmem:s7+$0x500];
	v28 =	vadd.f32 v47, v6;
	_ =	sdelay $0x1  }
0x89: {  	v29 =	vmul.f32 v28, v28;
	v6 =	vpop (erf)  }
0x8a: {  	v11 =	vmul.f32 v6, v6;
	v26 =	vmul.f32 v6, v26;
	_ =	sdelay $0x1  }
0x8b: {  	v27 =	vadd.f32 v27, v10;
	v29 =	vmul.f32 v11, v29;
	v10 =	vsub.f32 $2.000000000e+00, v26;
	_ =	sdelay $0x1  }
0x8c: {  	v48 =	vld [tilespmem:s7+$0x110];
	v27 =	vmul.f32 v6, v27;
	v29 =	vmul.f32 v10, v29;
	_ =	sdelay $0x1  }
0x8d: {  	v27 =	vsub.f32 v27, v29;
	_ =	sdelay $0x1  }
0x8e: {  	v49 =	vld [tilespmem:s7+$0x510];
	v27 =	vadd.f32 $9.999999740e-06, v27  }
0x8f: {  	v23 =	vadd.f32 v48, v23  }
0x90: {  	v50 =	vshra.s32 v27, $0x1;
	v27 =	vmul.f32 $5.000000000e-01, v27  }
0x91: {  	v22 =	vadd.f32 v25, v22;
	v52 =	vmul.f32 v23, v23;
	v51 =	vsub.s32 $0x5F3759DF, v50  }
0x92: {  	v30 =	vmul.f32 v51, v27  }
0x93: {  	v22 =	vadd.f32 v49, v22;
	v26 =	vmul.f32 v11, v52  }
0x94: {  	v53 =	vmul.f32 v51, v30  }
0x95: {  	v22 =	vmul.f32 v6, v22;
	v26 =	vmul.f32 v10, v26  }
0x96: {  	v54 =	vld [tilespmem:s7+$0x120];
	v29 =	vsub.f32 $1.500000000e+00, v53  }
0x97: {  	v22 =	vsub.f32 v22, v26  }
0x98: {  	v25 =	vmul.f32 v51, v29  }
0x99: {  	v22 =	vadd.f32 $9.999999740e-06, v22  }
0x9a: {  	v55 =	vld [tilespmem:s7+$0x520];
	v29 =	vmul.f32 v25, v27  }
0x9b: {  	v56 =	vshra.s32 v22, $0x1;
	v22 =	vmul.f32 $5.000000000e-01, v22;
	v30 =	vadd.f32 v54, v16  }
0x9c: {  	v16 =	vsub.s32 $0x5F3759DF, v56;
	v29 =	vmul.f32 v29, v25  }
0x9d: {  	v21 =	vadd.f32 v24, v21;
	v57 =	vmul.f32 v16, v22;
	v31 =	vmul.f32 v30, v30  }
0x9e: {  	v29 =	vsub.f32 $1.500000000e+00, v29  }
0x9f: {  	v21 =	vadd.f32 v55, v21;
	v24 =	vmul.f32 v16, v57;
	v58 =	vmul.f32 v11, v31  }
0xa0: {  	v25 =	vmul.f32 v29, v25  }
0xa1: {  	v59 =	vld [tilespmem:s7+$0x130];
	v21 =	vmul.f32 v6, v21;
	v24 =	vsub.f32 $1.500000000e+00, v24;
	v26 =	vmul.f32 v10, v58  }
0xa2: {  	v27 =	vmul.f32 v25, v27  }
0xa3: {  	v24 =	vmul.f32 v16, v24;
	v21 =	vsub.f32 v21, v26  }
0xa4: {  	v61 =	vld [tilespmem:$0x3100];
	v60 =	vmul.f32 v27, v25  }
0xa5: {  	v63 =	vld [tilespmem:$0x3180];
	v32 =	vmul.f32 v24, v22;
	v21 =	vadd.f32 $9.999999740e-06, v21  }
0xa6: {  	v34 =	vld [tilespmem:s7+$0x530];
	v18 =	vadd.f32 v59, v18;
	v26 =	vsub.f32 $1.500000000e+00, v60  }
0xa7: {  	v33 =	vld [tilespmem:s7+$0x140];
	v32 =	vmul.f32 v32, v24;
	v35 =	vshra.s32 v21, $0x1;
	v21 =	vmul.f32 $5.000000000e-01, v21  }
0xa8: {  	v36 =	vld [tilespmem:s7+$0x150];
	v19 =	vadd.f32 v20, v19;
	v62 =	vsub.s32 $0x5F3759DF, v35;
	v25 =	vmul.f32 v26, v25  }
0xa9: {  	v40 =	vld [tilespmem:s7+$0x160];
	v41 =	vmul.f32 v18, v18;
	v32 =	vsub.f32 $1.500000000e+00, v32;
	v35 =	vmul.f32 v62, v21  }
0xaa: {  	v37 =	vld [tilespmem:s7+$0x170];
	v28 =	vmul.f32 v6, v28;
	v25 =	vmul.f32 v25, v61  }
0xab: {  	v43 =	vld [tilespmem:s7+$0x540];
	v19 =	vadd.f32 v34, v19;
	v24 =	vmul.f32 v32, v24;
	v42 =	vmul.f32 v62, v35  }
0xac: {  	v44 =	vld [tilespmem:s7+$0x550];
	v27 =	vmul.f32 v11, v41;
	v28 =	vmul.f32 v25, v28  }
0xad: {  	v45 =	vld [tilespmem:s7+$0x560];
	v19 =	vmul.f32 v6, v19;
	v32 =	vsub.f32 $1.500000000e+00, v42  }
0xae: {  	s31 =	sshll.u32 s0, $0x7;
	v16 =	vld [tilespmem:s7+$0x570];
	v22 =	vmul.f32 v24, v22;
	v27 =	vmul.f32 v10, v27;
	v28 =	vsub.f32 v63, v28  }
0xaf: {  	v29 =	vld [tilespmem:s6+$0x560];
	v46 =	vmul.f32 v62, v32;
	[tilespmem:s31+$0x3200] =	vst v25  }
0xb0: {  	v22 =	vmul.f32 v22, v24;
	v19 =	vsub.f32 v19, v27;
	[tilespmem:s31+$0x3A00] =	vst v28  }
0xb1: {  	v14 =	vadd.f32 v17, v14;
	v48 =	vmul.f32 v46, v21;
	v47 =	vld [tilespmem:$0x3110]  }
0xb2: {  	v22 =	vsub.f32 $1.500000000e+00, v22;
	v19 =	vadd.f32 $9.999999740e-06, v19  }
0xb3: {  	v13 =	vadd.f32 v33, v13;
	v23 =	vmul.f32 v6, v23;
	v27 =	vmul.f32 v48, v46  }
0xb4: {  	v22 =	vmul.f32 v22, v24;
	v49 =	vshra.s32 v19, $0x1;
	v19 =	vmul.f32 $5.000000000e-01, v19  }
0xb5: {  	v52 =	vmul.f32 v13, v13;
	v24 =	vsub.s32 $0x5F3759DF, v49;
	v27 =	vsub.f32 $1.500000000e+00, v27;
	v28 =	vld [tilespmem:$0x3190]  }
0xb6: {  	v50 =	vmul.f32 v24, v19;
	v22 =	vmul.f32 v22, v47  }
0xb7: {  	v14 =	vadd.f32 v43, v14;
	v25 =	vmul.f32 v11, v52;
	v51 =	vmul.f32 v27, v46  }
0xb8: {  	v26 =	vmul.f32 v24, v50;
	v23 =	vmul.f32 v22, v23  }
0xb9: {  	v14 =	vmul.f32 v6, v14;
	v53 =	vmul.f32 v10, v25  }
0xba: {  	v21 =	vmul.f32 v51, v21;
	v26 =	vsub.f32 $1.500000000e+00, v26;
	v23 =	vsub.f32 v28, v23  }
0xbb: {  	v14 =	vsub.f32 v14, v53;
	[tilespmem:s31+$0x3210] =	vst v22  }
0xbc: {  	v21 =	vmul.f32 v21, v51;
	v54 =	vmul.f32 v24, v26;
	[tilespmem:s31+$0x3A10] =	vst v23  }
0xbd: {  	v14 =	vadd.f32 $9.999999740e-06, v14;
	v55 =	vld [tilespmem:$0x3120]  }
0xbe: {  	v21 =	vsub.f32 $1.500000000e+00, v21;
	v56 =	vmul.f32 v54, v19  }
0xbf: {  	v9 =	vadd.f32 v36, v9;
	v60 =	vshra.s32 v14, $0x1;
	v14 =	vmul.f32 $5.000000000e-01, v14  }
0xc0: {  	v61 =	vsub.s32 $0x5F3759DF, v60;
	v17 =	vmul.f32 v21, v51;
	v57 =	vmul.f32 v56, v54  }
0xc1: {  	v12 =	vadd.f32 v15, v12;
	v63 =	vmul.f32 v9, v9;
	v62 =	vmul.f32 v61, v14;
	v59 =	vld [tilespmem:$0x31A0]  }
0xc2: {  	v58 =	vmul.f32 v6, v30;
	v21 =	vsub.f32 $1.500000000e+00, v57;
	v17 =	vmul.f32 v17, v55  }
0xc3: {  	v12 =	vadd.f32 v44, v12;
	v27 =	vmul.f32 v11, v63;
	v15 =	vmul.f32 v61, v62  }
0xc4: {  	v21 =	vmul.f32 v21, v54;
	v22 =	vmul.f32 v17, v58  }
0xc5: {  	v12 =	vmul.f32 v6, v12;
	v28 =	vmul.f32 v10, v27  }
0xc6: {  	v15 =	vsub.f32 $1.500000000e+00, v15;
	v19 =	vmul.f32 v21, v19;
	v22 =	vsub.f32 v59, v22  }
0xc7: {  	v12 =	vsub.f32 v12, v28;
	[tilespmem:s31+$0x3220] =	vst v17  }
0xc8: {  	v15 =	vmul.f32 v61, v15;
	v19 =	vmul.f32 v19, v21;
	[tilespmem:s31+$0x3A20] =	vst v22  }
0xc9: {  	v12 =	vadd.f32 $9.999999740e-06, v12;
	v22 =	vld [tilespmem:$0x3130]  }
0xca: {  	v32 =	vmul.f32 v15, v14;
	v30 =	vsub.f32 $1.500000000e+00, v19  }
0xcb: {  	v7 =	vadd.f32 v40, v7;
	v33 =	vshra.s32 v12, $0x1;
	v12 =	vmul.f32 $5.000000000e-01, v12  }
0xcc: {  	v20 =	vsub.s32 $0x5F3759DF, v33;
	v19 =	vmul.f32 v32, v15;
	v17 =	vmul.f32 v30, v21  }
0xcd: {  	v36 =	vmul.f32 v7, v7;
	v8 =	vadd.f32 v29, v8;
	v35 =	vmul.f32 v20, v12;
	v34 =	vld [tilespmem:$0x31B0]  }
0xce: {  	v18 =	vmul.f32 v6, v18;
	v19 =	vsub.f32 $1.500000000e+00, v19;
	v17 =	vmul.f32 v17, v22  }
0xcf: {  	v39 =	vmul.f32 v11, v36;
	v8 =	vadd.f32 v45, v8;
	v38 =	vmul.f32 v20, v35  }
0xd0: {  	v15 =	vmul.f32 v19, v15;
	v18 =	vmul.f32 v17, v18  }
0xd1: {  	v40 =	vmul.f32 v10, v39;
	v8 =	vmul.f32 v6, v8  }
0xd2: {  	v19 =	vsub.f32 $1.500000000e+00, v38;
	v14 =	vmul.f32 v15, v14;
	v18 =	vsub.f32 v34, v18  }
0xd3: {  	v8 =	vsub.f32 v8, v40;
	[tilespmem:s31+$0x3230] =	vst v17  }
0xd4: {  	v41 =	vmul.f32 v20, v19;
	v14 =	vmul.f32 v14, v15;
	[tilespmem:s31+$0x3A30] =	vst v18  }
0xd5: {  	v8 =	vadd.f32 $9.999999740e-06, v8;
	v42 =	vld [tilespmem:$0x3140]  }
0xd6: {  	v43 =	vmul.f32 v41, v12;
	v14 =	vsub.f32 $1.500000000e+00, v14  }
0xd7: {  	v5 =	vadd.f32 v37, v5;
	v46 =	vshra.s32 v8, $0x1;
	v8 =	vmul.f32 $5.000000000e-01, v8  }
0xd8: {  	v47 =	vsub.s32 $0x5F3759DF, v46;
	v44 =	vmul.f32 v43, v41;
	v14 =	vmul.f32 v14, v15  }
0xd9: {  	v48 =	vmul.f32 v5, v5;
	v20 =	vmul.f32 v47, v8;
	v45 =	vld [tilespmem:$0x31C0]  }
0xda: {  	v13 =	vmul.f32 v6, v13;
	v15 =	vsub.f32 $1.500000000e+00, v44;
	v14 =	vmul.f32 v14, v42  }
0xdb: {  	v4 =	vadd.f32 v16, v4;
	v11 =	vmul.f32 v11, v48;
	v49 =	vmul.f32 v47, v20  }
0xdc: {  	v15 =	vmul.f32 v15, v41;
	v13 =	vmul.f32 v14, v13  }
0xdd: {  	v4 =	vmul.f32 v6, v4;
	v50 =	vsub.f32 $1.500000000e+00, v49  }
0xde: {  	v10 =	vmul.f32 v10, v11;
	v12 =	vmul.f32 v15, v12;
	v13 =	vsub.f32 v45, v13  }
0xdf: {  	v53 =	vmul.f32 v47, v50;
	[tilespmem:s31+$0x3240] =	vst v14  }
0xe0: {  	v4 =	vsub.f32 v4, v10;
	v51 =	vmul.f32 v12, v15;
	[tilespmem:s31+$0x3A40] =	vst v13  }
0xe1: {  	v55 =	vmul.f32 v53, v8;
	v52 =	vld [tilespmem:$0x3150]  }
0xe2: {  	v4 =	vadd.f32 $9.999999740e-06, v4;
	v54 =	vsub.f32 $1.500000000e+00, v51  }
0xe3: {  	v11 =	vmul.f32 v55, v53  }
0xe4: {  	v56 =	vshra.s32 v4, $0x1;
	v4 =	vmul.f32 $5.000000000e-01, v4;
	v10 =	vmul.f32 v54, v15  }
0xe5: {  	v9 =	vmul.f32 v6, v9;
	v58 =	vsub.s32 $0x5F3759DF, v56;
	v11 =	vsub.f32 $1.500000000e+00, v11;
	v57 =	vld [tilespmem:$0x31D0]  }
0xe6: {  	v14 =	vmul.f32 v58, v4;
	v10 =	vmul.f32 v10, v52  }
0xe7: {  	v11 =	vmul.f32 v11, v53  }
0xe8: {  	v59 =	vmul.f32 v58, v14;
	v9 =	vmul.f32 v10, v9;
	_ =	sdelay $0x1  }
0xe9: {  	v8 =	vmul.f32 v11, v8;
	v13 =	vsub.f32 $1.500000000e+00, v59;
	v9 =	vsub.f32 v57, v9  }
0xea: {  	[tilespmem:s31+$0x3250] =	vst v10  }
0xeb: {  	v8 =	vmul.f32 v8, v11;
	v60 =	vmul.f32 v58, v13;
	[tilespmem:s31+$0x3A50] =	vst v9  }
0xec: {  	v10 =	vld [tilespmem:$0x3160]  }
0xed: {  	v8 =	vsub.f32 $1.500000000e+00, v8;
	v12 =	vmul.f32 v60, v4;
	_ =	sdelay $0x1  }
0xee: {  	v8 =	vmul.f32 v8, v11;
	v61 =	vmul.f32 v12, v60  }
0xef: {  	v62 =	vld [tilespmem:$0x31E0]  }
0xf0: {  	v7 =	vmul.f32 v6, v7;
	v63 =	vsub.f32 $1.500000000e+00, v61;
	v8 =	vmul.f32 v10, v8;
	_ =	sdelay $0x1  }
0xf1: {  	v9 =	vmul.f32 v63, v60;
	v7 =	vmul.f32 v8, v7;
	_ =	sdelay $0x1  }
0xf2: {  	v4 =	vmul.f32 v9, v4;
	v7 =	vsub.f32 v62, v7  }
0xf3: {  	[tilespmem:s31+$0x3260] =	vst v8  }
0xf4: {  	v4 =	vmul.f32 v4, v9;
	[tilespmem:s31+$0x3A60] =	vst v7  }
0xf5: {  	v7 =	vld [tilespmem:$0x3170]  }
0xf6: {  	v4 =	vsub.f32 $1.500000000e+00, v4;
	_ =	sdelay $0x1  }
0xf7: {  	v4 =	vmul.f32 v4, v9  }
0xf8: {  	v8 =	vld [tilespmem:$0x31F0]  }
0xf9: {  	s0 =	sadd.s32 $0x1, s0;
	v5 =	vmul.f32 v6, v5;
	v4 =	vmul.f32 v7, v4  }
0xfa: {  	p0 =	sne.s32 s0, s2  }
.Ltmp4:
0xfb: {  	v5 =	vmul.f32 v4, v5;
	(pc) =	sbr.rel @p0 .LBB2_2-.Ltmp4, $4  }
0xfc: {  	_ = 	snop  }
0xfd: {  	v5 =	vsub.f32 v8, v5  }
0xfe: {  	[tilespmem:s31+$0x3270] =	vst v4  }
0xff: {  	[tilespmem:s31+$0x3A70] =	vst v5  }
.LBB2_5:
0x100: {  	s0 =	simm.s32 $0x0;
	s2 =	simm.s32 $0xFFFFFF38  }
0x101: {  	s14 =	simm.s32 $0xC8;
	s16 =	simm.s32 $0x0;
	s17 =	simm.s32 $0x0  }
.LBB2_6:
0x102: {  	p0 =	seq.s32 s17, $0x0  }
0x103: {  	s7 =	simm.s32 @!p0 $0x3  }
0x104: {  	s6 =	smul.u32 $0x190, s17;
	_ =	swait.ge @!p0 [sflag:s7], $0x6400  }
0x105: {  	[sflag:s7] =	ssyncset.done @!p0 $0x0  }
0x106: {  	vm0 =	vle.s32 v3, s6;
	s29 =	sadd.s32 $0xC7, s6;
	[sflag:s7] =	ssyncadd.s32 @!p0 $0xFFFF9C00  }
0x107: {  	v4 =	vsel vm0, $0x1, v2;
	vm15 =	vle.s32 v3, s29;
	_ =	swait.ge [sflag:s24], $0x6400  }
0x108: {  	(xrf0) =	vadd.scan.msk.s32 $0xffff, v4;
	v4 =	vsel vm15, $0x1, v2  }
0x109: {  	(xrf0) =	vadd.scan.msk.s32 $0xffff, v4;
	_ =	sdelay $0x4  }
0x10a: {  	v4, _, _ =	vpop (xrf0)  }
0x10b: {  	(v2sf) =	vpush v4, $0xF;
	v4, _, _ =	vpop (xrf0)  }
0x10c: {  	(v2sf) =	vpush v4, $0xF;
	_ =	sdelay $0xd  }
0x10d: {  	s31 =	spop (v2sf)  }
0x10e: {  	s9 =	sadd.s32 $0xFFFFFFFF, s31;
	s10 =	spop (v2sf)  }
0x10f: {  	p0 =	sge.s32 s9, s10  }
.Ltmp5:
0x110: {  	_ = 	snop;
	(pc) =	sbr.rel @!p0 .LBB2_7-.Ltmp5, $3  }
0x111: {  	_ =	sdelay $0x1  }
0x112: {  	[sflag:s24] =	ssyncset.done $0x0  }
0x113: {  	s7 =	sadd.s32 $0xC8, s6;
	[sflag:s24] =	ssyncadd.s32 $0xFFFF9C00  }
.LBB2_16:
0x114: {  	s9 =	sadd.s32 s8, s6  }
0x115: {  	s9 =	sshll.u32 s9, $0x4  }
0x116: {  	p0 =	seq.s32 s17, $0x18;
	s9 =	sadd.s32 s3, s9  }
0x117: {  	[hbm4b:s9+s4] =	stream.linear.scatter [tilespmem:s25], [sflag:$0x3], $0x6400, $0x38;
	[tilespmem:$0x1D200] =	vst v63  }
0x118: {  	s9 =	sadd.s32 @!p0 s6, s11  }
0x119: {  	p1 =	seq.s32 @!p0 s17, $0x0;
	s10 =	simm.s32 @!p0 $0x0;
	s9 =	sshll.u32 @!p0 s9, $0x4  }
0x11a: {  	s13 =	simm.s32 @!p0 $0x4200;
	p1 =	por p0, !p1;
	s9 =	sadd.s32 @!p0 s1, s9  }
0x11b: {  	[tilespmem:s13], [sflag:$0x1] =	stream.linear.gather @!p0 [hbm4b:s9+s10], $0x6400, $0x38;
	[tilespmem:$0x1D200] =	vst v63  }
0x11c: {  	_ =	swait.ge @p1 [sflag:s30], $0x6400  }
0x11d: {  	[sflag:s30] =	ssyncset.done @p1 $0x0  }
0x11e: {  	vm0 =	vle.s32 v3, s7;
	s29 =	sadd.s32 $0x18F, s6;
	[sflag:s30] =	ssyncadd.s32 @p1 $0xFFFF9C00  }
0x11f: {  	v4 =	vsel vm0, $0x1, v2;
	vm15 =	vle.s32 v3, s29;
	_ =	swait.ge [sflag:s26], $0x6400  }
0x120: {  	(xrf0) =	vadd.scan.msk.s32 $0xffff, v4;
	v4 =	vsel vm15, $0x1, v2  }
0x121: {  	(xrf0) =	vadd.scan.msk.s32 $0xffff, v4;
	_ =	sdelay $0x4  }
0x122: {  	v4, _, _ =	vpop (xrf0)  }
0x123: {  	(v2sf) =	vpush v4, $0xF;
	v4, _, _ =	vpop (xrf0)  }
0x124: {  	(v2sf) =	vpush v4, $0xF;
	_ =	sdelay $0xd  }
0x125: {  	s31 =	spop (v2sf)  }
0x126: {  	s9 =	sadd.s32 $0xFFFFFFFF, s31;
	s10 =	spop (v2sf)  }
0x127: {  	p1 =	sge.s32 s9, s10  }
.Ltmp6:
0x128: {  	_ = 	snop;
	(pc) =	sbr.rel @p1 .LBB2_27-.Ltmp6, $3  }
0x129: {  	_ =	sdelay $0x1  }
0x12a: {  	[sflag:s26] =	ssyncset.done $0x0  }
0x12b: {  	[sflag:s26] =	ssyncadd.s32 $0xFFFF9C00  }
.Ltmp7:
0x12c: {  	(pc) =	sbr.rel .LBB2_18-.Ltmp7, $2  }
0x12d: {  	_ =	sdelay $0x2  }
0x12e: {  	s13 =	sadd.s32 $0x190, s6  }
.LBB2_9:
0x12f: {  	s20 =	smov.u32 s13  }
.LBB2_14:
0x130: {  	s19 =	sadd.s32 @p0 $0x80, s20  }
0x131: {  	v14 =	vmul.f32 v24, v14;
	[tilespmem:s18+$0x10] =	vst @p0 v27;
	v17 =	vadd.f32 @p0 v28, v10;
	v18 =	vld [tilespmem:s21+$0x20];
	s13 =	smov.u32 @p0 s19  }
0x132: {  	v16 =	vadd.f32 v26, v16;
	v8 =	vmul.f32 v22, v8;
	[tilespmem:s13+$0x30] =	vst v25  }
0x133: {  	v7 =	vmul.f32 v23, v7;
	v14 =	vadd.f32 v14, v15;
	[tilespmem:s18+$0x20] =	vst @p0 v17  }
0x134: {  	[tilespmem:s13+$0xFFFFFFC0] =	vst v16;
	v8 =	vadd.f32 v8, v13;
	v6 =	vmul.f32 v21, v6  }
0x135: {  	v7 =	vadd.f32 v7, v12;
	v5 =	vmul.f32 v20, v5;
	[tilespmem:s13+$0xFFFFFFD0] =	vst v14  }
0x136: {  	[tilespmem:s13+$0xFFFFFFE0] =	vst v8;
	v6 =	vadd.f32 v6, v11;
	v4 =	vmul.f32 v18, v4  }
0x137: {  	[tilespmem:s13+$0xFFFFFFF0] =	vst v7;
	v5 =	vadd.f32 v5, v9  }
0x138: {  	[tilespmem:s13+$0x0] =	vst v6;
	v4 =	vadd.f32 v4, v10  }
0x139: {  	[tilespmem:s13+$0x10] =	vst v5  }
0x13a: {  	[tilespmem:s13+$0x20] =	vst v4  }
.LBB2_15:
0x13b: {  	s9 =	sadd.s32 $0x1, s9  }
0x13c: {  	p0 =	sne.s32 s9, s10  }
.Ltmp8:
0x13d: {  	_ = 	snop;
	(pc) =	sbr.rel @!p0 .LBB2_16-.Ltmp8, $1  }
0x13e: {  	_ =	sdelay $0x3  }
.LBB2_7:
0x13f: {  	v4 =	vld [tilespmem:s9+$0x0];
	_ =	sdelay $0x4  }
0x140: {  	(v2sf) =	vpush v4, $0x0  }
0x141: {  	(v2sf) =	vpush v4, $0x1;
	_ =	sdelay $0xd  }
0x142: {  	s19 =	spop (v2sf)  }
0x143: {  	s13 =	smov.u32 s6;
	s20 =	spop (v2sf)  }
0x144: {  	s18 =	smov.u32 s7;
	p0 =	sgt.s32 s19, s6;
	p1 =	slt.s32 s20, s7  }
0x145: {  	s13 =	smov.u32 @p0 s19;
	s18 =	smov.u32 @p1 s20  }
0x146: {  	p0 =	sle.s32 s18, s13  }
.Ltmp9:
0x147: {  	_ = 	snop;
	(pc) =	sbr.rel @p0 .LBB2_15-.Ltmp9, $1  }
0x148: {  	_ =	sdelay $0x3  }
0x149: {  	s20 =	sshll.u32 s9, $0x7  }
0x14a: {  	v17 =	vld [tilespmem:s20+$0x3200]  }
0x14b: {  	v14 =	vld [tilespmem:s20+$0x3210]  }
0x14c: {  	v8 =	vld [tilespmem:s20+$0x3220]  }
0x14d: {  	v7 =	vld [tilespmem:s20+$0x3230]  }
0x14e: {  	v6 =	vld [tilespmem:s20+$0x3240]  }
0x14f: {  	v5 =	vld [tilespmem:s20+$0x3250]  }
0x150: {  	v4 =	vld [tilespmem:s20+$0x3260]  }
0x151: {  	v18 =	vld [tilespmem:s20+$0x3270]  }
0x152: {  	v16 =	vld [tilespmem:s20+$0x3A00]  }
0x153: {  	p0 =	sgt.s32 s19, s0;
	s21 =	smov.u32 s0;
	v15 =	vld [tilespmem:s20+$0x3A10]  }
0x154: {  	v13 =	vld [tilespmem:s20+$0x3A20];
	s21 =	smov.u32 @p0 s19  }
0x155: {  	v12 =	vld [tilespmem:s20+$0x3A30];
	s19 =	sadd.s32 s21, s16  }
0x156: {  	v11 =	vld [tilespmem:s20+$0x3A40];
	s19 =	sshll.u32 s19, $0x9  }
0x157: {  	v9 =	vld [tilespmem:s20+$0x3A50];
	s22 =	sshra.s32 s19, $0x2  }
0x158: {  	v10 =	vld [tilespmem:s20+$0x3A60];
	s21 =	sadd.s32 $0x4240, s22  }
0x159: {  	s13 =	ssub.s32 s13, s6;
	v20 =	vld [tilespmem:s21+$0x30]  }
0x15a: {  	v19 =	vld [tilespmem:s20+$0x3A70];
	s19 =	ssub.s32 s18, s6;
	s18 =	sadd.s32 $0x1, s13  }
0x15b: {  	p1 =	slt.s32 s18, s19;
	v25 =	vld [tilespmem:s21+$0xFFFFFFC0]  }
.Ltmp10:
0x15c: {  	v24 =	vld [tilespmem:s21+$0xFFFFFFD0];
	(pc) =	sbr.rel @!p1 .LBB2_9-.Ltmp10, $4  }
0x15d: {  	v22 =	vld [tilespmem:s21+$0xFFFFFFE0]  }
0x15e: {  	v23 =	vld [tilespmem:s21+$0xFFFFFFF0];
	v27 =	vmul.f32 v20, v18  }
0x15f: {  	v21 =	vld [tilespmem:s21+$0x0]  }
0x160: {  	p0 =	por $0x0, $0x0;
	s13 =	sadd.s32 $0x10A40, s22;
	s29 =	sadd.s32 $0x80, s21;
	v20 =	vld [tilespmem:s21+$0x10];
	v26 =	vmul.f32 v25, v17;
	v25 =	vadd.f32 v27, v19  }
0x161: {  	v27 =	vld [tilespmem:s29+$0x30];
	v24 =	vmul.f32 v24, v14  }
0x162: {  	v28 =	vld [tilespmem:s21+$0x20];
	s31 =	sadd.s32 $0x1, s18;
	v26 =	vadd.f32 v26, v16;
	v22 =	vmul.f32 v22, v8  }
0x163: {  	[tilespmem:s13+$0x30] =	vst v25;
	v25 =	vld [tilespmem:s29+$0xFFFFFFC0];
	p1 =	slt.s32 s31, s19;
	v29 =	vadd.f32 v24, v15;
	v23 =	vmul.f32 v23, v7  }
.Ltmp11:
0x164: {  	v24 =	vld [tilespmem:s29+$0xFFFFFFD0];
	[tilespmem:s13+$0xFFFFFFC0] =	vst v26;
	v26 =	vadd.f32 v22, v13;
	v21 =	vmul.f32 v21, v6;
	(pc) =	sbr.rel @!p1 .LBB2_11-.Ltmp11, $4  }
0x165: {  	v22 =	vld [tilespmem:s29+$0xFFFFFFE0];
	[tilespmem:s13+$0xFFFFFFD0] =	vst v29;
	v29 =	vadd.f32 v23, v12;
	v20 =	vmul.f32 v20, v5  }
0x166: {  	v23 =	vld [tilespmem:s29+$0xFFFFFFF0];
	v30 =	vmul.f32 v27, v18;
	[tilespmem:s13+$0xFFFFFFE0] =	vst v26;
	v31 =	vadd.f32 v21, v11  }
0x167: {  	s21 =	sadd.s32 $0x80, s29;
	v21 =	vld [tilespmem:s29+$0x0];
	v28 =	vmul.f32 v28, v4;
	[tilespmem:s13+$0xFFFFFFF0] =	vst v29;
	v27 =	vadd.f32 v20, v9  }
0x168: {  	p0 =	por $0x1, $0x1;
	s18 =	smov.u32 s13;
	s20 =	smov.u32 s13;
	v20 =	vld [tilespmem:s29+$0x10];
	v26 =	vmul.f32 v25, v17;
	v25 =	vadd.f32 v30, v19;
	[tilespmem:s13+$0x0] =	vst v31  }
.LBB2_12:
0x169: {  	v29 =	vld [tilespmem:s21+$0x30];
	s31 =	sadd.s32 $0x1, s31;
	v24 =	vmul.f32 v24, v14;
	[tilespmem:s18+$0x10] =	vst v27;
	v27 =	vadd.f32 v28, v10;
	s20 =	sadd.s32 $0x80, s20  }
0x16a: {  	p1 =	slt.s32 s31, s19;
	v28 =	vld [tilespmem:s29+$0x20];
	v26 =	vadd.f32 v26, v16;
	v22 =	vmul.f32 v22, v8;
	[tilespmem:s20+$0x30] =	vst v25;
	s29 =	smov.u32 s21  }
0x16b: {  	v25 =	vld [tilespmem:s21+$0xFFFFFFC0];
	v30 =	vadd.f32 v24, v15;
	v23 =	vmul.f32 v23, v7;
	[tilespmem:s18+$0x20] =	vst v27;
	s18 =	smov.u32 s20  }
.Ltmp12:
0x16c: {  	v24 =	vld [tilespmem:s21+$0xFFFFFFD0];
	[tilespmem:s20+$0xFFFFFFC0] =	vst v26;
	v26 =	vadd.f32 v22, v13;
	v21 =	vmul.f32 v21, v6;
	(pc) =	sbr.rel @p1 .LBB2_12-.Ltmp12, $4  }
0x16d: {  	v22 =	vld [tilespmem:s21+$0xFFFFFFE0];
	[tilespmem:s20+$0xFFFFFFD0] =	vst v30;
	v27 =	vadd.f32 v23, v12;
	v20 =	vmul.f32 v20, v5  }
0x16e: {  	v23 =	vld [tilespmem:s21+$0xFFFFFFF0];
	v29 =	vmul.f32 v29, v18;
	[tilespmem:s20+$0xFFFFFFE0] =	vst v26;
	v30 =	vadd.f32 v21, v11  }
0x16f: {  	v21 =	vld [tilespmem:s21+$0x0];
	[tilespmem:s20+$0xFFFFFFF0] =	vst v27;
	v27 =	vadd.f32 v20, v9;
	v28 =	vmul.f32 v28, v4  }
0x170: {  	s21 =	sadd.s32 $0x80, s21;
	v20 =	vld [tilespmem:s29+$0x10];
	v26 =	vmul.f32 v25, v17;
	v25 =	vadd.f32 v29, v19;
	[tilespmem:s20+$0x0] =	vst v30  }
.Ltmp13:
0x171: {  	(pc) =	sbr.rel .LBB2_14-.Ltmp13, $2  }
0x172: {  	_ =	sdelay $0x2  }
0x173: {  	s21 =	smov.u32 s29  }
.LBB2_11:
.Ltmp14:
0x174: {  	(pc) =	sbr.rel .LBB2_14-.Ltmp14, $2  }
0x175: {  	_ =	sdelay $0x2  }
0x176: {  	s18 =	smov.u32 s13;
	s20 =	smov.u32 s13;
	s21 =	smov.u32 s29  }
.LBB2_20:
0x177: {  	s31 =	smov.u32 s21  }
.LBB2_25:
0x178: {  	s18 =	sadd.s32 @p1 $0x80, s31  }
0x179: {  	v14 =	vmul.f32 v24, v14;
	[tilespmem:s19+$0x10] =	vst @p1 v27;
	v17 =	vadd.f32 @p1 v28, v10;
	v18 =	vld [tilespmem:s20+$0x20];
	s21 =	smov.u32 @p1 s18  }
0x17a: {  	v16 =	vadd.f32 v26, v16;
	v8 =	vmul.f32 v22, v8;
	[tilespmem:s21+$0x30] =	vst v25  }
0x17b: {  	v7 =	vmul.f32 v23, v7;
	v14 =	vadd.f32 v14, v15;
	[tilespmem:s19+$0x20] =	vst @p1 v17  }
0x17c: {  	[tilespmem:s21+$0xFFFFFFC0] =	vst v16;
	v8 =	vadd.f32 v8, v13;
	v6 =	vmul.f32 v21, v6  }
0x17d: {  	v7 =	vadd.f32 v7, v12;
	v5 =	vmul.f32 v20, v5;
	[tilespmem:s21+$0xFFFFFFD0] =	vst v14  }
0x17e: {  	[tilespmem:s21+$0xFFFFFFE0] =	vst v8;
	v6 =	vadd.f32 v6, v11;
	v4 =	vmul.f32 v18, v4  }
0x17f: {  	[tilespmem:s21+$0xFFFFFFF0] =	vst v7;
	v5 =	vadd.f32 v5, v9  }
0x180: {  	[tilespmem:s21+$0x0] =	vst v6;
	v4 =	vadd.f32 v4, v10  }
0x181: {  	[tilespmem:s21+$0x10] =	vst v5  }
0x182: {  	[tilespmem:s21+$0x20] =	vst v4  }
.LBB2_26:
0x183: {  	s9 =	sadd.s32 $0x1, s9  }
0x184: {  	p1 =	sne.s32 s9, s10  }
.Ltmp15:
0x185: {  	_ = 	snop;
	(pc) =	sbr.rel @!p1 .LBB2_27-.Ltmp15, $1  }
0x186: {  	_ =	sdelay $0x3  }
.LBB2_18:
0x187: {  	v4 =	vld [tilespmem:s9+$0x0];
	_ =	sdelay $0x4  }
0x188: {  	(v2sf) =	vpush v4, $0x0  }
0x189: {  	(v2sf) =	vpush v4, $0x1;
	_ =	sdelay $0xd  }
0x18a: {  	s20 =	spop (v2sf)  }
0x18b: {  	s18 =	smov.u32 s7;
	s21 =	spop (v2sf)  }
0x18c: {  	s19 =	smov.u32 s13;
	p1 =	sgt.s32 s20, s7;
	p2 =	slt.s32 s21, s13  }
0x18d: {  	s18 =	smov.u32 @p1 s20;
	s19 =	smov.u32 @p2 s21  }
0x18e: {  	p1 =	sle.s32 s19, s18  }
.Ltmp16:
0x18f: {  	_ = 	snop;
	(pc) =	sbr.rel @p1 .LBB2_26-.Ltmp16, $1  }
0x190: {  	_ =	sdelay $0x3  }
0x191: {  	s21 =	sshll.u32 s9, $0x7  }
0x192: {  	v17 =	vld [tilespmem:s21+$0x3200]  }
0x193: {  	v14 =	vld [tilespmem:s21+$0x3210]  }
0x194: {  	v8 =	vld [tilespmem:s21+$0x3220]  }
0x195: {  	v7 =	vld [tilespmem:s21+$0x3230]  }
0x196: {  	v6 =	vld [tilespmem:s21+$0x3240]  }
0x197: {  	v5 =	vld [tilespmem:s21+$0x3250]  }
0x198: {  	v4 =	vld [tilespmem:s21+$0x3260]  }
0x199: {  	v18 =	vld [tilespmem:s21+$0x3270]  }
0x19a: {  	v16 =	vld [tilespmem:s21+$0x3A00]  }
0x19b: {  	p1 =	sgt.s32 s20, s14;
	s22 =	smov.u32 s14;
	v15 =	vld [tilespmem:s21+$0x3A10]  }
0x19c: {  	v13 =	vld [tilespmem:s21+$0x3A20];
	s22 =	smov.u32 @p1 s20  }
0x19d: {  	v12 =	vld [tilespmem:s21+$0x3A30];
	s20 =	sadd.s32 s22, s2  }
0x19e: {  	v11 =	vld [tilespmem:s21+$0x3A40];
	s20 =	sshll.u32 s20, $0x9  }
0x19f: {  	v9 =	vld [tilespmem:s21+$0x3A50];
	s31 =	sshra.s32 s20, $0x2  }
0x1a0: {  	v10 =	vld [tilespmem:s21+$0x3A60];
	s20 =	sadd.s32 $0xA640, s31  }
0x1a1: {  	s18 =	ssub.s32 s18, s7;
	v20 =	vld [tilespmem:s20+$0x30]  }
0x1a2: {  	s29 =	ssub.s32 s19, s7;
	v19 =	vld [tilespmem:s21+$0x3A70];
	s19 =	sadd.s32 $0x1, s18  }
0x1a3: {  	p2 =	slt.s32 s19, s29;
	v25 =	vld [tilespmem:s20+$0xFFFFFFC0]  }
.Ltmp17:
0x1a4: {  	v24 =	vld [tilespmem:s20+$0xFFFFFFD0];
	(pc) =	sbr.rel @!p2 .LBB2_20-.Ltmp17, $4  }
0x1a5: {  	v22 =	vld [tilespmem:s20+$0xFFFFFFE0]  }
0x1a6: {  	v23 =	vld [tilespmem:s20+$0xFFFFFFF0];
	v27 =	vmul.f32 v20, v18  }
0x1a7: {  	v21 =	vld [tilespmem:s20+$0x0]  }
0x1a8: {  	p1 =	por $0x0, $0x0;
	s21 =	sadd.s32 $0x16E40, s31;
	s18 =	sadd.s32 $0x80, s20;
	v20 =	vld [tilespmem:s20+$0x10];
	v26 =	vmul.f32 v25, v17;
	v25 =	vadd.f32 v27, v19  }
0x1a9: {  	v27 =	vld [tilespmem:s18+$0x30];
	v24 =	vmul.f32 v24, v14  }
0x1aa: {  	v28 =	vld [tilespmem:s20+$0x20];
	s20 =	sadd.s32 $0x1, s19;
	v26 =	vadd.f32 v26, v16;
	v22 =	vmul.f32 v22, v8  }
0x1ab: {  	[tilespmem:s21+$0x30] =	vst v25;
	v25 =	vld [tilespmem:s18+$0xFFFFFFC0];
	p2 =	slt.s32 s20, s29;
	v29 =	vadd.f32 v24, v15;
	v23 =	vmul.f32 v23, v7  }
.Ltmp18:
0x1ac: {  	v24 =	vld [tilespmem:s18+$0xFFFFFFD0];
	[tilespmem:s21+$0xFFFFFFC0] =	vst v26;
	v26 =	vadd.f32 v22, v13;
	v21 =	vmul.f32 v21, v6;
	(pc) =	sbr.rel @!p2 .LBB2_22-.Ltmp18, $4  }
0x1ad: {  	v22 =	vld [tilespmem:s18+$0xFFFFFFE0];
	[tilespmem:s21+$0xFFFFFFD0] =	vst v29;
	v29 =	vadd.f32 v23, v12;
	v20 =	vmul.f32 v20, v5  }
0x1ae: {  	v23 =	vld [tilespmem:s18+$0xFFFFFFF0];
	v30 =	vmul.f32 v27, v18;
	[tilespmem:s21+$0xFFFFFFE0] =	vst v26;
	v31 =	vadd.f32 v21, v11  }
0x1af: {  	s22 =	sadd.s32 $0x80, s18;
	v21 =	vld [tilespmem:s18+$0x0];
	v28 =	vmul.f32 v28, v4;
	[tilespmem:s21+$0xFFFFFFF0] =	vst v29;
	v27 =	vadd.f32 v20, v9  }
0x1b0: {  	p1 =	por $0x1, $0x1;
	s19 =	smov.u32 s21;
	s31 =	smov.u32 s21;
	v20 =	vld [tilespmem:s18+$0x10];
	v26 =	vmul.f32 v25, v17;
	v25 =	vadd.f32 v30, v19;
	[tilespmem:s21+$0x0] =	vst v31  }
.LBB2_23:
0x1b1: {  	v29 =	vld [tilespmem:s22+$0x30];
	s20 =	sadd.s32 $0x1, s20;
	v24 =	vmul.f32 v24, v14;
	[tilespmem:s19+$0x10] =	vst v27;
	v27 =	vadd.f32 v28, v10;
	s31 =	sadd.s32 $0x80, s31  }
0x1b2: {  	p2 =	slt.s32 s20, s29;
	v28 =	vld [tilespmem:s18+$0x20];
	v26 =	vadd.f32 v26, v16;
	v22 =	vmul.f32 v22, v8;
	[tilespmem:s31+$0x30] =	vst v25;
	s18 =	smov.u32 s22  }
0x1b3: {  	v25 =	vld [tilespmem:s22+$0xFFFFFFC0];
	v30 =	vadd.f32 v24, v15;
	v23 =	vmul.f32 v23, v7;
	[tilespmem:s19+$0x20] =	vst v27;
	s19 =	smov.u32 s31  }
.Ltmp19:
0x1b4: {  	v24 =	vld [tilespmem:s22+$0xFFFFFFD0];
	[tilespmem:s31+$0xFFFFFFC0] =	vst v26;
	v26 =	vadd.f32 v22, v13;
	v21 =	vmul.f32 v21, v6;
	(pc) =	sbr.rel @p2 .LBB2_23-.Ltmp19, $4  }
0x1b5: {  	v22 =	vld [tilespmem:s22+$0xFFFFFFE0];
	[tilespmem:s31+$0xFFFFFFD0] =	vst v30;
	v27 =	vadd.f32 v23, v12;
	v20 =	vmul.f32 v20, v5  }
0x1b6: {  	v23 =	vld [tilespmem:s22+$0xFFFFFFF0];
	v29 =	vmul.f32 v29, v18;
	[tilespmem:s31+$0xFFFFFFE0] =	vst v26;
	v30 =	vadd.f32 v21, v11  }
0x1b7: {  	v21 =	vld [tilespmem:s22+$0x0];
	[tilespmem:s31+$0xFFFFFFF0] =	vst v27;
	v27 =	vadd.f32 v20, v9;
	v28 =	vmul.f32 v28, v4  }
0x1b8: {  	s22 =	sadd.s32 $0x80, s22;
	v20 =	vld [tilespmem:s18+$0x10];
	v26 =	vmul.f32 v25, v17;
	v25 =	vadd.f32 v29, v19;
	[tilespmem:s31+$0x0] =	vst v30  }
.Ltmp20:
0x1b9: {  	(pc) =	sbr.rel .LBB2_25-.Ltmp20, $2  }
0x1ba: {  	_ =	sdelay $0x2  }
0x1bb: {  	s20 =	smov.u32 s18  }
.LBB2_22:
.Ltmp21:
0x1bc: {  	(pc) =	sbr.rel .LBB2_25-.Ltmp21, $2  }
0x1bd: {  	_ =	sdelay $0x2  }
0x1be: {  	s19 =	smov.u32 s21;
	s31 =	smov.u32 s21;
	s20 =	smov.u32 s18  }
.LBB2_27:
.Ltmp22:
0x1bf: {  	(pc) =	sbr.rel @p0 .LBB2_29-.Ltmp22, $4  }
0x1c0: {  	s7 =	sadd.s32 s8, s7  }
0x1c1: {  	s7 =	sshll.u32 s7, $0x4  }
0x1c2: {  	s7 =	sadd.s32 s3, s7  }
0x1c3: {  	[hbm4b:s7+s4] =	stream.linear.scatter [tilespmem:s28], [sflag:$0x4], $0x6400, $0x38;
	[tilespmem:$0x1D200] =	vst v63  }
.Ltmp23:
0x1c4: {  	(pc) =	sbr.rel .LBB2_6-.Ltmp23, $4  }
0x1c5: {  	s6 =	sadd.s32 s6, s12;
	s17 =	sadd.s32 $0x1, s17  }
0x1c6: {  	s16 =	sadd.s32 $0xFFFFFE70, s16;
	s0 =	sadd.s32 $0x190, s0;
	s6 =	sshll.u32 s6, $0x4  }
0x1c7: {  	s2 =	sadd.s32 $0xFFFFFE70, s2;
	s14 =	sadd.s32 $0x190, s14;
	s6 =	sadd.s32 s1, s6  }
0x1c8: {  	[tilespmem:s15], [sflag:$0x2] =	stream.linear.gather [hbm4b:s6+s4], $0x6400, $0x38;
	[tilespmem:$0x1D200] =	vst v63  }
.LBB2_30:
0x1c9: {  	_ =	sfence.sel $0x180000  }
0x1ca: {  	[bflag:$0x0] =	sbarrier.arrive $0xFFFF  }
0x1cb: {  	_ =	strace $0x9000004A  }
0x1cc: {  	s0 =	stileid.u32;
	[bflag:$0x2] =	sbarrier.arrive $0xFFFF  }
0x1cd: {  	p0 =	sne.s32 s0, $0x0;
	s0 =	rddreg [dreg:$0x3]  }
0x1ce: {  	s0 =	sadd.s32 @!p0 $0x100000, s0  }
0x1cf: {  	[sflag:s0] =	ssyncadd.tile.s32 @!p0 $0x1;
	_ =	shalt  }
.Lfunc_end2:
_tile_overlayer_lowered:
.L_overlay_start_2:
0x1d0: {  	(tag) =	ssettag $0x2  }
0x1d1: {  	s0 =	rddreg [dreg:$0x0];
	s2 =	stileid.u32  }
0x1d2: {  	s1 =	rddreg [dreg:$0x1];
	p0 =	sne.s32 s2, $0x0  }
0x1d3: {  	s3 =	rddreg [dreg:$0x2];
	[bflag:$0x3] =	sbarrier.arrive $0xFFFF;
	s2 =	simm.s32 @!p0 $0x1C06  }
0x1d4: {  	[timem:s3], [sflag:s2] =	dma.local @!p0 [hbm:s0], s1  }
0x1d5: {  	s0 =	simm.s32 @!p0 $0x6  }
0x1d6: {  	_ =	swait.ge @!p0 [sflag:s0], s1  }
0x1d7: {  	s1 =	ssub.s32 @!p0 $0x0, s1;
	[sflag:s0] =	ssyncset.done @!p0 $0x0  }
0x1d8: {  	[sflag:s0] =	ssyncadd.s32 @!p0 s1  }
0x1d9: {  	[bflag:$0x3] =	sbarrier.arrive $0xFFFF  }
0x1da: {  	_ =	shalt  }

// kernel: octree_in_stats.3.cloned.1.call-start
scs
__scs_entry_jumppad:
0x0: {  	(pc) =	sbr.rel $0x88, $3  }
0x1: {  	(tag) =	ssettag $0x0;
	lr =	simm.s32 $0x1  }
0x2: {  	[smem:$0x3F9D] =	sst lr;
	_ =	strace $0xD0000000  }
0x3: {  	_ = 	snop  }
0x4: {  	_ = 	snop  }
0x5: {  	_ = 	snop  }
0x6: {  	_ = 	snop  }
0x7: {  	_ = 	snop  }
__scs_overlays_trampoline_lowered:
0x8: {  	[smem:$0x3FAC] =	sst s0  }
0x9: {  	[smem:$0x3FAD] =	sst s1  }
0xa: {  	[smem:$0x3FAE] =	sst s2  }
0xb: {  	[smem:$0x3FAF] =	sst s3  }
0xc: {  	[smem:$0x3FB0] =	sst s4  }
0xd: {  	[smem:$0x3FB1] =	sst s5  }
0xe: {  	[smem:$0x3FB2] =	sst s6  }
0xf: {  	[smem:$0x3FB3] =	sst s7  }
0x10: {  	[smem:$0x3FB4] =	sst s8  }
0x11: {  	[smem:$0x3FB5] =	sst s9;
	s0 =	simm.s32 @!p0 $0x0  }
0x12: {  	s1 =	sld [smem:$0x3F9B];
	s0 =	simm.s32 @p0 $0x1  }
0x13: {  	[smem:$0x3FB6] =	sst s0;
	s0 =	simm.s32 @!p1 $0x0  }
0x14: {  	s2 =	sld [smem:$0x3F9A];
	s0 =	simm.s32 @p1 $0x1  }
0x15: {  	[smem:$0x3FB7] =	sst s0;
	s0 =	simm.s32 @!p2 $0x0  }
0x16: {  	s3 =	sld [smem:$0x3FDB];
	s0 =	simm.s32 @p2 $0x1  }
0x17: {  	s4 =	simm.s32 $0x1BF5;
	[smem:$0x3FB9] =	sst s0  }
0x18: {  	s0 =	sld [smem:$0x3F9C];
	_ =	swait.ge [sflag:s4], $0x0  }
0x19: {  	s7 =	sld [smem:$0x3F9D]  }
0x1a: {  	s8 =	sadd.s32 $0xFFFFE003, lr  }
0x1b: {  	s9 =	sadd.s32 $0xFFFFFEF7, lr;
	s5 =	simm.s32 $0xFFFFFFFF;
	p2 =	slt.u32 s8, $0xFFFFF086  }
0x1c: {  	p1 =	slt.u32 s9, $0xF7A;
	s5 =	simm.s32 @!p2 $0x0  }
0x1d: {  	s5 =	simm.s32 @p1 $0x1;
	p0 =	seq.s32 s7, s2  }
0x1e: {  	s7 =	smul.u32 @!p0 $0xF7A, s2;
	p2 =	seq.s32 @!p0 s5, $0x0  }
0x1f: {  	s9 =	smul.u32 $0xF7A, s1;
	s8 =	simm.s32 @!p0 $0x1BF5;
	p2 =	por !p2, p0  }
0x20: {  	[sflag:s8] =	ssyncset.s32 @!p0 $0xFFFFF086;
	s6 =	sadd.s32 @!p0 s3, s7;
	s7 =	simm.s32 @!p0 $0x108  }
0x21: {  	s3 =	sadd.s32 s3, s9;
	s6 =	sadd.s32 @!p0 $0x88, s6;
	s7 =	simm.s32 @p2 $0x1082  }
0x22: {  	[simem:s7], [sflag:s8] =	dma.local @!p0 [hbm:s6], $0xF7A  }
0x23: {  	s9 =	sor.u32 $0xD0000000, s2;
	s6 =	simm.s32 $0x108;
	_ =	swait.ge @!p0 [sflag:s8], $0x0  }
0x24: {  	s3 =	sadd.s32 $0x88, s3;
	s6 =	simm.s32 @!p1 $0x1082;
	[sflag:s4] =	ssyncset.s32 $0xFFFFF086  }
0x25: {  	[simem:s6], [sflag:s4] =	dma.local [hbm:s3], $0xF7A  }
0x26: {  	[smem:$0x3F9D] =	sst s1;
	(tag) =	ssettag s2;
	_ =	strace s9  }
0x27: {  	s1 =	sld [smem:$0x3FAD]  }
0x28: {  	s2 =	sld [smem:$0x3FAE]  }
0x29: {  	s4 =	sld [smem:$0x3FB0]  }
0x2a: {  	p0 =	seq.s32 s5, $0x0;
	s5 =	sld [smem:$0x3FB1]  }
0x2b: {  	s6 =	sld [smem:$0x3FB2]  }
0x2c: {  	s7 =	sld [smem:$0x3FB3]  }
0x2d: {  	s3 =	simm.s32 $0x108;
	s8 =	sld [smem:$0x3FB4]  }
0x2e: {  	s3 =	simm.s32 @!p0 $0x1082;
	s9 =	sld [smem:$0x3FB5]  }
0x2f: {  	lr =	sadd.s32 s0, s3;
	s0 =	sld [smem:$0x3FAC]  }
0x30: {  	s3 =	sld [smem:$0x3FAF]  }
0x31: {  	[smem:$0x3FB8] =	sst s10  }
0x32: {  	s10 =	sld [smem:$0x3FB6];
	_ =	sdelay $0x3  }
0x33: {  	p0 =	seq.s32 s10, $0x1;
	s10 =	sld [smem:$0x3FB8];
	_ =	sdelay $0x3  }
0x34: {  	[smem:$0x3FB8] =	sst s10  }
0x35: {  	s10 =	sld [smem:$0x3FB7];
	_ =	sdelay $0x3  }
0x36: {  	p1 =	seq.s32 s10, $0x1;
	s10 =	sld [smem:$0x3FB8];
	_ =	sdelay $0x3  }
0x37: {  	[smem:$0x3FB8] =	sst s10  }
0x38: {  	s10 =	sld [smem:$0x3FB9]  }
0x39: {  	_ = 	snop;
	(pc) =	sbr.ind lr, $3  }
0x3a: {  	_ = 	snop  }
0x3b: {  	_ = 	snop  }
0x3c: {  	p2 =	seq.s32 s10, $0x1;
	s10 =	sld [smem:$0x3FB8]  }
0x3d: {  	_ =	shalt  }
0x3e: {  	_ =	shalt  }
0x3f: {  	_ =	shalt  }
0x40: {  	_ =	shalt  }
0x41: {  	_ =	shalt  }
0x42: {  	_ =	shalt  }
0x43: {  	_ =	shalt  }
0x44: {  	_ =	shalt  }
0x45: {  	_ =	shalt  }
0x46: {  	_ =	shalt  }
0x47: {  	_ =	shalt  }
0x48: {  	_ =	shalt  }
0x49: {  	_ =	shalt  }
0x4a: {  	_ =	shalt  }
0x4b: {  	_ =	shalt  }
0x4c: {  	_ =	shalt  }
0x4d: {  	_ =	shalt  }
0x4e: {  	_ =	shalt  }
0x4f: {  	_ =	shalt  }
0x50: {  	_ =	shalt  }
0x51: {  	_ =	shalt  }
0x52: {  	_ =	shalt  }
0x53: {  	_ =	shalt  }
0x54: {  	_ =	shalt  }
0x55: {  	_ =	shalt  }
0x56: {  	_ =	shalt  }
0x57: {  	_ =	shalt  }
0x58: {  	_ =	shalt  }
0x59: {  	_ =	shalt  }
0x5a: {  	_ =	shalt  }
0x5b: {  	_ =	shalt  }
0x5c: {  	_ =	shalt  }
0x5d: {  	_ =	shalt  }
0x5e: {  	_ =	shalt  }
0x5f: {  	_ =	shalt  }
0x60: {  	_ =	shalt  }
0x61: {  	_ =	shalt  }
0x62: {  	_ =	shalt  }
0x63: {  	_ =	shalt  }
0x64: {  	_ =	shalt  }
0x65: {  	_ =	shalt  }
0x66: {  	_ =	shalt  }
0x67: {  	_ =	shalt  }
0x68: {  	_ =	shalt  }
0x69: {  	_ =	shalt  }
0x6a: {  	_ =	shalt  }
0x6b: {  	_ =	shalt  }
0x6c: {  	_ =	shalt  }
0x6d: {  	_ =	shalt  }
0x6e: {  	_ =	shalt  }
0x6f: {  	_ =	shalt  }
0x70: {  	_ =	shalt  }
0x71: {  	_ =	shalt  }
0x72: {  	_ =	shalt  }
0x73: {  	_ =	shalt  }
0x74: {  	_ =	shalt  }
0x75: {  	_ =	shalt  }
0x76: {  	_ =	shalt  }
0x77: {  	_ =	shalt  }
0x78: {  	_ =	shalt  }
0x79: {  	_ =	shalt  }
0x7a: {  	_ =	shalt  }
0x7b: {  	_ =	shalt  }
0x7c: {  	_ =	shalt  }
0x7d: {  	_ =	shalt  }
0x7e: {  	_ =	shalt  }
0x7f: {  	_ =	shalt  }
0x80: {  	_ =	shalt  }
0x81: {  	_ =	shalt  }
0x82: {  	_ =	shalt  }
0x83: {  	_ =	shalt  }
0x84: {  	_ =	shalt  }
0x85: {  	_ =	shalt  }
0x86: {  	_ =	shalt  }
0x87: {  	_ =	shalt  }
.Lfunc_end0:
.L_simem_size_0:
called_computation_lowered:
.L_overlay_start_0:
0x88: {  	s2 =	sld [smem:$0x3FD9]  }
0x89: {  	s3 =	sld [smem:$0x3FFE];
	_ =	sdelay $0x1  }
0x8a: {  	s1 =	srdreg.scid  }
0x8b: {  	s0 =	sand.u32 $0x1, s1  }
0x8c: {  	s17 =	sshll.u32 s0, $0xA;
	s2 =	sadd.s32 s3, s2  }
0x8d: {  	s2 =	sadd.s32 s2, s17  }
0x8e: {  	[smem:$0x3FC4] =	sst s2  }
0x8f: {  	_ = 	snop  }
0x90: {  	s2 =	sld [smem:$0x3FC9]  }
0x91: {  	s18 =	sld [smem:$0x3FC8];
	(tm) =	ssettm $0x1  }
0x92: {  	s4 =	sld [smem:$0x3FFB];
	_ =	sdelay $0x3  }
0x93: {  	_ =	strace s4  }
0x94: {  	s4 =	sld [smem:$0x3FFC];
	_ =	sdelay $0x3  }
0x95: {  	_ =	strace s4  }
0x96: {  	s4 =	sld [smem:$0x3FFD];
	_ =	sdelay $0x3  }
0x97: {  	_ =	strace s4  }
0x98: {  	_ =	strace $0x8FFFFFFF  }
0x99: {  	s19 =	sld [smem:$0x3FDB];
	_ =	sdelay $0x1  }
0x9a: {  	s5 =	simm.s32 $_scs_section_size  }
0x9b: {  	s6 =	simm.s32 $_size__tile_overlayer_lowered;
	s7 =	simm.s32 $_tile_overlayer_lowered  }
0x9c: {  	s22 =	simm.s32 $0x1BFF;
	s21 =	sshll.u32 s7, $0x1;
	s4 =	sadd.s32 s5, s19  }
0x9d: {  	s8 =	simm.s32 $0x0;
	s20 =	sshll.u32 s6, $0x1;
	s6 =	sadd.s32 s21, s4  }
0x9e: {  	[timem:s8], [sflag:s22] =	dma.local [hbm:s6], s20  }
0x9f: {  	_ =	swait.ge [sflag:s22], s20  }
0xa0: {  	s5 =	ssub.s32 $0x0, s20;
	[sflag:s22] =	ssyncset.done $0x0  }
0xa1: {  	[sflag:s22] =	ssyncadd.s32 s5;
	_ =	sdelay $0x1  }
0xa2: {  	s23 =	simm.s32 $0x1B8B  }
0xa3: {  	_ =	swait.ge [sflag:s23], $0x1  }
0xa4: {  	[sflag:s23] =	ssyncset.done $0x0  }
0xa5: {  	s25 =	simm.s32 $0x1B8E;
	s24 =	sld [smem:$0x3FFE];
	[sflag:s23] =	ssyncadd.s32 $0xFFFFFFFF  }
0xa6: {  	s26 =	simm.s32 $execute0_lowered;
	[smem:$0x3FD2] =	sst s25  }
0xa7: {  	s6 =	sshll.u32 s26, $0x1;
	_ =	strace $0x80000046;
	[dreg:$0x1] =	wrdreg $0xFFFFFFFF  }
0xa8: {  	s28 =	simm.s32 $_size_execute0_lowered;
	s4 =	sadd.s32 s4, s6;
	[dreg:$0x0] =	wrdreg $0x0  }
0xa9: {  	s6 =	sshll.u32 s28, $0x1;
	[dreg:$0x2] =	wrdreg s4  }
0xaa: {  	[dreg:$0x3] =	wrdreg s6  }
0xab: {  	[dreg:$0x4] =	wrdreg $0xC0  }
0xac: {  	_ =	task [dreg:s8], $0x5FFFF  }
0xad: {  	[dreg:$0x1] =	wrdreg $0xFFFFFFFF  }
0xae: {  	[dreg:$0x0] =	wrdreg $0x60  }
0xaf: {  	[dreg:$0x2] =	wrdreg s2  }
0xb0: {  	[dreg:$0x3] =	wrdreg s18  }
0xb1: {  	[dreg:$0x4] =	wrdreg s24  }
0xb2: {  	[dreg:$0x5] =	wrdreg $0x9  }
0xb3: {  	_ =	task.clear_ibuf [dreg:s8], $0x6FFFF;
	_ =	strace $0x90000046  }
0xb4: {  	s29 =	simm.s32 $0x9;
	_ =	strace $0x80000048  }
0xb5: {  	_ =	swait.ge [sflag:s29], $0x1  }
0xb6: {  	[sflag:s29] =	ssyncadd.s32 $0xFFFFFFFF  }
0xb7: {  	_ =	strace $0x90000048  }
0xb8: {  	_ =	sfence  }
0xb9: {  	s30 =	sld [smem:$0x0];
	_ =	sdelay $0x2  }
0xba: {  	s31 =	sshll.u32 s1, $0xD;
	s1 =	sshrl.u32 s1, $0x2  }
0xbb: {  	s3 =	sand.u32 $0x4000, s31;
	s1 =	sadd.s32 s1, s30  }
0xbc: {  	s0 =	sor.u32 s3, s0;
	s1 =	sshll.u32 s1, $0x11  }
0xbd: {  	s0 =	sor.u32 s1, s0  }
0xbe: {  	s0 =	sadd.s32 $0x8F2B, s0  }
0xbf: {  	[sflag:s0] =	ssyncadd.remote.s32 $0x1  }
0xc0: {  	_ =	sfence.sel $0xFFFF  }
0xc1: {  	[dreg:$0x0] =	wrdreg $0xFFFFFFFF;
	(pc) =	sbr.abs _section_cstart, $3  }
0xc2: {  	[dreg:$0x1] =	wrdreg $0xFFFFFFFF  }
0xc3: {  	_ =	task.clear_ibuf [dreg:s8], $0x2FFFF;
	_ =	strace $0x9FFFFFFF  }
0xc4: {  	(tm) =	ssettm $0x7FFFFFFF  }
0xc5: {  	_ =	shalt  }
tec
execute0_lowered:
.L_overlay_start_1:
0x0: {  	(tag) =	ssettag $0x1  }
0x1: {  	s1 =	rddreg [dreg:$0x0];
	s0 =	srdreg.scid  }
0x2: {  	s4 =	stileid.u32;
	s2 =	rddreg [dreg:$0x1]  }
0x3: {  	s5 =	rddreg [dreg:$0x2];
	s12 =	simm.s32 $0x3880;
	s13 =	simm.s32 $0x10080  }
0x4: {  	s14 =	simm.s32 $0x3;
	s15 =	simm.s32 $0x3800;
	s16 =	simm.s32 $0x1  }
0x5: {  	s17 =	simm.s32 $0x2;
	s0 =	sand.u32 $0x1, s0;
	s3 =	sshll.u32 s4, $0x1  }
0x6: {  	s21 =	simm.s32 $0x0;
	s4 =	sshrl.u32 s4, $0x2;
	s6 =	sor.u32 s0, s3  }
0x7: {  	s3 =	simm.s32 $0x0;
	s8 =	sshll.u32 s4, $0xF;
	s7 =	sshll.u32 s6, $0x7  }
0x8: {  	s4 =	sshll.u32 s4, $0xA;
	s0 =	ssub.s32 $0x2, s0;
	s7 =	sand.u32 $0x380, s7  }
0x9: {  	[smem:$0x7FF] =	sst s3;
	s29 =	smul.u32 $0x138800, s6;
	s4 =	sor.u32 s4, s7  }
0xa: {  	s10 =	sshrl.u32 s0, $0x1;
	s30 =	sshrl.u32 s4, $0x3;
	s4 =	smul.u32 $0x2710, s6  }
0xb: {  	_ =	strace $0x80000047;
	s8 =	sor.u32 s8, s7;
	s6 =	smul.u32 $0x27100, s6  }
.Ltmp0:
0xc: {  	s7 =	sshrl.u32 s29, $0x3;
	s8 =	sshrl.u32 s8, $0x3;
	(pc) =	sbr.rel .LBB2_1-.Ltmp0, $4  }
0xd: {  	s0 =	ssub.s32 s0, s10;
	s7 =	sadd.s32 s1, s7;
	s9 =	sadd.s32 s8, s5  }
0xe: {  	s11 =	sadd.s32 s30, s5;
	s5 =	sadd.s32 s1, s6;
	s6 =	sadd.s32 $0x1900, s7  }
0xf: {  	v0 =	vimm.s32 $0x0;
	s31 =	sshrl.u32 s4, $0x3;
	s8 =	sadd.s32 $0x4B0, s4;
	s9 =	sadd.s32 $0x1000, s9  }
0x10: {  	v1 =	vimm.s32 $0x1;
	v2 =	vimm.s32 $0x2710;
	v3 =	vimm.f32 $0.0e+00;
	s10 =	sadd.s32 $0x5000, s11;
	s11 =	smax.u32 s0, $0x1;
	s7 =	sadd.s32 s2, s31  }
.LBB2_29:
0x11: {  	s0 =	simm.s32 $0x80;
	s2 =	simm.s32 $0x400;
	s18 =	simm.s32 $0x2780  }
0x12: {  	[hbm4b:s9+s0] =	stream.strided.scatter [tilespmem:s18], [sflag:$0x3], $0x1000, s2, s0, $0x38;
	[tilespmem:$0x1C880] =	vst v63  }
0x13: {  	s21 =	sadd.s32 $0x1, s21;
	_ =	swait.ge [sflag:s14], $0x1000  }
0x14: {  	p0 =	sne.s32 s21, s11;
	[sflag:s14] =	ssyncset.done $0x0  }
.Ltmp1:
0x15: {  	[sflag:s14] =	ssyncadd.s32 $0xFFFFF000;
	(pc) =	sbr.rel @!p0 .LBB2_30-.Ltmp1, $4  }
0x16: {  	[hbm4b:s10+s3] =	stream.linear.scatter [tilespmem:s15], [sflag:$0x3], $0x80, $0x38;
	[tilespmem:$0x1C880] =	vst v63  }
0x17: {  	_ =	swait.ge [sflag:s14], $0x80  }
0x18: {  	[sflag:s14] =	ssyncset.done $0x0  }
0x19: {  	[sflag:s14] =	ssyncadd.s32 $0xFFFFFF80  }
.LBB2_1:
0x1a: {  	[tilespmem:s12], [sflag:$0x1] =	stream.linear.gather [hbm4b:s5+s3], $0xC800, $0x38;
	[tilespmem:$0x1C880] =	vst v63  }
0x1b: {  	_ = 	snop  }
0x1c: {  	[tilespmem:s13], [sflag:$0x2] =	stream.linear.gather [hbm4b:s6+s3], $0xC800, $0x38;
	[tilespmem:$0x1C880] =	vst v63  }
0x1d: {  	_ = 	snop  }
0x1e: {  	[tilespmem:s3], [sflag:$0x3] =	stream.linear.gather [hbm4b:s7+s3], $0x2710, $0x38;
	[tilespmem:$0x1C880] =	vst v63  }
0x1f: {  	_ =	swait.ge [sflag:s14], $0x2710  }
0x20: {  	[sflag:s14] =	ssyncset.done $0x0  }
0x21: {  	[sflag:s14] =	ssyncadd.s32 $0xFFFFD8F0  }
0x22: {  	s2 =	simm.s32 $0x0;
	s0 =	simm.s32 $0x40;
	[tilespmem:$0x3800] =	vst v0  }
.LBB2_2:
0x23: {  	p0 =	sne.s32 s0, $0x9C00;
	v4 =	vld [tilespmem:s2+$0x0];
	_ =	sdelay $0x3  }
.Ltmp2:
0x24: {  	(pc) =	sbr.rel @p0 .LBB2_2-.Ltmp2, $2  }
0x25: {  	_ =	sdelay $0x2  }
0x26: {  	s2 =	sshra.s32 s0, $0x2;
	s0 =	sadd.s32 $0x40, s0;
	[tilespmem:v4+s15+$0x0] =	vst.idx.add.s32.msk $0xffff, v1  }
0x27: {  	v4 =	vld [tilespmem:s2+$0x0];
	_ =	sdelay $0x7  }
0x28: {  	[tilespmem:v4+s15+$0x0] =	vst.idx.add.s32.msk $0xffff, v1  }
0x29: {  	v4 =	vld [tilespmem:$0x3800];
	_ =	sdelay $0x4  }
0x2a: {  	(xrf0) =	vadd.scan.msk.s32 $0xffff, v4;
	_ =	sdelay $0x5  }
0x2b: {  	v5, _, _ =	vpop (xrf0)  }
0x2c: {  	[tilespmem:$0x3790] =	vst v2;
	v4 =	vsub.s32 v5, v4  }
0x2d: {  	s22 =	simm.s32 $0x0;
	s0 =	simm.s32 $0x0;
	[tilespmem:$0x3780] =	vst v4  }
.LBB2_4:
0x2e: {  	p0 =	sne.s32 s0, $0x3FC0  }
.Ltmp3:
0x2f: {  	_ = 	snop;
	(pc) =	sbr.rel @p0 .LBB2_4-.Ltmp3, $3  }
0x30: {  	_ =	sdelay $0x1  }
0x31: {  	s2 =	sshra.s32 s0, $0x2  }
0x32: {  	s0 =	sadd.s32 $0x40, s0;
	[tilespmem:s2+$0x2780] =	vst v3  }
0x33: {  	s23 =	simm.s32 $0xFFFFFE70  }
0x34: {  	s24 =	simm.s32 $0x190;
	s25 =	simm.s32 $0x0;
	s26 =	simm.s32 $0x0  }
.LBB2_6:
0x35: {  	s28 =	smul.u32 $0x320, s26;
	_ =	sdelay $0x1  }
0x36: {  	vm0 =	vle.s32 v4, s28;
	s0 =	sadd.s32 $0x18F, s28  }
0x37: {  	_ =	swait.ge [sflag:s16], $0xC800;
	v5 =	vsel vm0, $0x1, v0;
	vm15 =	vle.s32 v4, s0  }
0x38: {  	(xrf0) =	vadd.scan.msk.s32 $0xffff, v5;
	v5 =	vsel vm15, $0x1, v0  }
0x39: {  	(xrf0) =	vadd.scan.msk.s32 $0xffff, v5;
	_ =	sdelay $0x4  }
0x3a: {  	v5, _, _ =	vpop (xrf0)  }
0x3b: {  	(v2sf) =	vpush v5, $0xF;
	v5, _, _ =	vpop (xrf0)  }
0x3c: {  	(v2sf) =	vpush v5, $0xF;
	_ =	sdelay $0xd  }
0x3d: {  	s20 =	spop (v2sf)  }
0x3e: {  	s30 =	sadd.s32 $0xFFFFFFFF, s20;
	s31 =	spop (v2sf)  }
0x3f: {  	p0 =	sge.s32 s30, s31  }
.Ltmp4:
0x40: {  	_ = 	snop;
	(pc) =	sbr.rel @!p0 .LBB2_7-.Ltmp4, $3  }
0x41: {  	_ =	sdelay $0x1  }
0x42: {  	[sflag:s16] =	ssyncset.done $0x0  }
0x43: {  	[sflag:s16] =	ssyncadd.s32 $0xFFFF3800;
	s29 =	sadd.s32 $0x190, s28  }
.LBB2_12:
0x44: {  	s0 =	sadd.s32 $0x320, s28  }
0x45: {  	s2 =	sadd.s32 s4, s0  }
0x46: {  	s2 =	sshll.u32 s2, $0x4  }
0x47: {  	s20 =	sadd.s32 $0x31F, s28;
	s2 =	sadd.s32 s1, s2  }
0x48: {  	vm0 =	vle.s32 v4, s29;
	[tilespmem:s12], [sflag:$0x1] =	stream.linear.gather [hbm4b:s2+s3], $0xC800, $0x38;
	[tilespmem:$0x1C880] =	vst v63  }
0x49: {  	v5 =	vsel vm0, $0x1, v0;
	vm15 =	vle.s32 v4, s20;
	_ =	swait.ge [sflag:s17], $0xC800  }
0x4a: {  	(xrf0) =	vadd.scan.msk.s32 $0xffff, v5;
	v5 =	vsel vm15, $0x1, v0  }
0x4b: {  	(xrf0) =	vadd.scan.msk.s32 $0xffff, v5;
	_ =	sdelay $0x4  }
0x4c: {  	v5, _, _ =	vpop (xrf0)  }
0x4d: {  	(v2sf) =	vpush v5, $0xF;
	v5, _, _ =	vpop (xrf0)  }
0x4e: {  	(v2sf) =	vpush v5, $0xF;
	_ =	sdelay $0xd  }
0x4f: {  	s30 =	spop (v2sf)  }
0x50: {  	s31 =	sadd.s32 $0xFFFFFFFF, s30;
	s2 =	spop (v2sf)  }
0x51: {  	p0 =	sge.s32 s31, s2  }
.Ltmp5:
0x52: {  	_ = 	snop;
	(pc) =	sbr.rel @!p0 .LBB2_13-.Ltmp5, $3  }
0x53: {  	_ =	sdelay $0x1  }
0x54: {  	[sflag:s17] =	ssyncset.done $0x0  }
0x55: {  	[sflag:s17] =	ssyncadd.s32 $0xFFFF3800  }
.LBB2_18:
0x56: {  	p0 =	seq.s32 s26, $0xB  }
.Ltmp6:
0x57: {  	_ = 	snop;
	(pc) =	sbr.rel @p0 .LBB2_20-.Ltmp6, $1  }
0x58: {  	_ =	sdelay $0x3  }
.Ltmp7:
0x59: {  	(pc) =	sbr.rel .LBB2_6-.Ltmp7, $4  }
0x5a: {  	s0 =	sadd.s32 s28, s8;
	s26 =	sadd.s32 $0x1, s26  }
0x5b: {  	s25 =	sadd.s32 $0xFFFFFCE0, s25;
	s22 =	sadd.s32 $0x320, s22;
	s0 =	sshll.u32 s0, $0x4  }
0x5c: {  	s23 =	sadd.s32 $0xFFFFFCE0, s23;
	s24 =	sadd.s32 $0x320, s24;
	s0 =	sadd.s32 s1, s0  }
0x5d: {  	[tilespmem:s13], [sflag:$0x2] =	stream.linear.gather [hbm4b:s0+s3], $0xC800, $0x38;
	[tilespmem:$0x1C880] =	vst v63  }
.LBB2_10:
0x5e: {  	v23 =	vadd.f32 v27, v23;
	s0 =	sshll.u32 s30, $0xA  }
0x5f: {  	s0 =	sshra.s32 s0, $0x2  }
0x60: {  	v20 =	vadd.f32 v26, v20;
	[tilespmem:s0+$0x2780] =	vst.add.f32.msk $0xffff, v23  }
0x61: {  	[tilespmem:s0+$0x2790] =	vst.add.f32.msk $0xffff, v12  }
0x62: {  	v21 =	vadd.f32 v25, v21;
	[tilespmem:s0+$0x2810] =	vst.add.f32.msk $0xffff, v20  }
0x63: {  	v7 =	vadd.f32 v22, v7;
	[tilespmem:s0+$0x27A0] =	vst.add.f32.msk $0xffff, v10  }
0x64: {  	v11 =	vadd.f32 v17, v11;
	[tilespmem:s0+$0x2820] =	vst.add.f32.msk $0xffff, v21  }
0x65: {  	v9 =	vadd.f32 v18, v9;
	[tilespmem:s0+$0x27B0] =	vst.add.f32.msk $0xffff, v7  }
0x66: {  	v8 =	vadd.f32 v19, v8;
	[tilespmem:s0+$0x27C0] =	vst.add.f32.msk $0xffff, v11  }
0x67: {  	v28 =	vmul.f32 v27, v27;
	[tilespmem:s0+$0x27D0] =	vst.add.f32.msk $0xffff, v9  }
0x68: {  	v60 =	vmul.f32 v22, v22;
	[tilespmem:s0+$0x27E0] =	vst.add.f32.msk $0xffff, v8  }
0x69: {  	v61 =	vmul.f32 v17, v17;
	v24 =	vadd.f32 v28, v24;
	[tilespmem:s0+$0x27F0] =	vst.add.f32.msk $0xffff, v5  }
0x6a: {  	v62 =	vmul.f32 v19, v19;
	v12 =	vadd.f32 v60, v16;
	[tilespmem:s0+$0x2870] =	vst.add.f32.msk $0xffff, v6  }
0x6b: {  	v7 =	vmul.f32 v18, v18;
	v10 =	vadd.f32 v61, v15;
	[tilespmem:s0+$0x2800] =	vst.add.f32.msk $0xffff, v24  }
0x6c: {  	v63 =	vadd.f32 v62, v13;
	[tilespmem:s0+$0x2830] =	vst.add.f32.msk $0xffff, v12  }
0x6d: {  	v7 =	vadd.f32 v7, v14;
	[tilespmem:s0+$0x2840] =	vst.add.f32.msk $0xffff, v10  }
0x6e: {  	[tilespmem:s0+$0x2860] =	vst.add.f32.msk $0xffff, v63  }
0x6f: {  	[tilespmem:s0+$0x2850] =	vst.add.f32.msk $0xffff, v7  }
.LBB2_11:
0x70: {  	s30 =	sadd.s32 $0x1, s30  }
0x71: {  	p0 =	sne.s32 s30, s31  }
.Ltmp8:
0x72: {  	_ = 	snop;
	(pc) =	sbr.rel @!p0 .LBB2_12-.Ltmp8, $1  }
0x73: {  	_ =	sdelay $0x3  }
.LBB2_7:
0x74: {  	v5 =	vld [tilespmem:s30+$0x3780];
	_ =	sdelay $0x4  }
0x75: {  	(v2sf) =	vpush v5, $0x0  }
0x76: {  	(v2sf) =	vpush v5, $0x1;
	_ =	sdelay $0xd  }
0x77: {  	s18 =	spop (v2sf)  }
0x78: {  	s0 =	smov.u32 s28;
	s19 =	spop (v2sf)  }
0x79: {  	s2 =	smov.u32 s29;
	p0 =	sgt.s32 s18, s28;
	p1 =	slt.s32 s19, s29  }
0x7a: {  	s0 =	smov.u32 @p0 s18;
	s2 =	smov.u32 @p1 s19  }
0x7b: {  	p0 =	sle.s32 s2, s0  }
.Ltmp9:
0x7c: {  	_ = 	snop;
	(pc) =	sbr.rel @p0 .LBB2_11-.Ltmp9, $1  }
0x7d: {  	_ =	sdelay $0x3  }
0x7e: {  	p0 =	sgt.s32 s18, s22;
	s19 =	smov.u32 s22  }
0x7f: {  	s19 =	smov.u32 @p0 s18  }
0x80: {  	s18 =	sadd.s32 s19, s25  }
0x81: {  	s18 =	sshll.u32 s18, $0x9  }
0x82: {  	s18 =	sshra.s32 s18, $0x2  }
0x83: {  	s18 =	sadd.s32 $0x38C0, s18  }
0x84: {  	v6 =	vld [tilespmem:s18+$0x30]  }
0x85: {  	v8 =	vld [tilespmem:s18+$0xFFFFFFD0]  }
0x86: {  	v7 =	vimm.f32 $0.0e+00;
	s0 =	sadd.s32 $0x1, s0;
	v9 =	vld [tilespmem:s18+$0xFFFFFFE0]  }
0x87: {  	v20 =	vimm.f32 $0.0e+00;
	v11 =	vimm.f32 $0.0e+00;
	v21 =	vimm.f32 $0.0e+00;
	p0 =	slt.s32 s0, s2;
	v22 =	vld [tilespmem:s18+$0xFFFFFFF0]  }
.Ltmp10:
0x88: {  	v16 =	vimm.f32 $0.0e+00;
	v15 =	vimm.f32 $0.0e+00;
	v23 =	vimm.f32 $0.0e+00;
	v27 =	vld [tilespmem:s18+$0xFFFFFFC0];
	(pc) =	sbr.rel @!p0 .LBB2_10-.Ltmp10, $4  }
0x89: {  	v14 =	vimm.f32 $0.0e+00;
	v13 =	vimm.f32 $0.0e+00;
	v24 =	vimm.f32 $0.0e+00;
	v17 =	vld [tilespmem:s18+$0x0]  }
0x8a: {  	v18 =	vld [tilespmem:s18+$0x10];
	v5 =	vadd.f32 v6, v7;
	v6 =	vmul.f32 v6, v6;
	v12 =	vadd.f32 v8, v7  }
0x8b: {  	v19 =	vld [tilespmem:s18+$0x20];
	v26 =	vmul.f32 v8, v8;
	v10 =	vadd.f32 v9, v7;
	v25 =	vmul.f32 v9, v9  }
0x8c: {  	s18 =	sadd.s32 $0x80, s18;
	v9 =	vimm.f32 $0.0e+00;
	v8 =	vimm.f32 $0.0e+00;
	v6 =	vadd.f32 v6, v7  }
.LBB2_9:
0x8d: {  	v28 =	vld [tilespmem:s18+$0x30];
	s0 =	sadd.s32 $0x1, s0;
	v7 =	vadd.f32 v22, v7;
	v20 =	vadd.f32 v26, v20;
	v22 =	vmul.f32 v22, v22  }
0x8e: {  	v11 =	vadd.f32 v17, v11;
	v21 =	vadd.f32 v25, v21;
	v17 =	vmul.f32 v17, v17;
	v26 =	vld [tilespmem:s18+$0xFFFFFFD0];
	p0 =	slt.s32 s0, s2  }
0x8f: {  	v9 =	vadd.f32 v18, v9;
	v18 =	vmul.f32 v18, v18;
	v25 =	vld [tilespmem:s18+$0xFFFFFFE0];
	v16 =	vadd.f32 v22, v16  }
.Ltmp11:
0x90: {  	v8 =	vadd.f32 v19, v8;
	v19 =	vmul.f32 v19, v19;
	v15 =	vadd.f32 v17, v15;
	v22 =	vld [tilespmem:s18+$0xFFFFFFF0];
	(pc) =	sbr.rel @p0 .LBB2_9-.Ltmp11, $4  }
0x91: {  	v23 =	vadd.f32 v27, v23;
	v27 =	vmul.f32 v27, v27;
	v14 =	vadd.f32 v18, v14;
	v17 =	vld [tilespmem:s18+$0x0]  }
0x92: {  	v13 =	vadd.f32 v19, v13;
	v18 =	vld [tilespmem:s18+$0x10];
	v5 =	vadd.f32 v28, v5;
	v28 =	vmul.f32 v28, v28  }
0x93: {  	v24 =	vadd.f32 v27, v24;
	v19 =	vld [tilespmem:s18+$0x20];
	v12 =	vadd.f32 v26, v12;
	v26 =	vmul.f32 v26, v26  }
0x94: {  	v27 =	vld [tilespmem:s18+$0xFFFFFFC0];
	v10 =	vadd.f32 v25, v10;
	v25 =	vmul.f32 v25, v25;
	v6 =	vadd.f32 v28, v6;
	s18 =	sadd.s32 $0x80, s18  }
.Ltmp12:
0x95: {  	_ = 	snop;
	(pc) =	sbr.rel .LBB2_10-.Ltmp12, $1  }
0x96: {  	_ =	sdelay $0x3  }
.LBB2_16:
0x97: {  	v23 =	vadd.f32 v27, v23;
	s18 =	sshll.u32 s31, $0xA  }
0x98: {  	s18 =	sshra.s32 s18, $0x2  }
0x99: {  	v20 =	vadd.f32 v26, v20;
	[tilespmem:s18+$0x2780] =	vst.add.f32.msk $0xffff, v23  }
0x9a: {  	[tilespmem:s18+$0x2790] =	vst.add.f32.msk $0xffff, v12  }
0x9b: {  	v21 =	vadd.f32 v25, v21;
	[tilespmem:s18+$0x2810] =	vst.add.f32.msk $0xffff, v20  }
0x9c: {  	v7 =	vadd.f32 v22, v7;
	[tilespmem:s18+$0x27A0] =	vst.add.f32.msk $0xffff, v10  }
0x9d: {  	v11 =	vadd.f32 v17, v11;
	[tilespmem:s18+$0x2820] =	vst.add.f32.msk $0xffff, v21  }
0x9e: {  	v9 =	vadd.f32 v18, v9;
	[tilespmem:s18+$0x27B0] =	vst.add.f32.msk $0xffff, v7  }
0x9f: {  	v8 =	vadd.f32 v19, v8;
	[tilespmem:s18+$0x27C0] =	vst.add.f32.msk $0xffff, v11  }
0xa0: {  	v28 =	vmul.f32 v27, v27;
	[tilespmem:s18+$0x27D0] =	vst.add.f32.msk $0xffff, v9  }
0xa1: {  	v60 =	vmul.f32 v22, v22;
	[tilespmem:s18+$0x27E0] =	vst.add.f32.msk $0xffff, v8  }
0xa2: {  	v61 =	vmul.f32 v17, v17;
	v24 =	vadd.f32 v28, v24;
	[tilespmem:s18+$0x27F0] =	vst.add.f32.msk $0xffff, v5  }
0xa3: {  	v62 =	vmul.f32 v19, v19;
	v12 =	vadd.f32 v60, v16;
	[tilespmem:s18+$0x2870] =	vst.add.f32.msk $0xffff, v6  }
0xa4: {  	v7 =	vmul.f32 v18, v18;
	v10 =	vadd.f32 v61, v15;
	[tilespmem:s18+$0x2800] =	vst.add.f32.msk $0xffff, v24  }
0xa5: {  	v63 =	vadd.f32 v62, v13;
	[tilespmem:s18+$0x2830] =	vst.add.f32.msk $0xffff, v12  }
0xa6: {  	v7 =	vadd.f32 v7, v14;
	[tilespmem:s18+$0x2840] =	vst.add.f32.msk $0xffff, v10  }
0xa7: {  	[tilespmem:s18+$0x2860] =	vst.add.f32.msk $0xffff, v63  }
0xa8: {  	[tilespmem:s18+$0x2850] =	vst.add.f32.msk $0xffff, v7  }
.LBB2_17:
0xa9: {  	s31 =	sadd.s32 $0x1, s31  }
0xaa: {  	p0 =	sne.s32 s31, s2  }
.Ltmp13:
0xab: {  	_ = 	snop;
	(pc) =	sbr.rel @!p0 .LBB2_18-.Ltmp13, $1  }
0xac: {  	_ =	sdelay $0x3  }
.LBB2_13:
0xad: {  	v5 =	vld [tilespmem:s31+$0x3780];
	_ =	sdelay $0x4  }
0xae: {  	(v2sf) =	vpush v5, $0x0  }
0xaf: {  	(v2sf) =	vpush v5, $0x1;
	_ =	sdelay $0xd  }
0xb0: {  	s19 =	spop (v2sf)  }
0xb1: {  	s18 =	smov.u32 s29;
	s20 =	spop (v2sf)  }
0xb2: {  	s30 =	smov.u32 s0;
	p0 =	sgt.s32 s19, s29;
	p1 =	slt.s32 s20, s0  }
0xb3: {  	s18 =	smov.u32 @p0 s19;
	s30 =	smov.u32 @p1 s20  }
0xb4: {  	p0 =	sle.s32 s30, s18  }
.Ltmp14:
0xb5: {  	_ = 	snop;
	(pc) =	sbr.rel @p0 .LBB2_17-.Ltmp14, $1  }
0xb6: {  	_ =	sdelay $0x3  }
0xb7: {  	p0 =	sgt.s32 s19, s24;
	s20 =	smov.u32 s24  }
0xb8: {  	s20 =	smov.u32 @p0 s19  }
0xb9: {  	s19 =	sadd.s32 s20, s23  }
0xba: {  	s19 =	sshll.u32 s19, $0x9  }
0xbb: {  	s19 =	sshra.s32 s19, $0x2  }
0xbc: {  	s19 =	sadd.s32 $0x100C0, s19  }
0xbd: {  	v6 =	vld [tilespmem:s19+$0x30]  }
0xbe: {  	v8 =	vld [tilespmem:s19+$0xFFFFFFD0]  }
0xbf: {  	v7 =	vimm.f32 $0.0e+00;
	s18 =	sadd.s32 $0x1, s18;
	v9 =	vld [tilespmem:s19+$0xFFFFFFE0]  }
0xc0: {  	v20 =	vimm.f32 $0.0e+00;
	v11 =	vimm.f32 $0.0e+00;
	v21 =	vimm.f32 $0.0e+00;
	p0 =	slt.s32 s18, s30;
	v22 =	vld [tilespmem:s19+$0xFFFFFFF0]  }
.Ltmp15:
0xc1: {  	v16 =	vimm.f32 $0.0e+00;
	v15 =	vimm.f32 $0.0e+00;
	v23 =	vimm.f32 $0.0e+00;
	v27 =	vld [tilespmem:s19+$0xFFFFFFC0];
	(pc) =	sbr.rel @!p0 .LBB2_16-.Ltmp15, $4  }
0xc2: {  	v14 =	vimm.f32 $0.0e+00;
	v13 =	vimm.f32 $0.0e+00;
	v24 =	vimm.f32 $0.0e+00;
	v17 =	vld [tilespmem:s19+$0x0]  }
0xc3: {  	v18 =	vld [tilespmem:s19+$0x10];
	v5 =	vadd.f32 v6, v7;
	v6 =	vmul.f32 v6, v6;
	v12 =	vadd.f32 v8, v7  }
0xc4: {  	v19 =	vld [tilespmem:s19+$0x20];
	v26 =	vmul.f32 v8, v8;
	v10 =	vadd.f32 v9, v7;
	v25 =	vmul.f32 v9, v9  }
0xc5: {  	s19 =	sadd.s32 $0x80, s19;
	v9 =	vimm.f32 $0.0e+00;
	v8 =	vimm.f32 $0.0e+00;
	v6 =	vadd.f32 v6, v7  }
.LBB2_15:
0xc6: {  	v28 =	vld [tilespmem:s19+$0x30];
	s18 =	sadd.s32 $0x1, s18;
	v7 =	vadd.f32 v22, v7;
	v20 =	vadd.f32 v26, v20;
	v22 =	vmul.f32 v22, v22  }
0xc7: {  	v11 =	vadd.f32 v17, v11;
	v21 =	vadd.f32 v25, v21;
	v17 =	vmul.f32 v17, v17;
	v26 =	vld [tilespmem:s19+$0xFFFFFFD0];
	p0 =	slt.s32 s18, s30  }
0xc8: {  	v9 =	vadd.f32 v18, v9;
	v18 =	vmul.f32 v18, v18;
	v25 =	vld [tilespmem:s19+$0xFFFFFFE0];
	v16 =	vadd.f32 v22, v16  }
.Ltmp16:
0xc9: {  	v8 =	vadd.f32 v19, v8;
	v19 =	vmul.f32 v19, v19;
	v15 =	vadd.f32 v17, v15;
	v22 =	vld [tilespmem:s19+$0xFFFFFFF0];
	(pc) =	sbr.rel @p0 .LBB2_15-.Ltmp16, $4  }
0xca: {  	v23 =	vadd.f32 v27, v23;
	v27 =	vmul.f32 v27, v27;
	v14 =	vadd.f32 v18, v14;
	v17 =	vld [tilespmem:s19+$0x0]  }
0xcb: {  	v13 =	vadd.f32 v19, v13;
	v18 =	vld [tilespmem:s19+$0x10];
	v5 =	vadd.f32 v28, v5;
	v28 =	vmul.f32 v28, v28  }
0xcc: {  	v24 =	vadd.f32 v27, v24;
	v19 =	vld [tilespmem:s19+$0x20];
	v12 =	vadd.f32 v26, v12;
	v26 =	vmul.f32 v26, v26  }
0xcd: {  	v27 =	vld [tilespmem:s19+$0xFFFFFFC0];
	v10 =	vadd.f32 v25, v10;
	v25 =	vmul.f32 v25, v25;
	v6 =	vadd.f32 v28, v6;
	s19 =	sadd.s32 $0x80, s19  }
.Ltmp17:
0xce: {  	_ = 	snop;
	(pc) =	sbr.rel .LBB2_16-.Ltmp17, $1  }
0xcf: {  	_ =	sdelay $0x3  }
.LBB2_20:
0xd0: {  	vm0 =	vlt.s32 v4, $0x2581  }
0xd1: {  	_ =	swait.ge [sflag:s16], $0xC800;
	vm15 =	vlt.s32 v4, $0x2710;
	v5 =	vsel vm0, $0x1, v0  }
0xd2: {  	v4 =	vsel vm15, $0x1, v0;
	(xrf0) =	vadd.scan.msk.s32 $0xffff, v5  }
0xd3: {  	(xrf0) =	vadd.scan.msk.s32 $0xffff, v4;
	_ =	sdelay $0x4  }
0xd4: {  	v4, _, _ =	vpop (xrf0)  }
0xd5: {  	(v2sf) =	vpush v4, $0xF;
	v4, _, _ =	vpop (xrf0)  }
0xd6: {  	(v2sf) =	vpush v4, $0xF;
	_ =	sdelay $0xd  }
0xd7: {  	s0 =	spop (v2sf)  }
0xd8: {  	s22 =	sadd.s32 $0xFFFFFFFF, s0;
	s23 =	spop (v2sf)  }
0xd9: {  	p0 =	sge.s32 s22, s23  }
.Ltmp18:
0xda: {  	_ = 	snop;
	(pc) =	sbr.rel @p0 .LBB2_29-.Ltmp18, $4  }
.Ltmp19:
0xdb: {  	_ = 	snop;
	(pc) =	sbr.rel @!p0 .LBB2_21-.Ltmp19, $4  }
0xdc: {  	_ = 	snop  }
0xdd: {  	[sflag:s16] =	ssyncset.done $0x0  }
0xde: {  	[sflag:s16] =	ssyncadd.s32 $0xFFFF3800  }
0xdf: {  	_ = 	snop  }
.LBB2_23:
0xe0: {  	v10 =	vimm.f32 $0.0e+00  }
0xe1: {  	v21 =	vimm.f32 $0.0e+00;
	v13 =	vimm.f32 $0.0e+00;
	v22 =	vimm.f32 $0.0e+00  }
0xe2: {  	v16 =	vimm.f32 $0.0e+00;
	v15 =	vimm.f32 $0.0e+00;
	v23 =	vimm.f32 $0.0e+00  }
0xe3: {  	v14 =	vimm.f32 $0.0e+00;
	v5 =	vimm.f32 $0.0e+00;
	v11 =	vimm.f32 $0.0e+00  }
0xe4: {  	v12 =	vimm.f32 $0.0e+00;
	v25 =	vimm.f32 $0.0e+00;
	v8 =	vimm.f32 $0.0e+00  }
0xe5: {  	v6 =	vimm.f32 $0.0e+00;
	v9 =	vimm.f32 $0.0e+00;
	v20 =	vimm.f32 $0.0e+00  }
.LBB2_27:
0xe6: {  	v28 =	vld [tilespmem:s2+$0x0]  }
0xe7: {  	v29 =	vld [tilespmem:s2+$0x10]  }
0xe8: {  	v31 =	vld [tilespmem:s2+$0x20]  }
0xe9: {  	v47 =	vld [tilespmem:s2+$0x30]  }
0xea: {  	v23 =	vadd.f32 @p0 v24, v23;
	v21 =	vadd.f32 @p0 v26, v21;
	v48 =	vld [tilespmem:s2+$0x40];
	v63 =	vmul.f32 v7, v7  }
0xeb: {  	v30 =	vmul.f32 @p0 v24, v24;
	v22 =	vadd.f32 @p0 v27, v22;
	v50 =	vld [tilespmem:s2+$0x50];
	s0 =	sshll.u32 s22, $0xA;
	v5 =	vadd.f32 v7, v5  }
0xec: {  	v51 =	vld [tilespmem:s2+$0x60];
	v10 =	vadd.f32 @p0 v18, v10;
	s0 =	sshra.s32 s0, $0x2;
	v23 =	vpsel p0, v23, v4;
	v6 =	vadd.f32 v63, v6  }
0xed: {  	v18 =	vmul.f32 @p0 v18, v18;
	v13 =	vadd.f32 @p0 v19, v13;
	[tilespmem:s0+$0x27F0] =	vst.add.f32.msk $0xffff, v5;
	v23 =	vadd.f32 v28, v23  }
0xee: {  	v19 =	vmul.f32 @p0 v19, v19;
	v25 =	vadd.f32 @p0 v30, v25;
	[tilespmem:s0+$0x2870] =	vst.add.f32.msk $0xffff, v6;
	v12 =	vadd.f32 v29, v12  }
0xef: {  	v16 =	vadd.f32 @p0 v17, v16;
	v49 =	vmul.f32 v28, v28;
	v8 =	vadd.f32 v31, v8;
	[tilespmem:s0+$0x2780] =	vst.add.f32.msk $0xffff, v23  }
0xf0: {  	v25 =	vpsel p0, v25, v4;
	v32 =	vmul.f32 v29, v29;
	v9 =	vadd.f32 v47, v9;
	[tilespmem:s0+$0x2790] =	vst.add.f32.msk $0xffff, v12  }
0xf1: {  	v17 =	vmul.f32 @p0 v17, v17;
	v52 =	vmul.f32 v31, v31;
	v25 =	vadd.f32 v49, v25;
	[tilespmem:s0+$0x27A0] =	vst.add.f32.msk $0xffff, v8  }
0xf2: {  	v21 =	vpsel p0, v21, v4;
	v53 =	vmul.f32 v47, v47;
	v20 =	vadd.f32 v32, v20;
	[tilespmem:s0+$0x27B0] =	vst.add.f32.msk $0xffff, v9  }
0xf3: {  	v55 =	vpsel p0, v22, v4;
	v14 =	vadd.f32 @p0 v19, v14;
	v54 =	vadd.f32 v52, v21;
	[tilespmem:s0+$0x2800] =	vst.add.f32.msk $0xffff, v25  }
0xf4: {  	v56 =	vpsel p0, v10, v4;
	v12 =	vadd.f32 @p0 v18, v15;
	v15 =	vadd.f32 v53, v55;
	[tilespmem:s0+$0x2810] =	vst.add.f32.msk $0xffff, v20  }
0xf5: {  	v58 =	vpsel p0, v13, v4;
	v11 =	vadd.f32 @p0 v17, v11;
	v8 =	vadd.f32 v48, v56;
	[tilespmem:s0+$0x2820] =	vst.add.f32.msk $0xffff, v54  }
0xf6: {  	v61 =	vpsel p0, v16, v4;
	v57 =	vmul.f32 v48, v48;
	v9 =	vadd.f32 v50, v58;
	[tilespmem:s0+$0x2830] =	vst.add.f32.msk $0xffff, v15  }
0xf7: {  	v59 =	vmul.f32 v50, v50;
	v12 =	vpsel p0, v12, v4;
	[tilespmem:s0+$0x27C0] =	vst.add.f32.msk $0xffff, v8;
	v8 =	vadd.f32 v51, v61  }
0xf8: {  	v60 =	vpsel p0, v14, v4;
	v62 =	vmul.f32 v51, v51;
	[tilespmem:s0+$0x27D0] =	vst.add.f32.msk $0xffff, v9;
	v10 =	vadd.f32 v57, v12  }
0xf9: {  	v4 =	vpsel p0, v11, v4;
	v12 =	vadd.f32 v59, v60;
	[tilespmem:s0+$0x27E0] =	vst.add.f32.msk $0xffff, v8  }
0xfa: {  	v4 =	vadd.f32 v62, v4;
	[tilespmem:s0+$0x2840] =	vst.add.f32.msk $0xffff, v10  }
0xfb: {  	[tilespmem:s0+$0x2850] =	vst.add.f32.msk $0xffff, v12  }
0xfc: {  	[tilespmem:s0+$0x2860] =	vst.add.f32.msk $0xffff, v4  }
.LBB2_28:
0xfd: {  	s22 =	sadd.s32 $0x1, s22  }
0xfe: {  	p0 =	sne.s32 s22, s23  }
.Ltmp20:
0xff: {  	_ = 	snop;
	(pc) =	sbr.rel @!p0 .LBB2_29-.Ltmp20, $1  }
0x100: {  	_ =	sdelay $0x3  }
.LBB2_21:
0x101: {  	v4 =	vld [tilespmem:s22+$0x3780];
	_ =	sdelay $0x4  }
0x102: {  	(v2sf) =	vpush v4, $0x0  }
0x103: {  	(v2sf) =	vpush v4, $0x1;
	_ =	sdelay $0xd  }
0x104: {  	s0 =	spop (v2sf)  }
0x105: {  	s2 =	spop (v2sf)  }
0x106: {  	p0 =	sgt.s32 s0, $0x2580;
	p1 =	slt.s32 s2, $0x2710  }
0x107: {  	s0 =	simm.s32 @!p0 $0x2580;
	s2 =	simm.s32 @!p1 $0x2710  }
0x108: {  	p0 =	sle.s32 s2, s0  }
.Ltmp21:
0x109: {  	_ = 	snop;
	(pc) =	sbr.rel @p0 .LBB2_28-.Ltmp21, $1  }
0x10a: {  	_ =	sdelay $0x3  }
0x10b: {  	s30 =	ssub.s32 s2, s0  }
0x10c: {  	p1 =	sne.s32 s30, $0x1  }
.Ltmp22:
0x10d: {  	_ = 	snop;
	(pc) =	sbr.rel @!p1 .LBB2_23-.Ltmp22, $4  }
0x10e: {  	s18 =	sshll.u32 s0, $0x9  }
0x10f: {  	s31 =	sshra.s32 s18, $0x2  }
0x110: {  	s2 =	sadd.s32 $0xFFED7880, s31  }
0x111: {  	v4 =	vimm.f32 $0.0e+00;
	p0 =	por $0x0, $0x0;
	s0 =	sadd.s32 $0xFFFFFFFF, s30;
	v7 =	vld [tilespmem:s2+$0x70]  }
0x112: {  	v6 =	vld [tilespmem:s2+$0x10]  }
0x113: {  	v9 =	vld [tilespmem:s2+$0x20]  }
0x114: {  	v10 =	vld [tilespmem:s2+$0x30];
	v21 =	vimm.f32 $0.0e+00;
	v13 =	vimm.f32 $0.0e+00  }
0x115: {  	v22 =	vimm.f32 $0.0e+00;
	p1 =	sne.s32 s0, $0x1;
	v16 =	vimm.f32 $0.0e+00;
	v15 =	vimm.f32 $0.0e+00  }
.Ltmp23:
0x116: {  	v18 =	vld [tilespmem:s2+$0x40];
	v23 =	vimm.f32 $0.0e+00;
	v14 =	vimm.f32 $0.0e+00;
	v25 =	vimm.f32 $0.0e+00;
	(pc) =	sbr.rel @!p1 .LBB2_25-.Ltmp23, $4  }
0x117: {  	v19 =	vld [tilespmem:s2+$0x50];
	v5 =	vadd.f32 v7, v4;
	v7 =	vmul.f32 v7, v7;
	v12 =	vadd.f32 v6, v4  }
0x118: {  	v17 =	vld [tilespmem:s2+$0x60];
	v11 =	vmul.f32 v6, v6;
	v8 =	vadd.f32 v9, v4;
	v26 =	vmul.f32 v9, v9  }
0x119: {  	v24 =	vld [tilespmem:s2+$0x0];
	s2 =	sadd.s32 $0x80, s2;
	v9 =	vadd.f32 v10, v4;
	v27 =	vmul.f32 v10, v10;
	v10 =	vimm.f32 $0.0e+00  }
0x11a: {  	s0 =	sadd.s32 $0xFFFFFFFF, s0;
	p0 =	por $0x1, $0x1;
	v6 =	vadd.f32 v7, v4;
	v7 =	vld [tilespmem:s2+$0x70];
	v20 =	vadd.f32 v11, v4;
	v11 =	vimm.f32 $0.0e+00  }
.LBB2_26:
0x11b: {  	p1 =	sne.s32 s0, $0x1;
	v28 =	vld [tilespmem:s2+$0x10];
	v10 =	vadd.f32 v18, v10;
	v21 =	vadd.f32 v26, v21;
	v18 =	vmul.f32 v18, v18  }
0x11c: {  	v13 =	vadd.f32 v19, v13;
	v22 =	vadd.f32 v27, v22;
	v19 =	vmul.f32 v19, v19;
	v26 =	vld [tilespmem:s2+$0x20]  }
0x11d: {  	v16 =	vadd.f32 v17, v16;
	v17 =	vmul.f32 v17, v17;
	v27 =	vld [tilespmem:s2+$0x30];
	v15 =	vadd.f32 v18, v15  }
.Ltmp24:
0x11e: {  	v23 =	vadd.f32 v24, v23;
	v24 =	vmul.f32 v24, v24;
	v14 =	vadd.f32 v19, v14;
	v18 =	vld [tilespmem:s2+$0x40];
	(pc) =	sbr.rel @p1 .LBB2_26-.Ltmp24, $4  }
0x11f: {  	v5 =	vadd.f32 v7, v5;
	v7 =	vmul.f32 v7, v7;
	v11 =	vadd.f32 v17, v11;
	v19 =	vld [tilespmem:s2+$0x50]  }
0x120: {  	v25 =	vadd.f32 v24, v25;
	v17 =	vld [tilespmem:s2+$0x60];
	v12 =	vadd.f32 v28, v12;
	v28 =	vmul.f32 v28, v28  }
0x121: {  	v6 =	vadd.f32 v7, v6;
	v24 =	vld [tilespmem:s2+$0x0];
	v8 =	vadd.f32 v26, v8;
	v26 =	vmul.f32 v26, v26;
	s2 =	sadd.s32 $0x80, s2  }
0x122: {  	s0 =	sadd.s32 $0xFFFFFFFF, s0;
	v7 =	vld [tilespmem:s2+$0x70];
	v9 =	vadd.f32 v27, v9;
	v20 =	vadd.f32 v28, v20;
	v27 =	vmul.f32 v27, v27  }
.Ltmp25:
0x123: {  	_ = 	snop;
	(pc) =	sbr.rel .LBB2_27-.Ltmp25, $1  }
0x124: {  	_ =	sdelay $0x3  }
.LBB2_25:
.Ltmp26:
0x125: {  	(pc) =	sbr.rel .LBB2_27-.Ltmp26, $4  }
0x126: {  	v10 =	vimm.f32 $0.0e+00  }
0x127: {  	v21 =	vimm.f32 $0.0e+00;
	v13 =	vimm.f32 $0.0e+00;
	v22 =	vimm.f32 $0.0e+00  }
0x128: {  	v16 =	vimm.f32 $0.0e+00;
	v15 =	vimm.f32 $0.0e+00;
	v23 =	vimm.f32 $0.0e+00  }
0x129: {  	v14 =	vimm.f32 $0.0e+00;
	v11 =	vimm.f32 $0.0e+00;
	v25 =	vimm.f32 $0.0e+00  }
.LBB2_30:
0x12a: {  	_ =	sfence.sel $0x180000  }
0x12b: {  	[bflag:$0x0] =	sbarrier.arrive $0xFFFF  }
0x12c: {  	_ =	strace $0x90000047  }
0x12d: {  	s0 =	stileid.u32;
	[bflag:$0x2] =	sbarrier.arrive $0xFFFF  }
0x12e: {  	p0 =	sne.s32 s0, $0x0;
	s0 =	rddreg [dreg:$0x3]  }
0x12f: {  	s0 =	sadd.s32 @!p0 $0x100000, s0  }
0x130: {  	[sflag:s0] =	ssyncadd.tile.s32 @!p0 $0x1;
	_ =	shalt  }
.Lfunc_end2:
_tile_overlayer_lowered:
.L_overlay_start_2:
0x131: {  	(tag) =	ssettag $0x2  }
0x132: {  	s0 =	rddreg [dreg:$0x0];
	s2 =	stileid.u32  }
0x133: {  	s1 =	rddreg [dreg:$0x1];
	p0 =	sne.s32 s2, $0x0  }
0x134: {  	s3 =	rddreg [dreg:$0x2];
	[bflag:$0x3] =	sbarrier.arrive $0xFFFF;
	s2 =	simm.s32 @!p0 $0x1C03  }
0x135: {  	[timem:s3], [sflag:s2] =	dma.local @!p0 [hbm:s0], s1  }
0x136: {  	s0 =	simm.s32 @!p0 $0x3  }
0x137: {  	_ =	swait.ge @!p0 [sflag:s0], s1  }
0x138: {  	s1 =	ssub.s32 @!p0 $0x0, s1;
	[sflag:s0] =	ssyncset.done @!p0 $0x0  }
0x139: {  	[sflag:s0] =	ssyncadd.s32 @!p0 s1  }
0x13a: {  	[bflag:$0x3] =	sbarrier.arrive $0xFFFF  }
0x13b: {  	_ =	shalt  }

</sc_bundles>
